<compile_context>
chip_gen: v7x
topology: tpu7x:2x2x1
jax: 0.10.2.dev20260603
libtpu: 0.0.44.dev20260713+nightly
codegen_flags: <defaults>
</compile_context>

<pallas_src>
import jax
import jax.numpy as jnp
from jax import lax
from jax.experimental import pallas as pl
from jax.experimental.pallas import tpu as pltpu
from jax.experimental.pallas import tpu_sc as plsc

_N = 10000
_NPAD = 10240
_D = 128
_R = 200
_RPAD = 256
_NSUB = 16
_CHUNK = 80
_STRIPE = _NPAD // _NSUB


_DW = 128


def _fill(buf, val, nsl=8):
    def body(i, _):
        r = i // nsl
        kk = (i % nsl) * 16
        buf[r, pl.ds(kk, 16)] = val
        return 0
    lax.fori_loop(0, _CHUNK * nsl, body, 0)


def _sc_acc_body(ei, ea, x_hbm, rel_hbm, acc_hbm,
                 a_sp, rel_sp,
                 ridx0, cidx0, tidx0, xbuf0, rbuf0,
                 ridx1, cidx1, tidx1, xbuf1, rbuf1,
                 gx0, gr0, sc0, gx1, gr1, sc1):
    c = lax.axis_index("c")
    s = lax.axis_index("s")
    num_e = ei.shape[0] // 2
    half = num_e // 2
    per_sub = half // _NSUB
    n_chunks = per_sub // _CHUNK
    last = n_chunks - 1
    zero16 = jnp.zeros((16,), jnp.float32)
    sets = ((ridx0, cidx0, tidx0, xbuf0, rbuf0, gx0, gr0, sc0),
            (ridx1, cidx1, tidx1, xbuf1, rbuf1, gx1, gr1, sc1))

    def _mul(xb, rb):
        def body(r4, _):
            r = r4 * 4
            for dr in range(4):
                for kk in range(8):
                    sl = pl.ds(kk * 16, 16)
                    xb[r + dr, sl] = xb[r + dr, sl] * rb[r + dr, sl]
            return 0
        lax.fori_loop(0, _CHUNK // 4, body, 0)

    def _load_idx(j, ci):
        ridx, cidx, tidx = sets[j][0], sets[j][1], sets[j][2]
        off = ebase + ci * _CHUNK
        pltpu.sync_copy(ei.at[pl.ds(off, _CHUNK)], ridx)
        pltpu.sync_copy(ei.at[pl.ds(num_e + off, _CHUNK)], cidx)
        pltpu.sync_copy(ea.at[pl.ds(off, _CHUNK)], tidx)

    def _issue_gathers(j):
        _, cidx, tidx, xb, rb, gx, gr, _sc = sets[j]
        pltpu.async_copy(x_hbm.at[cidx], xb, gx)
        pltpu.async_copy(rel_sp.at[tidx], rb, gr)

    def _wait_gathers(j):
        _, cidx, tidx, xb, rb, gx, gr, _sc = sets[j]
        pltpu.make_async_copy(x_hbm.at[cidx], xb, gx).wait()
        pltpu.make_async_copy(rel_sp.at[tidx], rb, gr).wait()

    def _issue_scatter(j):
        ridx, _, _, xb, _, _, _, sc = sets[j]
        pltpu.async_copy(xb, a_sp.at[ridx], sc, add=True)

    def _wait_scatter(j):
        ridx, _, _, xb, _, _, _, sc = sets[j]
        pltpu.make_async_copy(xb, a_sp.at[ridx], sc).wait()

    pltpu.sync_copy(rel_hbm.at[pl.ds(s * (_RPAD // _NSUB), _RPAD // _NSUB)],
                    rel_sp.at[pl.ds(s * (_RPAD // _NSUB), _RPAD // _NSUB)])
    _fill(xbuf0, zero16)
    r0 = s * _STRIPE
    for b in range(_STRIPE // _CHUNK):
        pltpu.sync_copy(xbuf0, a_sp.at[pl.ds(r0 + b * _CHUNK, _CHUNK)])
    plsc.subcore_barrier()

    ebase = c * half + s * per_sub

    _load_idx(0, 0)
    _issue_gathers(0)
    _load_idx(1, 1)
    _issue_gathers(1)

    def _pair(i, _):
        for j in (0, 1):
            _wait_gathers(j)
            _mul(sets[j][3], sets[j][4])
            _issue_scatter(j)
        for j in (0, 1):
            p = jnp.minimum(2 * i + 2 + j, last)
            _wait_scatter(j)
            _load_idx(j, p)
            _issue_gathers(j)
        return 0
    lax.fori_loop(0, (n_chunks - 1) // 2, _pair, 0)

    _wait_gathers(0)
    _mul(xbuf0, rbuf0)
    _issue_scatter(0)
    _wait_scatter(0)
    _wait_gathers(1)

    plsc.subcore_barrier()
    pltpu.sync_copy(a_sp.at[pl.ds(r0, _STRIPE)],
                    acc_hbm.at[c, pl.ds(r0, _STRIPE)])


def _sc_deg_body(rows, deg_hbm,
                 d_sp, ridx0, ridx1, onesbuf, s0, s1):
    c = lax.axis_index("c")
    s = lax.axis_index("s")
    half = rows.shape[0] // 2
    per_sub = half // _NSUB
    n_chunks = per_sub // _CHUNK
    last = n_chunks - 1
    zero16 = jnp.zeros((16,), jnp.float32)
    one16 = jnp.ones((16,), jnp.float32)
    sems = (s0, s1)
    idxs = (ridx0, ridx1)

    _fill(onesbuf, zero16)
    r0 = s * _STRIPE
    for b in range(_STRIPE // _CHUNK):
        pltpu.sync_copy(onesbuf, d_sp.at[pl.ds(r0 + b * _CHUNK, _CHUNK)])
    _fill(onesbuf, one16)
    plsc.subcore_barrier()

    ebase = c * half + s * per_sub

    def _load_ridx(j, ci):
        off = ebase + ci * _CHUNK
        pltpu.sync_copy(rows.at[pl.ds(off, _CHUNK)], idxs[j])

    def _issue_ones(j):
        pltpu.async_copy(onesbuf, d_sp.at[idxs[j]], sems[j], add=True)

    def _wait_ones(j):
        pltpu.make_async_copy(onesbuf, d_sp.at[idxs[j]], sems[j]).wait()

    _load_ridx(0, 0)
    _load_ridx(1, 1)

    def _pair2(i, _):
        _issue_ones(0)
        _issue_ones(1)
        for j in (0, 1):
            p = jnp.minimum(2 * i + 2 + j, last)
            _wait_ones(j)
            _load_ridx(j, p)
        return 0
    lax.fori_loop(0, (n_chunks - 1) // 2, _pair2, 0)

    _issue_ones(0)
    _wait_ones(0)

    plsc.subcore_barrier()
    pltpu.sync_copy(d_sp.at[pl.ds(r0, _STRIPE)],
                    deg_hbm.at[c, pl.ds(r0, _STRIPE)])


def _sc_aggregate(edge_index, edge_attr, x, rel_embed):
    mesh = plsc.VectorSubcoreMesh(core_axis_name="c", subcore_axis_name="s")
    acc_fn = pl.kernel(
        _sc_acc_body,
        out_type=[
            jax.ShapeDtypeStruct((2, _NPAD, _D), jnp.float32),
        ],
        mesh=mesh,
        scratch_types=[
            pltpu.VMEM_SHARED((_NPAD, _D), jnp.float32),
            pltpu.VMEM_SHARED((_RPAD, _D), jnp.float32),
            pltpu.VMEM((_CHUNK,), jnp.int32),
            pltpu.VMEM((_CHUNK,), jnp.int32),
            pltpu.VMEM((_CHUNK,), jnp.int32),
            pltpu.VMEM((_CHUNK, _D), jnp.float32),
            pltpu.VMEM((_CHUNK, _D), jnp.float32),
            pltpu.VMEM((_CHUNK,), jnp.int32),
            pltpu.VMEM((_CHUNK,), jnp.int32),
            pltpu.VMEM((_CHUNK,), jnp.int32),
            pltpu.VMEM((_CHUNK, _D), jnp.float32),
            pltpu.VMEM((_CHUNK, _D), jnp.float32),
            pltpu.SemaphoreType.DMA,
            pltpu.SemaphoreType.DMA,
            pltpu.SemaphoreType.DMA,
            pltpu.SemaphoreType.DMA,
            pltpu.SemaphoreType.DMA,
            pltpu.SemaphoreType.DMA,
        ],
    )
    deg_fn = pl.kernel(
        _sc_deg_body,
        out_type=[
            jax.ShapeDtypeStruct((2, _NPAD, _D), jnp.float32),
        ],
        mesh=mesh,
        scratch_types=[
            pltpu.VMEM_SHARED((_NPAD, _D), jnp.float32),
            pltpu.VMEM((_CHUNK,), jnp.int32),
            pltpu.VMEM((_CHUNK,), jnp.int32),
            pltpu.VMEM((_CHUNK, _D), jnp.float32),
            pltpu.SemaphoreType.DMA,
            pltpu.SemaphoreType.DMA,
        ],
    )
    rel_padded = jnp.concatenate(
        [rel_embed, jnp.zeros((_RPAD - _R, _D), jnp.float32)], axis=0)
    acc, = acc_fn(edge_index.reshape(-1), edge_attr, x, rel_padded)
    deg, = deg_fn(edge_index[0])
    return acc, deg


_RB = 2000


def _tc_mm(acc_ref, x_ref, loop_rel_ref,
           w_in_ref, w_out_ref, w_loop_ref, m_ref):
    hp = lax.Precision.HIGHEST
    m_ref[0] = jnp.dot(acc_ref[0], w_in_ref[...], precision=hp,
                       preferred_element_type=jnp.float32)
    m_ref[1] = jnp.dot(acc_ref[1], w_out_ref[...], precision=hp,
                       preferred_element_type=jnp.float32)
    xl = x_ref[...] * loop_rel_ref[0:1, :]
    m_ref[2] = jnp.dot(xl, w_loop_ref[...], precision=hp,
                       preferred_element_type=jnp.float32)


def _tc_norm(m_ref, deg_ref, bias_ref, h_ref, sums_ref):
    i = pl.program_id(0)
    inv_in = 1.0 / jnp.maximum(deg_ref[0, :, 0:1], 1.0)
    inv_out = 1.0 / jnp.maximum(deg_ref[1, :, 0:1], 1.0)
    h = m_ref[0] * inv_in + m_ref[1] * inv_out + m_ref[2]
    h = h * (1.0 / 3.0) + bias_ref[...][None, :]
    h_ref[...] = h
    s1 = jnp.sum(h, axis=0, keepdims=True)
    s2 = jnp.sum(h * h, axis=0, keepdims=True)
    blk = jnp.concatenate([s1, s2, jnp.zeros((6, _D), jnp.float32)], axis=0)

    @pl.when(i == 0)
    def _():
        sums_ref[...] = blk

    @pl.when(i > 0)
    def _():
        sums_ref[...] = sums_ref[...] + blk


def _tc_bn(h_ref, sums_ref, gamma_ref, beta_ref, out_ref):
    inv_n = 1.0 / _N
    mean = sums_ref[0:1, :] * inv_n
    var = sums_ref[1:2, :] * inv_n - mean * mean
    scale = gamma_ref[...][None, :] * lax.rsqrt(var + 1e-5)
    out_ref[...] = (h_ref[...] - mean) * scale + beta_ref[...][None, :]


def _tc_rel(rel_ref, w_rel_ref, rel_out_ref):
    rel_out_ref[...] = jnp.dot(rel_ref[...], w_rel_ref[...],
                               precision=lax.Precision.HIGHEST,
                               preferred_element_type=jnp.float32)


def _tc_combine(acc, deg, x, rel_embed, loop_rel,
                weight_in, weight_out, weight_loop, weight_rel,
                bias, bn_gamma, bn_beta):
    nblk = _N // _RB
    full = lambda *shape: pl.BlockSpec(shape, lambda i: tuple(0 for _ in shape))
    m = pl.pallas_call(
        _tc_mm,
        grid=(nblk,),
        in_specs=[
            pl.BlockSpec((2, _RB, _D), lambda i: (0, i, 0)),
            pl.BlockSpec((_RB, _D), lambda i: (i, 0)),
            full(1, _D),
            full(_D, _D),
            full(_D, _D),
            full(_D, _D),
        ],
        out_specs=pl.BlockSpec((3, _RB, _D), lambda i: (0, i, 0)),
        out_shape=jax.ShapeDtypeStruct((3, _N, _D), jnp.float32),
    )(acc, x, loop_rel, weight_in, weight_out, weight_loop)

    h, sums = pl.pallas_call(
        _tc_norm,
        grid=(nblk,),
        in_specs=[
            pl.BlockSpec((3, _RB, _D), lambda i: (0, i, 0)),
            pl.BlockSpec((2, _RB, _DW), lambda i: (0, i, 0)),
            full(_D),
        ],
        out_specs=[
            pl.BlockSpec((_RB, _D), lambda i: (i, 0)),
            pl.BlockSpec((8, _D), lambda i: (0, 0)),
        ],
        out_shape=[
            jax.ShapeDtypeStruct((_N, _D), jnp.float32),
            jax.ShapeDtypeStruct((8, _D), jnp.float32),
        ],
    )(m, deg, bias)

    out = pl.pallas_call(
        _tc_bn,
        grid=(nblk,),
        in_specs=[
            pl.BlockSpec((_RB, _D), lambda i: (i, 0)),
            pl.BlockSpec((8, _D), lambda i: (0, 0)),
            full(_D),
            full(_D),
        ],
        out_specs=pl.BlockSpec((_RB, _D), lambda i: (i, 0)),
        out_shape=jax.ShapeDtypeStruct((_N, _D), jnp.float32),
    )(h, sums, bn_gamma, bn_beta)

    rel_out = pl.pallas_call(
        _tc_rel,
        out_shape=jax.ShapeDtypeStruct((_R, _D), jnp.float32),
    )(rel_embed, weight_rel)
    return out, rel_out


def kernel(x, rel_embed, edge_index, edge_attr, weight_in, weight_out,
           weight_rel, weight_loop, loop_rel, bias, bn_gamma, bn_beta):
    acc, deg = _sc_aggregate(edge_index, edge_attr, x, rel_embed)
    out, rel_out = _tc_combine(acc, deg, x, rel_embed, loop_rel,
                               weight_in, weight_out, weight_loop,
                               weight_rel, bias, bn_gamma, bn_beta)
    return out, rel_out

# --- scband reference (transcript-rebuilt; emitter-appended) ---
"""Pipeline reference for scband-comp-gcnlayer-11905649344577 (READ-ONLY COPY).

The authoritative reference and input builder live on the scoring server;
editing this copy changes nothing except your own understanding.
"""

import jax, jax.numpy as jnp
import numpy as np

N = 10000
E = 320000
D_IN = 128
D_OUT = 128
NUM_RELS = 100


def _xavier(key, shape):
    fan_in, fan_out = shape[0], shape[1]
    std = float(np.sqrt(2.0 / (fan_in + fan_out)))
    return jax.random.normal(key, shape, dtype=jnp.float32) * std


def setup_inputs(seed: int = 0):
    key = jax.random.key(seed)
    ks = jax.random.split(key, 12)
    x = jax.random.normal(ks[0], (N, D_IN), dtype=jnp.float32)
    rel_embed = jax.random.normal(ks[1], (2 * NUM_RELS, D_IN), dtype=jnp.float32)
    edge_index = jax.random.randint(ks[2], (2, E), 0, N, dtype=jnp.int32)
    edge_attr = jax.random.randint(ks[3], (E,), 0, 2 * NUM_RELS, dtype=jnp.int32)
    weight_in = _xavier(ks[4], (D_IN, D_OUT))
    weight_out = _xavier(ks[5], (D_IN, D_OUT))
    weight_rel = _xavier(ks[6], (D_IN, D_OUT))
    weight_loop = _xavier(ks[7], (D_IN, D_OUT))
    loop_rel = _xavier(ks[8], (1, D_IN))
    bias = jnp.zeros((D_OUT,), dtype=jnp.float32)
    bn_gamma = jnp.ones((D_OUT,), dtype=jnp.float32)
    bn_beta = jnp.zeros((D_OUT,), dtype=jnp.float32)
    return {"x": x, "rel_embed": rel_embed, "edge_index": edge_index, "edge_attr": edge_attr,
            "weight_in": weight_in, "weight_out": weight_out, "weight_rel": weight_rel,
            "weight_loop": weight_loop, "loop_rel": loop_rel, "bias": bias,
            "bn_gamma": bn_gamma, "bn_beta": bn_beta}


def _row_norm(num_nodes, row):
    deg = jnp.zeros((num_nodes,), jnp.float32).at[row].add(1.0)
    inv = jnp.where(deg > 0, 1.0 / deg, 0.0)
    return inv[row]


def _message_passing(x, rel_full, row, col, types, weight, norm):
    tail_emb = x[col]
    rel_emb = rel_full[types]
    trans = tail_emb * rel_emb  # opn == 'mult'
    trans = trans @ weight
    if norm is not None:
        trans = trans * norm[:, None]
    out = jnp.zeros((x.shape[0], weight.shape[1]), jnp.float32).at[row].add(trans)
    return out  # dropout p=0.0 -> identity


def reference(x, rel_embed, edge_index, edge_attr, weight_in, weight_out, weight_rel,
              weight_loop, loop_rel, bias, bn_gamma, bn_beta):
    rel_full = jnp.concatenate([rel_embed, loop_rel], axis=0)  # [2R+1, d]
    num_edges = edge_index.shape[1] // 2
    row, col = edge_index[0], edge_index[1]
    i_row, i_col = row[:num_edges], col[:num_edges]
    rev_row, rev_col = row[num_edges:], col[num_edges:]
    types, rev_types = edge_attr[:num_edges], edge_attr[num_edges:]
    n = x.shape[0]
    loop_idx = jnp.arange(n, dtype=jnp.int32)
    loop_types = jnp.full((n,), rel_full.shape[0] - 1, dtype=jnp.int32)
    in_norm = _row_norm(n, i_row)
    rev_norm = _row_norm(n, rev_row)
    emb = _message_passing(x, rel_full, i_row, i_col, types, weight_in, in_norm)
    rev_emb = _message_passing(x, rel_full, rev_row, rev_col, rev_types, weight_out, rev_norm)
    loop_emb = _message_passing(x, rel_full, loop_idx, loop_idx, loop_types, weight_loop, None)
    out = (1.0 / 3.0) * (emb + rev_emb + loop_emb)
    out = out + bias
    # BatchNorm1d in training mode (batch statistics, biased variance)
    mean = jnp.mean(out, axis=0)
    var = jnp.var(out, axis=0)
    out = (out - mean) / jnp.sqrt(var + 1e-5) * bn_gamma + bn_beta
    # activation = identity
    rel_out = (rel_full @ weight_rel)[:-1]
    return out, rel_out


if False:  # reference __main__ guard neutralized (emitter)
    inp = setup_inputs()
    o = reference(**inp)
    print(o[0].shape, o[1].shape)

if __name__ == "__main__":
    import jax
    _d = setup_inputs()
    print(jax.jit(kernel)(*tuple(_d.values())))

</pallas_src>

<mosaic_0001>
#map = affine_map<(d0, d1) -> (0)>
#map1 = affine_map<(d0, d1) -> (0, 0, 0)>
module attributes {stable_mosaic.version = 14 : i64} {
  func.func @_sc_deg_body(%arg0: i32, %arg1: i32, %arg2: memref<320000xi32, #tpu.memory_space<hbm>>, %arg3: memref<2x10240x128xf32, #tpu.memory_space<hbm>>, %arg4: memref<10240x128xf32, #tpu.memory_space<vmem_shared>>, %arg5: memref<80xi32, #tpu.memory_space<vmem>>, %arg6: memref<80xi32, #tpu.memory_space<vmem>>, %arg7: memref<80x128xf32, #tpu.memory_space<vmem>>, %arg8: memref<!tpu.dma_semaphore, #tpu.memory_space<semaphore_mem>>, %arg9: memref<!tpu.dma_semaphore, #tpu.memory_space<semaphore_mem>>) attributes {dimension_semantics = [#tpu.dimension_semantics<core_parallel>, #tpu.dimension_semantics<subcore_parallel>], iteration_bounds = array<i64: 2, 16>, scalar_prefetch = 0 : i64, scratch_operands = 6 : i64, tpu.core_type = #tpu.core_type<sc_vector_subcore>, window_params = [{transform_indices = #map}, {transform_indices = #map1}]} {
    %broadcast_in_dim3A = arith.constant 0.000000e+00 : f32
    %broadcast_in_dim3A_0 = vector.broadcast %broadcast_in_dim3A : f32 to vector<16xf32>
    %broadcast_in_dim3A_1 = arith.constant 1.000000e+00 : f32
    %broadcast_in_dim3A_2 = vector.broadcast %broadcast_in_dim3A_1 : f32 to vector<16xf32>
    %scan3A = arith.constant 0 : i32
    %scan3A_3 = arith.constant 0 : i32
    %scan3A_4 = arith.constant 640 : i32
    %scan3A_5 = arith.addi %scan3A_3, %scan3A_4 : i32
    %scan3A_6 = arith.constant 1 : i32
    %scan3A_7 = scf.for %scan3A_53 = %scan3A_3 to %scan3A_5 step %scan3A_6 iter_args(%scan3A_54 = %scan3A) -> (i32)  : i32 {
      %jit3A = arith.constant 8 : i32
      %div3A = arith.divsi %scan3A_53, %jit3A : i32
      %sign3A = arith.constant 0 : i32
      %sign3A_55 = arith.cmpi sgt, %scan3A_53, %sign3A : i32
      %sign3A_56 = arith.extui %sign3A_55 : i1 to i32
      %sign3A_57 = arith.constant 0 : i32
      %sign3A_58 = arith.cmpi slt, %scan3A_53, %sign3A_57 : i32
      %sign3A_59 = arith.extui %sign3A_58 : i1 to i32
      %sign3A_60 = arith.subi %sign3A_56, %sign3A_59 : i32
      %sign3A_61 = arith.constant 0 : i32
      %sign3A_62 = arith.cmpi sgt, %jit3A, %sign3A_61 : i32
      %sign3A_63 = arith.extui %sign3A_62 : i1 to i32
      %sign3A_64 = arith.constant 0 : i32
      %sign3A_65 = arith.cmpi slt, %jit3A, %sign3A_64 : i32
      %sign3A_66 = arith.extui %sign3A_65 : i1 to i32
      %sign3A_67 = arith.subi %sign3A_63, %sign3A_66 : i32
      %ne3A = arith.cmpi ne, %sign3A_60, %sign3A_67 : i32
      %rem3A = arith.remsi %scan3A_53, %jit3A : i32
      %ne3A_68 = arith.constant 0 : i32
      %ne3A_69 = arith.cmpi ne, %rem3A, %ne3A_68 : i32
      %and3A = arith.andi %ne3A, %ne3A_69 : i1
      %sub3A = arith.constant 1 : i32
      %sub3A_70 = arith.subi %div3A, %sub3A : i32
      %select_n3A = arith.select %and3A, %sub3A_70, %div3A : i32
      %jit3A_71 = arith.constant 8 : i32
      %eq3A = arith.constant 0 : i32
      %eq3A_72 = arith.cmpi eq, %jit3A_71, %eq3A : i32
      %jit3A_73 = arith.constant 1 : i32
      %select_n3A_74 = arith.select %eq3A_72, %jit3A_73, %jit3A_71 : i32
      %rem3A_75 = arith.remsi %scan3A_53, %select_n3A_74 : i32
      %ne3A_76 = arith.constant 0 : i32
      %ne3A_77 = arith.cmpi ne, %rem3A_75, %ne3A_76 : i32
      %lt3A = arith.constant 0 : i32
      %lt3A_78 = arith.cmpi slt, %rem3A_75, %lt3A : i32
      %lt3A_79 = arith.constant 0 : i32
      %lt3A_80 = arith.cmpi slt, %select_n3A_74, %lt3A_79 : i32
      %ne3A_81 = arith.xori %lt3A_78, %lt3A_80 : i1
      %and3A_82 = arith.andi %ne3A_81, %ne3A_77 : i1
      %add3A_83 = arith.addi %rem3A_75, %select_n3A_74 : i32
      %select_n3A_84 = arith.select %and3A_82, %add3A_83, %rem3A_75 : i32
      %mul3A_85 = arith.constant 16 : i32
      %mul3A_86 = arith.muli %select_n3A_84, %mul3A_85 : i32
      %swap3A = arith.index_cast %select_n3A : i32 to index
      %swap3A_87 = arith.index_cast %mul3A_86 : i32 to index
      %swap3A_88 = tpu.vector_load %arg7[%swap3A, %swap3A_87] {strides = array<i32>} : memref<80x128xf32, #tpu.memory_space<vmem>>, vector<1x16xf32>,
      %swap3A_89 = vector.shape_cast %swap3A_88 : vector<1x16xf32> to vector<16xf32>
      %swap3A_90 = vector.shape_cast %broadcast_in_dim3A_0 : vector<16xf32> to vector<1x16xf32>
      tpu.vector_store %arg7[%swap3A, %swap3A_87], %swap3A_90 {strides = array<i32>} : memref<80x128xf32, #tpu.memory_space<vmem>>, vector<1x16xf32>,
      %scan3A_91 = arith.constant 0 : i32
      scf.yield %scan3A_91 : i32
    }
    %scan3A_8 = arith.constant 640 : i32
    %mul3A = arith.constant 640 : i32
    %mul3A_9 = arith.muli %arg1, %mul3A : i32
    %add3A = arith.constant 0 : i32
    %add3A_10 = arith.addi %mul3A_9, %add3A : i32
    "tpu.region"() ({
      %run_scoped3A = tpu.sem_alloc : memref<!tpu.dma_semaphore, #tpu.memory_space<semaphore_mem>>
      %dma_start3A_53 = arith.constant 0 : i32
      %dma_start3A_54 = tpu.memref_slice %arg4[%add3A_10, %dma_start3A_53] : memref<10240x128xf32, #tpu.memory_space<vmem_shared>> -> memref<80x128xf32, #tpu.memory_space<vmem_shared>>
      %dma_start3A_55 = arith.constant 0 : i32
      %dma_start3A_56 = tpu.memref_slice %arg4[%add3A_10, %dma_start3A_55] : memref<10240x128xf32, #tpu.memory_space<vmem_shared>> -> memref<80x128xf32, #tpu.memory_space<vmem_shared>>
      tpu.enqueue_dma source(%arg7 : memref<80x128xf32, #tpu.memory_space<vmem>>) target(%dma_start3A_56 : memref<80x128xf32, #tpu.memory_space<vmem_shared>>) target_semaphore(%run_scoped3A : memref<!tpu.dma_semaphore, #tpu.memory_space<semaphore_mem>>)
      %dma_wait3A_57 = arith.constant 0 : i32
      %dma_wait3A_58 = tpu.memref_slice %arg4[%add3A_10, %dma_wait3A_57] : memref<10240x128xf32, #tpu.memory_space<vmem_shared>> -> memref<80x128xf32, #tpu.memory_space<vmem_shared>>
      %dma_wait3A_59 = arith.constant 0 : i32
      %dma_wait3A_60 = tpu.memref_slice %arg4[%add3A_10, %dma_wait3A_59] : memref<10240x128xf32, #tpu.memory_space<vmem_shared>> -> memref<80x128xf32, #tpu.memory_space<vmem_shared>>
      tpu.wait_dma2 semaphore(%run_scoped3A : memref<!tpu.dma_semaphore, #tpu.memory_space<semaphore_mem>>) src(%arg7 : memref<80x128xf32, #tpu.memory_space<vmem>>) dst(%dma_wait3A_60 : memref<80x128xf32, #tpu.memory_space<vmem_shared>>)
      tpu.yield
    }) : () -> ()
    %add3A_11 = arith.constant 80 : i32
    %add3A_12 = arith.addi %mul3A_9, %add3A_11 : i32
    "tpu.region"() ({
      %run_scoped3A = tpu.sem_alloc : memref<!tpu.dma_semaphore, #tpu.memory_space<semaphore_mem>>
      %dma_start3A_53 = arith.constant 0 : i32
      %dma_start3A_54 = tpu.memref_slice %arg4[%add3A_12, %dma_start3A_53] : memref<10240x128xf32, #tpu.memory_space<vmem_shared>> -> memref<80x128xf32, #tpu.memory_space<vmem_shared>>
      %dma_start3A_55 = arith.constant 0 : i32
      %dma_start3A_56 = tpu.memref_slice %arg4[%add3A_12, %dma_start3A_55] : memref<10240x128xf32, #tpu.memory_space<vmem_shared>> -> memref<80x128xf32, #tpu.memory_space<vmem_shared>>
      tpu.enqueue_dma source(%arg7 : memref<80x128xf32, #tpu.memory_space<vmem>>) target(%dma_start3A_56 : memref<80x128xf32, #tpu.memory_space<vmem_shared>>) target_semaphore(%run_scoped3A : memref<!tpu.dma_semaphore, #tpu.memory_space<semaphore_mem>>)
      %dma_wait3A_57 = arith.constant 0 : i32
      %dma_wait3A_58 = tpu.memref_slice %arg4[%add3A_12, %dma_wait3A_57] : memref<10240x128xf32, #tpu.memory_space<vmem_shared>> -> memref<80x128xf32, #tpu.memory_space<vmem_shared>>
      %dma_wait3A_59 = arith.constant 0 : i32
      %dma_wait3A_60 = tpu.memref_slice %arg4[%add3A_12, %dma_wait3A_59] : memref<10240x128xf32, #tpu.memory_space<vmem_shared>> -> memref<80x128xf32, #tpu.memory_space<vmem_shared>>
      tpu.wait_dma2 semaphore(%run_scoped3A : memref<!tpu.dma_semaphore, #tpu.memory_space<semaphore_mem>>) src(%arg7 : memref<80x128xf32, #tpu.memory_space<vmem>>) dst(%dma_wait3A_60 : memref<80x128xf32, #tpu.memory_space<vmem_shared>>)
      tpu.yield
    }) : () -> ()
    %add3A_13 = arith.constant 160 : i32
    %add3A_14 = arith.addi %mul3A_9, %add3A_13 : i32
    "tpu.region"() ({
      %run_scoped3A = tpu.sem_alloc : memref<!tpu.dma_semaphore, #tpu.memory_space<semaphore_mem>>
      %dma_start3A_53 = arith.constant 0 : i32
      %dma_start3A_54 = tpu.memref_slice %arg4[%add3A_14, %dma_start3A_53] : memref<10240x128xf32, #tpu.memory_space<vmem_shared>> -> memref<80x128xf32, #tpu.memory_space<vmem_shared>>
      %dma_start3A_55 = arith.constant 0 : i32
      %dma_start3A_56 = tpu.memref_slice %arg4[%add3A_14, %dma_start3A_55] : memref<10240x128xf32, #tpu.memory_space<vmem_shared>> -> memref<80x128xf32, #tpu.memory_space<vmem_shared>>
      tpu.enqueue_dma source(%arg7 : memref<80x128xf32, #tpu.memory_space<vmem>>) target(%dma_start3A_56 : memref<80x128xf32, #tpu.memory_space<vmem_shared>>) target_semaphore(%run_scoped3A : memref<!tpu.dma_semaphore, #tpu.memory_space<semaphore_mem>>)
      %dma_wait3A_57 = arith.constant 0 : i32
      %dma_wait3A_58 = tpu.memref_slice %arg4[%add3A_14, %dma_wait3A_57] : memref<10240x128xf32, #tpu.memory_space<vmem_shared>> -> memref<80x128xf32, #tpu.memory_space<vmem_shared>>
      %dma_wait3A_59 = arith.constant 0 : i32
      %dma_wait3A_60 = tpu.memref_slice %arg4[%add3A_14, %dma_wait3A_59] : memref<10240x128xf32, #tpu.memory_space<vmem_shared>> -> memref<80x128xf32, #tpu.memory_space<vmem_shared>>
      tpu.wait_dma2 semaphore(%run_scoped3A : memref<!tpu.dma_semaphore, #tpu.memory_space<semaphore_mem>>) src(%arg7 : memref<80x128xf32, #tpu.memory_space<vmem>>) dst(%dma_wait3A_60 : memref<80x128xf32, #tpu.memory_space<vmem_shared>>)
      tpu.yield
    }) : () -> ()
    %add3A_15 = arith.constant 240 : i32
    %add3A_16 = arith.addi %mul3A_9, %add3A_15 : i32
    "tpu.region"() ({
      %run_scoped3A = tpu.sem_alloc : memref<!tpu.dma_semaphore, #tpu.memory_space<semaphore_mem>>
      %dma_start3A_53 = arith.constant 0 : i32
      %dma_start3A_54 = tpu.memref_slice %arg4[%add3A_16, %dma_start3A_53] : memref<10240x128xf32, #tpu.memory_space<vmem_shared>> -> memref<80x128xf32, #tpu.memory_space<vmem_shared>>
      %dma_start3A_55 = arith.constant 0 : i32
      %dma_start3A_56 = tpu.memref_slice %arg4[%add3A_16, %dma_start3A_55] : memref<10240x128xf32, #tpu.memory_space<vmem_shared>> -> memref<80x128xf32, #tpu.memory_space<vmem_shared>>
      tpu.enqueue_dma source(%arg7 : memref<80x128xf32, #tpu.memory_space<vmem>>) target(%dma_start3A_56 : memref<80x128xf32, #tpu.memory_space<vmem_shared>>) target_semaphore(%run_scoped3A : memref<!tpu.dma_semaphore, #tpu.memory_space<semaphore_mem>>)
      %dma_wait3A_57 = arith.constant 0 : i32
      %dma_wait3A_58 = tpu.memref_slice %arg4[%add3A_16, %dma_wait3A_57] : memref<10240x128xf32, #tpu.memory_space<vmem_shared>> -> memref<80x128xf32, #tpu.memory_space<vmem_shared>>
      %dma_wait3A_59 = arith.constant 0 : i32
      %dma_wait3A_60 = tpu.memref_slice %arg4[%add3A_16, %dma_wait3A_59] : memref<10240x128xf32, #tpu.memory_space<vmem_shared>> -> memref<80x128xf32, #tpu.memory_space<vmem_shared>>
      tpu.wait_dma2 semaphore(%run_scoped3A : memref<!tpu.dma_semaphore, #tpu.memory_space<semaphore_mem>>) src(%arg7 : memref<80x128xf32, #tpu.memory_space<vmem>>) dst(%dma_wait3A_60 : memref<80x128xf32, #tpu.memory_space<vmem_shared>>)
      tpu.yield
    }) : () -> ()
    %add3A_17 = arith.constant 320 : i32
    %add3A_18 = arith.addi %mul3A_9, %add3A_17 : i32
    "tpu.region"() ({
      %run_scoped3A = tpu.sem_alloc : memref<!tpu.dma_semaphore, #tpu.memory_space<semaphore_mem>>
      %dma_start3A_53 = arith.constant 0 : i32
      %dma_start3A_54 = tpu.memref_slice %arg4[%add3A_18, %dma_start3A_53] : memref<10240x128xf32, #tpu.memory_space<vmem_shared>> -> memref<80x128xf32, #tpu.memory_space<vmem_shared>>
      %dma_start3A_55 = arith.constant 0 : i32
      %dma_start3A_56 = tpu.memref_slice %arg4[%add3A_18, %dma_start3A_55] : memref<10240x128xf32, #tpu.memory_space<vmem_shared>> -> memref<80x128xf32, #tpu.memory_space<vmem_shared>>
      tpu.enqueue_dma source(%arg7 : memref<80x128xf32, #tpu.memory_space<vmem>>) target(%dma_start3A_56 : memref<80x128xf32, #tpu.memory_space<vmem_shared>>) target_semaphore(%run_scoped3A : memref<!tpu.dma_semaphore, #tpu.memory_space<semaphore_mem>>)
      %dma_wait3A_57 = arith.constant 0 : i32
      %dma_wait3A_58 = tpu.memref_slice %arg4[%add3A_18, %dma_wait3A_57] : memref<10240x128xf32, #tpu.memory_space<vmem_shared>> -> memref<80x128xf32, #tpu.memory_space<vmem_shared>>
      %dma_wait3A_59 = arith.constant 0 : i32
      %dma_wait3A_60 = tpu.memref_slice %arg4[%add3A_18, %dma_wait3A_59] : memref<10240x128xf32, #tpu.memory_space<vmem_shared>> -> memref<80x128xf32, #tpu.memory_space<vmem_shared>>
      tpu.wait_dma2 semaphore(%run_scoped3A : memref<!tpu.dma_semaphore, #tpu.memory_space<semaphore_mem>>) src(%arg7 : memref<80x128xf32, #tpu.memory_space<vmem>>) dst(%dma_wait3A_60 : memref<80x128xf32, #tpu.memory_space<vmem_shared>>)
      tpu.yield
    }) : () -> ()
    %add3A_19 = arith.constant 400 : i32
    %add3A_20 = arith.addi %mul3A_9, %add3A_19 : i32
    "tpu.region"() ({
      %run_scoped3A = tpu.sem_alloc : memref<!tpu.dma_semaphore, #tpu.memory_space<semaphore_mem>>
      %dma_start3A_53 = arith.constant 0 : i32
      %dma_start3A_54 = tpu.memref_slice %arg4[%add3A_20, %dma_start3A_53] : memref<10240x128xf32, #tpu.memory_space<vmem_shared>> -> memref<80x128xf32, #tpu.memory_space<vmem_shared>>
      %dma_start3A_55 = arith.constant 0 : i32
      %dma_start3A_56 = tpu.memref_slice %arg4[%add3A_20, %dma_start3A_55] : memref<10240x128xf32, #tpu.memory_space<vmem_shared>> -> memref<80x128xf32, #tpu.memory_space<vmem_shared>>
      tpu.enqueue_dma source(%arg7 : memref<80x128xf32, #tpu.memory_space<vmem>>) target(%dma_start3A_56 : memref<80x128xf32, #tpu.memory_space<vmem_shared>>) target_semaphore(%run_scoped3A : memref<!tpu.dma_semaphore, #tpu.memory_space<semaphore_mem>>)
      %dma_wait3A_57 = arith.constant 0 : i32
      %dma_wait3A_58 = tpu.memref_slice %arg4[%add3A_20, %dma_wait3A_57] : memref<10240x128xf32, #tpu.memory_space<vmem_shared>> -> memref<80x128xf32, #tpu.memory_space<vmem_shared>>
      %dma_wait3A_59 = arith.constant 0 : i32
      %dma_wait3A_60 = tpu.memref_slice %arg4[%add3A_20, %dma_wait3A_59] : memref<10240x128xf32, #tpu.memory_space<vmem_shared>> -> memref<80x128xf32, #tpu.memory_space<vmem_shared>>
      tpu.wait_dma2 semaphore(%run_scoped3A : memref<!tpu.dma_semaphore, #tpu.memory_space<semaphore_mem>>) src(%arg7 : memref<80x128xf32, #tpu.memory_space<vmem>>) dst(%dma_wait3A_60 : memref<80x128xf32, #tpu.memory_space<vmem_shared>>)
      tpu.yield
    }) : () -> ()
    %add3A_21 = arith.constant 480 : i32
    %add3A_22 = arith.addi %mul3A_9, %add3A_21 : i32
    "tpu.region"() ({
      %run_scoped3A = tpu.sem_alloc : memref<!tpu.dma_semaphore, #tpu.memory_space<semaphore_mem>>
      %dma_start3A_53 = arith.constant 0 : i32
      %dma_start3A_54 = tpu.memref_slice %arg4[%add3A_22, %dma_start3A_53] : memref<10240x128xf32, #tpu.memory_space<vmem_shared>> -> memref<80x128xf32, #tpu.memory_space<vmem_shared>>
      %dma_start3A_55 = arith.constant 0 : i32
      %dma_start3A_56 = tpu.memref_slice %arg4[%add3A_22, %dma_start3A_55] : memref<10240x128xf32, #tpu.memory_space<vmem_shared>> -> memref<80x128xf32, #tpu.memory_space<vmem_shared>>
      tpu.enqueue_dma source(%arg7 : memref<80x128xf32, #tpu.memory_space<vmem>>) target(%dma_start3A_56 : memref<80x128xf32, #tpu.memory_space<vmem_shared>>) target_semaphore(%run_scoped3A : memref<!tpu.dma_semaphore, #tpu.memory_space<semaphore_mem>>)
      %dma_wait3A_57 = arith.constant 0 : i32
      %dma_wait3A_58 = tpu.memref_slice %arg4[%add3A_22, %dma_wait3A_57] : memref<10240x128xf32, #tpu.memory_space<vmem_shared>> -> memref<80x128xf32, #tpu.memory_space<vmem_shared>>
      %dma_wait3A_59 = arith.constant 0 : i32
      %dma_wait3A_60 = tpu.memref_slice %arg4[%add3A_22, %dma_wait3A_59] : memref<10240x128xf32, #tpu.memory_space<vmem_shared>> -> memref<80x128xf32, #tpu.memory_space<vmem_shared>>
      tpu.wait_dma2 semaphore(%run_scoped3A : memref<!tpu.dma_semaphore, #tpu.memory_space<semaphore_mem>>) src(%arg7 : memref<80x128xf32, #tpu.memory_space<vmem>>) dst(%dma_wait3A_60 : memref<80x128xf32, #tpu.memory_space<vmem_shared>>)
      tpu.yield
    }) : () -> ()
    %add3A_23 = arith.constant 560 : i32
    %add3A_24 = arith.addi %mul3A_9, %add3A_23 : i32
    "tpu.region"() ({
      %run_scoped3A = tpu.sem_alloc : memref<!tpu.dma_semaphore, #tpu.memory_space<semaphore_mem>>
      %dma_start3A_53 = arith.constant 0 : i32
      %dma_start3A_54 = tpu.memref_slice %arg4[%add3A_24, %dma_start3A_53] : memref<10240x128xf32, #tpu.memory_space<vmem_shared>> -> memref<80x128xf32, #tpu.memory_space<vmem_shared>>
      %dma_start3A_55 = arith.constant 0 : i32
      %dma_start3A_56 = tpu.memref_slice %arg4[%add3A_24, %dma_start3A_55] : memref<10240x128xf32, #tpu.memory_space<vmem_shared>> -> memref<80x128xf32, #tpu.memory_space<vmem_shared>>
      tpu.enqueue_dma source(%arg7 : memref<80x128xf32, #tpu.memory_space<vmem>>) target(%dma_start3A_56 : memref<80x128xf32, #tpu.memory_space<vmem_shared>>) target_semaphore(%run_scoped3A : memref<!tpu.dma_semaphore, #tpu.memory_space<semaphore_mem>>)
      %dma_wait3A_57 = arith.constant 0 : i32
      %dma_wait3A_58 = tpu.memref_slice %arg4[%add3A_24, %dma_wait3A_57] : memref<10240x128xf32, #tpu.memory_space<vmem_shared>> -> memref<80x128xf32, #tpu.memory_space<vmem_shared>>
      %dma_wait3A_59 = arith.constant 0 : i32
      %dma_wait3A_60 = tpu.memref_slice %arg4[%add3A_24, %dma_wait3A_59] : memref<10240x128xf32, #tpu.memory_space<vmem_shared>> -> memref<80x128xf32, #tpu.memory_space<vmem_shared>>
      tpu.wait_dma2 semaphore(%run_scoped3A : memref<!tpu.dma_semaphore, #tpu.memory_space<semaphore_mem>>) src(%arg7 : memref<80x128xf32, #tpu.memory_space<vmem>>) dst(%dma_wait3A_60 : memref<80x128xf32, #tpu.memory_space<vmem_shared>>)
      tpu.yield
    }) : () -> ()
    %scan3A_25 = arith.constant 0 : i32
    %scan3A_26 = arith.constant 0 : i32
    %scan3A_27 = arith.constant 640 : i32
    %scan3A_28 = arith.addi %scan3A_26, %scan3A_27 : i32
    %scan3A_29 = arith.constant 1 : i32
    %scan3A_30 = scf.for %scan3A_53 = %scan3A_26 to %scan3A_28 step %scan3A_29 iter_args(%scan3A_54 = %scan3A_25) -> (i32)  : i32 {
      %jit3A = arith.constant 8 : i32
      %div3A = arith.divsi %scan3A_53, %jit3A : i32
      %sign3A = arith.constant 0 : i32
      %sign3A_55 = arith.cmpi sgt, %scan3A_53, %sign3A : i32
      %sign3A_56 = arith.extui %sign3A_55 : i1 to i32
      %sign3A_57 = arith.constant 0 : i32
      %sign3A_58 = arith.cmpi slt, %scan3A_53, %sign3A_57 : i32
      %sign3A_59 = arith.extui %sign3A_58 : i1 to i32
      %sign3A_60 = arith.subi %sign3A_56, %sign3A_59 : i32
      %sign3A_61 = arith.constant 0 : i32
      %sign3A_62 = arith.cmpi sgt, %jit3A, %sign3A_61 : i32
      %sign3A_63 = arith.extui %sign3A_62 : i1 to i32
      %sign3A_64 = arith.constant 0 : i32
      %sign3A_65 = arith.cmpi slt, %jit3A, %sign3A_64 : i32
      %sign3A_66 = arith.extui %sign3A_65 : i1 to i32
      %sign3A_67 = arith.subi %sign3A_63, %sign3A_66 : i32
      %ne3A = arith.cmpi ne, %sign3A_60, %sign3A_67 : i32
      %rem3A = arith.remsi %scan3A_53, %jit3A : i32
      %ne3A_68 = arith.constant 0 : i32
      %ne3A_69 = arith.cmpi ne, %rem3A, %ne3A_68 : i32
      %and3A = arith.andi %ne3A, %ne3A_69 : i1
      %sub3A = arith.constant 1 : i32
      %sub3A_70 = arith.subi %div3A, %sub3A : i32
      %select_n3A = arith.select %and3A, %sub3A_70, %div3A : i32
      %jit3A_71 = arith.constant 8 : i32
      %eq3A = arith.constant 0 : i32
      %eq3A_72 = arith.cmpi eq, %jit3A_71, %eq3A : i32
      %jit3A_73 = arith.constant 1 : i32
      %select_n3A_74 = arith.select %eq3A_72, %jit3A_73, %jit3A_71 : i32
      %rem3A_75 = arith.remsi %scan3A_53, %select_n3A_74 : i32
      %ne3A_76 = arith.constant 0 : i32
      %ne3A_77 = arith.cmpi ne, %rem3A_75, %ne3A_76 : i32
      %lt3A = arith.constant 0 : i32
      %lt3A_78 = arith.cmpi slt, %rem3A_75, %lt3A : i32
      %lt3A_79 = arith.constant 0 : i32
      %lt3A_80 = arith.cmpi slt, %select_n3A_74, %lt3A_79 : i32
      %ne3A_81 = arith.xori %lt3A_78, %lt3A_80 : i1
      %and3A_82 = arith.andi %ne3A_81, %ne3A_77 : i1
      %add3A_83 = arith.addi %rem3A_75, %select_n3A_74 : i32
      %select_n3A_84 = arith.select %and3A_82, %add3A_83, %rem3A_75 : i32
      %mul3A_85 = arith.constant 16 : i32
      %mul3A_86 = arith.muli %select_n3A_84, %mul3A_85 : i32
      %swap3A = arith.index_cast %select_n3A : i32 to index
      %swap3A_87 = arith.index_cast %mul3A_86 : i32 to index
      %swap3A_88 = tpu.vector_load %arg7[%swap3A, %swap3A_87] {strides = array<i32>} : memref<80x128xf32, #tpu.memory_space<vmem>>, vector<1x16xf32>,
      %swap3A_89 = vector.shape_cast %swap3A_88 : vector<1x16xf32> to vector<16xf32>
      %swap3A_90 = vector.shape_cast %broadcast_in_dim3A_2 : vector<16xf32> to vector<1x16xf32>
      tpu.vector_store %arg7[%swap3A, %swap3A_87], %swap3A_90 {strides = array<i32>} : memref<80x128xf32, #tpu.memory_space<vmem>>, vector<1x16xf32>,
      %scan3A_91 = arith.constant 0 : i32
      scf.yield %scan3A_91 : i32
    }
    %scan3A_31 = arith.constant 640 : i32
    %barrier3A = arith.constant 0 : index
    tpu.barrier barrier_id(%barrier3A)
    %mul3A_32 = arith.constant 160000 : i32
    %mul3A_33 = arith.muli %arg0, %mul3A_32 : i32
    %mul3A_34 = arith.constant 10000 : i32
    %mul3A_35 = arith.muli %arg1, %mul3A_34 : i32
    %add3A_36 = arith.addi %mul3A_33, %mul3A_35 : i32
    %add3A_37 = arith.constant 0 : i32
    %add3A_38 = arith.addi %add3A_36, %add3A_37 : i32
    "tpu.region"() ({
      %run_scoped3A = tpu.sem_alloc : memref<!tpu.dma_semaphore, #tpu.memory_space<semaphore_mem>>
      %dma_start3A_53 = tpu.memref_slice %arg2[%add3A_38] : memref<320000xi32, #tpu.memory_space<hbm>> -> memref<80xi32, #tpu.memory_space<hbm>>
      %dma_start3A_54 = tpu.memref_slice %arg2[%add3A_38] : memref<320000xi32, #tpu.memory_space<hbm>> -> memref<80xi32, #tpu.memory_space<hbm>>
      tpu.enqueue_dma source(%dma_start3A_54 : memref<80xi32, #tpu.memory_space<hbm>>) target(%arg5 : memref<80xi32, #tpu.memory_space<vmem>>) target_semaphore(%run_scoped3A : memref<!tpu.dma_semaphore, #tpu.memory_space<semaphore_mem>>)
      %dma_wait3A_55 = tpu.memref_slice %arg2[%add3A_38] : memref<320000xi32, #tpu.memory_space<hbm>> -> memref<80xi32, #tpu.memory_space<hbm>>
      %dma_wait3A_56 = tpu.memref_slice %arg2[%add3A_38] : memref<320000xi32, #tpu.memory_space<hbm>> -> memref<80xi32, #tpu.memory_space<hbm>>
      tpu.wait_dma2 semaphore(%run_scoped3A : memref<!tpu.dma_semaphore, #tpu.memory_space<semaphore_mem>>) src(%dma_wait3A_56 : memref<80xi32, #tpu.memory_space<hbm>>) dst(%arg5 : memref<80xi32, #tpu.memory_space<vmem>>)
      tpu.yield
    }) : () -> ()
    %add3A_39 = arith.constant 80 : i32
    %add3A_40 = arith.addi %add3A_36, %add3A_39 : i32
    "tpu.region"() ({
      %run_scoped3A = tpu.sem_alloc : memref<!tpu.dma_semaphore, #tpu.memory_space<semaphore_mem>>
      %dma_start3A_53 = tpu.memref_slice %arg2[%add3A_40] : memref<320000xi32, #tpu.memory_space<hbm>> -> memref<80xi32, #tpu.memory_space<hbm>>
      %dma_start3A_54 = tpu.memref_slice %arg2[%add3A_40] : memref<320000xi32, #tpu.memory_space<hbm>> -> memref<80xi32, #tpu.memory_space<hbm>>
      tpu.enqueue_dma source(%dma_start3A_54 : memref<80xi32, #tpu.memory_space<hbm>>) target(%arg6 : memref<80xi32, #tpu.memory_space<vmem>>) target_semaphore(%run_scoped3A : memref<!tpu.dma_semaphore, #tpu.memory_space<semaphore_mem>>)
      %dma_wait3A_55 = tpu.memref_slice %arg2[%add3A_40] : memref<320000xi32, #tpu.memory_space<hbm>> -> memref<80xi32, #tpu.memory_space<hbm>>
      %dma_wait3A_56 = tpu.memref_slice %arg2[%add3A_40] : memref<320000xi32, #tpu.memory_space<hbm>> -> memref<80xi32, #tpu.memory_space<hbm>>
      tpu.wait_dma2 semaphore(%run_scoped3A : memref<!tpu.dma_semaphore, #tpu.memory_space<semaphore_mem>>) src(%dma_wait3A_56 : memref<80xi32, #tpu.memory_space<hbm>>) dst(%arg6 : memref<80xi32, #tpu.memory_space<vmem>>)
      tpu.yield
    }) : () -> ()
    %scan3A_41 = arith.constant 0 : i32
    %scan3A_42 = arith.constant 0 : i32
    %scan3A_43 = arith.constant 62 : i32
    %scan3A_44 = arith.addi %scan3A_42, %scan3A_43 : i32
    %scan3A_45 = arith.constant 1 : i32
    %scan3A_46 = scf.for %scan3A_53 = %scan3A_42 to %scan3A_44 step %scan3A_45 iter_args(%scan3A_54 = %scan3A_41) -> (i32)  : i32 {
      %dma_start3A_55 = arith.constant 0 : i32
      %dma_start3A_56 = arith.constant 0 : i32
      %dma_start3A_57 = tpu.memref_slice %arg4[%dma_start3A_55, %dma_start3A_56] : memref<10240x128xf32, #tpu.memory_space<vmem_shared>> -> memref<10240x128xf32, #tpu.memory_space<vmem_shared>>
      tpu.enqueue_indirect_dma source(%arg7 : memref<80x128xf32, #tpu.memory_space<vmem>>) target(%dma_start3A_57 : memref<10240x128xf32, #tpu.memory_space<vmem_shared>>) offsets(%arg5 : memref<80xi32, #tpu.memory_space<vmem>>) semaphore(%arg8 : memref<!tpu.dma_semaphore, #tpu.memory_space<semaphore_mem>>) {add = true}
      %dma_start3A_58 = arith.constant 0 : i32
      %dma_start3A_59 = arith.constant 0 : i32
      %dma_start3A_60 = tpu.memref_slice %arg4[%dma_start3A_58, %dma_start3A_59] : memref<10240x128xf32, #tpu.memory_space<vmem_shared>> -> memref<10240x128xf32, #tpu.memory_space<vmem_shared>>
      tpu.enqueue_indirect_dma source(%arg7 : memref<80x128xf32, #tpu.memory_space<vmem>>) target(%dma_start3A_60 : memref<10240x128xf32, #tpu.memory_space<vmem_shared>>) offsets(%arg6 : memref<80xi32, #tpu.memory_space<vmem>>) semaphore(%arg9 : memref<!tpu.dma_semaphore, #tpu.memory_space<semaphore_mem>>) {add = true}
      %mul3A_61 = arith.constant 2 : i32
      %mul3A_62 = arith.muli %mul3A_61, %scan3A_53 : i32
      %add3A_63 = arith.constant 2 : i32
      %add3A_64 = arith.addi %mul3A_62, %add3A_63 : i32
      %add3A_65 = arith.constant 0 : i32
      %add3A_66 = arith.addi %add3A_64, %add3A_65 : i32
      %min3A = arith.constant 124 : i32
      %min3A_67 = arith.minsi %add3A_66, %min3A : i32
      %dma_wait3A_68 = arith.constant 0 : i32
      %dma_wait3A_69 = arith.constant 0 : i32
      %dma_wait3A_70 = tpu.memref_slice %arg4[%dma_wait3A_68, %dma_wait3A_69] : memref<10240x128xf32, #tpu.memory_space<vmem_shared>> -> memref<10240x128xf32, #tpu.memory_space<vmem_shared>>
      tpu.wait_indirect_dma semaphore(%arg8 : memref<!tpu.dma_semaphore, #tpu.memory_space<semaphore_mem>>) src(%arg7 : memref<80x128xf32, #tpu.memory_space<vmem>>) dst(%dma_wait3A_70 : memref<10240x128xf32, #tpu.memory_space<vmem_shared>>)
      %mul3A_71 = arith.constant 80 : i32
      %mul3A_72 = arith.muli %min3A_67, %mul3A_71 : i32
      %add3A_73 = arith.addi %add3A_36, %mul3A_72 : i32
      "tpu.region"() ({
        %run_scoped3A = tpu.sem_alloc : memref<!tpu.dma_semaphore, #tpu.memory_space<semaphore_mem>>
        %dma_start3A_89 = tpu.memref_slice %arg2[%add3A_73] : memref<320000xi32, #tpu.memory_space<hbm>> -> memref<80xi32, #tpu.memory_space<hbm>>
        %dma_start3A_90 = tpu.memref_slice %arg2[%add3A_73] : memref<320000xi32, #tpu.memory_space<hbm>> -> memref<80xi32, #tpu.memory_space<hbm>>
        tpu.enqueue_dma source(%dma_start3A_90 : memref<80xi32, #tpu.memory_space<hbm>>) target(%arg5 : memref<80xi32, #tpu.memory_space<vmem>>) target_semaphore(%run_scoped3A : memref<!tpu.dma_semaphore, #tpu.memory_space<semaphore_mem>>)
        %dma_wait3A_91 = tpu.memref_slice %arg2[%add3A_73] : memref<320000xi32, #tpu.memory_space<hbm>> -> memref<80xi32, #tpu.memory_space<hbm>>
        %dma_wait3A_92 = tpu.memref_slice %arg2[%add3A_73] : memref<320000xi32, #tpu.memory_space<hbm>> -> memref<80xi32, #tpu.memory_space<hbm>>
        tpu.wait_dma2 semaphore(%run_scoped3A : memref<!tpu.dma_semaphore, #tpu.memory_space<semaphore_mem>>) src(%dma_wait3A_92 : memref<80xi32, #tpu.memory_space<hbm>>) dst(%arg5 : memref<80xi32, #tpu.memory_space<vmem>>)
        tpu.yield
      }) : () -> ()
      %mul3A_74 = arith.constant 2 : i32
      %mul3A_75 = arith.muli %mul3A_74, %scan3A_53 : i32
      %add3A_76 = arith.constant 2 : i32
      %add3A_77 = arith.addi %mul3A_75, %add3A_76 : i32
      %add3A_78 = arith.constant 1 : i32
      %add3A_79 = arith.addi %add3A_77, %add3A_78 : i32
      %min3A_80 = arith.constant 124 : i32
      %min3A_81 = arith.minsi %add3A_79, %min3A_80 : i32
      %dma_wait3A_82 = arith.constant 0 : i32
      %dma_wait3A_83 = arith.constant 0 : i32
      %dma_wait3A_84 = tpu.memref_slice %arg4[%dma_wait3A_82, %dma_wait3A_83] : memref<10240x128xf32, #tpu.memory_space<vmem_shared>> -> memref<10240x128xf32, #tpu.memory_space<vmem_shared>>
      tpu.wait_indirect_dma semaphore(%arg9 : memref<!tpu.dma_semaphore, #tpu.memory_space<semaphore_mem>>) src(%arg7 : memref<80x128xf32, #tpu.memory_space<vmem>>) dst(%dma_wait3A_84 : memref<10240x128xf32, #tpu.memory_space<vmem_shared>>)
      %mul3A_85 = arith.constant 80 : i32
      %mul3A_86 = arith.muli %min3A_81, %mul3A_85 : i32
      %add3A_87 = arith.addi %add3A_36, %mul3A_86 : i32
      "tpu.region"() ({
        %run_scoped3A = tpu.sem_alloc : memref<!tpu.dma_semaphore, #tpu.memory_space<semaphore_mem>>
        %dma_start3A_89 = tpu.memref_slice %arg2[%add3A_87] : memref<320000xi32, #tpu.memory_space<hbm>> -> memref<80xi32, #tpu.memory_space<hbm>>
        %dma_start3A_90 = tpu.memref_slice %arg2[%add3A_87] : memref<320000xi32, #tpu.memory_space<hbm>> -> memref<80xi32, #tpu.memory_space<hbm>>
        tpu.enqueue_dma source(%dma_start3A_90 : memref<80xi32, #tpu.memory_space<hbm>>) target(%arg6 : memref<80xi32, #tpu.memory_space<vmem>>) target_semaphore(%run_scoped3A : memref<!tpu.dma_semaphore, #tpu.memory_space<semaphore_mem>>)
        %dma_wait3A_91 = tpu.memref_slice %arg2[%add3A_87] : memref<320000xi32, #tpu.memory_space<hbm>> -> memref<80xi32, #tpu.memory_space<hbm>>
        %dma_wait3A_92 = tpu.memref_slice %arg2[%add3A_87] : memref<320000xi32, #tpu.memory_space<hbm>> -> memref<80xi32, #tpu.memory_space<hbm>>
        tpu.wait_dma2 semaphore(%run_scoped3A : memref<!tpu.dma_semaphore, #tpu.memory_space<semaphore_mem>>) src(%dma_wait3A_92 : memref<80xi32, #tpu.memory_space<hbm>>) dst(%arg6 : memref<80xi32, #tpu.memory_space<vmem>>)
        tpu.yield
      }) : () -> ()
      %scan3A_88 = arith.constant 0 : i32
      scf.yield %scan3A_88 : i32
    }
    %scan3A_47 = arith.constant 62 : i32
    %dma_start3A = arith.constant 0 : i32
    %dma_start3A_48 = arith.constant 0 : i32
    %dma_start3A_49 = tpu.memref_slice %arg4[%dma_start3A, %dma_start3A_48] : memref<10240x128xf32, #tpu.memory_space<vmem_shared>> -> memref<10240x128xf32, #tpu.memory_space<vmem_shared>>
    tpu.enqueue_indirect_dma source(%arg7 : memref<80x128xf32, #tpu.memory_space<vmem>>) target(%dma_start3A_49 : memref<10240x128xf32, #tpu.memory_space<vmem_shared>>) offsets(%arg5 : memref<80xi32, #tpu.memory_space<vmem>>) semaphore(%arg8 : memref<!tpu.dma_semaphore, #tpu.memory_space<semaphore_mem>>) {add = true}
    %dma_wait3A = arith.constant 0 : i32
    %dma_wait3A_50 = arith.constant 0 : i32
    %dma_wait3A_51 = tpu.memref_slice %arg4[%dma_wait3A, %dma_wait3A_50] : memref<10240x128xf32, #tpu.memory_space<vmem_shared>> -> memref<10240x128xf32, #tpu.memory_space<vmem_shared>>
    tpu.wait_indirect_dma semaphore(%arg8 : memref<!tpu.dma_semaphore, #tpu.memory_space<semaphore_mem>>) src(%arg7 : memref<80x128xf32, #tpu.memory_space<vmem>>) dst(%dma_wait3A_51 : memref<10240x128xf32, #tpu.memory_space<vmem_shared>>)
    %barrier3A_52 = arith.constant 0 : index
    tpu.barrier barrier_id(%barrier3A_52)
    "tpu.region"() ({
      %run_scoped3A = tpu.sem_alloc : memref<!tpu.dma_semaphore, #tpu.memory_space<semaphore_mem>>
      %dma_start3A_53 = arith.constant 0 : i32
      %dma_start3A_54 = tpu.memref_slice %arg3[%arg0, %mul3A_9, %dma_start3A_53] : memref<2x10240x128xf32, #tpu.memory_space<hbm>> -> memref<1x640x128xf32, #tpu.memory_space<hbm>>
      %dma_start3A_55 = tpu.memref_squeeze %dma_start3A_54 : memref<1x640x128xf32, #tpu.memory_space<hbm>> -> memref<640x128xf32, #tpu.memory_space<hbm>>
      %dma_start3A_56 = arith.constant 0 : i32
      %dma_start3A_57 = tpu.memref_slice %arg4[%mul3A_9, %dma_start3A_56] : memref<10240x128xf32, #tpu.memory_space<vmem_shared>> -> memref<640x128xf32, #tpu.memory_space<vmem_shared>>
      tpu.enqueue_dma source(%dma_start3A_57 : memref<640x128xf32, #tpu.memory_space<vmem_shared>>) target(%dma_start3A_55 : memref<640x128xf32, #tpu.memory_space<hbm>>) target_semaphore(%run_scoped3A : memref<!tpu.dma_semaphore, #tpu.memory_space<semaphore_mem>>)
      %dma_wait3A_58 = arith.constant 0 : i32
      %dma_wait3A_59 = tpu.memref_slice %arg3[%arg0, %mul3A_9, %dma_wait3A_58] : memref<2x10240x128xf32, #tpu.memory_space<hbm>> -> memref<1x640x128xf32, #tpu.memory_space<hbm>>
      %dma_wait3A_60 = tpu.memref_squeeze %dma_wait3A_59 : memref<1x640x128xf32, #tpu.memory_space<hbm>> -> memref<640x128xf32, #tpu.memory_space<hbm>>
      %dma_wait3A_61 = arith.constant 0 : i32
      %dma_wait3A_62 = tpu.memref_slice %arg4[%mul3A_9, %dma_wait3A_61] : memref<10240x128xf32, #tpu.memory_space<vmem_shared>> -> memref<640x128xf32, #tpu.memory_space<vmem_shared>>
      tpu.wait_dma2 semaphore(%run_scoped3A : memref<!tpu.dma_semaphore, #tpu.memory_space<semaphore_mem>>) src(%dma_wait3A_62 : memref<640x128xf32, #tpu.memory_space<vmem_shared>>) dst(%dma_wait3A_60 : memref<640x128xf32, #tpu.memory_space<hbm>>)
      tpu.yield
    }) : () -> ()
    return
  }
}

#map = affine_map<(d0, d1) -> (0)>
#map1 = affine_map<(d0, d1) -> (0, 0)>
#map2 = affine_map<(d0, d1) -> (0, 0, 0)>
module attributes {stable_mosaic.version = 14 : i64} {
  func.func @_sc_acc_body(%arg0: i32, %arg1: i32, %arg2: memref<640000xi32, #tpu.memory_space<hbm>>, %arg3: memref<320000xi32, #tpu.memory_space<hbm>>, %arg4: memref<10000x128xf32, #tpu.memory_space<hbm>>, %arg5: memref<256x128xf32, #tpu.memory_space<hbm>>, %arg6: memref<2x10240x128xf32, #tpu.memory_space<hbm>>, %arg7: memref<10240x128xf32, #tpu.memory_space<vmem_shared>>, %arg8: memref<256x128xf32, #tpu.memory_space<vmem_shared>>, %arg9: memref<80xi32, #tpu.memory_space<vmem>>, %arg10: memref<80xi32, #tpu.memory_space<vmem>>, %arg11: memref<80xi32, #tpu.memory_space<vmem>>, %arg12: memref<80x128xf32, #tpu.memory_space<vmem>>, %arg13: memref<80x128xf32, #tpu.memory_space<vmem>>, %arg14: memref<80xi32, #tpu.memory_space<vmem>>, %arg15: memref<80xi32, #tpu.memory_space<vmem>>, %arg16: memref<80xi32, #tpu.memory_space<vmem>>, %arg17: memref<80x128xf32, #tpu.memory_space<vmem>>, %arg18: memref<80x128xf32, #tpu.memory_space<vmem>>, %arg19: memref<!tpu.dma_semaphore, #tpu.memory_space<semaphore_mem>>, %arg20: memref<!tpu.dma_semaphore, #tpu.memory_space<semaphore_mem>>, %arg21: memref<!tpu.dma_semaphore, #tpu.memory_space<semaphore_mem>>, %arg22: memref<!tpu.dma_semaphore, #tpu.memory_space<semaphore_mem>>, %arg23: memref<!tpu.dma_semaphore, #tpu.memory_space<semaphore_mem>>, %arg24: memref<!tpu.dma_semaphore, #tpu.memory_space<semaphore_mem>>) attributes {dimension_semantics = [#tpu.dimension_semantics<core_parallel>, #tpu.dimension_semantics<subcore_parallel>], iteration_bounds = array<i64: 2, 16>, scalar_prefetch = 0 : i64, scratch_operands = 18 : i64, tpu.core_type = #tpu.core_type<sc_vector_subcore>, window_params = [{transform_indices = #map}, {transform_indices = #map}, {transform_indices = #map1}, {transform_indices = #map1}, {transform_indices = #map2}]} {
    %broadcast_in_dim3A = arith.constant 0.000000e+00 : f32
    %broadcast_in_dim3A_0 = vector.broadcast %broadcast_in_dim3A : f32 to vector<16xf32>
    %mul3A = arith.constant 16 : i32
    %mul3A_1 = arith.muli %arg1, %mul3A : i32
    %mul3A_2 = arith.constant 16 : i32
    %mul3A_3 = arith.muli %arg1, %mul3A_2 : i32
    "tpu.region"() ({
      %run_scoped3A = tpu.sem_alloc : memref<!tpu.dma_semaphore, #tpu.memory_space<semaphore_mem>>
      %dma_start3A_83 = arith.constant 0 : i32
      %dma_start3A_84 = tpu.memref_slice %arg8[%mul3A_3, %dma_start3A_83] : memref<256x128xf32, #tpu.memory_space<vmem_shared>> -> memref<16x128xf32, #tpu.memory_space<vmem_shared>>
      %dma_start3A_85 = arith.constant 0 : i32
      %dma_start3A_86 = tpu.memref_slice %arg5[%mul3A_1, %dma_start3A_85] : memref<256x128xf32, #tpu.memory_space<hbm>> -> memref<16x128xf32, #tpu.memory_space<hbm>>
      tpu.enqueue_dma source(%dma_start3A_86 : memref<16x128xf32, #tpu.memory_space<hbm>>) target(%dma_start3A_84 : memref<16x128xf32, #tpu.memory_space<vmem_shared>>) target_semaphore(%run_scoped3A : memref<!tpu.dma_semaphore, #tpu.memory_space<semaphore_mem>>)
      %dma_wait3A_87 = arith.constant 0 : i32
      %dma_wait3A_88 = tpu.memref_slice %arg8[%mul3A_3, %dma_wait3A_87] : memref<256x128xf32, #tpu.memory_space<vmem_shared>> -> memref<16x128xf32, #tpu.memory_space<vmem_shared>>
      %dma_wait3A_89 = arith.constant 0 : i32
      %dma_wait3A_90 = tpu.memref_slice %arg5[%mul3A_1, %dma_wait3A_89] : memref<256x128xf32, #tpu.memory_space<hbm>> -> memref<16x128xf32, #tpu.memory_space<hbm>>
      tpu.wait_dma2 semaphore(%run_scoped3A : memref<!tpu.dma_semaphore, #tpu.memory_space<semaphore_mem>>) src(%dma_wait3A_90 : memref<16x128xf32, #tpu.memory_space<hbm>>) dst(%dma_wait3A_88 : memref<16x128xf32, #tpu.memory_space<vmem_shared>>)
      tpu.yield
    }) : () -> ()
    %scan3A = arith.constant 0 : i32
    %scan3A_4 = arith.constant 0 : i32
    %scan3A_5 = arith.constant 640 : i32
    %scan3A_6 = arith.addi %scan3A_4, %scan3A_5 : i32
    %scan3A_7 = arith.constant 1 : i32
    %scan3A_8 = scf.for %scan3A_83 = %scan3A_4 to %scan3A_6 step %scan3A_7 iter_args(%scan3A_84 = %scan3A) -> (i32)  : i32 {
      %jit3A = arith.constant 8 : i32
      %div3A = arith.divsi %scan3A_83, %jit3A : i32
      %sign3A = arith.constant 0 : i32
      %sign3A_85 = arith.cmpi sgt, %scan3A_83, %sign3A : i32
      %sign3A_86 = arith.extui %sign3A_85 : i1 to i32
      %sign3A_87 = arith.constant 0 : i32
      %sign3A_88 = arith.cmpi slt, %scan3A_83, %sign3A_87 : i32
      %sign3A_89 = arith.extui %sign3A_88 : i1 to i32
      %sign3A_90 = arith.subi %sign3A_86, %sign3A_89 : i32
      %sign3A_91 = arith.constant 0 : i32
      %sign3A_92 = arith.cmpi sgt, %jit3A, %sign3A_91 : i32
      %sign3A_93 = arith.extui %sign3A_92 : i1 to i32
      %sign3A_94 = arith.constant 0 : i32
      %sign3A_95 = arith.cmpi slt, %jit3A, %sign3A_94 : i32
      %sign3A_96 = arith.extui %sign3A_95 : i1 to i32
      %sign3A_97 = arith.subi %sign3A_93, %sign3A_96 : i32
      %ne3A = arith.cmpi ne, %sign3A_90, %sign3A_97 : i32
      %rem3A = arith.remsi %scan3A_83, %jit3A : i32
      %ne3A_98 = arith.constant 0 : i32
      %ne3A_99 = arith.cmpi ne, %rem3A, %ne3A_98 : i32
      %and3A = arith.andi %ne3A, %ne3A_99 : i1
      %sub3A = arith.constant 1 : i32
      %sub3A_100 = arith.subi %div3A, %sub3A : i32
      %select_n3A = arith.select %and3A, %sub3A_100, %div3A : i32
      %jit3A_101 = arith.constant 8 : i32
      %eq3A = arith.constant 0 : i32
      %eq3A_102 = arith.cmpi eq, %jit3A_101, %eq3A : i32
      %jit3A_103 = arith.constant 1 : i32
      %select_n3A_104 = arith.select %eq3A_102, %jit3A_103, %jit3A_101 : i32
      %rem3A_105 = arith.remsi %scan3A_83, %select_n3A_104 : i32
      %ne3A_106 = arith.constant 0 : i32
      %ne3A_107 = arith.cmpi ne, %rem3A_105, %ne3A_106 : i32
      %lt3A = arith.constant 0 : i32
      %lt3A_108 = arith.cmpi slt, %rem3A_105, %lt3A : i32
      %lt3A_109 = arith.constant 0 : i32
      %lt3A_110 = arith.cmpi slt, %select_n3A_104, %lt3A_109 : i32
      %ne3A_111 = arith.xori %lt3A_108, %lt3A_110 : i1
      %and3A_112 = arith.andi %ne3A_111, %ne3A_107 : i1
      %add3A_113 = arith.addi %rem3A_105, %select_n3A_104 : i32
      %select_n3A_114 = arith.select %and3A_112, %add3A_113, %rem3A_105 : i32
      %mul3A_115 = arith.constant 16 : i32
      %mul3A_116 = arith.muli %select_n3A_114, %mul3A_115 : i32
      %swap3A = arith.index_cast %select_n3A : i32 to index
      %swap3A_117 = arith.index_cast %mul3A_116 : i32 to index
      %swap3A_118 = tpu.vector_load %arg12[%swap3A, %swap3A_117] {strides = array<i32>} : memref<80x128xf32, #tpu.memory_space<vmem>>, vector<1x16xf32>,
      %swap3A_119 = vector.shape_cast %swap3A_118 : vector<1x16xf32> to vector<16xf32>
      %swap3A_120 = vector.shape_cast %broadcast_in_dim3A_0 : vector<16xf32> to vector<1x16xf32>
      tpu.vector_store %arg12[%swap3A, %swap3A_117], %swap3A_120 {strides = array<i32>} : memref<80x128xf32, #tpu.memory_space<vmem>>, vector<1x16xf32>,
      %scan3A_121 = arith.constant 0 : i32
      scf.yield %scan3A_121 : i32
    }
    %scan3A_9 = arith.constant 640 : i32
    %mul3A_10 = arith.constant 640 : i32
    %mul3A_11 = arith.muli %arg1, %mul3A_10 : i32
    %add3A = arith.constant 0 : i32
    %add3A_12 = arith.addi %mul3A_11, %add3A : i32
    "tpu.region"() ({
      %run_scoped3A = tpu.sem_alloc : memref<!tpu.dma_semaphore, #tpu.memory_space<semaphore_mem>>
      %dma_start3A_83 = arith.constant 0 : i32
      %dma_start3A_84 = tpu.memref_slice %arg7[%add3A_12, %dma_start3A_83] : memref<10240x128xf32, #tpu.memory_space<vmem_shared>> -> memref<80x128xf32, #tpu.memory_space<vmem_shared>>
      %dma_start3A_85 = arith.constant 0 : i32
      %dma_start3A_86 = tpu.memref_slice %arg7[%add3A_12, %dma_start3A_85] : memref<10240x128xf32, #tpu.memory_space<vmem_shared>> -> memref<80x128xf32, #tpu.memory_space<vmem_shared>>
      tpu.enqueue_dma source(%arg12 : memref<80x128xf32, #tpu.memory_space<vmem>>) target(%dma_start3A_86 : memref<80x128xf32, #tpu.memory_space<vmem_shared>>) target_semaphore(%run_scoped3A : memref<!tpu.dma_semaphore, #tpu.memory_space<semaphore_mem>>)
      %dma_wait3A_87 = arith.constant 0 : i32
      %dma_wait3A_88 = tpu.memref_slice %arg7[%add3A_12, %dma_wait3A_87] : memref<10240x128xf32, #tpu.memory_space<vmem_shared>> -> memref<80x128xf32, #tpu.memory_space<vmem_shared>>
      %dma_wait3A_89 = arith.constant 0 : i32
      %dma_wait3A_90 = tpu.memref_slice %arg7[%add3A_12, %dma_wait3A_89] : memref<10240x128xf32, #tpu.memory_space<vmem_shared>> -> memref<80x128xf32, #tpu.memory_space<vmem_shared>>
      tpu.wait_dma2 semaphore(%run_scoped3A : memref<!tpu.dma_semaphore, #tpu.memory_space<semaphore_mem>>) src(%arg12 : memref<80x128xf32, #tpu.memory_space<vmem>>) dst(%dma_wait3A_90 : memref<80x128xf32, #tpu.memory_space<vmem_shared>>)
      tpu.yield
    }) : () -> ()
    %add3A_13 = arith.constant 80 : i32
    %add3A_14 = arith.addi %mul3A_11, %add3A_13 : i32
    "tpu.region"() ({
      %run_scoped3A = tpu.sem_alloc : memref<!tpu.dma_semaphore, #tpu.memory_space<semaphore_mem>>
      %dma_start3A_83 = arith.constant 0 : i32
      %dma_start3A_84 = tpu.memref_slice %arg7[%add3A_14, %dma_start3A_83] : memref<10240x128xf32, #tpu.memory_space<vmem_shared>> -> memref<80x128xf32, #tpu.memory_space<vmem_shared>>
      %dma_start3A_85 = arith.constant 0 : i32
      %dma_start3A_86 = tpu.memref_slice %arg7[%add3A_14, %dma_start3A_85] : memref<10240x128xf32, #tpu.memory_space<vmem_shared>> -> memref<80x128xf32, #tpu.memory_space<vmem_shared>>
      tpu.enqueue_dma source(%arg12 : memref<80x128xf32, #tpu.memory_space<vmem>>) target(%dma_start3A_86 : memref<80x128xf32, #tpu.memory_space<vmem_shared>>) target_semaphore(%run_scoped3A : memref<!tpu.dma_semaphore, #tpu.memory_space<semaphore_mem>>)
      %dma_wait3A_87 = arith.constant 0 : i32
      %dma_wait3A_88 = tpu.memref_slice %arg7[%add3A_14, %dma_wait3A_87] : memref<10240x128xf32, #tpu.memory_space<vmem_shared>> -> memref<80x128xf32, #tpu.memory_space<vmem_shared>>
      %dma_wait3A_89 = arith.constant 0 : i32
      %dma_wait3A_90 = tpu.memref_slice %arg7[%add3A_14, %dma_wait3A_89] : memref<10240x128xf32, #tpu.memory_space<vmem_shared>> -> memref<80x128xf32, #tpu.memory_space<vmem_shared>>
      tpu.wait_dma2 semaphore(%run_scoped3A : memref<!tpu.dma_semaphore, #tpu.memory_space<semaphore_mem>>) src(%arg12 : memref<80x128xf32, #tpu.memory_space<vmem>>) dst(%dma_wait3A_90 : memref<80x128xf32, #tpu.memory_space<vmem_shared>>)
      tpu.yield
    }) : () -> ()
    %add3A_15 = arith.constant 160 : i32
    %add3A_16 = arith.addi %mul3A_11, %add3A_15 : i32
    "tpu.region"() ({
      %run_scoped3A = tpu.sem_alloc : memref<!tpu.dma_semaphore, #tpu.memory_space<semaphore_mem>>
      %dma_start3A_83 = arith.constant 0 : i32
      %dma_start3A_84 = tpu.memref_slice %arg7[%add3A_16, %dma_start3A_83] : memref<10240x128xf32, #tpu.memory_space<vmem_shared>> -> memref<80x128xf32, #tpu.memory_space<vmem_shared>>
      %dma_start3A_85 = arith.constant 0 : i32
      %dma_start3A_86 = tpu.memref_slice %arg7[%add3A_16, %dma_start3A_85] : memref<10240x128xf32, #tpu.memory_space<vmem_shared>> -> memref<80x128xf32, #tpu.memory_space<vmem_shared>>
      tpu.enqueue_dma source(%arg12 : memref<80x128xf32, #tpu.memory_space<vmem>>) target(%dma_start3A_86 : memref<80x128xf32, #tpu.memory_space<vmem_shared>>) target_semaphore(%run_scoped3A : memref<!tpu.dma_semaphore, #tpu.memory_space<semaphore_mem>>)
      %dma_wait3A_87 = arith.constant 0 : i32
      %dma_wait3A_88 = tpu.memref_slice %arg7[%add3A_16, %dma_wait3A_87] : memref<10240x128xf32, #tpu.memory_space<vmem_shared>> -> memref<80x128xf32, #tpu.memory_space<vmem_shared>>
      %dma_wait3A_89 = arith.constant 0 : i32
      %dma_wait3A_90 = tpu.memref_slice %arg7[%add3A_16, %dma_wait3A_89] : memref<10240x128xf32, #tpu.memory_space<vmem_shared>> -> memref<80x128xf32, #tpu.memory_space<vmem_shared>>
      tpu.wait_dma2 semaphore(%run_scoped3A : memref<!tpu.dma_semaphore, #tpu.memory_space<semaphore_mem>>) src(%arg12 : memref<80x128xf32, #tpu.memory_space<vmem>>) dst(%dma_wait3A_90 : memref<80x128xf32, #tpu.memory_space<vmem_shared>>)
      tpu.yield
    }) : () -> ()
    %add3A_17 = arith.constant 240 : i32
    %add3A_18 = arith.addi %mul3A_11, %add3A_17 : i32
    "tpu.region"() ({
      %run_scoped3A = tpu.sem_alloc : memref<!tpu.dma_semaphore, #tpu.memory_space<semaphore_mem>>
      %dma_start3A_83 = arith.constant 0 : i32
      %dma_start3A_84 = tpu.memref_slice %arg7[%add3A_18, %dma_start3A_83] : memref<10240x128xf32, #tpu.memory_space<vmem_shared>> -> memref<80x128xf32, #tpu.memory_space<vmem_shared>>
      %dma_start3A_85 = arith.constant 0 : i32
      %dma_start3A_86 = tpu.memref_slice %arg7[%add3A_18, %dma_start3A_85] : memref<10240x128xf32, #tpu.memory_space<vmem_shared>> -> memref<80x128xf32, #tpu.memory_space<vmem_shared>>
      tpu.enqueue_dma source(%arg12 : memref<80x128xf32, #tpu.memory_space<vmem>>) target(%dma_start3A_86 : memref<80x128xf32, #tpu.memory_space<vmem_shared>>) target_semaphore(%run_scoped3A : memref<!tpu.dma_semaphore, #tpu.memory_space<semaphore_mem>>)
      %dma_wait3A_87 = arith.constant 0 : i32
      %dma_wait3A_88 = tpu.memref_slice %arg7[%add3A_18, %dma_wait3A_87] : memref<10240x128xf32, #tpu.memory_space<vmem_shared>> -> memref<80x128xf32, #tpu.memory_space<vmem_shared>>
      %dma_wait3A_89 = arith.constant 0 : i32
      %dma_wait3A_90 = tpu.memref_slice %arg7[%add3A_18, %dma_wait3A_89] : memref<10240x128xf32, #tpu.memory_space<vmem_shared>> -> memref<80x128xf32, #tpu.memory_space<vmem_shared>>
      tpu.wait_dma2 semaphore(%run_scoped3A : memref<!tpu.dma_semaphore, #tpu.memory_space<semaphore_mem>>) src(%arg12 : memref<80x128xf32, #tpu.memory_space<vmem>>) dst(%dma_wait3A_90 : memref<80x128xf32, #tpu.memory_space<vmem_shared>>)
      tpu.yield
    }) : () -> ()
    %add3A_19 = arith.constant 320 : i32
    %add3A_20 = arith.addi %mul3A_11, %add3A_19 : i32
    "tpu.region"() ({
      %run_scoped3A = tpu.sem_alloc : memref<!tpu.dma_semaphore, #tpu.memory_space<semaphore_mem>>
      %dma_start3A_83 = arith.constant 0 : i32
      %dma_start3A_84 = tpu.memref_slice %arg7[%add3A_20, %dma_start3A_83] : memref<10240x128xf32, #tpu.memory_space<vmem_shared>> -> memref<80x128xf32, #tpu.memory_space<vmem_shared>>
      %dma_start3A_85 = arith.constant 0 : i32
      %dma_start3A_86 = tpu.memref_slice %arg7[%add3A_20, %dma_start3A_85] : memref<10240x128xf32, #tpu.memory_space<vmem_shared>> -> memref<80x128xf32, #tpu.memory_space<vmem_shared>>
      tpu.enqueue_dma source(%arg12 : memref<80x128xf32, #tpu.memory_space<vmem>>) target(%dma_start3A_86 : memref<80x128xf32, #tpu.memory_space<vmem_shared>>) target_semaphore(%run_scoped3A : memref<!tpu.dma_semaphore, #tpu.memory_space<semaphore_mem>>)
      %dma_wait3A_87 = arith.constant 0 : i32
      %dma_wait3A_88 = tpu.memref_slice %arg7[%add3A_20, %dma_wait3A_87] : memref<10240x128xf32, #tpu.memory_space<vmem_shared>> -> memref<80x128xf32, #tpu.memory_space<vmem_shared>>
      %dma_wait3A_89 = arith.constant 0 : i32
      %dma_wait3A_90 = tpu.memref_slice %arg7[%add3A_20, %dma_wait3A_89] : memref<10240x128xf32, #tpu.memory_space<vmem_shared>> -> memref<80x128xf32, #tpu.memory_space<vmem_shared>>
      tpu.wait_dma2 semaphore(%run_scoped3A : memref<!tpu.dma_semaphore, #tpu.memory_space<semaphore_mem>>) src(%arg12 : memref<80x128xf32, #tpu.memory_space<vmem>>) dst(%dma_wait3A_90 : memref<80x128xf32, #tpu.memory_space<vmem_shared>>)
      tpu.yield
    }) : () -> ()
    %add3A_21 = arith.constant 400 : i32
    %add3A_22 = arith.addi %mul3A_11, %add3A_21 : i32
    "tpu.region"() ({
      %run_scoped3A = tpu.sem_alloc : memref<!tpu.dma_semaphore, #tpu.memory_space<semaphore_mem>>
      %dma_start3A_83 = arith.constant 0 : i32
      %dma_start3A_84 = tpu.memref_slice %arg7[%add3A_22, %dma_start3A_83] : memref<10240x128xf32, #tpu.memory_space<vmem_shared>> -> memref<80x128xf32, #tpu.memory_space<vmem_shared>>
      %dma_start3A_85 = arith.constant 0 : i32
      %dma_start3A_86 = tpu.memref_slice %arg7[%add3A_22, %dma_start3A_85] : memref<10240x128xf32, #tpu.memory_space<vmem_shared>> -> memref<80x128xf32, #tpu.memory_space<vmem_shared>>
      tpu.enqueue_dma source(%arg12 : memref<80x128xf32, #tpu.memory_space<vmem>>) target(%dma_start3A_86 : memref<80x128xf32, #tpu.memory_space<vmem_shared>>) target_semaphore(%run_scoped3A : memref<!tpu.dma_semaphore, #tpu.memory_space<semaphore_mem>>)
      %dma_wait3A_87 = arith.constant 0 : i32
      %dma_wait3A_88 = tpu.memref_slice %arg7[%add3A_22, %dma_wait3A_87] : memref<10240x128xf32, #tpu.memory_space<vmem_shared>> -> memref<80x128xf32, #tpu.memory_space<vmem_shared>>
      %dma_wait3A_89 = arith.constant 0 : i32
      %dma_wait3A_90 = tpu.memref_slice %arg7[%add3A_22, %dma_wait3A_89] : memref<10240x128xf32, #tpu.memory_space<vmem_shared>> -> memref<80x128xf32, #tpu.memory_space<vmem_shared>>
      tpu.wait_dma2 semaphore(%run_scoped3A : memref<!tpu.dma_semaphore, #tpu.memory_space<semaphore_mem>>) src(%arg12 : memref<80x128xf32, #tpu.memory_space<vmem>>) dst(%dma_wait3A_90 : memref<80x128xf32, #tpu.memory_space<vmem_shared>>)
      tpu.yield
    }) : () -> ()
    %add3A_23 = arith.constant 480 : i32
    %add3A_24 = arith.addi %mul3A_11, %add3A_23 : i32
    "tpu.region"() ({
      %run_scoped3A = tpu.sem_alloc : memref<!tpu.dma_semaphore, #tpu.memory_space<semaphore_mem>>
      %dma_start3A_83 = arith.constant 0 : i32
      %dma_start3A_84 = tpu.memref_slice %arg7[%add3A_24, %dma_start3A_83] : memref<10240x128xf32, #tpu.memory_space<vmem_shared>> -> memref<80x128xf32, #tpu.memory_space<vmem_shared>>
      %dma_start3A_85 = arith.constant 0 : i32
      %dma_start3A_86 = tpu.memref_slice %arg7[%add3A_24, %dma_start3A_85] : memref<10240x128xf32, #tpu.memory_space<vmem_shared>> -> memref<80x128xf32, #tpu.memory_space<vmem_shared>>
      tpu.enqueue_dma source(%arg12 : memref<80x128xf32, #tpu.memory_space<vmem>>) target(%dma_start3A_86 : memref<80x128xf32, #tpu.memory_space<vmem_shared>>) target_semaphore(%run_scoped3A : memref<!tpu.dma_semaphore, #tpu.memory_space<semaphore_mem>>)
      %dma_wait3A_87 = arith.constant 0 : i32
      %dma_wait3A_88 = tpu.memref_slice %arg7[%add3A_24, %dma_wait3A_87] : memref<10240x128xf32, #tpu.memory_space<vmem_shared>> -> memref<80x128xf32, #tpu.memory_space<vmem_shared>>
      %dma_wait3A_89 = arith.constant 0 : i32
      %dma_wait3A_90 = tpu.memref_slice %arg7[%add3A_24, %dma_wait3A_89] : memref<10240x128xf32, #tpu.memory_space<vmem_shared>> -> memref<80x128xf32, #tpu.memory_space<vmem_shared>>
      tpu.wait_dma2 semaphore(%run_scoped3A : memref<!tpu.dma_semaphore, #tpu.memory_space<semaphore_mem>>) src(%arg12 : memref<80x128xf32, #tpu.memory_space<vmem>>) dst(%dma_wait3A_90 : memref<80x128xf32, #tpu.memory_space<vmem_shared>>)
      tpu.yield
    }) : () -> ()
    %add3A_25 = arith.constant 560 : i32
    %add3A_26 = arith.addi %mul3A_11, %add3A_25 : i32
    "tpu.region"() ({
      %run_scoped3A = tpu.sem_alloc : memref<!tpu.dma_semaphore, #tpu.memory_space<semaphore_mem>>
      %dma_start3A_83 = arith.constant 0 : i32
      %dma_start3A_84 = tpu.memref_slice %arg7[%add3A_26, %dma_start3A_83] : memref<10240x128xf32, #tpu.memory_space<vmem_shared>> -> memref<80x128xf32, #tpu.memory_space<vmem_shared>>
      %dma_start3A_85 = arith.constant 0 : i32
      %dma_start3A_86 = tpu.memref_slice %arg7[%add3A_26, %dma_start3A_85] : memref<10240x128xf32, #tpu.memory_space<vmem_shared>> -> memref<80x128xf32, #tpu.memory_space<vmem_shared>>
      tpu.enqueue_dma source(%arg12 : memref<80x128xf32, #tpu.memory_space<vmem>>) target(%dma_start3A_86 : memref<80x128xf32, #tpu.memory_space<vmem_shared>>) target_semaphore(%run_scoped3A : memref<!tpu.dma_semaphore, #tpu.memory_space<semaphore_mem>>)
      %dma_wait3A_87 = arith.constant 0 : i32
      %dma_wait3A_88 = tpu.memref_slice %arg7[%add3A_26, %dma_wait3A_87] : memref<10240x128xf32, #tpu.memory_space<vmem_shared>> -> memref<80x128xf32, #tpu.memory_space<vmem_shared>>
      %dma_wait3A_89 = arith.constant 0 : i32
      %dma_wait3A_90 = tpu.memref_slice %arg7[%add3A_26, %dma_wait3A_89] : memref<10240x128xf32, #tpu.memory_space<vmem_shared>> -> memref<80x128xf32, #tpu.memory_space<vmem_shared>>
      tpu.wait_dma2 semaphore(%run_scoped3A : memref<!tpu.dma_semaphore, #tpu.memory_space<semaphore_mem>>) src(%arg12 : memref<80x128xf32, #tpu.memory_space<vmem>>) dst(%dma_wait3A_90 : memref<80x128xf32, #tpu.memory_space<vmem_shared>>)
      tpu.yield
    }) : () -> ()
    %barrier3A = arith.constant 0 : index
    tpu.barrier barrier_id(%barrier3A)
    %mul3A_27 = arith.constant 160000 : i32
    %mul3A_28 = arith.muli %arg0, %mul3A_27 : i32
    %mul3A_29 = arith.constant 10000 : i32
    %mul3A_30 = arith.muli %arg1, %mul3A_29 : i32
    %add3A_31 = arith.addi %mul3A_28, %mul3A_30 : i32
    %add3A_32 = arith.constant 0 : i32
    %add3A_33 = arith.addi %add3A_31, %add3A_32 : i32
    "tpu.region"() ({
      %run_scoped3A = tpu.sem_alloc : memref<!tpu.dma_semaphore, #tpu.memory_space<semaphore_mem>>
      %dma_start3A_83 = tpu.memref_slice %arg2[%add3A_33] : memref<640000xi32, #tpu.memory_space<hbm>> -> memref<80xi32, #tpu.memory_space<hbm>>
      %dma_start3A_84 = tpu.memref_slice %arg2[%add3A_33] : memref<640000xi32, #tpu.memory_space<hbm>> -> memref<80xi32, #tpu.memory_space<hbm>>
      tpu.enqueue_dma source(%dma_start3A_84 : memref<80xi32, #tpu.memory_space<hbm>>) target(%arg9 : memref<80xi32, #tpu.memory_space<vmem>>) target_semaphore(%run_scoped3A : memref<!tpu.dma_semaphore, #tpu.memory_space<semaphore_mem>>)
      %dma_wait3A_85 = tpu.memref_slice %arg2[%add3A_33] : memref<640000xi32, #tpu.memory_space<hbm>> -> memref<80xi32, #tpu.memory_space<hbm>>
      %dma_wait3A_86 = tpu.memref_slice %arg2[%add3A_33] : memref<640000xi32, #tpu.memory_space<hbm>> -> memref<80xi32, #tpu.memory_space<hbm>>
      tpu.wait_dma2 semaphore(%run_scoped3A : memref<!tpu.dma_semaphore, #tpu.memory_space<semaphore_mem>>) src(%dma_wait3A_86 : memref<80xi32, #tpu.memory_space<hbm>>) dst(%arg9 : memref<80xi32, #tpu.memory_space<vmem>>)
      tpu.yield
    }) : () -> ()
    %add3A_34 = arith.constant 320000 : i32
    %add3A_35 = arith.addi %add3A_34, %add3A_33 : i32
    "tpu.region"() ({
      %run_scoped3A = tpu.sem_alloc : memref<!tpu.dma_semaphore, #tpu.memory_space<semaphore_mem>>
      %dma_start3A_83 = tpu.memref_slice %arg2[%add3A_35] : memref<640000xi32, #tpu.memory_space<hbm>> -> memref<80xi32, #tpu.memory_space<hbm>>
      %dma_start3A_84 = tpu.memref_slice %arg2[%add3A_35] : memref<640000xi32, #tpu.memory_space<hbm>> -> memref<80xi32, #tpu.memory_space<hbm>>
      tpu.enqueue_dma source(%dma_start3A_84 : memref<80xi32, #tpu.memory_space<hbm>>) target(%arg10 : memref<80xi32, #tpu.memory_space<vmem>>) target_semaphore(%run_scoped3A : memref<!tpu.dma_semaphore, #tpu.memory_space<semaphore_mem>>)
      %dma_wait3A_85 = tpu.memref_slice %arg2[%add3A_35] : memref<640000xi32, #tpu.memory_space<hbm>> -> memref<80xi32, #tpu.memory_space<hbm>>
      %dma_wait3A_86 = tpu.memref_slice %arg2[%add3A_35] : memref<640000xi32, #tpu.memory_space<hbm>> -> memref<80xi32, #tpu.memory_space<hbm>>
      tpu.wait_dma2 semaphore(%run_scoped3A : memref<!tpu.dma_semaphore, #tpu.memory_space<semaphore_mem>>) src(%dma_wait3A_86 : memref<80xi32, #tpu.memory_space<hbm>>) dst(%arg10 : memref<80xi32, #tpu.memory_space<vmem>>)
      tpu.yield
    }) : () -> ()
    "tpu.region"() ({
      %run_scoped3A = tpu.sem_alloc : memref<!tpu.dma_semaphore, #tpu.memory_space<semaphore_mem>>
      %dma_start3A_83 = tpu.memref_slice %arg3[%add3A_33] : memref<320000xi32, #tpu.memory_space<hbm>> -> memref<80xi32, #tpu.memory_space<hbm>>
      %dma_start3A_84 = tpu.memref_slice %arg3[%add3A_33] : memref<320000xi32, #tpu.memory_space<hbm>> -> memref<80xi32, #tpu.memory_space<hbm>>
      tpu.enqueue_dma source(%dma_start3A_84 : memref<80xi32, #tpu.memory_space<hbm>>) target(%arg11 : memref<80xi32, #tpu.memory_space<vmem>>) target_semaphore(%run_scoped3A : memref<!tpu.dma_semaphore, #tpu.memory_space<semaphore_mem>>)
      %dma_wait3A_85 = tpu.memref_slice %arg3[%add3A_33] : memref<320000xi32, #tpu.memory_space<hbm>> -> memref<80xi32, #tpu.memory_space<hbm>>
      %dma_wait3A_86 = tpu.memref_slice %arg3[%add3A_33] : memref<320000xi32, #tpu.memory_space<hbm>> -> memref<80xi32, #tpu.memory_space<hbm>>
      tpu.wait_dma2 semaphore(%run_scoped3A : memref<!tpu.dma_semaphore, #tpu.memory_space<semaphore_mem>>) src(%dma_wait3A_86 : memref<80xi32, #tpu.memory_space<hbm>>) dst(%arg11 : memref<80xi32, #tpu.memory_space<vmem>>)
      tpu.yield
    }) : () -> ()
    %dma_start3A = arith.constant 0 : i32
    %dma_start3A_36 = arith.constant 0 : i32
    %dma_start3A_37 = tpu.memref_slice %arg4[%dma_start3A, %dma_start3A_36] : memref<10000x128xf32, #tpu.memory_space<hbm>> -> memref<10000x128xf32, #tpu.memory_space<hbm>>
    tpu.enqueue_indirect_dma source(%dma_start3A_37 : memref<10000x128xf32, #tpu.memory_space<hbm>>) target(%arg12 : memref<80x128xf32, #tpu.memory_space<vmem>>) offsets(%arg10 : memref<80xi32, #tpu.memory_space<vmem>>) semaphore(%arg19 : memref<!tpu.dma_semaphore, #tpu.memory_space<semaphore_mem>>)
    %dma_start3A_38 = arith.constant 0 : i32
    %dma_start3A_39 = arith.constant 0 : i32
    %dma_start3A_40 = tpu.memref_slice %arg8[%dma_start3A_38, %dma_start3A_39] : memref<256x128xf32, #tpu.memory_space<vmem_shared>> -> memref<256x128xf32, #tpu.memory_space<vmem_shared>>
    tpu.enqueue_indirect_dma source(%dma_start3A_40 : memref<256x128xf32, #tpu.memory_space<vmem_shared>>) target(%arg13 : memref<80x128xf32, #tpu.memory_space<vmem>>) offsets(%arg11 : memref<80xi32, #tpu.memory_space<vmem>>) semaphore(%arg20 : memref<!tpu.dma_semaphore, #tpu.memory_space<semaphore_mem>>)
    %add3A_41 = arith.constant 80 : i32
    %add3A_42 = arith.addi %add3A_31, %add3A_41 : i32
    "tpu.region"() ({
      %run_scoped3A = tpu.sem_alloc : memref<!tpu.dma_semaphore, #tpu.memory_space<semaphore_mem>>
      %dma_start3A_83 = tpu.memref_slice %arg2[%add3A_42] : memref<640000xi32, #tpu.memory_space<hbm>> -> memref<80xi32, #tpu.memory_space<hbm>>
      %dma_start3A_84 = tpu.memref_slice %arg2[%add3A_42] : memref<640000xi32, #tpu.memory_space<hbm>> -> memref<80xi32, #tpu.memory_space<hbm>>
      tpu.enqueue_dma source(%dma_start3A_84 : memref<80xi32, #tpu.memory_space<hbm>>) target(%arg14 : memref<80xi32, #tpu.memory_space<vmem>>) target_semaphore(%run_scoped3A : memref<!tpu.dma_semaphore, #tpu.memory_space<semaphore_mem>>)
      %dma_wait3A_85 = tpu.memref_slice %arg2[%add3A_42] : memref<640000xi32, #tpu.memory_space<hbm>> -> memref<80xi32, #tpu.memory_space<hbm>>
      %dma_wait3A_86 = tpu.memref_slice %arg2[%add3A_42] : memref<640000xi32, #tpu.memory_space<hbm>> -> memref<80xi32, #tpu.memory_space<hbm>>
      tpu.wait_dma2 semaphore(%run_scoped3A : memref<!tpu.dma_semaphore, #tpu.memory_space<semaphore_mem>>) src(%dma_wait3A_86 : memref<80xi32, #tpu.memory_space<hbm>>) dst(%arg14 : memref<80xi32, #tpu.memory_space<vmem>>)
      tpu.yield
    }) : () -> ()
    %add3A_43 = arith.constant 320000 : i32
    %add3A_44 = arith.addi %add3A_43, %add3A_42 : i32
    "tpu.region"() ({
      %run_scoped3A = tpu.sem_alloc : memref<!tpu.dma_semaphore, #tpu.memory_space<semaphore_mem>>
      %dma_start3A_83 = tpu.memref_slice %arg2[%add3A_44] : memref<640000xi32, #tpu.memory_space<hbm>> -> memref<80xi32, #tpu.memory_space<hbm>>
      %dma_start3A_84 = tpu.memref_slice %arg2[%add3A_44] : memref<640000xi32, #tpu.memory_space<hbm>> -> memref<80xi32, #tpu.memory_space<hbm>>
      tpu.enqueue_dma source(%dma_start3A_84 : memref<80xi32, #tpu.memory_space<hbm>>) target(%arg15 : memref<80xi32, #tpu.memory_space<vmem>>) target_semaphore(%run_scoped3A : memref<!tpu.dma_semaphore, #tpu.memory_space<semaphore_mem>>)
      %dma_wait3A_85 = tpu.memref_slice %arg2[%add3A_44] : memref<640000xi32, #tpu.memory_space<hbm>> -> memref<80xi32, #tpu.memory_space<hbm>>
      %dma_wait3A_86 = tpu.memref_slice %arg2[%add3A_44] : memref<640000xi32, #tpu.memory_space<hbm>> -> memref<80xi32, #tpu.memory_space<hbm>>
      tpu.wait_dma2 semaphore(%run_scoped3A : memref<!tpu.dma_semaphore, #tpu.memory_space<semaphore_mem>>) src(%dma_wait3A_86 : memref<80xi32, #tpu.memory_space<hbm>>) dst(%arg15 : memref<80xi32, #tpu.memory_space<vmem>>)
      tpu.yield
    }) : () -> ()
    "tpu.region"() ({
      %run_scoped3A = tpu.sem_alloc : memref<!tpu.dma_semaphore, #tpu.memory_space<semaphore_mem>>
      %dma_start3A_83 = tpu.memref_slice %arg3[%add3A_42] : memref<320000xi32, #tpu.memory_space<hbm>> -> memref<80xi32, #tpu.memory_space<hbm>>
      %dma_start3A_84 = tpu.memref_slice %arg3[%add3A_42] : memref<320000xi32, #tpu.memory_space<hbm>> -> memref<80xi32, #tpu.memory_space<hbm>>
      tpu.enqueue_dma source(%dma_start3A_84 : memref<80xi32, #tpu.memory_space<hbm>>) target(%arg16 : memref<80xi32, #tpu.memory_space<vmem>>) target_semaphore(%run_scoped3A : memref<!tpu.dma_semaphore, #tpu.memory_space<semaphore_mem>>)
      %dma_wait3A_85 = tpu.memref_slice %arg3[%add3A_42] : memref<320000xi32, #tpu.memory_space<hbm>> -> memref<80xi32, #tpu.memory_space<hbm>>
      %dma_wait3A_86 = tpu.memref_slice %arg3[%add3A_42] : memref<320000xi32, #tpu.memory_space<hbm>> -> memref<80xi32, #tpu.memory_space<hbm>>
      tpu.wait_dma2 semaphore(%run_scoped3A : memref<!tpu.dma_semaphore, #tpu.memory_space<semaphore_mem>>) src(%dma_wait3A_86 : memref<80xi32, #tpu.memory_space<hbm>>) dst(%arg16 : memref<80xi32, #tpu.memory_space<vmem>>)
      tpu.yield
    }) : () -> ()
    %dma_start3A_45 = arith.constant 0 : i32
    %dma_start3A_46 = arith.constant 0 : i32
    %dma_start3A_47 = tpu.memref_slice %arg4[%dma_start3A_45, %dma_start3A_46] : memref<10000x128xf32, #tpu.memory_space<hbm>> -> memref<10000x128xf32, #tpu.memory_space<hbm>>
    tpu.enqueue_indirect_dma source(%dma_start3A_47 : memref<10000x128xf32, #tpu.memory_space<hbm>>) target(%arg17 : memref<80x128xf32, #tpu.memory_space<vmem>>) offsets(%arg15 : memref<80xi32, #tpu.memory_space<vmem>>) semaphore(%arg22 : memref<!tpu.dma_semaphore, #tpu.memory_space<semaphore_mem>>)
    %dma_start3A_48 = arith.constant 0 : i32
    %dma_start3A_49 = arith.constant 0 : i32
    %dma_start3A_50 = tpu.memref_slice %arg8[%dma_start3A_48, %dma_start3A_49] : memref<256x128xf32, #tpu.memory_space<vmem_shared>> -> memref<256x128xf32, #tpu.memory_space<vmem_shared>>
    tpu.enqueue_indirect_dma source(%dma_start3A_50 : memref<256x128xf32, #tpu.memory_space<vmem_shared>>) target(%arg18 : memref<80x128xf32, #tpu.memory_space<vmem>>) offsets(%arg16 : memref<80xi32, #tpu.memory_space<vmem>>) semaphore(%arg23 : memref<!tpu.dma_semaphore, #tpu.memory_space<semaphore_mem>>)
    %scan3A_51 = arith.constant 0 : i32
    %scan3A_52 = arith.constant 0 : i32
    %scan3A_53 = arith.constant 62 : i32
    %scan3A_54 = arith.addi %scan3A_52, %scan3A_53 : i32
    %scan3A_55 = arith.constant 1 : i32
    %scan3A_56 = scf.for %scan3A_83 = %scan3A_52 to %scan3A_54 step %scan3A_55 iter_args(%scan3A_84 = %scan3A_51) -> (i32)  : i32 {
      %dma_wait3A_85 = arith.constant 0 : i32
      %dma_wait3A_86 = arith.constant 0 : i32
      %dma_wait3A_87 = tpu.memref_slice %arg4[%dma_wait3A_85, %dma_wait3A_86] : memref<10000x128xf32, #tpu.memory_space<hbm>> -> memref<10000x128xf32, #tpu.memory_space<hbm>>
      tpu.wait_indirect_dma semaphore(%arg19 : memref<!tpu.dma_semaphore, #tpu.memory_space<semaphore_mem>>) src(%dma_wait3A_87 : memref<10000x128xf32, #tpu.memory_space<hbm>>) dst(%arg12 : memref<80x128xf32, #tpu.memory_space<vmem>>)
      %dma_wait3A_88 = arith.constant 0 : i32
      %dma_wait3A_89 = arith.constant 0 : i32
      %dma_wait3A_90 = tpu.memref_slice %arg8[%dma_wait3A_88, %dma_wait3A_89] : memref<256x128xf32, #tpu.memory_space<vmem_shared>> -> memref<256x128xf32, #tpu.memory_space<vmem_shared>>
      tpu.wait_indirect_dma semaphore(%arg20 : memref<!tpu.dma_semaphore, #tpu.memory_space<semaphore_mem>>) src(%dma_wait3A_90 : memref<256x128xf32, #tpu.memory_space<vmem_shared>>) dst(%arg13 : memref<80x128xf32, #tpu.memory_space<vmem>>)
      %scan3A_91 = arith.constant 0 : i32
      %scan3A_92 = arith.constant 0 : i32
      %scan3A_93 = arith.constant 20 : i32
      %scan3A_94 = arith.addi %scan3A_92, %scan3A_93 : i32
      %scan3A_95 = arith.constant 1 : i32
      %scan3A_96 = scf.for %scan3A_161 = %scan3A_92 to %scan3A_94 step %scan3A_95 iter_args(%scan3A_162 = %scan3A_91) -> (i32)  : i32 {
        %mul3A_163 = arith.constant 4 : i32
        %mul3A_164 = arith.muli %scan3A_161, %mul3A_163 : i32
        %add3A_165 = arith.constant 0 : i32
        %add3A_166 = arith.addi %mul3A_164, %add3A_165 : i32
        %get3A = arith.index_cast %add3A_166 : i32 to index
        %get3A_167 = arith.constant 0 : index
        %get3A_168 = tpu.vector_load %arg12[%get3A, %get3A_167] {strides = array<i32>} : memref<80x128xf32, #tpu.memory_space<vmem>>, vector<1x16xf32>,
        %get3A_169 = vector.shape_cast %get3A_168 : vector<1x16xf32> to vector<16xf32>
        %add3A_170 = arith.constant 0 : i32
        %add3A_171 = arith.addi %mul3A_164, %add3A_170 : i32
        %get3A_172 = arith.index_cast %add3A_171 : i32 to index
        %get3A_173 = arith.constant 0 : index
        %get3A_174 = tpu.vector_load %arg13[%get3A_172, %get3A_173] {strides = array<i32>} : memref<80x128xf32, #tpu.memory_space<vmem>>, vector<1x16xf32>,
        %get3A_175 = vector.shape_cast %get3A_174 : vector<1x16xf32> to vector<16xf32>
        %mul3A_176 = arith.mulf %get3A_169, %get3A_175 : vector<16xf32>
        %add3A_177 = arith.constant 0 : i32
        %add3A_178 = arith.addi %mul3A_164, %add3A_177 : i32
        %swap3A = arith.index_cast %add3A_178 : i32 to index
        %swap3A_179 = arith.constant 0 : index
        %swap3A_180 = tpu.vector_load %arg12[%swap3A, %swap3A_179] {strides = array<i32>} : memref<80x128xf32, #tpu.memory_space<vmem>>, vector<1x16xf32>,
        %swap3A_181 = vector.shape_cast %swap3A_180 : vector<1x16xf32> to vector<16xf32>
        %swap3A_182 = vector.shape_cast %mul3A_176 : vector<16xf32> to vector<1x16xf32>
        tpu.vector_store %arg12[%swap3A, %swap3A_179], %swap3A_182 {strides = array<i32>} : memref<80x128xf32, #tpu.memory_space<vmem>>, vector<1x16xf32>,
        %add3A_183 = arith.constant 0 : i32
        %add3A_184 = arith.addi %mul3A_164, %add3A_183 : i32
        %get3A_185 = arith.index_cast %add3A_184 : i32 to index
        %get3A_186 = arith.constant 16 : index
        %get3A_187 = tpu.vector_load %arg12[%get3A_185, %get3A_186] {strides = array<i32>} : memref<80x128xf32, #tpu.memory_space<vmem>>, vector<1x16xf32>,
        %get3A_188 = vector.shape_cast %get3A_187 : vector<1x16xf32> to vector<16xf32>
        %add3A_189 = arith.constant 0 : i32
        %add3A_190 = arith.addi %mul3A_164, %add3A_189 : i32
        %get3A_191 = arith.index_cast %add3A_190 : i32 to index
        %get3A_192 = arith.constant 16 : index
        %get3A_193 = tpu.vector_load %arg13[%get3A_191, %get3A_192] {strides = array<i32>} : memref<80x128xf32, #tpu.memory_space<vmem>>, vector<1x16xf32>,
        %get3A_194 = vector.shape_cast %get3A_193 : vector<1x16xf32> to vector<16xf32>
        %mul3A_195 = arith.mulf %get3A_188, %get3A_194 : vector<16xf32>
        %add3A_196 = arith.constant 0 : i32
        %add3A_197 = arith.addi %mul3A_164, %add3A_196 : i32
        %swap3A_198 = arith.index_cast %add3A_197 : i32 to index
        %swap3A_199 = arith.constant 16 : index
        %swap3A_200 = tpu.vector_load %arg12[%swap3A_198, %swap3A_199] {strides = array<i32>} : memref<80x128xf32, #tpu.memory_space<vmem>>, vector<1x16xf32>,
        %swap3A_201 = vector.shape_cast %swap3A_200 : vector<1x16xf32> to vector<16xf32>
        %swap3A_202 = vector.shape_cast %mul3A_195 : vector<16xf32> to vector<1x16xf32>
        tpu.vector_store %arg12[%swap3A_198, %swap3A_199], %swap3A_202 {strides = array<i32>} : memref<80x128xf32, #tpu.memory_space<vmem>>, vector<1x16xf32>,
        %add3A_203 = arith.constant 0 : i32
        %add3A_204 = arith.addi %mul3A_164, %add3A_203 : i32
        %get3A_205 = arith.index_cast %add3A_204 : i32 to index
        %get3A_206 = arith.constant 32 : index
        %get3A_207 = tpu.vector_load %arg12[%get3A_205, %get3A_206] {strides = array<i32>} : memref<80x128xf32, #tpu.memory_space<vmem>>, vector<1x16xf32>,
        %get3A_208 = vector.shape_cast %get3A_207 : vector<1x16xf32> to vector<16xf32>
        %add3A_209 = arith.constant 0 : i32
        %add3A_210 = arith.addi %mul3A_164, %add3A_209 : i32
        %get3A_211 = arith.index_cast %add3A_210 : i32 to index
        %get3A_212 = arith.constant 32 : index
        %get3A_213 = tpu.vector_load %arg13[%get3A_211, %get3A_212] {strides = array<i32>} : memref<80x128xf32, #tpu.memory_space<vmem>>, vector<1x16xf32>,
        %get3A_214 = vector.shape_cast %get3A_213 : vector<1x16xf32> to vector<16xf32>
        %mul3A_215 = arith.mulf %get3A_208, %get3A_214 : vector<16xf32>
        %add3A_216 = arith.constant 0 : i32
        %add3A_217 = arith.addi %mul3A_164, %add3A_216 : i32
        %swap3A_218 = arith.index_cast %add3A_217 : i32 to index
        %swap3A_219 = arith.constant 32 : index
        %swap3A_220 = tpu.vector_load %arg12[%swap3A_218, %swap3A_219] {strides = array<i32>} : memref<80x128xf32, #tpu.memory_space<vmem>>, vector<1x16xf32>,
        %swap3A_221 = vector.shape_cast %swap3A_220 : vector<1x16xf32> to vector<16xf32>
        %swap3A_222 = vector.shape_cast %mul3A_215 : vector<16xf32> to vector<1x16xf32>
        tpu.vector_store %arg12[%swap3A_218, %swap3A_219], %swap3A_222 {strides = array<i32>} : memref<80x128xf32, #tpu.memory_space<vmem>>, vector<1x16xf32>,
        %add3A_223 = arith.constant 0 : i32
        %add3A_224 = arith.addi %mul3A_164, %add3A_223 : i32
        %get3A_225 = arith.index_cast %add3A_224 : i32 to index
        %get3A_226 = arith.constant 48 : index
        %get3A_227 = tpu.vector_load %arg12[%get3A_225, %get3A_226] {strides = array<i32>} : memref<80x128xf32, #tpu.memory_space<vmem>>, vector<1x16xf32>,
        %get3A_228 = vector.shape_cast %get3A_227 : vector<1x16xf32> to vector<16xf32>
        %add3A_229 = arith.constant 0 : i32
        %add3A_230 = arith.addi %mul3A_164, %add3A_229 : i32
        %get3A_231 = arith.index_cast %add3A_230 : i32 to index
        %get3A_232 = arith.constant 48 : index
        %get3A_233 = tpu.vector_load %arg13[%get3A_231, %get3A_232] {strides = array<i32>} : memref<80x128xf32, #tpu.memory_space<vmem>>, vector<1x16xf32>,
        %get3A_234 = vector.shape_cast %get3A_233 : vector<1x16xf32> to vector<16xf32>
        %mul3A_235 = arith.mulf %get3A_228, %get3A_234 : vector<16xf32>
        %add3A_236 = arith.constant 0 : i32
        %add3A_237 = arith.addi %mul3A_164, %add3A_236 : i32
        %swap3A_238 = arith.index_cast %add3A_237 : i32 to index
        %swap3A_239 = arith.constant 48 : index
        %swap3A_240 = tpu.vector_load %arg12[%swap3A_238, %swap3A_239] {strides = array<i32>} : memref<80x128xf32, #tpu.memory_space<vmem>>, vector<1x16xf32>,
        %swap3A_241 = vector.shape_cast %swap3A_240 : vector<1x16xf32> to vector<16xf32>
        %swap3A_242 = vector.shape_cast %mul3A_235 : vector<16xf32> to vector<1x16xf32>
        tpu.vector_store %arg12[%swap3A_238, %swap3A_239], %swap3A_242 {strides = array<i32>} : memref<80x128xf32, #tpu.memory_space<vmem>>, vector<1x16xf32>,
        %add3A_243 = arith.constant 0 : i32
        %add3A_244 = arith.addi %mul3A_164, %add3A_243 : i32
        %get3A_245 = arith.index_cast %add3A_244 : i32 to index
        %get3A_246 = arith.constant 64 : index
        %get3A_247 = tpu.vector_load %arg12[%get3A_245, %get3A_246] {strides = array<i32>} : memref<80x128xf32, #tpu.memory_space<vmem>>, vector<1x16xf32>,
        %get3A_248 = vector.shape_cast %get3A_247 : vector<1x16xf32> to vector<16xf32>
        %add3A_249 = arith.constant 0 : i32
        %add3A_250 = arith.addi %mul3A_164, %add3A_249 : i32
        %get3A_251 = arith.index_cast %add3A_250 : i32 to index
        %get3A_252 = arith.constant 64 : index
        %get3A_253 = tpu.vector_load %arg13[%get3A_251, %get3A_252] {strides = array<i32>} : memref<80x128xf32, #tpu.memory_space<vmem>>, vector<1x16xf32>,
        %get3A_254 = vector.shape_cast %get3A_253 : vector<1x16xf32> to vector<16xf32>
        %mul3A_255 = arith.mulf %get3A_248, %get3A_254 : vector<16xf32>
        %add3A_256 = arith.constant 0 : i32
        %add3A_257 = arith.addi %mul3A_164, %add3A_256 : i32
        %swap3A_258 = arith.index_cast %add3A_257 : i32 to index
        %swap3A_259 = arith.constant 64 : index
        %swap3A_260 = tpu.vector_load %arg12[%swap3A_258, %swap3A_259] {strides = array<i32>} : memref<80x128xf32, #tpu.memory_space<vmem>>, vector<1x16xf32>,
        %swap3A_261 = vector.shape_cast %swap3A_260 : vector<1x16xf32> to vector<16xf32>
        %swap3A_262 = vector.shape_cast %mul3A_255 : vector<16xf32> to vector<1x16xf32>
        tpu.vector_store %arg12[%swap3A_258, %swap3A_259], %swap3A_262 {strides = array<i32>} : memref<80x128xf32, #tpu.memory_space<vmem>>, vector<1x16xf32>,
        %add3A_263 = arith.constant 0 : i32
        %add3A_264 = arith.addi %mul3A_164, %add3A_263 : i32
        %get3A_265 = arith.index_cast %add3A_264 : i32 to index
        %get3A_266 = arith.constant 80 : index
        %get3A_267 = tpu.vector_load %arg12[%get3A_265, %get3A_266] {strides = array<i32>} : memref<80x128xf32, #tpu.memory_space<vmem>>, vector<1x16xf32>,
        %get3A_268 = vector.shape_cast %get3A_267 : vector<1x16xf32> to vector<16xf32>
        %add3A_269 = arith.constant 0 : i32
        %add3A_270 = arith.addi %mul3A_164, %add3A_269 : i32
        %get3A_271 = arith.index_cast %add3A_270 : i32 to index
        %get3A_272 = arith.constant 80 : index
        %get3A_273 = tpu.vector_load %arg13[%get3A_271, %get3A_272] {strides = array<i32>} : memref<80x128xf32, #tpu.memory_space<vmem>>, vector<1x16xf32>,
        %get3A_274 = vector.shape_cast %get3A_273 : vector<1x16xf32> to vector<16xf32>
        %mul3A_275 = arith.mulf %get3A_268, %get3A_274 : vector<16xf32>
        %add3A_276 = arith.constant 0 : i32
        %add3A_277 = arith.addi %mul3A_164, %add3A_276 : i32
        %swap3A_278 = arith.index_cast %add3A_277 : i32 to index
        %swap3A_279 = arith.constant 80 : index
        %swap3A_280 = tpu.vector_load %arg12[%swap3A_278, %swap3A_279] {strides = array<i32>} : memref<80x128xf32, #tpu.memory_space<vmem>>, vector<1x16xf32>,
        %swap3A_281 = vector.shape_cast %swap3A_280 : vector<1x16xf32> to vector<16xf32>
        %swap3A_282 = vector.shape_cast %mul3A_275 : vector<16xf32> to vector<1x16xf32>
        tpu.vector_store %arg12[%swap3A_278, %swap3A_279], %swap3A_282 {strides = array<i32>} : memref<80x128xf32, #tpu.memory_space<vmem>>, vector<1x16xf32>,
        %add3A_283 = arith.constant 0 : i32
        %add3A_284 = arith.addi %mul3A_164, %add3A_283 : i32
        %get3A_285 = arith.index_cast %add3A_284 : i32 to index
        %get3A_286 = arith.constant 96 : index
        %get3A_287 = tpu.vector_load %arg12[%get3A_285, %get3A_286] {strides = array<i32>} : memref<80x128xf32, #tpu.memory_space<vmem>>, vector<1x16xf32>,
        %get3A_288 = vector.shape_cast %get3A_287 : vector<1x16xf32> to vector<16xf32>
        %add3A_289 = arith.constant 0 : i32
        %add3A_290 = arith.addi %mul3A_164, %add3A_289 : i32
        %get3A_291 = arith.index_cast %add3A_290 : i32 to index
        %get3A_292 = arith.constant 96 : index
        %get3A_293 = tpu.vector_load %arg13[%get3A_291, %get3A_292] {strides = array<i32>} : memref<80x128xf32, #tpu.memory_space<vmem>>, vector<1x16xf32>,
        %get3A_294 = vector.shape_cast %get3A_293 : vector<1x16xf32> to vector<16xf32>
        %mul3A_295 = arith.mulf %get3A_288, %get3A_294 : vector<16xf32>
        %add3A_296 = arith.constant 0 : i32
        %add3A_297 = arith.addi %mul3A_164, %add3A_296 : i32
        %swap3A_298 = arith.index_cast %add3A_297 : i32 to index
        %swap3A_299 = arith.constant 96 : index
        %swap3A_300 = tpu.vector_load %arg12[%swap3A_298, %swap3A_299] {strides = array<i32>} : memref<80x128xf32, #tpu.memory_space<vmem>>, vector<1x16xf32>,
        %swap3A_301 = vector.shape_cast %swap3A_300 : vector<1x16xf32> to vector<16xf32>
        %swap3A_302 = vector.shape_cast %mul3A_295 : vector<16xf32> to vector<1x16xf32>
        tpu.vector_store %arg12[%swap3A_298, %swap3A_299], %swap3A_302 {strides = array<i32>} : memref<80x128xf32, #tpu.memory_space<vmem>>, vector<1x16xf32>,
        %add3A_303 = arith.constant 0 : i32
        %add3A_304 = arith.addi %mul3A_164, %add3A_303 : i32
        %get3A_305 = arith.index_cast %add3A_304 : i32 to index
        %get3A_306 = arith.constant 112 : index
        %get3A_307 = tpu.vector_load %arg12[%get3A_305, %get3A_306] {strides = array<i32>} : memref<80x128xf32, #tpu.memory_space<vmem>>, vector<1x16xf32>,
        %get3A_308 = vector.shape_cast %get3A_307 : vector<1x16xf32> to vector<16xf32>
        %add3A_309 = arith.constant 0 : i32
        %add3A_310 = arith.addi %mul3A_164, %add3A_309 : i32
        %get3A_311 = arith.index_cast %add3A_310 : i32 to index
        %get3A_312 = arith.constant 112 : index
        %get3A_313 = tpu.vector_load %arg13[%get3A_311, %get3A_312] {strides = array<i32>} : memref<80x128xf32, #tpu.memory_space<vmem>>, vector<1x16xf32>,
        %get3A_314 = vector.shape_cast %get3A_313 : vector<1x16xf32> to vector<16xf32>
        %mul3A_315 = arith.mulf %get3A_308, %get3A_314 : vector<16xf32>
        %add3A_316 = arith.constant 0 : i32
        %add3A_317 = arith.addi %mul3A_164, %add3A_316 : i32
        %swap3A_318 = arith.index_cast %add3A_317 : i32 to index
        %swap3A_319 = arith.constant 112 : index
        %swap3A_320 = tpu.vector_load %arg12[%swap3A_318, %swap3A_319] {strides = array<i32>} : memref<80x128xf32, #tpu.memory_space<vmem>>, vector<1x16xf32>,
        %swap3A_321 = vector.shape_cast %swap3A_320 : vector<1x16xf32> to vector<16xf32>
        %swap3A_322 = vector.shape_cast %mul3A_315 : vector<16xf32> to vector<1x16xf32>
        tpu.vector_store %arg12[%swap3A_318, %swap3A_319], %swap3A_322 {strides = array<i32>} : memref<80x128xf32, #tpu.memory_space<vmem>>, vector<1x16xf32>,
        %add3A_323 = arith.constant 1 : i32
        %add3A_324 = arith.addi %mul3A_164, %add3A_323 : i32
        %get3A_325 = arith.index_cast %add3A_324 : i32 to index
        %get3A_326 = arith.constant 0 : index
        %get3A_327 = tpu.vector_load %arg12[%get3A_325, %get3A_326] {strides = array<i32>} : memref<80x128xf32, #tpu.memory_space<vmem>>, vector<1x16xf32>,
        %get3A_328 = vector.shape_cast %get3A_327 : vector<1x16xf32> to vector<16xf32>
        %add3A_329 = arith.constant 1 : i32
        %add3A_330 = arith.addi %mul3A_164, %add3A_329 : i32
        %get3A_331 = arith.index_cast %add3A_330 : i32 to index
        %get3A_332 = arith.constant 0 : index
        %get3A_333 = tpu.vector_load %arg13[%get3A_331, %get3A_332] {strides = array<i32>} : memref<80x128xf32, #tpu.memory_space<vmem>>, vector<1x16xf32>,
        %get3A_334 = vector.shape_cast %get3A_333 : vector<1x16xf32> to vector<16xf32>
        %mul3A_335 = arith.mulf %get3A_328, %get3A_334 : vector<16xf32>
        %add3A_336 = arith.constant 1 : i32
        %add3A_337 = arith.addi %mul3A_164, %add3A_336 : i32
        %swap3A_338 = arith.index_cast %add3A_337 : i32 to index
        %swap3A_339 = arith.constant 0 : index
        %swap3A_340 = tpu.vector_load %arg12[%swap3A_338, %swap3A_339] {strides = array<i32>} : memref<80x128xf32, #tpu.memory_space<vmem>>, vector<1x16xf32>,
        %swap3A_341 = vector.shape_cast %swap3A_340 : vector<1x16xf32> to vector<16xf32>
        %swap3A_342 = vector.shape_cast %mul3A_335 : vector<16xf32> to vector<1x16xf32>
        tpu.vector_store %arg12[%swap3A_338, %swap3A_339], %swap3A_342 {strides = array<i32>} : memref<80x128xf32, #tpu.memory_space<vmem>>, vector<1x16xf32>,
        %add3A_343 = arith.constant 1 : i32
        %add3A_344 = arith.addi %mul3A_164, %add3A_343 : i32
        %get3A_345 = arith.index_cast %add3A_344 : i32 to index
        %get3A_346 = arith.constant 16 : index
        %get3A_347 = tpu.vector_load %arg12[%get3A_345, %get3A_346] {strides = array<i32>} : memref<80x128xf32, #tpu.memory_space<vmem>>, vector<1x16xf32>,
        %get3A_348 = vector.shape_cast %get3A_347 : vector<1x16xf32> to vector<16xf32>
        %add3A_349 = arith.constant 1 : i32
        %add3A_350 = arith.addi %mul3A_164, %add3A_349 : i32
        %get3A_351 = arith.index_cast %add3A_350 : i32 to index
        %get3A_352 = arith.constant 16 : index
        %get3A_353 = tpu.vector_load %arg13[%get3A_351, %get3A_352] {strides = array<i32>} : memref<80x128xf32, #tpu.memory_space<vmem>>, vector<1x16xf32>,
        %get3A_354 = vector.shape_cast %get3A_353 : vector<1x16xf32> to vector<16xf32>
        %mul3A_355 = arith.mulf %get3A_348, %get3A_354 : vector<16xf32>
        %add3A_356 = arith.constant 1 : i32
        %add3A_357 = arith.addi %mul3A_164, %add3A_356 : i32
        %swap3A_358 = arith.index_cast %add3A_357 : i32 to index
        %swap3A_359 = arith.constant 16 : index
        %swap3A_360 = tpu.vector_load %arg12[%swap3A_358, %swap3A_359] {strides = array<i32>} : memref<80x128xf32, #tpu.memory_space<vmem>>, vector<1x16xf32>,
        %swap3A_361 = vector.shape_cast %swap3A_360 : vector<1x16xf32> to vector<16xf32>
        %swap3A_362 = vector.shape_cast %mul3A_355 : vector<16xf32> to vector<1x16xf32>
        tpu.vector_store %arg12[%swap3A_358, %swap3A_359], %swap3A_362 {strides = array<i32>} : memref<80x128xf32, #tpu.memory_space<vmem>>, vector<1x16xf32>,
        %add3A_363 = arith.constant 1 : i32
        %add3A_364 = arith.addi %mul3A_164, %add3A_363 : i32
        %get3A_365 = arith.index_cast %add3A_364 : i32 to index
        %get3A_366 = arith.constant 32 : index
        %get3A_367 = tpu.vector_load %arg12[%get3A_365, %get3A_366] {strides = array<i32>} : memref<80x128xf32, #tpu.memory_space<vmem>>, vector<1x16xf32>,
        %get3A_368 = vector.shape_cast %get3A_367 : vector<1x16xf32> to vector<16xf32>
        %add3A_369 = arith.constant 1 : i32
        %add3A_370 = arith.addi %mul3A_164, %add3A_369 : i32
        %get3A_371 = arith.index_cast %add3A_370 : i32 to index
        %get3A_372 = arith.constant 32 : index
        %get3A_373 = tpu.vector_load %arg13[%get3A_371, %get3A_372] {strides = array<i32>} : memref<80x128xf32, #tpu.memory_space<vmem>>, vector<1x16xf32>,
        %get3A_374 = vector.shape_cast %get3A_373 : vector<1x16xf32> to vector<16xf32>
        %mul3A_375 = arith.mulf %get3A_368, %get3A_374 : vector<16xf32>
        %add3A_376 = arith.constant 1 : i32
        %add3A_377 = arith.addi %mul3A_164, %add3A_376 : i32
        %swap3A_378 = arith.index_cast %add3A_377 : i32 to index
        %swap3A_379 = arith.constant 32 : index
        %swap3A_380 = tpu.vector_load %arg12[%swap3A_378, %swap3A_379] {strides = array<i32>} : memref<80x128xf32, #tpu.memory_space<vmem>>, vector<1x16xf32>,
        %swap3A_381 = vector.shape_cast %swap3A_380 : vector<1x16xf32> to vector<16xf32>
        %swap3A_382 = vector.shape_cast %mul3A_375 : vector<16xf32> to vector<1x16xf32>
        tpu.vector_store %arg12[%swap3A_378, %swap3A_379], %swap3A_382 {strides = array<i32>} : memref<80x128xf32, #tpu.memory_space<vmem>>, vector<1x16xf32>,
        %add3A_383 = arith.constant 1 : i32
        %add3A_384 = arith.addi %mul3A_164, %add3A_383 : i32
        %get3A_385 = arith.index_cast %add3A_384 : i32 to index
        %get3A_386 = arith.constant 48 : index
        %get3A_387 = tpu.vector_load %arg12[%get3A_385, %get3A_386] {strides = array<i32>} : memref<80x128xf32, #tpu.memory_space<vmem>>, vector<1x16xf32>,
        %get3A_388 = vector.shape_cast %get3A_387 : vector<1x16xf32> to vector<16xf32>
        %add3A_389 = arith.constant 1 : i32
        %add3A_390 = arith.addi %mul3A_164, %add3A_389 : i32
        %get3A_391 = arith.index_cast %add3A_390 : i32 to index
        %get3A_392 = arith.constant 48 : index
        %get3A_393 = tpu.vector_load %arg13[%get3A_391, %get3A_392] {strides = array<i32>} : memref<80x128xf32, #tpu.memory_space<vmem>>, vector<1x16xf32>,
        %get3A_394 = vector.shape_cast %get3A_393 : vector<1x16xf32> to vector<16xf32>
        %mul3A_395 = arith.mulf %get3A_388, %get3A_394 : vector<16xf32>
        %add3A_396 = arith.constant 1 : i32
        %add3A_397 = arith.addi %mul3A_164, %add3A_396 : i32
        %swap3A_398 = arith.index_cast %add3A_397 : i32 to index
        %swap3A_399 = arith.constant 48 : index
        %swap3A_400 = tpu.vector_load %arg12[%swap3A_398, %swap3A_399] {strides = array<i32>} : memref<80x128xf32, #tpu.memory_space<vmem>>, vector<1x16xf32>,
        %swap3A_401 = vector.shape_cast %swap3A_400 : vector<1x16xf32> to vector<16xf32>
        %swap3A_402 = vector.shape_cast %mul3A_395 : vector<16xf32> to vector<1x16xf32>
        tpu.vector_store %arg12[%swap3A_398, %swap3A_399], %swap3A_402 {strides = array<i32>} : memref<80x128xf32, #tpu.memory_space<vmem>>, vector<1x16xf32>,
        %add3A_403 = arith.constant 1 : i32
        %add3A_404 = arith.addi %mul3A_164, %add3A_403 : i32
        %get3A_405 = arith.index_cast %add3A_404 : i32 to index
        %get3A_406 = arith.constant 64 : index
        %get3A_407 = tpu.vector_load %arg12[%get3A_405, %get3A_406] {strides = array<i32>} : memref<80x128xf32, #tpu.memory_space<vmem>>, vector<1x16xf32>,
        %get3A_408 = vector.shape_cast %get3A_407 : vector<1x16xf32> to vector<16xf32>
        %add3A_409 = arith.constant 1 : i32
        %add3A_410 = arith.addi %mul3A_164, %add3A_409 : i32
        %get3A_411 = arith.index_cast %add3A_410 : i32 to index
        %get3A_412 = arith.constant 64 : index
        %get3A_413 = tpu.vector_load %arg13[%get3A_411, %get3A_412] {strides = array<i32>} : memref<80x128xf32, #tpu.memory_space<vmem>>, vector<1x16xf32>,
        %get3A_414 = vector.shape_cast %get3A_413 : vector<1x16xf32> to vector<16xf32>
        %mul3A_415 = arith.mulf %get3A_408, %get3A_414 : vector<16xf32>
        %add3A_416 = arith.constant 1 : i32
        %add3A_417 = arith.addi %mul3A_164, %add3A_416 : i32
        %swap3A_418 = arith.index_cast %add3A_417 : i32 to index
        %swap3A_419 = arith.constant 64 : index
        %swap3A_420 = tpu.vector_load %arg12[%swap3A_418, %swap3A_419] {strides = array<i32>} : memref<80x128xf32, #tpu.memory_space<vmem>>, vector<1x16xf32>,
        %swap3A_421 = vector.shape_cast %swap3A_420 : vector<1x16xf32> to vector<16xf32>
        %swap3A_422 = vector.shape_cast %mul3A_415 : vector<16xf32> to vector<1x16xf32>
        tpu.vector_store %arg12[%swap3A_418, %swap3A_419], %swap3A_422 {strides = array<i32>} : memref<80x128xf32, #tpu.memory_space<vmem>>, vector<1x16xf32>,
        %add3A_423 = arith.constant 1 : i32
        %add3A_424 = arith.addi %mul3A_164, %add3A_423 : i32
        %get3A_425 = arith.index_cast %add3A_424 : i32 to index
        %get3A_426 = arith.constant 80 : index
        %get3A_427 = tpu.vector_load %arg12[%get3A_425, %get3A_426] {strides = array<i32>} : memref<80x128xf32, #tpu.memory_space<vmem>>, vector<1x16xf32>,
        %get3A_428 = vector.shape_cast %get3A_427 : vector<1x16xf32> to vector<16xf32>
        %add3A_429 = arith.constant 1 : i32
        %add3A_430 = arith.addi %mul3A_164, %add3A_429 : i32
        %get3A_431 = arith.index_cast %add3A_430 : i32 to index
        %get3A_432 = arith.constant 80 : index
        %get3A_433 = tpu.vector_load %arg13[%get3A_431, %get3A_432] {strides = array<i32>} : memref<80x128xf32, #tpu.memory_space<vmem>>, vector<1x16xf32>,
        %get3A_434 = vector.shape_cast %get3A_433 : vector<1x16xf32> to vector<16xf32>
        %mul3A_435 = arith.mulf %get3A_428, %get3A_434 : vector<16xf32>
        %add3A_436 = arith.constant 1 : i32
        %add3A_437 = arith.addi %mul3A_164, %add3A_436 : i32
        %swap3A_438 = arith.index_cast %add3A_437 : i32 to index
        %swap3A_439 = arith.constant 80 : index
        %swap3A_440 = tpu.vector_load %arg12[%swap3A_438, %swap3A_439] {strides = array<i32>} : memref<80x128xf32, #tpu.memory_space<vmem>>, vector<1x16xf32>,
        %swap3A_441 = vector.shape_cast %swap3A_440 : vector<1x16xf32> to vector<16xf32>
        %swap3A_442 = vector.shape_cast %mul3A_435 : vector<16xf32> to vector<1x16xf32>
        tpu.vector_store %arg12[%swap3A_438, %swap3A_439], %swap3A_442 {strides = array<i32>} : memref<80x128xf32, #tpu.memory_space<vmem>>, vector<1x16xf32>,
        %add3A_443 = arith.constant 1 : i32
        %add3A_444 = arith.addi %mul3A_164, %add3A_443 : i32
        %get3A_445 = arith.index_cast %add3A_444 : i32 to index
        %get3A_446 = arith.constant 96 : index
        %get3A_447 = tpu.vector_load %arg12[%get3A_445, %get3A_446] {strides = array<i32>} : memref<80x128xf32, #tpu.memory_space<vmem>>, vector<1x16xf32>,
        %get3A_448 = vector.shape_cast %get3A_447 : vector<1x16xf32> to vector<16xf32>
        %add3A_449 = arith.constant 1 : i32
        %add3A_450 = arith.addi %mul3A_164, %add3A_449 : i32
        %get3A_451 = arith.index_cast %add3A_450 : i32 to index
        %get3A_452 = arith.constant 96 : index
        %get3A_453 = tpu.vector_load %arg13[%get3A_451, %get3A_452] {strides = array<i32>} : memref<80x128xf32, #tpu.memory_space<vmem>>, vector<1x16xf32>,
        %get3A_454 = vector.shape_cast %get3A_453 : vector<1x16xf32> to vector<16xf32>
        %mul3A_455 = arith.mulf %get3A_448, %get3A_454 : vector<16xf32>
        %add3A_456 = arith.constant 1 : i32
        %add3A_457 = arith.addi %mul3A_164, %add3A_456 : i32
        %swap3A_458 = arith.index_cast %add3A_457 : i32 to index
        %swap3A_459 = arith.constant 96 : index
        %swap3A_460 = tpu.vector_load %arg12[%swap3A_458, %swap3A_459] {strides = array<i32>} : memref<80x128xf32, #tpu.memory_space<vmem>>, vector<1x16xf32>,
        %swap3A_461 = vector.shape_cast %swap3A_460 : vector<1x16xf32> to vector<16xf32>
        %swap3A_462 = vector.shape_cast %mul3A_455 : vector<16xf32> to vector<1x16xf32>
        tpu.vector_store %arg12[%swap3A_458, %swap3A_459], %swap3A_462 {strides = array<i32>} : memref<80x128xf32, #tpu.memory_space<vmem>>, vector<1x16xf32>,
        %add3A_463 = arith.constant 1 : i32
        %add3A_464 = arith.addi %mul3A_164, %add3A_463 : i32
        %get3A_465 = arith.index_cast %add3A_464 : i32 to index
        %get3A_466 = arith.constant 112 : index
        %get3A_467 = tpu.vector_load %arg12[%get3A_465, %get3A_466] {strides = array<i32>} : memref<80x128xf32, #tpu.memory_space<vmem>>, vector<1x16xf32>,
        %get3A_468 = vector.shape_cast %get3A_467 : vector<1x16xf32> to vector<16xf32>
        %add3A_469 = arith.constant 1 : i32
        %add3A_470 = arith.addi %mul3A_164, %add3A_469 : i32
        %get3A_471 = arith.index_cast %add3A_470 : i32 to index
        %get3A_472 = arith.constant 112 : index
        %get3A_473 = tpu.vector_load %arg13[%get3A_471, %get3A_472] {strides = array<i32>} : memref<80x128xf32, #tpu.memory_space<vmem>>, vector<1x16xf32>,
        %get3A_474 = vector.shape_cast %get3A_473 : vector<1x16xf32> to vector<16xf32>
        %mul3A_475 = arith.mulf %get3A_468, %get3A_474 : vector<16xf32>
        %add3A_476 = arith.constant 1 : i32
        %add3A_477 = arith.addi %mul3A_164, %add3A_476 : i32
        %swap3A_478 = arith.index_cast %add3A_477 : i32 to index
        %swap3A_479 = arith.constant 112 : index
        %swap3A_480 = tpu.vector_load %arg12[%swap3A_478, %swap3A_479] {strides = array<i32>} : memref<80x128xf32, #tpu.memory_space<vmem>>, vector<1x16xf32>,
        %swap3A_481 = vector.shape_cast %swap3A_480 : vector<1x16xf32> to vector<16xf32>
        %swap3A_482 = vector.shape_cast %mul3A_475 : vector<16xf32> to vector<1x16xf32>
        tpu.vector_store %arg12[%swap3A_478, %swap3A_479], %swap3A_482 {strides = array<i32>} : memref<80x128xf32, #tpu.memory_space<vmem>>, vector<1x16xf32>,
        %add3A_483 = arith.constant 2 : i32
        %add3A_484 = arith.addi %mul3A_164, %add3A_483 : i32
        %get3A_485 = arith.index_cast %add3A_484 : i32 to index
        %get3A_486 = arith.constant 0 : index
        %get3A_487 = tpu.vector_load %arg12[%get3A_485, %get3A_486] {strides = array<i32>} : memref<80x128xf32, #tpu.memory_space<vmem>>, vector<1x16xf32>,
        %get3A_488 = vector.shape_cast %get3A_487 : vector<1x16xf32> to vector<16xf32>
        %add3A_489 = arith.constant 2 : i32
        %add3A_490 = arith.addi %mul3A_164, %add3A_489 : i32
        %get3A_491 = arith.index_cast %add3A_490 : i32 to index
        %get3A_492 = arith.constant 0 : index
        %get3A_493 = tpu.vector_load %arg13[%get3A_491, %get3A_492] {strides = array<i32>} : memref<80x128xf32, #tpu.memory_space<vmem>>, vector<1x16xf32>,
        %get3A_494 = vector.shape_cast %get3A_493 : vector<1x16xf32> to vector<16xf32>
        %mul3A_495 = arith.mulf %get3A_488, %get3A_494 : vector<16xf32>
        %add3A_496 = arith.constant 2 : i32
        %add3A_497 = arith.addi %mul3A_164, %add3A_496 : i32
        %swap3A_498 = arith.index_cast %add3A_497 : i32 to index
        %swap3A_499 = arith.constant 0 : index
        %swap3A_500 = tpu.vector_load %arg12[%swap3A_498, %swap3A_499] {strides = array<i32>} : memref<80x128xf32, #tpu.memory_space<vmem>>, vector<1x16xf32>,
        %swap3A_501 = vector.shape_cast %swap3A_500 : vector<1x16xf32> to vector<16xf32>
        %swap3A_502 = vector.shape_cast %mul3A_495 : vector<16xf32> to vector<1x16xf32>
        tpu.vector_store %arg12[%swap3A_498, %swap3A_499], %swap3A_502 {strides = array<i32>} : memref<80x128xf32, #tpu.memory_space<vmem>>, vector<1x16xf32>,
        %add3A_503 = arith.constant 2 : i32
        %add3A_504 = arith.addi %mul3A_164, %add3A_503 : i32
        %get3A_505 = arith.index_cast %add3A_504 : i32 to index
        %get3A_506 = arith.constant 16 : index
        %get3A_507 = tpu.vector_load %arg12[%get3A_505, %get3A_506] {strides = array<i32>} : memref<80x128xf32, #tpu.memory_space<vmem>>, vector<1x16xf32>,
        %get3A_508 = vector.shape_cast %get3A_507 : vector<1x16xf32> to vector<16xf32>
        %add3A_509 = arith.constant 2 : i32
        %add3A_510 = arith.addi %mul3A_164, %add3A_509 : i32
        %get3A_511 = arith.index_cast %add3A_510 : i32 to index
        %get3A_512 = arith.constant 16 : index
        %get3A_513 = tpu.vector_load %arg13[%get3A_511, %get3A_512] {strides = array<i32>} : memref<80x128xf32, #tpu.memory_space<vmem>>, vector<1x16xf32>,
        %get3A_514 = vector.shape_cast %get3A_513 : vector<1x16xf32> to vector<16xf32>
        %mul3A_515 = arith.mulf %get3A_508, %get3A_514 : vector<16xf32>
        %add3A_516 = arith.constant 2 : i32
        %add3A_517 = arith.addi %mul3A_164, %add3A_516 : i32
        %swap3A_518 = arith.index_cast %add3A_517 : i32 to index
        %swap3A_519 = arith.constant 16 : index
        %swap3A_520 = tpu.vector_load %arg12[%swap3A_518, %swap3A_519] {strides = array<i32>} : memref<80x128xf32, #tpu.memory_space<vmem>>, vector<1x16xf32>,
        %swap3A_521 = vector.shape_cast %swap3A_520 : vector<1x16xf32> to vector<16xf32>
        %swap3A_522 = vector.shape_cast %mul3A_515 : vector<16xf32> to vector<1x16xf32>
        tpu.vector_store %arg12[%swap3A_518, %swap3A_519], %swap3A_522 {strides = array<i32>} : memref<80x128xf32, #tpu.memory_space<vmem>>, vector<1x16xf32>,
        %add3A_523 = arith.constant 2 : i32
        %add3A_524 = arith.addi %mul3A_164, %add3A_523 : i32
        %get3A_525 = arith.index_cast %add3A_524 : i32 to index
        %get3A_526 = arith.constant 32 : index
        %get3A_527 = tpu.vector_load %arg12[%get3A_525, %get3A_526] {strides = array<i32>} : memref<80x128xf32, #tpu.memory_space<vmem>>, vector<1x16xf32>,
        %get3A_528 = vector.shape_cast %get3A_527 : vector<1x16xf32> to vector<16xf32>
        %add3A_529 = arith.constant 2 : i32
        %add3A_530 = arith.addi %mul3A_164, %add3A_529 : i32
        %get3A_531 = arith.index_cast %add3A_530 : i32 to index
        %get3A_532 = arith.constant 32 : index
        %get3A_533 = tpu.vector_load %arg13[%get3A_531, %get3A_532] {strides = array<i32>} : memref<80x128xf32, #tpu.memory_space<vmem>>, vector<1x16xf32>,
        %get3A_534 = vector.shape_cast %get3A_533 : vector<1x16xf32> to vector<16xf32>
        %mul3A_535 = arith.mulf %get3A_528, %get3A_534 : vector<16xf32>
        %add3A_536 = arith.constant 2 : i32
        %add3A_537 = arith.addi %mul3A_164, %add3A_536 : i32
        %swap3A_538 = arith.index_cast %add3A_537 : i32 to index
        %swap3A_539 = arith.constant 32 : index
        %swap3A_540 = tpu.vector_load %arg12[%swap3A_538, %swap3A_539] {strides = array<i32>} : memref<80x128xf32, #tpu.memory_space<vmem>>, vector<1x16xf32>,
        %swap3A_541 = vector.shape_cast %swap3A_540 : vector<1x16xf32> to vector<16xf32>
        %swap3A_542 = vector.shape_cast %mul3A_535 : vector<16xf32> to vector<1x16xf32>
        tpu.vector_store %arg12[%swap3A_538, %swap3A_539], %swap3A_542 {strides = array<i32>} : memref<80x128xf32, #tpu.memory_space<vmem>>, vector<1x16xf32>,
        %add3A_543 = arith.constant 2 : i32
        %add3A_544 = arith.addi %mul3A_164, %add3A_543 : i32
        %get3A_545 = arith.index_cast %add3A_544 : i32 to index
        %get3A_546 = arith.constant 48 : index
        %get3A_547 = tpu.vector_load %arg12[%get3A_545, %get3A_546] {strides = array<i32>} : memref<80x128xf32, #tpu.memory_space<vmem>>, vector<1x16xf32>,
        %get3A_548 = vector.shape_cast %get3A_547 : vector<1x16xf32> to vector<16xf32>
        %add3A_549 = arith.constant 2 : i32
        %add3A_550 = arith.addi %mul3A_164, %add3A_549 : i32
        %get3A_551 = arith.index_cast %add3A_550 : i32 to index
        %get3A_552 = arith.constant 48 : index
        %get3A_553 = tpu.vector_load %arg13[%get3A_551, %get3A_552] {strides = array<i32>} : memref<80x128xf32, #tpu.memory_space<vmem>>, vector<1x16xf32>,
        %get3A_554 = vector.shape_cast %get3A_553 : vector<1x16xf32> to vector<16xf32>
        %mul3A_555 = arith.mulf %get3A_548, %get3A_554 : vector<16xf32>
        %add3A_556 = arith.constant 2 : i32
        %add3A_557 = arith.addi %mul3A_164, %add3A_556 : i32
        %swap3A_558 = arith.index_cast %add3A_557 : i32 to index
        %swap3A_559 = arith.constant 48 : index
        %swap3A_560 = tpu.vector_load %arg12[%swap3A_558, %swap3A_559] {strides = array<i32>} : memref<80x128xf32, #tpu.memory_space<vmem>>, vector<1x16xf32>,
        %swap3A_561 = vector.shape_cast %swap3A_560 : vector<1x16xf32> to vector<16xf32>
        %swap3A_562 = vector.shape_cast %mul3A_555 : vector<16xf32> to vector<1x16xf32>
        tpu.vector_store %arg12[%swap3A_558, %swap3A_559], %swap3A_562 {strides = array<i32>} : memref<80x128xf32, #tpu.memory_space<vmem>>, vector<1x16xf32>,
        %add3A_563 = arith.constant 2 : i32
        %add3A_564 = arith.addi %mul3A_164, %add3A_563 : i32
        %get3A_565 = arith.index_cast %add3A_564 : i32 to index
        %get3A_566 = arith.constant 64 : index
        %get3A_567 = tpu.vector_load %arg12[%get3A_565, %get3A_566] {strides = array<i32>} : memref<80x128xf32, #tpu.memory_space<vmem>>, vector<1x16xf32>,
        %get3A_568 = vector.shape_cast %get3A_567 : vector<1x16xf32> to vector<16xf32>
        %add3A_569 = arith.constant 2 : i32
        %add3A_570 = arith.addi %mul3A_164, %add3A_569 : i32
        %get3A_571 = arith.index_cast %add3A_570 : i32 to index
        %get3A_572 = arith.constant 64 : index
        %get3A_573 = tpu.vector_load %arg13[%get3A_571, %get3A_572] {strides = array<i32>} : memref<80x128xf32, #tpu.memory_space<vmem>>, vector<1x16xf32>,
        %get3A_574 = vector.shape_cast %get3A_573 : vector<1x16xf32> to vector<16xf32>
        %mul3A_575 = arith.mulf %get3A_568, %get3A_574 : vector<16xf32>
        %add3A_576 = arith.constant 2 : i32
        %add3A_577 = arith.addi %mul3A_164, %add3A_576 : i32
        %swap3A_578 = arith.index_cast %add3A_577 : i32 to index
        %swap3A_579 = arith.constant 64 : index
        %swap3A_580 = tpu.vector_load %arg12[%swap3A_578, %swap3A_579] {strides = array<i32>} : memref<80x128xf32, #tpu.memory_space<vmem>>, vector<1x16xf32>,
        %swap3A_581 = vector.shape_cast %swap3A_580 : vector<1x16xf32> to vector<16xf32>
        %swap3A_582 = vector.shape_cast %mul3A_575 : vector<16xf32> to vector<1x16xf32>
        tpu.vector_store %arg12[%swap3A_578, %swap3A_579], %swap3A_582 {strides = array<i32>} : memref<80x128xf32, #tpu.memory_space<vmem>>, vector<1x16xf32>,
        %add3A_583 = arith.constant 2 : i32
        %add3A_584 = arith.addi %mul3A_164, %add3A_583 : i32
        %get3A_585 = arith.index_cast %add3A_584 : i32 to index
        %get3A_586 = arith.constant 80 : index
        %get3A_587 = tpu.vector_load %arg12[%get3A_585, %get3A_586] {strides = array<i32>} : memref<80x128xf32, #tpu.memory_space<vmem>>, vector<1x16xf32>,
        %get3A_588 = vector.shape_cast %get3A_587 : vector<1x16xf32> to vector<16xf32>
        %add3A_589 = arith.constant 2 : i32
        %add3A_590 = arith.addi %mul3A_164, %add3A_589 : i32
        %get3A_591 = arith.index_cast %add3A_590 : i32 to index
        %get3A_592 = arith.constant 80 : index
        %get3A_593 = tpu.vector_load %arg13[%get3A_591, %get3A_592] {strides = array<i32>} : memref<80x128xf32, #tpu.memory_space<vmem>>, vector<1x16xf32>,
        %get3A_594 = vector.shape_cast %get3A_593 : vector<1x16xf32> to vector<16xf32>
        %mul3A_595 = arith.mulf %get3A_588, %get3A_594 : vector<16xf32>
        %add3A_596 = arith.constant 2 : i32
        %add3A_597 = arith.addi %mul3A_164, %add3A_596 : i32
        %swap3A_598 = arith.index_cast %add3A_597 : i32 to index
        %swap3A_599 = arith.constant 80 : index
        %swap3A_600 = tpu.vector_load %arg12[%swap3A_598, %swap3A_599] {strides = array<i32>} : memref<80x128xf32, #tpu.memory_space<vmem>>, vector<1x16xf32>,
        %swap3A_601 = vector.shape_cast %swap3A_600 : vector<1x16xf32> to vector<16xf32>
        %swap3A_602 = vector.shape_cast %mul3A_595 : vector<16xf32> to vector<1x16xf32>
        tpu.vector_store %arg12[%swap3A_598, %swap3A_599], %swap3A_602 {strides = array<i32>} : memref<80x128xf32, #tpu.memory_space<vmem>>, vector<1x16xf32>,
        %add3A_603 = arith.constant 2 : i32
        %add3A_604 = arith.addi %mul3A_164, %add3A_603 : i32
        %get3A_605 = arith.index_cast %add3A_604 : i32 to index
        %get3A_606 = arith.constant 96 : index
        %get3A_607 = tpu.vector_load %arg12[%get3A_605, %get3A_606] {strides = array<i32>} : memref<80x128xf32, #tpu.memory_space<vmem>>, vector<1x16xf32>,
        %get3A_608 = vector.shape_cast %get3A_607 : vector<1x16xf32> to vector<16xf32>
        %add3A_609 = arith.constant 2 : i32
        %add3A_610 = arith.addi %mul3A_164, %add3A_609 : i32
        %get3A_611 = arith.index_cast %add3A_610 : i32 to index
        %get3A_612 = arith.constant 96 : index
        %get3A_613 = tpu.vector_load %arg13[%get3A_611, %get3A_612] {strides = array<i32>} : memref<80x128xf32, #tpu.memory_space<vmem>>, vector<1x16xf32>,
        %get3A_614 = vector.shape_cast %get3A_613 : vector<1x16xf32> to vector<16xf32>
        %mul3A_615 = arith.mulf %get3A_608, %get3A_614 : vector<16xf32>
        %add3A_616 = arith.constant 2 : i32
        %add3A_617 = arith.addi %mul3A_164, %add3A_616 : i32
        %swap3A_618 = arith.index_cast %add3A_617 : i32 to index
        %swap3A_619 = arith.constant 96 : index
        %swap3A_620 = tpu.vector_load %arg12[%swap3A_618, %swap3A_619] {strides = array<i32>} : memref<80x128xf32, #tpu.memory_space<vmem>>, vector<1x16xf32>,
        %swap3A_621 = vector.shape_cast %swap3A_620 : vector<1x16xf32> to vector<16xf32>
        %swap3A_622 = vector.shape_cast %mul3A_615 : vector<16xf32> to vector<1x16xf32>
        tpu.vector_store %arg12[%swap3A_618, %swap3A_619], %swap3A_622 {strides = array<i32>} : memref<80x128xf32, #tpu.memory_space<vmem>>, vector<1x16xf32>,
        %add3A_623 = arith.constant 2 : i32
        %add3A_624 = arith.addi %mul3A_164, %add3A_623 : i32
        %get3A_625 = arith.index_cast %add3A_624 : i32 to index
        %get3A_626 = arith.constant 112 : index
        %get3A_627 = tpu.vector_load %arg12[%get3A_625, %get3A_626] {strides = array<i32>} : memref<80x128xf32, #tpu.memory_space<vmem>>, vector<1x16xf32>,
        %get3A_628 = vector.shape_cast %get3A_627 : vector<1x16xf32> to vector<16xf32>
        %add3A_629 = arith.constant 2 : i32
        %add3A_630 = arith.addi %mul3A_164, %add3A_629 : i32
        %get3A_631 = arith.index_cast %add3A_630 : i32 to index
        %get3A_632 = arith.constant 112 : index
        %get3A_633 = tpu.vector_load %arg13[%get3A_631, %get3A_632] {strides = array<i32>} : memref<80x128xf32, #tpu.memory_space<vmem>>, vector<1x16xf32>,
        %get3A_634 = vector.shape_cast %get3A_633 : vector<1x16xf32> to vector<16xf32>
        %mul3A_635 = arith.mulf %get3A_628, %get3A_634 : vector<16xf32>
        %add3A_636 = arith.constant 2 : i32
        %add3A_637 = arith.addi %mul3A_164, %add3A_636 : i32
        %swap3A_638 = arith.index_cast %add3A_637 : i32 to index
        %swap3A_639 = arith.constant 112 : index
        %swap3A_640 = tpu.vector_load %arg12[%swap3A_638, %swap3A_639] {strides = array<i32>} : memref<80x128xf32, #tpu.memory_space<vmem>>, vector<1x16xf32>,
        %swap3A_641 = vector.shape_cast %swap3A_640 : vector<1x16xf32> to vector<16xf32>
        %swap3A_642 = vector.shape_cast %mul3A_635 : vector<16xf32> to vector<1x16xf32>
        tpu.vector_store %arg12[%swap3A_638, %swap3A_639], %swap3A_642 {strides = array<i32>} : memref<80x128xf32, #tpu.memory_space<vmem>>, vector<1x16xf32>,
        %add3A_643 = arith.constant 3 : i32
        %add3A_644 = arith.addi %mul3A_164, %add3A_643 : i32
        %get3A_645 = arith.index_cast %add3A_644 : i32 to index
        %get3A_646 = arith.constant 0 : index
        %get3A_647 = tpu.vector_load %arg12[%get3A_645, %get3A_646] {strides = array<i32>} : memref<80x128xf32, #tpu.memory_space<vmem>>, vector<1x16xf32>,
        %get3A_648 = vector.shape_cast %get3A_647 : vector<1x16xf32> to vector<16xf32>
        %add3A_649 = arith.constant 3 : i32
        %add3A_650 = arith.addi %mul3A_164, %add3A_649 : i32
        %get3A_651 = arith.index_cast %add3A_650 : i32 to index
        %get3A_652 = arith.constant 0 : index
        %get3A_653 = tpu.vector_load %arg13[%get3A_651, %get3A_652] {strides = array<i32>} : memref<80x128xf32, #tpu.memory_space<vmem>>, vector<1x16xf32>,
        %get3A_654 = vector.shape_cast %get3A_653 : vector<1x16xf32> to vector<16xf32>
        %mul3A_655 = arith.mulf %get3A_648, %get3A_654 : vector<16xf32>
        %add3A_656 = arith.constant 3 : i32
        %add3A_657 = arith.addi %mul3A_164, %add3A_656 : i32
        %swap3A_658 = arith.index_cast %add3A_657 : i32 to index
        %swap3A_659 = arith.constant 0 : index
        %swap3A_660 = tpu.vector_load %arg12[%swap3A_658, %swap3A_659] {strides = array<i32>} : memref<80x128xf32, #tpu.memory_space<vmem>>, vector<1x16xf32>,
        %swap3A_661 = vector.shape_cast %swap3A_660 : vector<1x16xf32> to vector<16xf32>
        %swap3A_662 = vector.shape_cast %mul3A_655 : vector<16xf32> to vector<1x16xf32>
        tpu.vector_store %arg12[%swap3A_658, %swap3A_659], %swap3A_662 {strides = array<i32>} : memref<80x128xf32, #tpu.memory_space<vmem>>, vector<1x16xf32>,
        %add3A_663 = arith.constant 3 : i32
        %add3A_664 = arith.addi %mul3A_164, %add3A_663 : i32
        %get3A_665 = arith.index_cast %add3A_664 : i32 to index
        %get3A_666 = arith.constant 16 : index
        %get3A_667 = tpu.vector_load %arg12[%get3A_665, %get3A_666] {strides = array<i32>} : memref<80x128xf32, #tpu.memory_space<vmem>>, vector<1x16xf32>,
        %get3A_668 = vector.shape_cast %get3A_667 : vector<1x16xf32> to vector<16xf32>
        %add3A_669 = arith.constant 3 : i32
        %add3A_670 = arith.addi %mul3A_164, %add3A_669 : i32
        %get3A_671 = arith.index_cast %add3A_670 : i32 to index
        %get3A_672 = arith.constant 16 : index
        %get3A_673 = tpu.vector_load %arg13[%get3A_671, %get3A_672] {strides = array<i32>} : memref<80x128xf32, #tpu.memory_space<vmem>>, vector<1x16xf32>,
        %get3A_674 = vector.shape_cast %get3A_673 : vector<1x16xf32> to vector<16xf32>
        %mul3A_675 = arith.mulf %get3A_668, %get3A_674 : vector<16xf32>
        %add3A_676 = arith.constant 3 : i32
        %add3A_677 = arith.addi %mul3A_164, %add3A_676 : i32
        %swap3A_678 = arith.index_cast %add3A_677 : i32 to index
        %swap3A_679 = arith.constant 16 : index
        %swap3A_680 = tpu.vector_load %arg12[%swap3A_678, %swap3A_679] {strides = array<i32>} : memref<80x128xf32, #tpu.memory_space<vmem>>, vector<1x16xf32>,
        %swap3A_681 = vector.shape_cast %swap3A_680 : vector<1x16xf32> to vector<16xf32>
        %swap3A_682 = vector.shape_cast %mul3A_675 : vector<16xf32> to vector<1x16xf32>
        tpu.vector_store %arg12[%swap3A_678, %swap3A_679], %swap3A_682 {strides = array<i32>} : memref<80x128xf32, #tpu.memory_space<vmem>>, vector<1x16xf32>,
        %add3A_683 = arith.constant 3 : i32
        %add3A_684 = arith.addi %mul3A_164, %add3A_683 : i32
        %get3A_685 = arith.index_cast %add3A_684 : i32 to index
        %get3A_686 = arith.constant 32 : index
        %get3A_687 = tpu.vector_load %arg12[%get3A_685, %get3A_686] {strides = array<i32>} : memref<80x128xf32, #tpu.memory_space<vmem>>, vector<1x16xf32>,
        %get3A_688 = vector.shape_cast %get3A_687 : vector<1x16xf32> to vector<16xf32>
        %add3A_689 = arith.constant 3 : i32
        %add3A_690 = arith.addi %mul3A_164, %add3A_689 : i32
        %get3A_691 = arith.index_cast %add3A_690 : i32 to index
        %get3A_692 = arith.constant 32 : index
        %get3A_693 = tpu.vector_load %arg13[%get3A_691, %get3A_692] {strides = array<i32>} : memref<80x128xf32, #tpu.memory_space<vmem>>, vector<1x16xf32>,
        %get3A_694 = vector.shape_cast %get3A_693 : vector<1x16xf32> to vector<16xf32>
        %mul3A_695 = arith.mulf %get3A_688, %get3A_694 : vector<16xf32>
        %add3A_696 = arith.constant 3 : i32
        %add3A_697 = arith.addi %mul3A_164, %add3A_696 : i32
        %swap3A_698 = arith.index_cast %add3A_697 : i32 to index
        %swap3A_699 = arith.constant 32 : index
        %swap3A_700 = tpu.vector_load %arg12[%swap3A_698, %swap3A_699] {strides = array<i32>} : memref<80x128xf32, #tpu.memory_space<vmem>>, vector<1x16xf32>,
        %swap3A_701 = vector.shape_cast %swap3A_700 : vector<1x16xf32> to vector<16xf32>
        %swap3A_702 = vector.shape_cast %mul3A_695 : vector<16xf32> to vector<1x16xf32>
        tpu.vector_store %arg12[%swap3A_698, %swap3A_699], %swap3A_702 {strides = array<i32>} : memref<80x128xf32, #tpu.memory_space<vmem>>, vector<1x16xf32>,
        %add3A_703 = arith.constant 3 : i32
        %add3A_704 = arith.addi %mul3A_164, %add3A_703 : i32
        %get3A_705 = arith.index_cast %add3A_704 : i32 to index
        %get3A_706 = arith.constant 48 : index
        %get3A_707 = tpu.vector_load %arg12[%get3A_705, %get3A_706] {strides = array<i32>} : memref<80x128xf32, #tpu.memory_space<vmem>>, vector<1x16xf32>,
        %get3A_708 = vector.shape_cast %get3A_707 : vector<1x16xf32> to vector<16xf32>
        %add3A_709 = arith.constant 3 : i32
        %add3A_710 = arith.addi %mul3A_164, %add3A_709 : i32
        %get3A_711 = arith.index_cast %add3A_710 : i32 to index
        %get3A_712 = arith.constant 48 : index
        %get3A_713 = tpu.vector_load %arg13[%get3A_711, %get3A_712] {strides = array<i32>} : memref<80x128xf32, #tpu.memory_space<vmem>>, vector<1x16xf32>,
        %get3A_714 = vector.shape_cast %get3A_713 : vector<1x16xf32> to vector<16xf32>
        %mul3A_715 = arith.mulf %get3A_708, %get3A_714 : vector<16xf32>
        %add3A_716 = arith.constant 3 : i32
        %add3A_717 = arith.addi %mul3A_164, %add3A_716 : i32
        %swap3A_718 = arith.index_cast %add3A_717 : i32 to index
        %swap3A_719 = arith.constant 48 : index
        %swap3A_720 = tpu.vector_load %arg12[%swap3A_718, %swap3A_719] {strides = array<i32>} : memref<80x128xf32, #tpu.memory_space<vmem>>, vector<1x16xf32>,
        %swap3A_721 = vector.shape_cast %swap3A_720 : vector<1x16xf32> to vector<16xf32>
        %swap3A_722 = vector.shape_cast %mul3A_715 : vector<16xf32> to vector<1x16xf32>
        tpu.vector_store %arg12[%swap3A_718, %swap3A_719], %swap3A_722 {strides = array<i32>} : memref<80x128xf32, #tpu.memory_space<vmem>>, vector<1x16xf32>,
        %add3A_723 = arith.constant 3 : i32
        %add3A_724 = arith.addi %mul3A_164, %add3A_723 : i32
        %get3A_725 = arith.index_cast %add3A_724 : i32 to index
        %get3A_726 = arith.constant 64 : index
        %get3A_727 = tpu.vector_load %arg12[%get3A_725, %get3A_726] {strides = array<i32>} : memref<80x128xf32, #tpu.memory_space<vmem>>, vector<1x16xf32>,
        %get3A_728 = vector.shape_cast %get3A_727 : vector<1x16xf32> to vector<16xf32>
        %add3A_729 = arith.constant 3 : i32
        %add3A_730 = arith.addi %mul3A_164, %add3A_729 : i32
        %get3A_731 = arith.index_cast %add3A_730 : i32 to index
        %get3A_732 = arith.constant 64 : index
        %get3A_733 = tpu.vector_load %arg13[%get3A_731, %get3A_732] {strides = array<i32>} : memref<80x128xf32, #tpu.memory_space<vmem>>, vector<1x16xf32>,
        %get3A_734 = vector.shape_cast %get3A_733 : vector<1x16xf32> to vector<16xf32>
        %mul3A_735 = arith.mulf %get3A_728, %get3A_734 : vector<16xf32>
        %add3A_736 = arith.constant 3 : i32
        %add3A_737 = arith.addi %mul3A_164, %add3A_736 : i32
        %swap3A_738 = arith.index_cast %add3A_737 : i32 to index
        %swap3A_739 = arith.constant 64 : index
        %swap3A_740 = tpu.vector_load %arg12[%swap3A_738, %swap3A_739] {strides = array<i32>} : memref<80x128xf32, #tpu.memory_space<vmem>>, vector<1x16xf32>,
        %swap3A_741 = vector.shape_cast %swap3A_740 : vector<1x16xf32> to vector<16xf32>
        %swap3A_742 = vector.shape_cast %mul3A_735 : vector<16xf32> to vector<1x16xf32>
        tpu.vector_store %arg12[%swap3A_738, %swap3A_739], %swap3A_742 {strides = array<i32>} : memref<80x128xf32, #tpu.memory_space<vmem>>, vector<1x16xf32>,
        %add3A_743 = arith.constant 3 : i32
        %add3A_744 = arith.addi %mul3A_164, %add3A_743 : i32
        %get3A_745 = arith.index_cast %add3A_744 : i32 to index
        %get3A_746 = arith.constant 80 : index
        %get3A_747 = tpu.vector_load %arg12[%get3A_745, %get3A_746] {strides = array<i32>} : memref<80x128xf32, #tpu.memory_space<vmem>>, vector<1x16xf32>,
        %get3A_748 = vector.shape_cast %get3A_747 : vector<1x16xf32> to vector<16xf32>
        %add3A_749 = arith.constant 3 : i32
        %add3A_750 = arith.addi %mul3A_164, %add3A_749 : i32
        %get3A_751 = arith.index_cast %add3A_750 : i32 to index
        %get3A_752 = arith.constant 80 : index
        %get3A_753 = tpu.vector_load %arg13[%get3A_751, %get3A_752] {strides = array<i32>} : memref<80x128xf32, #tpu.memory_space<vmem>>, vector<1x16xf32>,
        %get3A_754 = vector.shape_cast %get3A_753 : vector<1x16xf32> to vector<16xf32>
        %mul3A_755 = arith.mulf %get3A_748, %get3A_754 : vector<16xf32>
        %add3A_756 = arith.constant 3 : i32
        %add3A_757 = arith.addi %mul3A_164, %add3A_756 : i32
        %swap3A_758 = arith.index_cast %add3A_757 : i32 to index
        %swap3A_759 = arith.constant 80 : index
        %swap3A_760 = tpu.vector_load %arg12[%swap3A_758, %swap3A_759] {strides = array<i32>} : memref<80x128xf32, #tpu.memory_space<vmem>>, vector<1x16xf32>,
        %swap3A_761 = vector.shape_cast %swap3A_760 : vector<1x16xf32> to vector<16xf32>
        %swap3A_762 = vector.shape_cast %mul3A_755 : vector<16xf32> to vector<1x16xf32>
        tpu.vector_store %arg12[%swap3A_758, %swap3A_759], %swap3A_762 {strides = array<i32>} : memref<80x128xf32, #tpu.memory_space<vmem>>, vector<1x16xf32>,
        %add3A_763 = arith.constant 3 : i32
        %add3A_764 = arith.addi %mul3A_164, %add3A_763 : i32
        %get3A_765 = arith.index_cast %add3A_764 : i32 to index
        %get3A_766 = arith.constant 96 : index
        %get3A_767 = tpu.vector_load %arg12[%get3A_765, %get3A_766] {strides = array<i32>} : memref<80x128xf32, #tpu.memory_space<vmem>>, vector<1x16xf32>,
        %get3A_768 = vector.shape_cast %get3A_767 : vector<1x16xf32> to vector<16xf32>
        %add3A_769 = arith.constant 3 : i32
        %add3A_770 = arith.addi %mul3A_164, %add3A_769 : i32
        %get3A_771 = arith.index_cast %add3A_770 : i32 to index
        %get3A_772 = arith.constant 96 : index
        %get3A_773 = tpu.vector_load %arg13[%get3A_771, %get3A_772] {strides = array<i32>} : memref<80x128xf32, #tpu.memory_space<vmem>>, vector<1x16xf32>,
        %get3A_774 = vector.shape_cast %get3A_773 : vector<1x16xf32> to vector<16xf32>
        %mul3A_775 = arith.mulf %get3A_768, %get3A_774 : vector<16xf32>
        %add3A_776 = arith.constant 3 : i32
        %add3A_777 = arith.addi %mul3A_164, %add3A_776 : i32
        %swap3A_778 = arith.index_cast %add3A_777 : i32 to index
        %swap3A_779 = arith.constant 96 : index
        %swap3A_780 = tpu.vector_load %arg12[%swap3A_778, %swap3A_779] {strides = array<i32>} : memref<80x128xf32, #tpu.memory_space<vmem>>, vector<1x16xf32>,
        %swap3A_781 = vector.shape_cast %swap3A_780 : vector<1x16xf32> to vector<16xf32>
        %swap3A_782 = vector.shape_cast %mul3A_775 : vector<16xf32> to vector<1x16xf32>
        tpu.vector_store %arg12[%swap3A_778, %swap3A_779], %swap3A_782 {strides = array<i32>} : memref<80x128xf32, #tpu.memory_space<vmem>>, vector<1x16xf32>,
        %add3A_783 = arith.constant 3 : i32
        %add3A_784 = arith.addi %mul3A_164, %add3A_783 : i32
        %get3A_785 = arith.index_cast %add3A_784 : i32 to index
        %get3A_786 = arith.constant 112 : index
        %get3A_787 = tpu.vector_load %arg12[%get3A_785, %get3A_786] {strides = array<i32>} : memref<80x128xf32, #tpu.memory_space<vmem>>, vector<1x16xf32>,
        %get3A_788 = vector.shape_cast %get3A_787 : vector<1x16xf32> to vector<16xf32>
        %add3A_789 = arith.constant 3 : i32
        %add3A_790 = arith.addi %mul3A_164, %add3A_789 : i32
        %get3A_791 = arith.index_cast %add3A_790 : i32 to index
        %get3A_792 = arith.constant 112 : index
        %get3A_793 = tpu.vector_load %arg13[%get3A_791, %get3A_792] {strides = array<i32>} : memref<80x128xf32, #tpu.memory_space<vmem>>, vector<1x16xf32>,
        %get3A_794 = vector.shape_cast %get3A_793 : vector<1x16xf32> to vector<16xf32>
        %mul3A_795 = arith.mulf %get3A_788, %get3A_794 : vector<16xf32>
        %add3A_796 = arith.constant 3 : i32
        %add3A_797 = arith.addi %mul3A_164, %add3A_796 : i32
        %swap3A_798 = arith.index_cast %add3A_797 : i32 to index
        %swap3A_799 = arith.constant 112 : index
        %swap3A_800 = tpu.vector_load %arg12[%swap3A_798, %swap3A_799] {strides = array<i32>} : memref<80x128xf32, #tpu.memory_space<vmem>>, vector<1x16xf32>,
        %swap3A_801 = vector.shape_cast %swap3A_800 : vector<1x16xf32> to vector<16xf32>
        %swap3A_802 = vector.shape_cast %mul3A_795 : vector<16xf32> to vector<1x16xf32>
        tpu.vector_store %arg12[%swap3A_798, %swap3A_799], %swap3A_802 {strides = array<i32>} : memref<80x128xf32, #tpu.memory_space<vmem>>, vector<1x16xf32>,
        %scan3A_803 = arith.constant 0 : i32
        scf.yield %scan3A_803 : i32
      }
      %scan3A_97 = arith.constant 20 : i32
      %dma_start3A_98 = arith.constant 0 : i32
      %dma_start3A_99 = arith.constant 0 : i32
      %dma_start3A_100 = tpu.memref_slice %arg7[%dma_start3A_98, %dma_start3A_99] : memref<10240x128xf32, #tpu.memory_space<vmem_shared>> -> memref<10240x128xf32, #tpu.memory_space<vmem_shared>>
      tpu.enqueue_indirect_dma source(%arg12 : memref<80x128xf32, #tpu.memory_space<vmem>>) target(%dma_start3A_100 : memref<10240x128xf32, #tpu.memory_space<vmem_shared>>) offsets(%arg9 : memref<80xi32, #tpu.memory_space<vmem>>) semaphore(%arg21 : memref<!tpu.dma_semaphore, #tpu.memory_space<semaphore_mem>>) {add = true}
      %dma_wait3A_101 = arith.constant 0 : i32
      %dma_wait3A_102 = arith.constant 0 : i32
      %dma_wait3A_103 = tpu.memref_slice %arg4[%dma_wait3A_101, %dma_wait3A_102] : memref<10000x128xf32, #tpu.memory_space<hbm>> -> memref<10000x128xf32, #tpu.memory_space<hbm>>
      tpu.wait_indirect_dma semaphore(%arg22 : memref<!tpu.dma_semaphore, #tpu.memory_space<semaphore_mem>>) src(%dma_wait3A_103 : memref<10000x128xf32, #tpu.memory_space<hbm>>) dst(%arg17 : memref<80x128xf32, #tpu.memory_space<vmem>>)
      %dma_wait3A_104 = arith.constant 0 : i32
      %dma_wait3A_105 = arith.constant 0 : i32
      %dma_wait3A_106 = tpu.memref_slice %arg8[%dma_wait3A_104, %dma_wait3A_105] : memref<256x128xf32, #tpu.memory_space<vmem_shared>> -> memref<256x128xf32, #tpu.memory_space<vmem_shared>>
      tpu.wait_indirect_dma semaphore(%arg23 : memref<!tpu.dma_semaphore, #tpu.memory_space<semaphore_mem>>) src(%dma_wait3A_106 : memref<256x128xf32, #tpu.memory_space<vmem_shared>>) dst(%arg18 : memref<80x128xf32, #tpu.memory_space<vmem>>)
      %scan3A_107 = arith.constant 0 : i32
      %scan3A_108 = arith.constant 0 : i32
      %scan3A_109 = arith.constant 20 : i32
      %scan3A_110 = arith.addi %scan3A_108, %scan3A_109 : i32
      %scan3A_111 = arith.constant 1 : i32
      %scan3A_112 = scf.for %scan3A_161 = %scan3A_108 to %scan3A_110 step %scan3A_111 iter_args(%scan3A_162 = %scan3A_107) -> (i32)  : i32 {
        %mul3A_163 = arith.constant 4 : i32
        %mul3A_164 = arith.muli %scan3A_161, %mul3A_163 : i32
        %add3A_165 = arith.constant 0 : i32
        %add3A_166 = arith.addi %mul3A_164, %add3A_165 : i32
        %get3A = arith.index_cast %add3A_166 : i32 to index
        %get3A_167 = arith.constant 0 : index
        %get3A_168 = tpu.vector_load %arg17[%get3A, %get3A_167] {strides = array<i32>} : memref<80x128xf32, #tpu.memory_space<vmem>>, vector<1x16xf32>,
        %get3A_169 = vector.shape_cast %get3A_168 : vector<1x16xf32> to vector<16xf32>
        %add3A_170 = arith.constant 0 : i32
        %add3A_171 = arith.addi %mul3A_164, %add3A_170 : i32
        %get3A_172 = arith.index_cast %add3A_171 : i32 to index
        %get3A_173 = arith.constant 0 : index
        %get3A_174 = tpu.vector_load %arg18[%get3A_172, %get3A_173] {strides = array<i32>} : memref<80x128xf32, #tpu.memory_space<vmem>>, vector<1x16xf32>,
        %get3A_175 = vector.shape_cast %get3A_174 : vector<1x16xf32> to vector<16xf32>
        %mul3A_176 = arith.mulf %get3A_169, %get3A_175 : vector<16xf32>
        %add3A_177 = arith.constant 0 : i32
        %add3A_178 = arith.addi %mul3A_164, %add3A_177 : i32
        %swap3A = arith.index_cast %add3A_178 : i32 to index
        %swap3A_179 = arith.constant 0 : index
        %swap3A_180 = tpu.vector_load %arg17[%swap3A, %swap3A_179] {strides = array<i32>} : memref<80x128xf32, #tpu.memory_space<vmem>>, vector<1x16xf32>,
        %swap3A_181 = vector.shape_cast %swap3A_180 : vector<1x16xf32> to vector<16xf32>
        %swap3A_182 = vector.shape_cast %mul3A_176 : vector<16xf32> to vector<1x16xf32>
        tpu.vector_store %arg17[%swap3A, %swap3A_179], %swap3A_182 {strides = array<i32>} : memref<80x128xf32, #tpu.memory_space<vmem>>, vector<1x16xf32>,
        %add3A_183 = arith.constant 0 : i32
        %add3A_184 = arith.addi %mul3A_164, %add3A_183 : i32
        %get3A_185 = arith.index_cast %add3A_184 : i32 to index
        %get3A_186 = arith.constant 16 : index
        %get3A_187 = tpu.vector_load %arg17[%get3A_185, %get3A_186] {strides = array<i32>} : memref<80x128xf32, #tpu.memory_space<vmem>>, vector<1x16xf32>,
        %get3A_188 = vector.shape_cast %get3A_187 : vector<1x16xf32> to vector<16xf32>
        %add3A_189 = arith.constant 0 : i32
        %add3A_190 = arith.addi %mul3A_164, %add3A_189 : i32
        %get3A_191 = arith.index_cast %add3A_190 : i32 to index
        %get3A_192 = arith.constant 16 : index
        %get3A_193 = tpu.vector_load %arg18[%get3A_191, %get3A_192] {strides = array<i32>} : memref<80x128xf32, #tpu.memory_space<vmem>>, vector<1x16xf32>,
        %get3A_194 = vector.shape_cast %get3A_193 : vector<1x16xf32> to vector<16xf32>
        %mul3A_195 = arith.mulf %get3A_188, %get3A_194 : vector<16xf32>
        %add3A_196 = arith.constant 0 : i32
        %add3A_197 = arith.addi %mul3A_164, %add3A_196 : i32
        %swap3A_198 = arith.index_cast %add3A_197 : i32 to index
        %swap3A_199 = arith.constant 16 : index
        %swap3A_200 = tpu.vector_load %arg17[%swap3A_198, %swap3A_199] {strides = array<i32>} : memref<80x128xf32, #tpu.memory_space<vmem>>, vector<1x16xf32>,
        %swap3A_201 = vector.shape_cast %swap3A_200 : vector<1x16xf32> to vector<16xf32>
        %swap3A_202 = vector.shape_cast %mul3A_195 : vector<16xf32> to vector<1x16xf32>
        tpu.vector_store %arg17[%swap3A_198, %swap3A_199], %swap3A_202 {strides = array<i32>} : memref<80x128xf32, #tpu.memory_space<vmem>>, vector<1x16xf32>,
        %add3A_203 = arith.constant 0 : i32
        %add3A_204 = arith.addi %mul3A_164, %add3A_203 : i32
        %get3A_205 = arith.index_cast %add3A_204 : i32 to index
        %get3A_206 = arith.constant 32 : index
        %get3A_207 = tpu.vector_load %arg17[%get3A_205, %get3A_206] {strides = array<i32>} : memref<80x128xf32, #tpu.memory_space<vmem>>, vector<1x16xf32>,
        %get3A_208 = vector.shape_cast %get3A_207 : vector<1x16xf32> to vector<16xf32>
        %add3A_209 = arith.constant 0 : i32
        %add3A_210 = arith.addi %mul3A_164, %add3A_209 : i32
        %get3A_211 = arith.index_cast %add3A_210 : i32 to index
        %get3A_212 = arith.constant 32 : index
        %get3A_213 = tpu.vector_load %arg18[%get3A_211, %get3A_212] {strides = array<i32>} : memref<80x128xf32, #tpu.memory_space<vmem>>, vector<1x16xf32>,
        %get3A_214 = vector.shape_cast %get3A_213 : vector<1x16xf32> to vector<16xf32>
        %mul3A_215 = arith.mulf %get3A_208, %get3A_214 : vector<16xf32>
        %add3A_216 = arith.constant 0 : i32
        %add3A_217 = arith.addi %mul3A_164, %add3A_216 : i32
        %swap3A_218 = arith.index_cast %add3A_217 : i32 to index
        %swap3A_219 = arith.constant 32 : index
        %swap3A_220 = tpu.vector_load %arg17[%swap3A_218, %swap3A_219] {strides = array<i32>} : memref<80x128xf32, #tpu.memory_space<vmem>>, vector<1x16xf32>,
        %swap3A_221 = vector.shape_cast %swap3A_220 : vector<1x16xf32> to vector<16xf32>
        %swap3A_222 = vector.shape_cast %mul3A_215 : vector<16xf32> to vector<1x16xf32>
        tpu.vector_store %arg17[%swap3A_218, %swap3A_219], %swap3A_222 {strides = array<i32>} : memref<80x128xf32, #tpu.memory_space<vmem>>, vector<1x16xf32>,
        %add3A_223 = arith.constant 0 : i32
        %add3A_224 = arith.addi %mul3A_164, %add3A_223 : i32
        %get3A_225 = arith.index_cast %add3A_224 : i32 to index
        %get3A_226 = arith.constant 48 : index
        %get3A_227 = tpu.vector_load %arg17[%get3A_225, %get3A_226] {strides = array<i32>} : memref<80x128xf32, #tpu.memory_space<vmem>>, vector<1x16xf32>,
        %get3A_228 = vector.shape_cast %get3A_227 : vector<1x16xf32> to vector<16xf32>
        %add3A_229 = arith.constant 0 : i32
        %add3A_230 = arith.addi %mul3A_164, %add3A_229 : i32
        %get3A_231 = arith.index_cast %add3A_230 : i32 to index
        %get3A_232 = arith.constant 48 : index
        %get3A_233 = tpu.vector_load %arg18[%get3A_231, %get3A_232] {strides = array<i32>} : memref<80x128xf32, #tpu.memory_space<vmem>>, vector<1x16xf32>,
        %get3A_234 = vector.shape_cast %get3A_233 : vector<1x16xf32> to vector<16xf32>
        %mul3A_235 = arith.mulf %get3A_228, %get3A_234 : vector<16xf32>
        %add3A_236 = arith.constant 0 : i32
        %add3A_237 = arith.addi %mul3A_164, %add3A_236 : i32
        %swap3A_238 = arith.index_cast %add3A_237 : i32 to index
        %swap3A_239 = arith.constant 48 : index
        %swap3A_240 = tpu.vector_load %arg17[%swap3A_238, %swap3A_239] {strides = array<i32>} : memref<80x128xf32, #tpu.memory_space<vmem>>, vector<1x16xf32>,
        %swap3A_241 = vector.shape_cast %swap3A_240 : vector<1x16xf32> to vector<16xf32>
        %swap3A_242 = vector.shape_cast %mul3A_235 : vector<16xf32> to vector<1x16xf32>
        tpu.vector_store %arg17[%swap3A_238, %swap3A_239], %swap3A_242 {strides = array<i32>} : memref<80x128xf32, #tpu.memory_space<vmem>>, vector<1x16xf32>,
        %add3A_243 = arith.constant 0 : i32
        %add3A_244 = arith.addi %mul3A_164, %add3A_243 : i32
        %get3A_245 = arith.index_cast %add3A_244 : i32 to index
        %get3A_246 = arith.constant 64 : index
        %get3A_247 = tpu.vector_load %arg17[%get3A_245, %get3A_246] {strides = array<i32>} : memref<80x128xf32, #tpu.memory_space<vmem>>, vector<1x16xf32>,
        %get3A_248 = vector.shape_cast %get3A_247 : vector<1x16xf32> to vector<16xf32>
        %add3A_249 = arith.constant 0 : i32
        %add3A_250 = arith.addi %mul3A_164, %add3A_249 : i32
        %get3A_251 = arith.index_cast %add3A_250 : i32 to index
        %get3A_252 = arith.constant 64 : index
        %get3A_253 = tpu.vector_load %arg18[%get3A_251, %get3A_252] {strides = array<i32>} : memref<80x128xf32, #tpu.memory_space<vmem>>, vector<1x16xf32>,
        %get3A_254 = vector.shape_cast %get3A_253 : vector<1x16xf32> to vector<16xf32>
        %mul3A_255 = arith.mulf %get3A_248, %get3A_254 : vector<16xf32>
        %add3A_256 = arith.constant 0 : i32
        %add3A_257 = arith.addi %mul3A_164, %add3A_256 : i32
        %swap3A_258 = arith.index_cast %add3A_257 : i32 to index
        %swap3A_259 = arith.constant 64 : index
        %swap3A_260 = tpu.vector_load %arg17[%swap3A_258, %swap3A_259] {strides = array<i32>} : memref<80x128xf32, #tpu.memory_space<vmem>>, vector<1x16xf32>,
        %swap3A_261 = vector.shape_cast %swap3A_260 : vector<1x16xf32> to vector<16xf32>
        %swap3A_262 = vector.shape_cast %mul3A_255 : vector<16xf32> to vector<1x16xf32>
        tpu.vector_store %arg17[%swap3A_258, %swap3A_259], %swap3A_262 {strides = array<i32>} : memref<80x128xf32, #tpu.memory_space<vmem>>, vector<1x16xf32>,
        %add3A_263 = arith.constant 0 : i32
        %add3A_264 = arith.addi %mul3A_164, %add3A_263 : i32
        %get3A_265 = arith.index_cast %add3A_264 : i32 to index
        %get3A_266 = arith.constant 80 : index
        %get3A_267 = tpu.vector_load %arg17[%get3A_265, %get3A_266] {strides = array<i32>} : memref<80x128xf32, #tpu.memory_space<vmem>>, vector<1x16xf32>,
        %get3A_268 = vector.shape_cast %get3A_267 : vector<1x16xf32> to vector<16xf32>
        %add3A_269 = arith.constant 0 : i32
        %add3A_270 = arith.addi %mul3A_164, %add3A_269 : i32
        %get3A_271 = arith.index_cast %add3A_270 : i32 to index
        %get3A_272 = arith.constant 80 : index
        %get3A_273 = tpu.vector_load %arg18[%get3A_271, %get3A_272] {strides = array<i32>} : memref<80x128xf32, #tpu.memory_space<vmem>>, vector<1x16xf32>,
        %get3A_274 = vector.shape_cast %get3A_273 : vector<1x16xf32> to vector<16xf32>
        %mul3A_275 = arith.mulf %get3A_268, %get3A_274 : vector<16xf32>
        %add3A_276 = arith.constant 0 : i32
        %add3A_277 = arith.addi %mul3A_164, %add3A_276 : i32
        %swap3A_278 = arith.index_cast %add3A_277 : i32 to index
        %swap3A_279 = arith.constant 80 : index
        %swap3A_280 = tpu.vector_load %arg17[%swap3A_278, %swap3A_279] {strides = array<i32>} : memref<80x128xf32, #tpu.memory_space<vmem>>, vector<1x16xf32>,
        %swap3A_281 = vector.shape_cast %swap3A_280 : vector<1x16xf32> to vector<16xf32>
        %swap3A_282 = vector.shape_cast %mul3A_275 : vector<16xf32> to vector<1x16xf32>
        tpu.vector_store %arg17[%swap3A_278, %swap3A_279], %swap3A_282 {strides = array<i32>} : memref<80x128xf32, #tpu.memory_space<vmem>>, vector<1x16xf32>,
        %add3A_283 = arith.constant 0 : i32
        %add3A_284 = arith.addi %mul3A_164, %add3A_283 : i32
        %get3A_285 = arith.index_cast %add3A_284 : i32 to index
        %get3A_286 = arith.constant 96 : index
        %get3A_287 = tpu.vector_load %arg17[%get3A_285, %get3A_286] {strides = array<i32>} : memref<80x128xf32, #tpu.memory_space<vmem>>, vector<1x16xf32>,
        %get3A_288 = vector.shape_cast %get3A_287 : vector<1x16xf32> to vector<16xf32>
        %add3A_289 = arith.constant 0 : i32
        %add3A_290 = arith.addi %mul3A_164, %add3A_289 : i32
        %get3A_291 = arith.index_cast %add3A_290 : i32 to index
        %get3A_292 = arith.constant 96 : index
        %get3A_293 = tpu.vector_load %arg18[%get3A_291, %get3A_292] {strides = array<i32>} : memref<80x128xf32, #tpu.memory_space<vmem>>, vector<1x16xf32>,
        %get3A_294 = vector.shape_cast %get3A_293 : vector<1x16xf32> to vector<16xf32>
        %mul3A_295 = arith.mulf %get3A_288, %get3A_294 : vector<16xf32>
        %add3A_296 = arith.constant 0 : i32
        %add3A_297 = arith.addi %mul3A_164, %add3A_296 : i32
        %swap3A_298 = arith.index_cast %add3A_297 : i32 to index
        %swap3A_299 = arith.constant 96 : index
        %swap3A_300 = tpu.vector_load %arg17[%swap3A_298, %swap3A_299] {strides = array<i32>} : memref<80x128xf32, #tpu.memory_space<vmem>>, vector<1x16xf32>,
        %swap3A_301 = vector.shape_cast %swap3A_300 : vector<1x16xf32> to vector<16xf32>
        %swap3A_302 = vector.shape_cast %mul3A_295 : vector<16xf32> to vector<1x16xf32>
        tpu.vector_store %arg17[%swap3A_298, %swap3A_299], %swap3A_302 {strides = array<i32>} : memref<80x128xf32, #tpu.memory_space<vmem>>, vector<1x16xf32>,
        %add3A_303 = arith.constant 0 : i32
        %add3A_304 = arith.addi %mul3A_164, %add3A_303 : i32
        %get3A_305 = arith.index_cast %add3A_304 : i32 to index
        %get3A_306 = arith.constant 112 : index
        %get3A_307 = tpu.vector_load %arg17[%get3A_305, %get3A_306] {strides = array<i32>} : memref<80x128xf32, #tpu.memory_space<vmem>>, vector<1x16xf32>,
        %get3A_308 = vector.shape_cast %get3A_307 : vector<1x16xf32> to vector<16xf32>
        %add3A_309 = arith.constant 0 : i32
        %add3A_310 = arith.addi %mul3A_164, %add3A_309 : i32
        %get3A_311 = arith.index_cast %add3A_310 : i32 to index
        %get3A_312 = arith.constant 112 : index
        %get3A_313 = tpu.vector_load %arg18[%get3A_311, %get3A_312] {strides = array<i32>} : memref<80x128xf32, #tpu.memory_space<vmem>>, vector<1x16xf32>,
        %get3A_314 = vector.shape_cast %get3A_313 : vector<1x16xf32> to vector<16xf32>
        %mul3A_315 = arith.mulf %get3A_308, %get3A_314 : vector<16xf32>
        %add3A_316 = arith.constant 0 : i32
        %add3A_317 = arith.addi %mul3A_164, %add3A_316 : i32
        %swap3A_318 = arith.index_cast %add3A_317 : i32 to index
        %swap3A_319 = arith.constant 112 : index
        %swap3A_320 = tpu.vector_load %arg17[%swap3A_318, %swap3A_319] {strides = array<i32>} : memref<80x128xf32, #tpu.memory_space<vmem>>, vector<1x16xf32>,
        %swap3A_321 = vector.shape_cast %swap3A_320 : vector<1x16xf32> to vector<16xf32>
        %swap3A_322 = vector.shape_cast %mul3A_315 : vector<16xf32> to vector<1x16xf32>
        tpu.vector_store %arg17[%swap3A_318, %swap3A_319], %swap3A_322 {strides = array<i32>} : memref<80x128xf32, #tpu.memory_space<vmem>>, vector<1x16xf32>,
        %add3A_323 = arith.constant 1 : i32
        %add3A_324 = arith.addi %mul3A_164, %add3A_323 : i32
        %get3A_325 = arith.index_cast %add3A_324 : i32 to index
        %get3A_326 = arith.constant 0 : index
        %get3A_327 = tpu.vector_load %arg17[%get3A_325, %get3A_326] {strides = array<i32>} : memref<80x128xf32, #tpu.memory_space<vmem>>, vector<1x16xf32>,
        %get3A_328 = vector.shape_cast %get3A_327 : vector<1x16xf32> to vector<16xf32>
        %add3A_329 = arith.constant 1 : i32
        %add3A_330 = arith.addi %mul3A_164, %add3A_329 : i32
        %get3A_331 = arith.index_cast %add3A_330 : i32 to index
        %get3A_332 = arith.constant 0 : index
        %get3A_333 = tpu.vector_load %arg18[%get3A_331, %get3A_332] {strides = array<i32>} : memref<80x128xf32, #tpu.memory_space<vmem>>, vector<1x16xf32>,
        %get3A_334 = vector.shape_cast %get3A_333 : vector<1x16xf32> to vector<16xf32>
        %mul3A_335 = arith.mulf %get3A_328, %get3A_334 : vector<16xf32>
        %add3A_336 = arith.constant 1 : i32
        %add3A_337 = arith.addi %mul3A_164, %add3A_336 : i32
        %swap3A_338 = arith.index_cast %add3A_337 : i32 to index
        %swap3A_339 = arith.constant 0 : index
        %swap3A_340 = tpu.vector_load %arg17[%swap3A_338, %swap3A_339] {strides = array<i32>} : memref<80x128xf32, #tpu.memory_space<vmem>>, vector<1x16xf32>,
        %swap3A_341 = vector.shape_cast %swap3A_340 : vector<1x16xf32> to vector<16xf32>
        %swap3A_342 = vector.shape_cast %mul3A_335 : vector<16xf32> to vector<1x16xf32>
        tpu.vector_store %arg17[%swap3A_338, %swap3A_339], %swap3A_342 {strides = array<i32>} : memref<80x128xf32, #tpu.memory_space<vmem>>, vector<1x16xf32>,
        %add3A_343 = arith.constant 1 : i32
        %add3A_344 = arith.addi %mul3A_164, %add3A_343 : i32
        %get3A_345 = arith.index_cast %add3A_344 : i32 to index
        %get3A_346 = arith.constant 16 : index
        %get3A_347 = tpu.vector_load %arg17[%get3A_345, %get3A_346] {strides = array<i32>} : memref<80x128xf32, #tpu.memory_space<vmem>>, vector<1x16xf32>,
        %get3A_348 = vector.shape_cast %get3A_347 : vector<1x16xf32> to vector<16xf32>
        %add3A_349 = arith.constant 1 : i32
        %add3A_350 = arith.addi %mul3A_164, %add3A_349 : i32
        %get3A_351 = arith.index_cast %add3A_350 : i32 to index
        %get3A_352 = arith.constant 16 : index
        %get3A_353 = tpu.vector_load %arg18[%get3A_351, %get3A_352] {strides = array<i32>} : memref<80x128xf32, #tpu.memory_space<vmem>>, vector<1x16xf32>,
        %get3A_354 = vector.shape_cast %get3A_353 : vector<1x16xf32> to vector<16xf32>
        %mul3A_355 = arith.mulf %get3A_348, %get3A_354 : vector<16xf32>
        %add3A_356 = arith.constant 1 : i32
        %add3A_357 = arith.addi %mul3A_164, %add3A_356 : i32
        %swap3A_358 = arith.index_cast %add3A_357 : i32 to index
        %swap3A_359 = arith.constant 16 : index
        %swap3A_360 = tpu.vector_load %arg17[%swap3A_358, %swap3A_359] {strides = array<i32>} : memref<80x128xf32, #tpu.memory_space<vmem>>, vector<1x16xf32>,
        %swap3A_361 = vector.shape_cast %swap3A_360 : vector<1x16xf32> to vector<16xf32>
        %swap3A_362 = vector.shape_cast %mul3A_355 : vector<16xf32> to vector<1x16xf32>
        tpu.vector_store %arg17[%swap3A_358, %swap3A_359], %swap3A_362 {strides = array<i32>} : memref<80x128xf32, #tpu.memory_space<vmem>>, vector<1x16xf32>,
        %add3A_363 = arith.constant 1 : i32
        %add3A_364 = arith.addi %mul3A_164, %add3A_363 : i32
        %get3A_365 = arith.index_cast %add3A_364 : i32 to index
        %get3A_366 = arith.constant 32 : index
        %get3A_367 = tpu.vector_load %arg17[%get3A_365, %get3A_366] {strides = array<i32>} : memref<80x128xf32, #tpu.memory_space<vmem>>, vector<1x16xf32>,
        %get3A_368 = vector.shape_cast %get3A_367 : vector<1x16xf32> to vector<16xf32>
        %add3A_369 = arith.constant 1 : i32
        %add3A_370 = arith.addi %mul3A_164, %add3A_369 : i32
        %get3A_371 = arith.index_cast %add3A_370 : i32 to index
        %get3A_372 = arith.constant 32 : index
        %get3A_373 = tpu.vector_load %arg18[%get3A_371, %get3A_372] {strides = array<i32>} : memref<80x128xf32, #tpu.memory_space<vmem>>, vector<1x16xf32>,
        %get3A_374 = vector.shape_cast %get3A_373 : vector<1x16xf32> to vector<16xf32>
        %mul3A_375 = arith.mulf %get3A_368, %get3A_374 : vector<16xf32>
        %add3A_376 = arith.constant 1 : i32
        %add3A_377 = arith.addi %mul3A_164, %add3A_376 : i32
        %swap3A_378 = arith.index_cast %add3A_377 : i32 to index
        %swap3A_379 = arith.constant 32 : index
        %swap3A_380 = tpu.vector_load %arg17[%swap3A_378, %swap3A_379] {strides = array<i32>} : memref<80x128xf32, #tpu.memory_space<vmem>>, vector<1x16xf32>,
        %swap3A_381 = vector.shape_cast %swap3A_380 : vector<1x16xf32> to vector<16xf32>
        %swap3A_382 = vector.shape_cast %mul3A_375 : vector<16xf32> to vector<1x16xf32>
        tpu.vector_store %arg17[%swap3A_378, %swap3A_379], %swap3A_382 {strides = array<i32>} : memref<80x128xf32, #tpu.memory_space<vmem>>, vector<1x16xf32>,
        %add3A_383 = arith.constant 1 : i32
        %add3A_384 = arith.addi %mul3A_164, %add3A_383 : i32
        %get3A_385 = arith.index_cast %add3A_384 : i32 to index
        %get3A_386 = arith.constant 48 : index
        %get3A_387 = tpu.vector_load %arg17[%get3A_385, %get3A_386] {strides = array<i32>} : memref<80x128xf32, #tpu.memory_space<vmem>>, vector<1x16xf32>,
        %get3A_388 = vector.shape_cast %get3A_387 : vector<1x16xf32> to vector<16xf32>
        %add3A_389 = arith.constant 1 : i32
        %add3A_390 = arith.addi %mul3A_164, %add3A_389 : i32
        %get3A_391 = arith.index_cast %add3A_390 : i32 to index
        %get3A_392 = arith.constant 48 : index
        %get3A_393 = tpu.vector_load %arg18[%get3A_391, %get3A_392] {strides = array<i32>} : memref<80x128xf32, #tpu.memory_space<vmem>>, vector<1x16xf32>,
        %get3A_394 = vector.shape_cast %get3A_393 : vector<1x16xf32> to vector<16xf32>
        %mul3A_395 = arith.mulf %get3A_388, %get3A_394 : vector<16xf32>
        %add3A_396 = arith.constant 1 : i32
        %add3A_397 = arith.addi %mul3A_164, %add3A_396 : i32
        %swap3A_398 = arith.index_cast %add3A_397 : i32 to index
        %swap3A_399 = arith.constant 48 : index
        %swap3A_400 = tpu.vector_load %arg17[%swap3A_398, %swap3A_399] {strides = array<i32>} : memref<80x128xf32, #tpu.memory_space<vmem>>, vector<1x16xf32>,
        %swap3A_401 = vector.shape_cast %swap3A_400 : vector<1x16xf32> to vector<16xf32>
        %swap3A_402 = vector.shape_cast %mul3A_395 : vector<16xf32> to vector<1x16xf32>
        tpu.vector_store %arg17[%swap3A_398, %swap3A_399], %swap3A_402 {strides = array<i32>} : memref<80x128xf32, #tpu.memory_space<vmem>>, vector<1x16xf32>,
        %add3A_403 = arith.constant 1 : i32
        %add3A_404 = arith.addi %mul3A_164, %add3A_403 : i32
        %get3A_405 = arith.index_cast %add3A_404 : i32 to index
        %get3A_406 = arith.constant 64 : index
        %get3A_407 = tpu.vector_load %arg17[%get3A_405, %get3A_406] {strides = array<i32>} : memref<80x128xf32, #tpu.memory_space<vmem>>, vector<1x16xf32>,
        %get3A_408 = vector.shape_cast %get3A_407 : vector<1x16xf32> to vector<16xf32>
        %add3A_409 = arith.constant 1 : i32
        %add3A_410 = arith.addi %mul3A_164, %add3A_409 : i32
        %get3A_411 = arith.index_cast %add3A_410 : i32 to index
        %get3A_412 = arith.constant 64 : index
        %get3A_413 = tpu.vector_load %arg18[%get3A_411, %get3A_412] {strides = array<i32>} : memref<80x128xf32, #tpu.memory_space<vmem>>, vector<1x16xf32>,
        %get3A_414 = vector.shape_cast %get3A_413 : vector<1x16xf32> to vector<16xf32>
        %mul3A_415 = arith.mulf %get3A_408, %get3A_414 : vector<16xf32>
        %add3A_416 = arith.constant 1 : i32
        %add3A_417 = arith.addi %mul3A_164, %add3A_416 : i32
        %swap3A_418 = arith.index_cast %add3A_417 : i32 to index
        %swap3A_419 = arith.constant 64 : index
        %swap3A_420 = tpu.vector_load %arg17[%swap3A_418, %swap3A_419] {strides = array<i32>} : memref<80x128xf32, #tpu.memory_space<vmem>>, vector<1x16xf32>,
        %swap3A_421 = vector.shape_cast %swap3A_420 : vector<1x16xf32> to vector<16xf32>
        %swap3A_422 = vector.shape_cast %mul3A_415 : vector<16xf32> to vector<1x16xf32>
        tpu.vector_store %arg17[%swap3A_418, %swap3A_419], %swap3A_422 {strides = array<i32>} : memref<80x128xf32, #tpu.memory_space<vmem>>, vector<1x16xf32>,
        %add3A_423 = arith.constant 1 : i32
        %add3A_424 = arith.addi %mul3A_164, %add3A_423 : i32
        %get3A_425 = arith.index_cast %add3A_424 : i32 to index
        %get3A_426 = arith.constant 80 : index
        %get3A_427 = tpu.vector_load %arg17[%get3A_425, %get3A_426] {strides = array<i32>} : memref<80x128xf32, #tpu.memory_space<vmem>>, vector<1x16xf32>,
        %get3A_428 = vector.shape_cast %get3A_427 : vector<1x16xf32> to vector<16xf32>
        %add3A_429 = arith.constant 1 : i32
        %add3A_430 = arith.addi %mul3A_164, %add3A_429 : i32
        %get3A_431 = arith.index_cast %add3A_430 : i32 to index
        %get3A_432 = arith.constant 80 : index
        %get3A_433 = tpu.vector_load %arg18[%get3A_431, %get3A_432] {strides = array<i32>} : memref<80x128xf32, #tpu.memory_space<vmem>>, vector<1x16xf32>,
        %get3A_434 = vector.shape_cast %get3A_433 : vector<1x16xf32> to vector<16xf32>
        %mul3A_435 = arith.mulf %get3A_428, %get3A_434 : vector<16xf32>
        %add3A_436 = arith.constant 1 : i32
        %add3A_437 = arith.addi %mul3A_164, %add3A_436 : i32
        %swap3A_438 = arith.index_cast %add3A_437 : i32 to index
        %swap3A_439 = arith.constant 80 : index
        %swap3A_440 = tpu.vector_load %arg17[%swap3A_438, %swap3A_439] {strides = array<i32>} : memref<80x128xf32, #tpu.memory_space<vmem>>, vector<1x16xf32>,
        %swap3A_441 = vector.shape_cast %swap3A_440 : vector<1x16xf32> to vector<16xf32>
        %swap3A_442 = vector.shape_cast %mul3A_435 : vector<16xf32> to vector<1x16xf32>
        tpu.vector_store %arg17[%swap3A_438, %swap3A_439], %swap3A_442 {strides = array<i32>} : memref<80x128xf32, #tpu.memory_space<vmem>>, vector<1x16xf32>,
        %add3A_443 = arith.constant 1 : i32
        %add3A_444 = arith.addi %mul3A_164, %add3A_443 : i32
        %get3A_445 = arith.index_cast %add3A_444 : i32 to index
        %get3A_446 = arith.constant 96 : index
        %get3A_447 = tpu.vector_load %arg17[%get3A_445, %get3A_446] {strides = array<i32>} : memref<80x128xf32, #tpu.memory_space<vmem>>, vector<1x16xf32>,
        %get3A_448 = vector.shape_cast %get3A_447 : vector<1x16xf32> to vector<16xf32>
        %add3A_449 = arith.constant 1 : i32
        %add3A_450 = arith.addi %mul3A_164, %add3A_449 : i32
        %get3A_451 = arith.index_cast %add3A_450 : i32 to index
        %get3A_452 = arith.constant 96 : index
        %get3A_453 = tpu.vector_load %arg18[%get3A_451, %get3A_452] {strides = array<i32>} : memref<80x128xf32, #tpu.memory_space<vmem>>, vector<1x16xf32>,
        %get3A_454 = vector.shape_cast %get3A_453 : vector<1x16xf32> to vector<16xf32>
        %mul3A_455 = arith.mulf %get3A_448, %get3A_454 : vector<16xf32>
        %add3A_456 = arith.constant 1 : i32
        %add3A_457 = arith.addi %mul3A_164, %add3A_456 : i32
        %swap3A_458 = arith.index_cast %add3A_457 : i32 to index
        %swap3A_459 = arith.constant 96 : index
        %swap3A_460 = tpu.vector_load %arg17[%swap3A_458, %swap3A_459] {strides = array<i32>} : memref<80x128xf32, #tpu.memory_space<vmem>>, vector<1x16xf32>,
        %swap3A_461 = vector.shape_cast %swap3A_460 : vector<1x16xf32> to vector<16xf32>
        %swap3A_462 = vector.shape_cast %mul3A_455 : vector<16xf32> to vector<1x16xf32>
        tpu.vector_store %arg17[%swap3A_458, %swap3A_459], %swap3A_462 {strides = array<i32>} : memref<80x128xf32, #tpu.memory_space<vmem>>, vector<1x16xf32>,
        %add3A_463 = arith.constant 1 : i32
        %add3A_464 = arith.addi %mul3A_164, %add3A_463 : i32
        %get3A_465 = arith.index_cast %add3A_464 : i32 to index
        %get3A_466 = arith.constant 112 : index
        %get3A_467 = tpu.vector_load %arg17[%get3A_465, %get3A_466] {strides = array<i32>} : memref<80x128xf32, #tpu.memory_space<vmem>>, vector<1x16xf32>,
        %get3A_468 = vector.shape_cast %get3A_467 : vector<1x16xf32> to vector<16xf32>
        %add3A_469 = arith.constant 1 : i32
        %add3A_470 = arith.addi %mul3A_164, %add3A_469 : i32
        %get3A_471 = arith.index_cast %add3A_470 : i32 to index
        %get3A_472 = arith.constant 112 : index
        %get3A_473 = tpu.vector_load %arg18[%get3A_471, %get3A_472] {strides = array<i32>} : memref<80x128xf32, #tpu.memory_space<vmem>>, vector<1x16xf32>,
        %get3A_474 = vector.shape_cast %get3A_473 : vector<1x16xf32> to vector<16xf32>
        %mul3A_475 = arith.mulf %get3A_468, %get3A_474 : vector<16xf32>
        %add3A_476 = arith.constant 1 : i32
        %add3A_477 = arith.addi %mul3A_164, %add3A_476 : i32
        %swap3A_478 = arith.index_cast %add3A_477 : i32 to index
        %swap3A_479 = arith.constant 112 : index
        %swap3A_480 = tpu.vector_load %arg17[%swap3A_478, %swap3A_479] {strides = array<i32>} : memref<80x128xf32, #tpu.memory_space<vmem>>, vector<1x16xf32>,
        %swap3A_481 = vector.shape_cast %swap3A_480 : vector<1x16xf32> to vector<16xf32>
        %swap3A_482 = vector.shape_cast %mul3A_475 : vector<16xf32> to vector<1x16xf32>
        tpu.vector_store %arg17[%swap3A_478, %swap3A_479], %swap3A_482 {strides = array<i32>} : memref<80x128xf32, #tpu.memory_space<vmem>>, vector<1x16xf32>,
        %add3A_483 = arith.constant 2 : i32
        %add3A_484 = arith.addi %mul3A_164, %add3A_483 : i32
        %get3A_485 = arith.index_cast %add3A_484 : i32 to index
        %get3A_486 = arith.constant 0 : index
        %get3A_487 = tpu.vector_load %arg17[%get3A_485, %get3A_486] {strides = array<i32>} : memref<80x128xf32, #tpu.memory_space<vmem>>, vector<1x16xf32>,
        %get3A_488 = vector.shape_cast %get3A_487 : vector<1x16xf32> to vector<16xf32>
        %add3A_489 = arith.constant 2 : i32
        %add3A_490 = arith.addi %mul3A_164, %add3A_489 : i32
        %get3A_491 = arith.index_cast %add3A_490 : i32 to index
        %get3A_492 = arith.constant 0 : index
        %get3A_493 = tpu.vector_load %arg18[%get3A_491, %get3A_492] {strides = array<i32>} : memref<80x128xf32, #tpu.memory_space<vmem>>, vector<1x16xf32>,
        %get3A_494 = vector.shape_cast %get3A_493 : vector<1x16xf32> to vector<16xf32>
        %mul3A_495 = arith.mulf %get3A_488, %get3A_494 : vector<16xf32>
        %add3A_496 = arith.constant 2 : i32
        %add3A_497 = arith.addi %mul3A_164, %add3A_496 : i32
        %swap3A_498 = arith.index_cast %add3A_497 : i32 to index
        %swap3A_499 = arith.constant 0 : index
        %swap3A_500 = tpu.vector_load %arg17[%swap3A_498, %swap3A_499] {strides = array<i32>} : memref<80x128xf32, #tpu.memory_space<vmem>>, vector<1x16xf32>,
        %swap3A_501 = vector.shape_cast %swap3A_500 : vector<1x16xf32> to vector<16xf32>
        %swap3A_502 = vector.shape_cast %mul3A_495 : vector<16xf32> to vector<1x16xf32>
        tpu.vector_store %arg17[%swap3A_498, %swap3A_499], %swap3A_502 {strides = array<i32>} : memref<80x128xf32, #tpu.memory_space<vmem>>, vector<1x16xf32>,
        %add3A_503 = arith.constant 2 : i32
        %add3A_504 = arith.addi %mul3A_164, %add3A_503 : i32
        %get3A_505 = arith.index_cast %add3A_504 : i32 to index
        %get3A_506 = arith.constant 16 : index
        %get3A_507 = tpu.vector_load %arg17[%get3A_505, %get3A_506] {strides = array<i32>} : memref<80x128xf32, #tpu.memory_space<vmem>>, vector<1x16xf32>,
        %get3A_508 = vector.shape_cast %get3A_507 : vector<1x16xf32> to vector<16xf32>
        %add3A_509 = arith.constant 2 : i32
        %add3A_510 = arith.addi %mul3A_164, %add3A_509 : i32
        %get3A_511 = arith.index_cast %add3A_510 : i32 to index
        %get3A_512 = arith.constant 16 : index
        %get3A_513 = tpu.vector_load %arg18[%get3A_511, %get3A_512] {strides = array<i32>} : memref<80x128xf32, #tpu.memory_space<vmem>>, vector<1x16xf32>,
        %get3A_514 = vector.shape_cast %get3A_513 : vector<1x16xf32> to vector<16xf32>
        %mul3A_515 = arith.mulf %get3A_508, %get3A_514 : vector<16xf32>
        %add3A_516 = arith.constant 2 : i32
        %add3A_517 = arith.addi %mul3A_164, %add3A_516 : i32
        %swap3A_518 = arith.index_cast %add3A_517 : i32 to index
        %swap3A_519 = arith.constant 16 : index
        %swap3A_520 = tpu.vector_load %arg17[%swap3A_518, %swap3A_519] {strides = array<i32>} : memref<80x128xf32, #tpu.memory_space<vmem>>, vector<1x16xf32>,
        %swap3A_521 = vector.shape_cast %swap3A_520 : vector<1x16xf32> to vector<16xf32>
        %swap3A_522 = vector.shape_cast %mul3A_515 : vector<16xf32> to vector<1x16xf32>
        tpu.vector_store %arg17[%swap3A_518, %swap3A_519], %swap3A_522 {strides = array<i32>} : memref<80x128xf32, #tpu.memory_space<vmem>>, vector<1x16xf32>,
        %add3A_523 = arith.constant 2 : i32
        %add3A_524 = arith.addi %mul3A_164, %add3A_523 : i32
        %get3A_525 = arith.index_cast %add3A_524 : i32 to index
        %get3A_526 = arith.constant 32 : index
        %get3A_527 = tpu.vector_load %arg17[%get3A_525, %get3A_526] {strides = array<i32>} : memref<80x128xf32, #tpu.memory_space<vmem>>, vector<1x16xf32>,
        %get3A_528 = vector.shape_cast %get3A_527 : vector<1x16xf32> to vector<16xf32>
        %add3A_529 = arith.constant 2 : i32
        %add3A_530 = arith.addi %mul3A_164, %add3A_529 : i32
        %get3A_531 = arith.index_cast %add3A_530 : i32 to index
        %get3A_532 = arith.constant 32 : index
        %get3A_533 = tpu.vector_load %arg18[%get3A_531, %get3A_532] {strides = array<i32>} : memref<80x128xf32, #tpu.memory_space<vmem>>, vector<1x16xf32>,
        %get3A_534 = vector.shape_cast %get3A_533 : vector<1x16xf32> to vector<16xf32>
        %mul3A_535 = arith.mulf %get3A_528, %get3A_534 : vector<16xf32>
        %add3A_536 = arith.constant 2 : i32
        %add3A_537 = arith.addi %mul3A_164, %add3A_536 : i32
        %swap3A_538 = arith.index_cast %add3A_537 : i32 to index
        %swap3A_539 = arith.constant 32 : index
        %swap3A_540 = tpu.vector_load %arg17[%swap3A_538, %swap3A_539] {strides = array<i32>} : memref<80x128xf32, #tpu.memory_space<vmem>>, vector<1x16xf32>,
        %swap3A_541 = vector.shape_cast %swap3A_540 : vector<1x16xf32> to vector<16xf32>
        %swap3A_542 = vector.shape_cast %mul3A_535 : vector<16xf32> to vector<1x16xf32>
        tpu.vector_store %arg17[%swap3A_538, %swap3A_539], %swap3A_542 {strides = array<i32>} : memref<80x128xf32, #tpu.memory_space<vmem>>, vector<1x16xf32>,
        %add3A_543 = arith.constant 2 : i32
        %add3A_544 = arith.addi %mul3A_164, %add3A_543 : i32
        %get3A_545 = arith.index_cast %add3A_544 : i32 to index
        %get3A_546 = arith.constant 48 : index
        %get3A_547 = tpu.vector_load %arg17[%get3A_545, %get3A_546] {strides = array<i32>} : memref<80x128xf32, #tpu.memory_space<vmem>>, vector<1x16xf32>,
        %get3A_548 = vector.shape_cast %get3A_547 : vector<1x16xf32> to vector<16xf32>
        %add3A_549 = arith.constant 2 : i32
        %add3A_550 = arith.addi %mul3A_164, %add3A_549 : i32
        %get3A_551 = arith.index_cast %add3A_550 : i32 to index
        %get3A_552 = arith.constant 48 : index
        %get3A_553 = tpu.vector_load %arg18[%get3A_551, %get3A_552] {strides = array<i32>} : memref<80x128xf32, #tpu.memory_space<vmem>>, vector<1x16xf32>,
        %get3A_554 = vector.shape_cast %get3A_553 : vector<1x16xf32> to vector<16xf32>
        %mul3A_555 = arith.mulf %get3A_548, %get3A_554 : vector<16xf32>
        %add3A_556 = arith.constant 2 : i32
        %add3A_557 = arith.addi %mul3A_164, %add3A_556 : i32
        %swap3A_558 = arith.index_cast %add3A_557 : i32 to index
        %swap3A_559 = arith.constant 48 : index
        %swap3A_560 = tpu.vector_load %arg17[%swap3A_558, %swap3A_559] {strides = array<i32>} : memref<80x128xf32, #tpu.memory_space<vmem>>, vector<1x16xf32>,
        %swap3A_561 = vector.shape_cast %swap3A_560 : vector<1x16xf32> to vector<16xf32>
        %swap3A_562 = vector.shape_cast %mul3A_555 : vector<16xf32> to vector<1x16xf32>
        tpu.vector_store %arg17[%swap3A_558, %swap3A_559], %swap3A_562 {strides = array<i32>} : memref<80x128xf32, #tpu.memory_space<vmem>>, vector<1x16xf32>,
        %add3A_563 = arith.constant 2 : i32
        %add3A_564 = arith.addi %mul3A_164, %add3A_563 : i32
        %get3A_565 = arith.index_cast %add3A_564 : i32 to index
        %get3A_566 = arith.constant 64 : index
        %get3A_567 = tpu.vector_load %arg17[%get3A_565, %get3A_566] {strides = array<i32>} : memref<80x128xf32, #tpu.memory_space<vmem>>, vector<1x16xf32>,
        %get3A_568 = vector.shape_cast %get3A_567 : vector<1x16xf32> to vector<16xf32>
        %add3A_569 = arith.constant 2 : i32
        %add3A_570 = arith.addi %mul3A_164, %add3A_569 : i32
        %get3A_571 = arith.index_cast %add3A_570 : i32 to index
        %get3A_572 = arith.constant 64 : index
        %get3A_573 = tpu.vector_load %arg18[%get3A_571, %get3A_572] {strides = array<i32>} : memref<80x128xf32, #tpu.memory_space<vmem>>, vector<1x16xf32>,
        %get3A_574 = vector.shape_cast %get3A_573 : vector<1x16xf32> to vector<16xf32>
        %mul3A_575 = arith.mulf %get3A_568, %get3A_574 : vector<16xf32>
        %add3A_576 = arith.constant 2 : i32
        %add3A_577 = arith.addi %mul3A_164, %add3A_576 : i32
        %swap3A_578 = arith.index_cast %add3A_577 : i32 to index
        %swap3A_579 = arith.constant 64 : index
        %swap3A_580 = tpu.vector_load %arg17[%swap3A_578, %swap3A_579] {strides = array<i32>} : memref<80x128xf32, #tpu.memory_space<vmem>>, vector<1x16xf32>,
        %swap3A_581 = vector.shape_cast %swap3A_580 : vector<1x16xf32> to vector<16xf32>
        %swap3A_582 = vector.shape_cast %mul3A_575 : vector<16xf32> to vector<1x16xf32>
        tpu.vector_store %arg17[%swap3A_578, %swap3A_579], %swap3A_582 {strides = array<i32>} : memref<80x128xf32, #tpu.memory_space<vmem>>, vector<1x16xf32>,
        %add3A_583 = arith.constant 2 : i32
        %add3A_584 = arith.addi %mul3A_164, %add3A_583 : i32
        %get3A_585 = arith.index_cast %add3A_584 : i32 to index
        %get3A_586 = arith.constant 80 : index
        %get3A_587 = tpu.vector_load %arg17[%get3A_585, %get3A_586] {strides = array<i32>} : memref<80x128xf32, #tpu.memory_space<vmem>>, vector<1x16xf32>,
        %get3A_588 = vector.shape_cast %get3A_587 : vector<1x16xf32> to vector<16xf32>
        %add3A_589 = arith.constant 2 : i32
        %add3A_590 = arith.addi %mul3A_164, %add3A_589 : i32
        %get3A_591 = arith.index_cast %add3A_590 : i32 to index
        %get3A_592 = arith.constant 80 : index
        %get3A_593 = tpu.vector_load %arg18[%get3A_591, %get3A_592] {strides = array<i32>} : memref<80x128xf32, #tpu.memory_space<vmem>>, vector<1x16xf32>,
        %get3A_594 = vector.shape_cast %get3A_593 : vector<1x16xf32> to vector<16xf32>
        %mul3A_595 = arith.mulf %get3A_588, %get3A_594 : vector<16xf32>
        %add3A_596 = arith.constant 2 : i32
        %add3A_597 = arith.addi %mul3A_164, %add3A_596 : i32
        %swap3A_598 = arith.index_cast %add3A_597 : i32 to index
        %swap3A_599 = arith.constant 80 : index
        %swap3A_600 = tpu.vector_load %arg17[%swap3A_598, %swap3A_599] {strides = array<i32>} : memref<80x128xf32, #tpu.memory_space<vmem>>, vector<1x16xf32>,
        %swap3A_601 = vector.shape_cast %swap3A_600 : vector<1x16xf32> to vector<16xf32>
        %swap3A_602 = vector.shape_cast %mul3A_595 : vector<16xf32> to vector<1x16xf32>
        tpu.vector_store %arg17[%swap3A_598, %swap3A_599], %swap3A_602 {strides = array<i32>} : memref<80x128xf32, #tpu.memory_space<vmem>>, vector<1x16xf32>,
        %add3A_603 = arith.constant 2 : i32
        %add3A_604 = arith.addi %mul3A_164, %add3A_603 : i32
        %get3A_605 = arith.index_cast %add3A_604 : i32 to index
        %get3A_606 = arith.constant 96 : index
        %get3A_607 = tpu.vector_load %arg17[%get3A_605, %get3A_606] {strides = array<i32>} : memref<80x128xf32, #tpu.memory_space<vmem>>, vector<1x16xf32>,
        %get3A_608 = vector.shape_cast %get3A_607 : vector<1x16xf32> to vector<16xf32>
        %add3A_609 = arith.constant 2 : i32
        %add3A_610 = arith.addi %mul3A_164, %add3A_609 : i32
        %get3A_611 = arith.index_cast %add3A_610 : i32 to index
        %get3A_612 = arith.constant 96 : index
        %get3A_613 = tpu.vector_load %arg18[%get3A_611, %get3A_612] {strides = array<i32>} : memref<80x128xf32, #tpu.memory_space<vmem>>, vector<1x16xf32>,
        %get3A_614 = vector.shape_cast %get3A_613 : vector<1x16xf32> to vector<16xf32>
        %mul3A_615 = arith.mulf %get3A_608, %get3A_614 : vector<16xf32>
        %add3A_616 = arith.constant 2 : i32
        %add3A_617 = arith.addi %mul3A_164, %add3A_616 : i32
        %swap3A_618 = arith.index_cast %add3A_617 : i32 to index
        %swap3A_619 = arith.constant 96 : index
        %swap3A_620 = tpu.vector_load %arg17[%swap3A_618, %swap3A_619] {strides = array<i32>} : memref<80x128xf32, #tpu.memory_space<vmem>>, vector<1x16xf32>,
        %swap3A_621 = vector.shape_cast %swap3A_620 : vector<1x16xf32> to vector<16xf32>
        %swap3A_622 = vector.shape_cast %mul3A_615 : vector<16xf32> to vector<1x16xf32>
        tpu.vector_store %arg17[%swap3A_618, %swap3A_619], %swap3A_622 {strides = array<i32>} : memref<80x128xf32, #tpu.memory_space<vmem>>, vector<1x16xf32>,
        %add3A_623 = arith.constant 2 : i32
        %add3A_624 = arith.addi %mul3A_164, %add3A_623 : i32
        %get3A_625 = arith.index_cast %add3A_624 : i32 to index
        %get3A_626 = arith.constant 112 : index
        %get3A_627 = tpu.vector_load %arg17[%get3A_625, %get3A_626] {strides = array<i32>} : memref<80x128xf32, #tpu.memory_space<vmem>>, vector<1x16xf32>,
        %get3A_628 = vector.shape_cast %get3A_627 : vector<1x16xf32> to vector<16xf32>
        %add3A_629 = arith.constant 2 : i32
        %add3A_630 = arith.addi %mul3A_164, %add3A_629 : i32
        %get3A_631 = arith.index_cast %add3A_630 : i32 to index
        %get3A_632 = arith.constant 112 : index
        %get3A_633 = tpu.vector_load %arg18[%get3A_631, %get3A_632] {strides = array<i32>} : memref<80x128xf32, #tpu.memory_space<vmem>>, vector<1x16xf32>,
        %get3A_634 = vector.shape_cast %get3A_633 : vector<1x16xf32> to vector<16xf32>
        %mul3A_635 = arith.mulf %get3A_628, %get3A_634 : vector<16xf32>
        %add3A_636 = arith.constant 2 : i32
        %add3A_637 = arith.addi %mul3A_164, %add3A_636 : i32
        %swap3A_638 = arith.index_cast %add3A_637 : i32 to index
        %swap3A_639 = arith.constant 112 : index
        %swap3A_640 = tpu.vector_load %arg17[%swap3A_638, %swap3A_639] {strides = array<i32>} : memref<80x128xf32, #tpu.memory_space<vmem>>, vector<1x16xf32>,
        %swap3A_641 = vector.shape_cast %swap3A_640 : vector<1x16xf32> to vector<16xf32>
        %swap3A_642 = vector.shape_cast %mul3A_635 : vector<16xf32> to vector<1x16xf32>
        tpu.vector_store %arg17[%swap3A_638, %swap3A_639], %swap3A_642 {strides = array<i32>} : memref<80x128xf32, #tpu.memory_space<vmem>>, vector<1x16xf32>,
        %add3A_643 = arith.constant 3 : i32
        %add3A_644 = arith.addi %mul3A_164, %add3A_643 : i32
        %get3A_645 = arith.index_cast %add3A_644 : i32 to index
        %get3A_646 = arith.constant 0 : index
        %get3A_647 = tpu.vector_load %arg17[%get3A_645, %get3A_646] {strides = array<i32>} : memref<80x128xf32, #tpu.memory_space<vmem>>, vector<1x16xf32>,
        %get3A_648 = vector.shape_cast %get3A_647 : vector<1x16xf32> to vector<16xf32>
        %add3A_649 = arith.constant 3 : i32
        %add3A_650 = arith.addi %mul3A_164, %add3A_649 : i32
        %get3A_651 = arith.index_cast %add3A_650 : i32 to index
        %get3A_652 = arith.constant 0 : index
        %get3A_653 = tpu.vector_load %arg18[%get3A_651, %get3A_652] {strides = array<i32>} : memref<80x128xf32, #tpu.memory_space<vmem>>, vector<1x16xf32>,
        %get3A_654 = vector.shape_cast %get3A_653 : vector<1x16xf32> to vector<16xf32>
        %mul3A_655 = arith.mulf %get3A_648, %get3A_654 : vector<16xf32>
        %add3A_656 = arith.constant 3 : i32
        %add3A_657 = arith.addi %mul3A_164, %add3A_656 : i32
        %swap3A_658 = arith.index_cast %add3A_657 : i32 to index
        %swap3A_659 = arith.constant 0 : index
        %swap3A_660 = tpu.vector_load %arg17[%swap3A_658, %swap3A_659] {strides = array<i32>} : memref<80x128xf32, #tpu.memory_space<vmem>>, vector<1x16xf32>,
        %swap3A_661 = vector.shape_cast %swap3A_660 : vector<1x16xf32> to vector<16xf32>
        %swap3A_662 = vector.shape_cast %mul3A_655 : vector<16xf32> to vector<1x16xf32>
        tpu.vector_store %arg17[%swap3A_658, %swap3A_659], %swap3A_662 {strides = array<i32>} : memref<80x128xf32, #tpu.memory_space<vmem>>, vector<1x16xf32>,
        %add3A_663 = arith.constant 3 : i32
        %add3A_664 = arith.addi %mul3A_164, %add3A_663 : i32
        %get3A_665 = arith.index_cast %add3A_664 : i32 to index
        %get3A_666 = arith.constant 16 : index
        %get3A_667 = tpu.vector_load %arg17[%get3A_665, %get3A_666] {strides = array<i32>} : memref<80x128xf32, #tpu.memory_space<vmem>>, vector<1x16xf32>,
        %get3A_668 = vector.shape_cast %get3A_667 : vector<1x16xf32> to vector<16xf32>
        %add3A_669 = arith.constant 3 : i32
        %add3A_670 = arith.addi %mul3A_164, %add3A_669 : i32
        %get3A_671 = arith.index_cast %add3A_670 : i32 to index
        %get3A_672 = arith.constant 16 : index
        %get3A_673 = tpu.vector_load %arg18[%get3A_671, %get3A_672] {strides = array<i32>} : memref<80x128xf32, #tpu.memory_space<vmem>>, vector<1x16xf32>,
        %get3A_674 = vector.shape_cast %get3A_673 : vector<1x16xf32> to vector<16xf32>
        %mul3A_675 = arith.mulf %get3A_668, %get3A_674 : vector<16xf32>
        %add3A_676 = arith.constant 3 : i32
        %add3A_677 = arith.addi %mul3A_164, %add3A_676 : i32
        %swap3A_678 = arith.index_cast %add3A_677 : i32 to index
        %swap3A_679 = arith.constant 16 : index
        %swap3A_680 = tpu.vector_load %arg17[%swap3A_678, %swap3A_679] {strides = array<i32>} : memref<80x128xf32, #tpu.memory_space<vmem>>, vector<1x16xf32>,
        %swap3A_681 = vector.shape_cast %swap3A_680 : vector<1x16xf32> to vector<16xf32>
        %swap3A_682 = vector.shape_cast %mul3A_675 : vector<16xf32> to vector<1x16xf32>
        tpu.vector_store %arg17[%swap3A_678, %swap3A_679], %swap3A_682 {strides = array<i32>} : memref<80x128xf32, #tpu.memory_space<vmem>>, vector<1x16xf32>,
        %add3A_683 = arith.constant 3 : i32
        %add3A_684 = arith.addi %mul3A_164, %add3A_683 : i32
        %get3A_685 = arith.index_cast %add3A_684 : i32 to index
        %get3A_686 = arith.constant 32 : index
        %get3A_687 = tpu.vector_load %arg17[%get3A_685, %get3A_686] {strides = array<i32>} : memref<80x128xf32, #tpu.memory_space<vmem>>, vector<1x16xf32>,
        %get3A_688 = vector.shape_cast %get3A_687 : vector<1x16xf32> to vector<16xf32>
        %add3A_689 = arith.constant 3 : i32
        %add3A_690 = arith.addi %mul3A_164, %add3A_689 : i32
        %get3A_691 = arith.index_cast %add3A_690 : i32 to index
        %get3A_692 = arith.constant 32 : index
        %get3A_693 = tpu.vector_load %arg18[%get3A_691, %get3A_692] {strides = array<i32>} : memref<80x128xf32, #tpu.memory_space<vmem>>, vector<1x16xf32>,
        %get3A_694 = vector.shape_cast %get3A_693 : vector<1x16xf32> to vector<16xf32>
        %mul3A_695 = arith.mulf %get3A_688, %get3A_694 : vector<16xf32>
        %add3A_696 = arith.constant 3 : i32
        %add3A_697 = arith.addi %mul3A_164, %add3A_696 : i32
        %swap3A_698 = arith.index_cast %add3A_697 : i32 to index
        %swap3A_699 = arith.constant 32 : index
        %swap3A_700 = tpu.vector_load %arg17[%swap3A_698, %swap3A_699] {strides = array<i32>} : memref<80x128xf32, #tpu.memory_space<vmem>>, vector<1x16xf32>,
        %swap3A_701 = vector.shape_cast %swap3A_700 : vector<1x16xf32> to vector<16xf32>
        %swap3A_702 = vector.shape_cast %mul3A_695 : vector<16xf32> to vector<1x16xf32>
        tpu.vector_store %arg17[%swap3A_698, %swap3A_699], %swap3A_702 {strides = array<i32>} : memref<80x128xf32, #tpu.memory_space<vmem>>, vector<1x16xf32>,
        %add3A_703 = arith.constant 3 : i32
        %add3A_704 = arith.addi %mul3A_164, %add3A_703 : i32
        %get3A_705 = arith.index_cast %add3A_704 : i32 to index
        %get3A_706 = arith.constant 48 : index
        %get3A_707 = tpu.vector_load %arg17[%get3A_705, %get3A_706] {strides = array<i32>} : memref<80x128xf32, #tpu.memory_space<vmem>>, vector<1x16xf32>,
        %get3A_708 = vector.shape_cast %get3A_707 : vector<1x16xf32> to vector<16xf32>
        %add3A_709 = arith.constant 3 : i32
        %add3A_710 = arith.addi %mul3A_164, %add3A_709 : i32
        %get3A_711 = arith.index_cast %add3A_710 : i32 to index
        %get3A_712 = arith.constant 48 : index
        %get3A_713 = tpu.vector_load %arg18[%get3A_711, %get3A_712] {strides = array<i32>} : memref<80x128xf32, #tpu.memory_space<vmem>>, vector<1x16xf32>,
        %get3A_714 = vector.shape_cast %get3A_713 : vector<1x16xf32> to vector<16xf32>
        %mul3A_715 = arith.mulf %get3A_708, %get3A_714 : vector<16xf32>
        %add3A_716 = arith.constant 3 : i32
        %add3A_717 = arith.addi %mul3A_164, %add3A_716 : i32
        %swap3A_718 = arith.index_cast %add3A_717 : i32 to index
        %swap3A_719 = arith.constant 48 : index
        %swap3A_720 = tpu.vector_load %arg17[%swap3A_718, %swap3A_719] {strides = array<i32>} : memref<80x128xf32, #tpu.memory_space<vmem>>, vector<1x16xf32>,
        %swap3A_721 = vector.shape_cast %swap3A_720 : vector<1x16xf32> to vector<16xf32>
        %swap3A_722 = vector.shape_cast %mul3A_715 : vector<16xf32> to vector<1x16xf32>
        tpu.vector_store %arg17[%swap3A_718, %swap3A_719], %swap3A_722 {strides = array<i32>} : memref<80x128xf32, #tpu.memory_space<vmem>>, vector<1x16xf32>,
        %add3A_723 = arith.constant 3 : i32
        %add3A_724 = arith.addi %mul3A_164, %add3A_723 : i32
        %get3A_725 = arith.index_cast %add3A_724 : i32 to index
        %get3A_726 = arith.constant 64 : index
        %get3A_727 = tpu.vector_load %arg17[%get3A_725, %get3A_726] {strides = array<i32>} : memref<80x128xf32, #tpu.memory_space<vmem>>, vector<1x16xf32>,
        %get3A_728 = vector.shape_cast %get3A_727 : vector<1x16xf32> to vector<16xf32>
        %add3A_729 = arith.constant 3 : i32
        %add3A_730 = arith.addi %mul3A_164, %add3A_729 : i32
        %get3A_731 = arith.index_cast %add3A_730 : i32 to index
        %get3A_732 = arith.constant 64 : index
        %get3A_733 = tpu.vector_load %arg18[%get3A_731, %get3A_732] {strides = array<i32>} : memref<80x128xf32, #tpu.memory_space<vmem>>, vector<1x16xf32>,
        %get3A_734 = vector.shape_cast %get3A_733 : vector<1x16xf32> to vector<16xf32>
        %mul3A_735 = arith.mulf %get3A_728, %get3A_734 : vector<16xf32>
        %add3A_736 = arith.constant 3 : i32
        %add3A_737 = arith.addi %mul3A_164, %add3A_736 : i32
        %swap3A_738 = arith.index_cast %add3A_737 : i32 to index
        %swap3A_739 = arith.constant 64 : index
        %swap3A_740 = tpu.vector_load %arg17[%swap3A_738, %swap3A_739] {strides = array<i32>} : memref<80x128xf32, #tpu.memory_space<vmem>>, vector<1x16xf32>,
        %swap3A_741 = vector.shape_cast %swap3A_740 : vector<1x16xf32> to vector<16xf32>
        %swap3A_742 = vector.shape_cast %mul3A_735 : vector<16xf32> to vector<1x16xf32>
        tpu.vector_store %arg17[%swap3A_738, %swap3A_739], %swap3A_742 {strides = array<i32>} : memref<80x128xf32, #tpu.memory_space<vmem>>, vector<1x16xf32>,
        %add3A_743 = arith.constant 3 : i32
        %add3A_744 = arith.addi %mul3A_164, %add3A_743 : i32
        %get3A_745 = arith.index_cast %add3A_744 : i32 to index
        %get3A_746 = arith.constant 80 : index
        %get3A_747 = tpu.vector_load %arg17[%get3A_745, %get3A_746] {strides = array<i32>} : memref<80x128xf32, #tpu.memory_space<vmem>>, vector<1x16xf32>,
        %get3A_748 = vector.shape_cast %get3A_747 : vector<1x16xf32> to vector<16xf32>
        %add3A_749 = arith.constant 3 : i32
        %add3A_750 = arith.addi %mul3A_164, %add3A_749 : i32
        %get3A_751 = arith.index_cast %add3A_750 : i32 to index
        %get3A_752 = arith.constant 80 : index
        %get3A_753 = tpu.vector_load %arg18[%get3A_751, %get3A_752] {strides = array<i32>} : memref<80x128xf32, #tpu.memory_space<vmem>>, vector<1x16xf32>,
        %get3A_754 = vector.shape_cast %get3A_753 : vector<1x16xf32> to vector<16xf32>
        %mul3A_755 = arith.mulf %get3A_748, %get3A_754 : vector<16xf32>
        %add3A_756 = arith.constant 3 : i32
        %add3A_757 = arith.addi %mul3A_164, %add3A_756 : i32
        %swap3A_758 = arith.index_cast %add3A_757 : i32 to index
        %swap3A_759 = arith.constant 80 : index
        %swap3A_760 = tpu.vector_load %arg17[%swap3A_758, %swap3A_759] {strides = array<i32>} : memref<80x128xf32, #tpu.memory_space<vmem>>, vector<1x16xf32>,
        %swap3A_761 = vector.shape_cast %swap3A_760 : vector<1x16xf32> to vector<16xf32>
        %swap3A_762 = vector.shape_cast %mul3A_755 : vector<16xf32> to vector<1x16xf32>
        tpu.vector_store %arg17[%swap3A_758, %swap3A_759], %swap3A_762 {strides = array<i32>} : memref<80x128xf32, #tpu.memory_space<vmem>>, vector<1x16xf32>,
        %add3A_763 = arith.constant 3 : i32
        %add3A_764 = arith.addi %mul3A_164, %add3A_763 : i32
        %get3A_765 = arith.index_cast %add3A_764 : i32 to index
        %get3A_766 = arith.constant 96 : index
        %get3A_767 = tpu.vector_load %arg17[%get3A_765, %get3A_766] {strides = array<i32>} : memref<80x128xf32, #tpu.memory_space<vmem>>, vector<1x16xf32>,
        %get3A_768 = vector.shape_cast %get3A_767 : vector<1x16xf32> to vector<16xf32>
        %add3A_769 = arith.constant 3 : i32
        %add3A_770 = arith.addi %mul3A_164, %add3A_769 : i32
        %get3A_771 = arith.index_cast %add3A_770 : i32 to index
        %get3A_772 = arith.constant 96 : index
        %get3A_773 = tpu.vector_load %arg18[%get3A_771, %get3A_772] {strides = array<i32>} : memref<80x128xf32, #tpu.memory_space<vmem>>, vector<1x16xf32>,
        %get3A_774 = vector.shape_cast %get3A_773 : vector<1x16xf32> to vector<16xf32>
        %mul3A_775 = arith.mulf %get3A_768, %get3A_774 : vector<16xf32>
        %add3A_776 = arith.constant 3 : i32
        %add3A_777 = arith.addi %mul3A_164, %add3A_776 : i32
        %swap3A_778 = arith.index_cast %add3A_777 : i32 to index
        %swap3A_779 = arith.constant 96 : index
        %swap3A_780 = tpu.vector_load %arg17[%swap3A_778, %swap3A_779] {strides = array<i32>} : memref<80x128xf32, #tpu.memory_space<vmem>>, vector<1x16xf32>,
        %swap3A_781 = vector.shape_cast %swap3A_780 : vector<1x16xf32> to vector<16xf32>
        %swap3A_782 = vector.shape_cast %mul3A_775 : vector<16xf32> to vector<1x16xf32>
        tpu.vector_store %arg17[%swap3A_778, %swap3A_779], %swap3A_782 {strides = array<i32>} : memref<80x128xf32, #tpu.memory_space<vmem>>, vector<1x16xf32>,
        %add3A_783 = arith.constant 3 : i32
        %add3A_784 = arith.addi %mul3A_164, %add3A_783 : i32
        %get3A_785 = arith.index_cast %add3A_784 : i32 to index
        %get3A_786 = arith.constant 112 : index
        %get3A_787 = tpu.vector_load %arg17[%get3A_785, %get3A_786] {strides = array<i32>} : memref<80x128xf32, #tpu.memory_space<vmem>>, vector<1x16xf32>,
        %get3A_788 = vector.shape_cast %get3A_787 : vector<1x16xf32> to vector<16xf32>
        %add3A_789 = arith.constant 3 : i32
        %add3A_790 = arith.addi %mul3A_164, %add3A_789 : i32
        %get3A_791 = arith.index_cast %add3A_790 : i32 to index
        %get3A_792 = arith.constant 112 : index
        %get3A_793 = tpu.vector_load %arg18[%get3A_791, %get3A_792] {strides = array<i32>} : memref<80x128xf32, #tpu.memory_space<vmem>>, vector<1x16xf32>,
        %get3A_794 = vector.shape_cast %get3A_793 : vector<1x16xf32> to vector<16xf32>
        %mul3A_795 = arith.mulf %get3A_788, %get3A_794 : vector<16xf32>
        %add3A_796 = arith.constant 3 : i32
        %add3A_797 = arith.addi %mul3A_164, %add3A_796 : i32
        %swap3A_798 = arith.index_cast %add3A_797 : i32 to index
        %swap3A_799 = arith.constant 112 : index
        %swap3A_800 = tpu.vector_load %arg17[%swap3A_798, %swap3A_799] {strides = array<i32>} : memref<80x128xf32, #tpu.memory_space<vmem>>, vector<1x16xf32>,
        %swap3A_801 = vector.shape_cast %swap3A_800 : vector<1x16xf32> to vector<16xf32>
        %swap3A_802 = vector.shape_cast %mul3A_795 : vector<16xf32> to vector<1x16xf32>
        tpu.vector_store %arg17[%swap3A_798, %swap3A_799], %swap3A_802 {strides = array<i32>} : memref<80x128xf32, #tpu.memory_space<vmem>>, vector<1x16xf32>,
        %scan3A_803 = arith.constant 0 : i32
        scf.yield %scan3A_803 : i32
      }
      %scan3A_113 = arith.constant 20 : i32
      %dma_start3A_114 = arith.constant 0 : i32
      %dma_start3A_115 = arith.constant 0 : i32
      %dma_start3A_116 = tpu.memref_slice %arg7[%dma_start3A_114, %dma_start3A_115] : memref<10240x128xf32, #tpu.memory_space<vmem_shared>> -> memref<10240x128xf32, #tpu.memory_space<vmem_shared>>
      tpu.enqueue_indirect_dma source(%arg17 : memref<80x128xf32, #tpu.memory_space<vmem>>) target(%dma_start3A_116 : memref<10240x128xf32, #tpu.memory_space<vmem_shared>>) offsets(%arg14 : memref<80xi32, #tpu.memory_space<vmem>>) semaphore(%arg24 : memref<!tpu.dma_semaphore, #tpu.memory_space<semaphore_mem>>) {add = true}
      %mul3A_117 = arith.constant 2 : i32
      %mul3A_118 = arith.muli %mul3A_117, %scan3A_83 : i32
      %add3A_119 = arith.constant 2 : i32
      %add3A_120 = arith.addi %mul3A_118, %add3A_119 : i32
      %add3A_121 = arith.constant 0 : i32
      %add3A_122 = arith.addi %add3A_120, %add3A_121 : i32
      %min3A = arith.constant 124 : i32
      %min3A_123 = arith.minsi %add3A_122, %min3A : i32
      %dma_wait3A_124 = arith.constant 0 : i32
      %dma_wait3A_125 = arith.constant 0 : i32
      %dma_wait3A_126 = tpu.memref_slice %arg7[%dma_wait3A_124, %dma_wait3A_125] : memref<10240x128xf32, #tpu.memory_space<vmem_shared>> -> memref<10240x128xf32, #tpu.memory_space<vmem_shared>>
      tpu.wait_indirect_dma semaphore(%arg21 : memref<!tpu.dma_semaphore, #tpu.memory_space<semaphore_mem>>) src(%arg12 : memref<80x128xf32, #tpu.memory_space<vmem>>) dst(%dma_wait3A_126 : memref<10240x128xf32, #tpu.memory_space<vmem_shared>>)
      %mul3A_127 = arith.constant 80 : i32
      %mul3A_128 = arith.muli %min3A_123, %mul3A_127 : i32
      %add3A_129 = arith.addi %add3A_31, %mul3A_128 : i32
      "tpu.region"() ({
        %run_scoped3A = tpu.sem_alloc : memref<!tpu.dma_semaphore, #tpu.memory_space<semaphore_mem>>
        %dma_start3A_161 = tpu.memref_slice %arg2[%add3A_129] : memref<640000xi32, #tpu.memory_space<hbm>> -> memref<80xi32, #tpu.memory_space<hbm>>
        %dma_start3A_162 = tpu.memref_slice %arg2[%add3A_129] : memref<640000xi32, #tpu.memory_space<hbm>> -> memref<80xi32, #tpu.memory_space<hbm>>
        tpu.enqueue_dma source(%dma_start3A_162 : memref<80xi32, #tpu.memory_space<hbm>>) target(%arg9 : memref<80xi32, #tpu.memory_space<vmem>>) target_semaphore(%run_scoped3A : memref<!tpu.dma_semaphore, #tpu.memory_space<semaphore_mem>>)
        %dma_wait3A_163 = tpu.memref_slice %arg2[%add3A_129] : memref<640000xi32, #tpu.memory_space<hbm>> -> memref<80xi32, #tpu.memory_space<hbm>>
        %dma_wait3A_164 = tpu.memref_slice %arg2[%add3A_129] : memref<640000xi32, #tpu.memory_space<hbm>> -> memref<80xi32, #tpu.memory_space<hbm>>
        tpu.wait_dma2 semaphore(%run_scoped3A : memref<!tpu.dma_semaphore, #tpu.memory_space<semaphore_mem>>) src(%dma_wait3A_164 : memref<80xi32, #tpu.memory_space<hbm>>) dst(%arg9 : memref<80xi32, #tpu.memory_space<vmem>>)
        tpu.yield
      }) : () -> ()
      %add3A_130 = arith.constant 320000 : i32
      %add3A_131 = arith.addi %add3A_130, %add3A_129 : i32
      "tpu.region"() ({
        %run_scoped3A = tpu.sem_alloc : memref<!tpu.dma_semaphore, #tpu.memory_space<semaphore_mem>>
        %dma_start3A_161 = tpu.memref_slice %arg2[%add3A_131] : memref<640000xi32, #tpu.memory_space<hbm>> -> memref<80xi32, #tpu.memory_space<hbm>>
        %dma_start3A_162 = tpu.memref_slice %arg2[%add3A_131] : memref<640000xi32, #tpu.memory_space<hbm>> -> memref<80xi32, #tpu.memory_space<hbm>>
        tpu.enqueue_dma source(%dma_start3A_162 : memref<80xi32, #tpu.memory_space<hbm>>) target(%arg10 : memref<80xi32, #tpu.memory_space<vmem>>) target_semaphore(%run_scoped3A : memref<!tpu.dma_semaphore, #tpu.memory_space<semaphore_mem>>)
        %dma_wait3A_163 = tpu.memref_slice %arg2[%add3A_131] : memref<640000xi32, #tpu.memory_space<hbm>> -> memref<80xi32, #tpu.memory_space<hbm>>
        %dma_wait3A_164 = tpu.memref_slice %arg2[%add3A_131] : memref<640000xi32, #tpu.memory_space<hbm>> -> memref<80xi32, #tpu.memory_space<hbm>>
        tpu.wait_dma2 semaphore(%run_scoped3A : memref<!tpu.dma_semaphore, #tpu.memory_space<semaphore_mem>>) src(%dma_wait3A_164 : memref<80xi32, #tpu.memory_space<hbm>>) dst(%arg10 : memref<80xi32, #tpu.memory_space<vmem>>)
        tpu.yield
      }) : () -> ()
      "tpu.region"() ({
        %run_scoped3A = tpu.sem_alloc : memref<!tpu.dma_semaphore, #tpu.memory_space<semaphore_mem>>
        %dma_start3A_161 = tpu.memref_slice %arg3[%add3A_129] : memref<320000xi32, #tpu.memory_space<hbm>> -> memref<80xi32, #tpu.memory_space<hbm>>
        %dma_start3A_162 = tpu.memref_slice %arg3[%add3A_129] : memref<320000xi32, #tpu.memory_space<hbm>> -> memref<80xi32, #tpu.memory_space<hbm>>
        tpu.enqueue_dma source(%dma_start3A_162 : memref<80xi32, #tpu.memory_space<hbm>>) target(%arg11 : memref<80xi32, #tpu.memory_space<vmem>>) target_semaphore(%run_scoped3A : memref<!tpu.dma_semaphore, #tpu.memory_space<semaphore_mem>>)
        %dma_wait3A_163 = tpu.memref_slice %arg3[%add3A_129] : memref<320000xi32, #tpu.memory_space<hbm>> -> memref<80xi32, #tpu.memory_space<hbm>>
        %dma_wait3A_164 = tpu.memref_slice %arg3[%add3A_129] : memref<320000xi32, #tpu.memory_space<hbm>> -> memref<80xi32, #tpu.memory_space<hbm>>
        tpu.wait_dma2 semaphore(%run_scoped3A : memref<!tpu.dma_semaphore, #tpu.memory_space<semaphore_mem>>) src(%dma_wait3A_164 : memref<80xi32, #tpu.memory_space<hbm>>) dst(%arg11 : memref<80xi32, #tpu.memory_space<vmem>>)
        tpu.yield
      }) : () -> ()
      %dma_start3A_132 = arith.constant 0 : i32
      %dma_start3A_133 = arith.constant 0 : i32
      %dma_start3A_134 = tpu.memref_slice %arg4[%dma_start3A_132, %dma_start3A_133] : memref<10000x128xf32, #tpu.memory_space<hbm>> -> memref<10000x128xf32, #tpu.memory_space<hbm>>
      tpu.enqueue_indirect_dma source(%dma_start3A_134 : memref<10000x128xf32, #tpu.memory_space<hbm>>) target(%arg12 : memref<80x128xf32, #tpu.memory_space<vmem>>) offsets(%arg10 : memref<80xi32, #tpu.memory_space<vmem>>) semaphore(%arg19 : memref<!tpu.dma_semaphore, #tpu.memory_space<semaphore_mem>>)
      %dma_start3A_135 = arith.constant 0 : i32
      %dma_start3A_136 = arith.constant 0 : i32
      %dma_start3A_137 = tpu.memref_slice %arg8[%dma_start3A_135, %dma_start3A_136] : memref<256x128xf32, #tpu.memory_space<vmem_shared>> -> memref<256x128xf32, #tpu.memory_space<vmem_shared>>
      tpu.enqueue_indirect_dma source(%dma_start3A_137 : memref<256x128xf32, #tpu.memory_space<vmem_shared>>) target(%arg13 : memref<80x128xf32, #tpu.memory_space<vmem>>) offsets(%arg11 : memref<80xi32, #tpu.memory_space<vmem>>) semaphore(%arg20 : memref<!tpu.dma_semaphore, #tpu.memory_space<semaphore_mem>>)
      %mul3A_138 = arith.constant 2 : i32
      %mul3A_139 = arith.muli %mul3A_138, %scan3A_83 : i32
      %add3A_140 = arith.constant 2 : i32
      %add3A_141 = arith.addi %mul3A_139, %add3A_140 : i32
      %add3A_142 = arith.constant 1 : i32
      %add3A_143 = arith.addi %add3A_141, %add3A_142 : i32
      %min3A_144 = arith.constant 124 : i32
      %min3A_145 = arith.minsi %add3A_143, %min3A_144 : i32
      %dma_wait3A_146 = arith.constant 0 : i32
      %dma_wait3A_147 = arith.constant 0 : i32
      %dma_wait3A_148 = tpu.memref_slice %arg7[%dma_wait3A_146, %dma_wait3A_147] : memref<10240x128xf32, #tpu.memory_space<vmem_shared>> -> memref<10240x128xf32, #tpu.memory_space<vmem_shared>>
      tpu.wait_indirect_dma semaphore(%arg24 : memref<!tpu.dma_semaphore, #tpu.memory_space<semaphore_mem>>) src(%arg17 : memref<80x128xf32, #tpu.memory_space<vmem>>) dst(%dma_wait3A_148 : memref<10240x128xf32, #tpu.memory_space<vmem_shared>>)
      %mul3A_149 = arith.constant 80 : i32
      %mul3A_150 = arith.muli %min3A_145, %mul3A_149 : i32
      %add3A_151 = arith.addi %add3A_31, %mul3A_150 : i32
      "tpu.region"() ({
        %run_scoped3A = tpu.sem_alloc : memref<!tpu.dma_semaphore, #tpu.memory_space<semaphore_mem>>
        %dma_start3A_161 = tpu.memref_slice %arg2[%add3A_151] : memref<640000xi32, #tpu.memory_space<hbm>> -> memref<80xi32, #tpu.memory_space<hbm>>
        %dma_start3A_162 = tpu.memref_slice %arg2[%add3A_151] : memref<640000xi32, #tpu.memory_space<hbm>> -> memref<80xi32, #tpu.memory_space<hbm>>
        tpu.enqueue_dma source(%dma_start3A_162 : memref<80xi32, #tpu.memory_space<hbm>>) target(%arg14 : memref<80xi32, #tpu.memory_space<vmem>>) target_semaphore(%run_scoped3A : memref<!tpu.dma_semaphore, #tpu.memory_space<semaphore_mem>>)
        %dma_wait3A_163 = tpu.memref_slice %arg2[%add3A_151] : memref<640000xi32, #tpu.memory_space<hbm>> -> memref<80xi32, #tpu.memory_space<hbm>>
        %dma_wait3A_164 = tpu.memref_slice %arg2[%add3A_151] : memref<640000xi32, #tpu.memory_space<hbm>> -> memref<80xi32, #tpu.memory_space<hbm>>
        tpu.wait_dma2 semaphore(%run_scoped3A : memref<!tpu.dma_semaphore, #tpu.memory_space<semaphore_mem>>) src(%dma_wait3A_164 : memref<80xi32, #tpu.memory_space<hbm>>) dst(%arg14 : memref<80xi32, #tpu.memory_space<vmem>>)
        tpu.yield
      }) : () -> ()
      %add3A_152 = arith.constant 320000 : i32
      %add3A_153 = arith.addi %add3A_152, %add3A_151 : i32
      "tpu.region"() ({
        %run_scoped3A = tpu.sem_alloc : memref<!tpu.dma_semaphore, #tpu.memory_space<semaphore_mem>>
        %dma_start3A_161 = tpu.memref_slice %arg2[%add3A_153] : memref<640000xi32, #tpu.memory_space<hbm>> -> memref<80xi32, #tpu.memory_space<hbm>>
        %dma_start3A_162 = tpu.memref_slice %arg2[%add3A_153] : memref<640000xi32, #tpu.memory_space<hbm>> -> memref<80xi32, #tpu.memory_space<hbm>>
        tpu.enqueue_dma source(%dma_start3A_162 : memref<80xi32, #tpu.memory_space<hbm>>) target(%arg15 : memref<80xi32, #tpu.memory_space<vmem>>) target_semaphore(%run_scoped3A : memref<!tpu.dma_semaphore, #tpu.memory_space<semaphore_mem>>)
        %dma_wait3A_163 = tpu.memref_slice %arg2[%add3A_153] : memref<640000xi32, #tpu.memory_space<hbm>> -> memref<80xi32, #tpu.memory_space<hbm>>
        %dma_wait3A_164 = tpu.memref_slice %arg2[%add3A_153] : memref<640000xi32, #tpu.memory_space<hbm>> -> memref<80xi32, #tpu.memory_space<hbm>>
        tpu.wait_dma2 semaphore(%run_scoped3A : memref<!tpu.dma_semaphore, #tpu.memory_space<semaphore_mem>>) src(%dma_wait3A_164 : memref<80xi32, #tpu.memory_space<hbm>>) dst(%arg15 : memref<80xi32, #tpu.memory_space<vmem>>)
        tpu.yield
      }) : () -> ()
      "tpu.region"() ({
        %run_scoped3A = tpu.sem_alloc : memref<!tpu.dma_semaphore, #tpu.memory_space<semaphore_mem>>
        %dma_start3A_161 = tpu.memref_slice %arg3[%add3A_151] : memref<320000xi32, #tpu.memory_space<hbm>> -> memref<80xi32, #tpu.memory_space<hbm>>
        %dma_start3A_162 = tpu.memref_slice %arg3[%add3A_151] : memref<320000xi32, #tpu.memory_space<hbm>> -> memref<80xi32, #tpu.memory_space<hbm>>
        tpu.enqueue_dma source(%dma_start3A_162 : memref<80xi32, #tpu.memory_space<hbm>>) target(%arg16 : memref<80xi32, #tpu.memory_space<vmem>>) target_semaphore(%run_scoped3A : memref<!tpu.dma_semaphore, #tpu.memory_space<semaphore_mem>>)
        %dma_wait3A_163 = tpu.memref_slice %arg3[%add3A_151] : memref<320000xi32, #tpu.memory_space<hbm>> -> memref<80xi32, #tpu.memory_space<hbm>>
        %dma_wait3A_164 = tpu.memref_slice %arg3[%add3A_151] : memref<320000xi32, #tpu.memory_space<hbm>> -> memref<80xi32, #tpu.memory_space<hbm>>
        tpu.wait_dma2 semaphore(%run_scoped3A : memref<!tpu.dma_semaphore, #tpu.memory_space<semaphore_mem>>) src(%dma_wait3A_164 : memref<80xi32, #tpu.memory_space<hbm>>) dst(%arg16 : memref<80xi32, #tpu.memory_space<vmem>>)
        tpu.yield
      }) : () -> ()
      %dma_start3A_154 = arith.constant 0 : i32
      %dma_start3A_155 = arith.constant 0 : i32
      %dma_start3A_156 = tpu.memref_slice %arg4[%dma_start3A_154, %dma_start3A_155] : memref<10000x128xf32, #tpu.memory_space<hbm>> -> memref<10000x128xf32, #tpu.memory_space<hbm>>
      tpu.enqueue_indirect_dma source(%dma_start3A_156 : memref<10000x128xf32, #tpu.memory_space<hbm>>) target(%arg17 : memref<80x128xf32, #tpu.memory_space<vmem>>) offsets(%arg15 : memref<80xi32, #tpu.memory_space<vmem>>) semaphore(%arg22 : memref<!tpu.dma_semaphore, #tpu.memory_space<semaphore_mem>>)
      %dma_start3A_157 = arith.constant 0 : i32
      %dma_start3A_158 = arith.constant 0 : i32
      %dma_start3A_159 = tpu.memref_slice %arg8[%dma_start3A_157, %dma_start3A_158] : memref<256x128xf32, #tpu.memory_space<vmem_shared>> -> memref<256x128xf32, #tpu.memory_space<vmem_shared>>
      tpu.enqueue_indirect_dma source(%dma_start3A_159 : memref<256x128xf32, #tpu.memory_space<vmem_shared>>) target(%arg18 : memref<80x128xf32, #tpu.memory_space<vmem>>) offsets(%arg16 : memref<80xi32, #tpu.memory_space<vmem>>) semaphore(%arg23 : memref<!tpu.dma_semaphore, #tpu.memory_space<semaphore_mem>>)
      %scan3A_160 = arith.constant 0 : i32
      scf.yield %scan3A_160 : i32
    }
    %scan3A_57 = arith.constant 62 : i32
    %dma_wait3A = arith.constant 0 : i32
    %dma_wait3A_58 = arith.constant 0 : i32
    %dma_wait3A_59 = tpu.memref_slice %arg4[%dma_wait3A, %dma_wait3A_58] : memref<10000x128xf32, #tpu.memory_space<hbm>> -> memref<10000x128xf32, #tpu.memory_space<hbm>>
    tpu.wait_indirect_dma semaphore(%arg19 : memref<!tpu.dma_semaphore, #tpu.memory_space<semaphore_mem>>) src(%dma_wait3A_59 : memref<10000x128xf32, #tpu.memory_space<hbm>>) dst(%arg12 : memref<80x128xf32, #tpu.memory_space<vmem>>)
    %dma_wait3A_60 = arith.constant 0 : i32
    %dma_wait3A_61 = arith.constant 0 : i32
    %dma_wait3A_62 = tpu.memref_slice %arg8[%dma_wait3A_60, %dma_wait3A_61] : memref<256x128xf32, #tpu.memory_space<vmem_shared>> -> memref<256x128xf32, #tpu.memory_space<vmem_shared>>
    tpu.wait_indirect_dma semaphore(%arg20 : memref<!tpu.dma_semaphore, #tpu.memory_space<semaphore_mem>>) src(%dma_wait3A_62 : memref<256x128xf32, #tpu.memory_space<vmem_shared>>) dst(%arg13 : memref<80x128xf32, #tpu.memory_space<vmem>>)
    %scan3A_63 = arith.constant 0 : i32
    %scan3A_64 = arith.constant 0 : i32
    %scan3A_65 = arith.constant 20 : i32
    %scan3A_66 = arith.addi %scan3A_64, %scan3A_65 : i32
    %scan3A_67 = arith.constant 1 : i32
    %scan3A_68 = scf.for %scan3A_83 = %scan3A_64 to %scan3A_66 step %scan3A_67 iter_args(%scan3A_84 = %scan3A_63) -> (i32)  : i32 {
      %mul3A_85 = arith.constant 4 : i32
      %mul3A_86 = arith.muli %scan3A_83, %mul3A_85 : i32
      %add3A_87 = arith.constant 0 : i32
      %add3A_88 = arith.addi %mul3A_86, %add3A_87 : i32
      %get3A = arith.index_cast %add3A_88 : i32 to index
      %get3A_89 = arith.constant 0 : index
      %get3A_90 = tpu.vector_load %arg12[%get3A, %get3A_89] {strides = array<i32>} : memref<80x128xf32, #tpu.memory_space<vmem>>, vector<1x16xf32>,
      %get3A_91 = vector.shape_cast %get3A_90 : vector<1x16xf32> to vector<16xf32>
      %add3A_92 = arith.constant 0 : i32
      %add3A_93 = arith.addi %mul3A_86, %add3A_92 : i32
      %get3A_94 = arith.index_cast %add3A_93 : i32 to index
      %get3A_95 = arith.constant 0 : index
      %get3A_96 = tpu.vector_load %arg13[%get3A_94, %get3A_95] {strides = array<i32>} : memref<80x128xf32, #tpu.memory_space<vmem>>, vector<1x16xf32>,
      %get3A_97 = vector.shape_cast %get3A_96 : vector<1x16xf32> to vector<16xf32>
      %mul3A_98 = arith.mulf %get3A_91, %get3A_97 : vector<16xf32>
      %add3A_99 = arith.constant 0 : i32
      %add3A_100 = arith.addi %mul3A_86, %add3A_99 : i32
      %swap3A = arith.index_cast %add3A_100 : i32 to index
      %swap3A_101 = arith.constant 0 : index
      %swap3A_102 = tpu.vector_load %arg12[%swap3A, %swap3A_101] {strides = array<i32>} : memref<80x128xf32, #tpu.memory_space<vmem>>, vector<1x16xf32>,
      %swap3A_103 = vector.shape_cast %swap3A_102 : vector<1x16xf32> to vector<16xf32>
      %swap3A_104 = vector.shape_cast %mul3A_98 : vector<16xf32> to vector<1x16xf32>
      tpu.vector_store %arg12[%swap3A, %swap3A_101], %swap3A_104 {strides = array<i32>} : memref<80x128xf32, #tpu.memory_space<vmem>>, vector<1x16xf32>,
      %add3A_105 = arith.constant 0 : i32
      %add3A_106 = arith.addi %mul3A_86, %add3A_105 : i32
      %get3A_107 = arith.index_cast %add3A_106 : i32 to index
      %get3A_108 = arith.constant 16 : index
      %get3A_109 = tpu.vector_load %arg12[%get3A_107, %get3A_108] {strides = array<i32>} : memref<80x128xf32, #tpu.memory_space<vmem>>, vector<1x16xf32>,
      %get3A_110 = vector.shape_cast %get3A_109 : vector<1x16xf32> to vector<16xf32>
      %add3A_111 = arith.constant 0 : i32
      %add3A_112 = arith.addi %mul3A_86, %add3A_111 : i32
      %get3A_113 = arith.index_cast %add3A_112 : i32 to index
      %get3A_114 = arith.constant 16 : index
      %get3A_115 = tpu.vector_load %arg13[%get3A_113, %get3A_114] {strides = array<i32>} : memref<80x128xf32, #tpu.memory_space<vmem>>, vector<1x16xf32>,
      %get3A_116 = vector.shape_cast %get3A_115 : vector<1x16xf32> to vector<16xf32>
      %mul3A_117 = arith.mulf %get3A_110, %get3A_116 : vector<16xf32>
      %add3A_118 = arith.constant 0 : i32
      %add3A_119 = arith.addi %mul3A_86, %add3A_118 : i32
      %swap3A_120 = arith.index_cast %add3A_119 : i32 to index
      %swap3A_121 = arith.constant 16 : index
      %swap3A_122 = tpu.vector_load %arg12[%swap3A_120, %swap3A_121] {strides = array<i32>} : memref<80x128xf32, #tpu.memory_space<vmem>>, vector<1x16xf32>,
      %swap3A_123 = vector.shape_cast %swap3A_122 : vector<1x16xf32> to vector<16xf32>
      %swap3A_124 = vector.shape_cast %mul3A_117 : vector<16xf32> to vector<1x16xf32>
      tpu.vector_store %arg12[%swap3A_120, %swap3A_121], %swap3A_124 {strides = array<i32>} : memref<80x128xf32, #tpu.memory_space<vmem>>, vector<1x16xf32>,
      %add3A_125 = arith.constant 0 : i32
      %add3A_126 = arith.addi %mul3A_86, %add3A_125 : i32
      %get3A_127 = arith.index_cast %add3A_126 : i32 to index
      %get3A_128 = arith.constant 32 : index
      %get3A_129 = tpu.vector_load %arg12[%get3A_127, %get3A_128] {strides = array<i32>} : memref<80x128xf32, #tpu.memory_space<vmem>>, vector<1x16xf32>,
      %get3A_130 = vector.shape_cast %get3A_129 : vector<1x16xf32> to vector<16xf32>
      %add3A_131 = arith.constant 0 : i32
      %add3A_132 = arith.addi %mul3A_86, %add3A_131 : i32
      %get3A_133 = arith.index_cast %add3A_132 : i32 to index
      %get3A_134 = arith.constant 32 : index
      %get3A_135 = tpu.vector_load %arg13[%get3A_133, %get3A_134] {strides = array<i32>} : memref<80x128xf32, #tpu.memory_space<vmem>>, vector<1x16xf32>,
      %get3A_136 = vector.shape_cast %get3A_135 : vector<1x16xf32> to vector<16xf32>
      %mul3A_137 = arith.mulf %get3A_130, %get3A_136 : vector<16xf32>
      %add3A_138 = arith.constant 0 : i32
      %add3A_139 = arith.addi %mul3A_86, %add3A_138 : i32
      %swap3A_140 = arith.index_cast %add3A_139 : i32 to index
      %swap3A_141 = arith.constant 32 : index
      %swap3A_142 = tpu.vector_load %arg12[%swap3A_140, %swap3A_141] {strides = array<i32>} : memref<80x128xf32, #tpu.memory_space<vmem>>, vector<1x16xf32>,
      %swap3A_143 = vector.shape_cast %swap3A_142 : vector<1x16xf32> to vector<16xf32>
      %swap3A_144 = vector.shape_cast %mul3A_137 : vector<16xf32> to vector<1x16xf32>
      tpu.vector_store %arg12[%swap3A_140, %swap3A_141], %swap3A_144 {strides = array<i32>} : memref<80x128xf32, #tpu.memory_space<vmem>>, vector<1x16xf32>,
      %add3A_145 = arith.constant 0 : i32
      %add3A_146 = arith.addi %mul3A_86, %add3A_145 : i32
      %get3A_147 = arith.index_cast %add3A_146 : i32 to index
      %get3A_148 = arith.constant 48 : index
      %get3A_149 = tpu.vector_load %arg12[%get3A_147, %get3A_148] {strides = array<i32>} : memref<80x128xf32, #tpu.memory_space<vmem>>, vector<1x16xf32>,
      %get3A_150 = vector.shape_cast %get3A_149 : vector<1x16xf32> to vector<16xf32>
      %add3A_151 = arith.constant 0 : i32
      %add3A_152 = arith.addi %mul3A_86, %add3A_151 : i32
      %get3A_153 = arith.index_cast %add3A_152 : i32 to index
      %get3A_154 = arith.constant 48 : index
      %get3A_155 = tpu.vector_load %arg13[%get3A_153, %get3A_154] {strides = array<i32>} : memref<80x128xf32, #tpu.memory_space<vmem>>, vector<1x16xf32>,
      %get3A_156 = vector.shape_cast %get3A_155 : vector<1x16xf32> to vector<16xf32>
      %mul3A_157 = arith.mulf %get3A_150, %get3A_156 : vector<16xf32>
      %add3A_158 = arith.constant 0 : i32
      %add3A_159 = arith.addi %mul3A_86, %add3A_158 : i32
      %swap3A_160 = arith.index_cast %add3A_159 : i32 to index
      %swap3A_161 = arith.constant 48 : index
      %swap3A_162 = tpu.vector_load %arg12[%swap3A_160, %swap3A_161] {strides = array<i32>} : memref<80x128xf32, #tpu.memory_space<vmem>>, vector<1x16xf32>,
      %swap3A_163 = vector.shape_cast %swap3A_162 : vector<1x16xf32> to vector<16xf32>
      %swap3A_164 = vector.shape_cast %mul3A_157 : vector<16xf32> to vector<1x16xf32>
      tpu.vector_store %arg12[%swap3A_160, %swap3A_161], %swap3A_164 {strides = array<i32>} : memref<80x128xf32, #tpu.memory_space<vmem>>, vector<1x16xf32>,
      %add3A_165 = arith.constant 0 : i32
      %add3A_166 = arith.addi %mul3A_86, %add3A_165 : i32
      %get3A_167 = arith.index_cast %add3A_166 : i32 to index
      %get3A_168 = arith.constant 64 : index
      %get3A_169 = tpu.vector_load %arg12[%get3A_167, %get3A_168] {strides = array<i32>} : memref<80x128xf32, #tpu.memory_space<vmem>>, vector<1x16xf32>,
      %get3A_170 = vector.shape_cast %get3A_169 : vector<1x16xf32> to vector<16xf32>
      %add3A_171 = arith.constant 0 : i32
      %add3A_172 = arith.addi %mul3A_86, %add3A_171 : i32
      %get3A_173 = arith.index_cast %add3A_172 : i32 to index
      %get3A_174 = arith.constant 64 : index
      %get3A_175 = tpu.vector_load %arg13[%get3A_173, %get3A_174] {strides = array<i32>} : memref<80x128xf32, #tpu.memory_space<vmem>>, vector<1x16xf32>,
      %get3A_176 = vector.shape_cast %get3A_175 : vector<1x16xf32> to vector<16xf32>
      %mul3A_177 = arith.mulf %get3A_170, %get3A_176 : vector<16xf32>
      %add3A_178 = arith.constant 0 : i32
      %add3A_179 = arith.addi %mul3A_86, %add3A_178 : i32
      %swap3A_180 = arith.index_cast %add3A_179 : i32 to index
      %swap3A_181 = arith.constant 64 : index
      %swap3A_182 = tpu.vector_load %arg12[%swap3A_180, %swap3A_181] {strides = array<i32>} : memref<80x128xf32, #tpu.memory_space<vmem>>, vector<1x16xf32>,
      %swap3A_183 = vector.shape_cast %swap3A_182 : vector<1x16xf32> to vector<16xf32>
      %swap3A_184 = vector.shape_cast %mul3A_177 : vector<16xf32> to vector<1x16xf32>
      tpu.vector_store %arg12[%swap3A_180, %swap3A_181], %swap3A_184 {strides = array<i32>} : memref<80x128xf32, #tpu.memory_space<vmem>>, vector<1x16xf32>,
      %add3A_185 = arith.constant 0 : i32
      %add3A_186 = arith.addi %mul3A_86, %add3A_185 : i32
      %get3A_187 = arith.index_cast %add3A_186 : i32 to index
      %get3A_188 = arith.constant 80 : index
      %get3A_189 = tpu.vector_load %arg12[%get3A_187, %get3A_188] {strides = array<i32>} : memref<80x128xf32, #tpu.memory_space<vmem>>, vector<1x16xf32>,
      %get3A_190 = vector.shape_cast %get3A_189 : vector<1x16xf32> to vector<16xf32>
      %add3A_191 = arith.constant 0 : i32
      %add3A_192 = arith.addi %mul3A_86, %add3A_191 : i32
      %get3A_193 = arith.index_cast %add3A_192 : i32 to index
      %get3A_194 = arith.constant 80 : index
      %get3A_195 = tpu.vector_load %arg13[%get3A_193, %get3A_194] {strides = array<i32>} : memref<80x128xf32, #tpu.memory_space<vmem>>, vector<1x16xf32>,
      %get3A_196 = vector.shape_cast %get3A_195 : vector<1x16xf32> to vector<16xf32>
      %mul3A_197 = arith.mulf %get3A_190, %get3A_196 : vector<16xf32>
      %add3A_198 = arith.constant 0 : i32
      %add3A_199 = arith.addi %mul3A_86, %add3A_198 : i32
      %swap3A_200 = arith.index_cast %add3A_199 : i32 to index
      %swap3A_201 = arith.constant 80 : index
      %swap3A_202 = tpu.vector_load %arg12[%swap3A_200, %swap3A_201] {strides = array<i32>} : memref<80x128xf32, #tpu.memory_space<vmem>>, vector<1x16xf32>,
      %swap3A_203 = vector.shape_cast %swap3A_202 : vector<1x16xf32> to vector<16xf32>
      %swap3A_204 = vector.shape_cast %mul3A_197 : vector<16xf32> to vector<1x16xf32>
      tpu.vector_store %arg12[%swap3A_200, %swap3A_201], %swap3A_204 {strides = array<i32>} : memref<80x128xf32, #tpu.memory_space<vmem>>, vector<1x16xf32>,
      %add3A_205 = arith.constant 0 : i32
      %add3A_206 = arith.addi %mul3A_86, %add3A_205 : i32
      %get3A_207 = arith.index_cast %add3A_206 : i32 to index
      %get3A_208 = arith.constant 96 : index
      %get3A_209 = tpu.vector_load %arg12[%get3A_207, %get3A_208] {strides = array<i32>} : memref<80x128xf32, #tpu.memory_space<vmem>>, vector<1x16xf32>,
      %get3A_210 = vector.shape_cast %get3A_209 : vector<1x16xf32> to vector<16xf32>
      %add3A_211 = arith.constant 0 : i32
      %add3A_212 = arith.addi %mul3A_86, %add3A_211 : i32
      %get3A_213 = arith.index_cast %add3A_212 : i32 to index
      %get3A_214 = arith.constant 96 : index
      %get3A_215 = tpu.vector_load %arg13[%get3A_213, %get3A_214] {strides = array<i32>} : memref<80x128xf32, #tpu.memory_space<vmem>>, vector<1x16xf32>,
      %get3A_216 = vector.shape_cast %get3A_215 : vector<1x16xf32> to vector<16xf32>
      %mul3A_217 = arith.mulf %get3A_210, %get3A_216 : vector<16xf32>
      %add3A_218 = arith.constant 0 : i32
      %add3A_219 = arith.addi %mul3A_86, %add3A_218 : i32
      %swap3A_220 = arith.index_cast %add3A_219 : i32 to index
      %swap3A_221 = arith.constant 96 : index
      %swap3A_222 = tpu.vector_load %arg12[%swap3A_220, %swap3A_221] {strides = array<i32>} : memref<80x128xf32, #tpu.memory_space<vmem>>, vector<1x16xf32>,
      %swap3A_223 = vector.shape_cast %swap3A_222 : vector<1x16xf32> to vector<16xf32>
      %swap3A_224 = vector.shape_cast %mul3A_217 : vector<16xf32> to vector<1x16xf32>
      tpu.vector_store %arg12[%swap3A_220, %swap3A_221], %swap3A_224 {strides = array<i32>} : memref<80x128xf32, #tpu.memory_space<vmem>>, vector<1x16xf32>,
      %add3A_225 = arith.constant 0 : i32
      %add3A_226 = arith.addi %mul3A_86, %add3A_225 : i32
      %get3A_227 = arith.index_cast %add3A_226 : i32 to index
      %get3A_228 = arith.constant 112 : index
      %get3A_229 = tpu.vector_load %arg12[%get3A_227, %get3A_228] {strides = array<i32>} : memref<80x128xf32, #tpu.memory_space<vmem>>, vector<1x16xf32>,
      %get3A_230 = vector.shape_cast %get3A_229 : vector<1x16xf32> to vector<16xf32>
      %add3A_231 = arith.constant 0 : i32
      %add3A_232 = arith.addi %mul3A_86, %add3A_231 : i32
      %get3A_233 = arith.index_cast %add3A_232 : i32 to index
      %get3A_234 = arith.constant 112 : index
      %get3A_235 = tpu.vector_load %arg13[%get3A_233, %get3A_234] {strides = array<i32>} : memref<80x128xf32, #tpu.memory_space<vmem>>, vector<1x16xf32>,
      %get3A_236 = vector.shape_cast %get3A_235 : vector<1x16xf32> to vector<16xf32>
      %mul3A_237 = arith.mulf %get3A_230, %get3A_236 : vector<16xf32>
      %add3A_238 = arith.constant 0 : i32
      %add3A_239 = arith.addi %mul3A_86, %add3A_238 : i32
      %swap3A_240 = arith.index_cast %add3A_239 : i32 to index
      %swap3A_241 = arith.constant 112 : index
      %swap3A_242 = tpu.vector_load %arg12[%swap3A_240, %swap3A_241] {strides = array<i32>} : memref<80x128xf32, #tpu.memory_space<vmem>>, vector<1x16xf32>,
      %swap3A_243 = vector.shape_cast %swap3A_242 : vector<1x16xf32> to vector<16xf32>
      %swap3A_244 = vector.shape_cast %mul3A_237 : vector<16xf32> to vector<1x16xf32>
      tpu.vector_store %arg12[%swap3A_240, %swap3A_241], %swap3A_244 {strides = array<i32>} : memref<80x128xf32, #tpu.memory_space<vmem>>, vector<1x16xf32>,
      %add3A_245 = arith.constant 1 : i32
      %add3A_246 = arith.addi %mul3A_86, %add3A_245 : i32
      %get3A_247 = arith.index_cast %add3A_246 : i32 to index
      %get3A_248 = arith.constant 0 : index
      %get3A_249 = tpu.vector_load %arg12[%get3A_247, %get3A_248] {strides = array<i32>} : memref<80x128xf32, #tpu.memory_space<vmem>>, vector<1x16xf32>,
      %get3A_250 = vector.shape_cast %get3A_249 : vector<1x16xf32> to vector<16xf32>
      %add3A_251 = arith.constant 1 : i32
      %add3A_252 = arith.addi %mul3A_86, %add3A_251 : i32
      %get3A_253 = arith.index_cast %add3A_252 : i32 to index
      %get3A_254 = arith.constant 0 : index
      %get3A_255 = tpu.vector_load %arg13[%get3A_253, %get3A_254] {strides = array<i32>} : memref<80x128xf32, #tpu.memory_space<vmem>>, vector<1x16xf32>,
      %get3A_256 = vector.shape_cast %get3A_255 : vector<1x16xf32> to vector<16xf32>
      %mul3A_257 = arith.mulf %get3A_250, %get3A_256 : vector<16xf32>
      %add3A_258 = arith.constant 1 : i32
      %add3A_259 = arith.addi %mul3A_86, %add3A_258 : i32
      %swap3A_260 = arith.index_cast %add3A_259 : i32 to index
      %swap3A_261 = arith.constant 0 : index
      %swap3A_262 = tpu.vector_load %arg12[%swap3A_260, %swap3A_261] {strides = array<i32>} : memref<80x128xf32, #tpu.memory_space<vmem>>, vector<1x16xf32>,
      %swap3A_263 = vector.shape_cast %swap3A_262 : vector<1x16xf32> to vector<16xf32>
      %swap3A_264 = vector.shape_cast %mul3A_257 : vector<16xf32> to vector<1x16xf32>
      tpu.vector_store %arg12[%swap3A_260, %swap3A_261], %swap3A_264 {strides = array<i32>} : memref<80x128xf32, #tpu.memory_space<vmem>>, vector<1x16xf32>,
      %add3A_265 = arith.constant 1 : i32
      %add3A_266 = arith.addi %mul3A_86, %add3A_265 : i32
      %get3A_267 = arith.index_cast %add3A_266 : i32 to index
      %get3A_268 = arith.constant 16 : index
      %get3A_269 = tpu.vector_load %arg12[%get3A_267, %get3A_268] {strides = array<i32>} : memref<80x128xf32, #tpu.memory_space<vmem>>, vector<1x16xf32>,
      %get3A_270 = vector.shape_cast %get3A_269 : vector<1x16xf32> to vector<16xf32>
      %add3A_271 = arith.constant 1 : i32
      %add3A_272 = arith.addi %mul3A_86, %add3A_271 : i32
      %get3A_273 = arith.index_cast %add3A_272 : i32 to index
      %get3A_274 = arith.constant 16 : index
      %get3A_275 = tpu.vector_load %arg13[%get3A_273, %get3A_274] {strides = array<i32>} : memref<80x128xf32, #tpu.memory_space<vmem>>, vector<1x16xf32>,
      %get3A_276 = vector.shape_cast %get3A_275 : vector<1x16xf32> to vector<16xf32>
      %mul3A_277 = arith.mulf %get3A_270, %get3A_276 : vector<16xf32>
      %add3A_278 = arith.constant 1 : i32
      %add3A_279 = arith.addi %mul3A_86, %add3A_278 : i32
      %swap3A_280 = arith.index_cast %add3A_279 : i32 to index
      %swap3A_281 = arith.constant 16 : index
      %swap3A_282 = tpu.vector_load %arg12[%swap3A_280, %swap3A_281] {strides = array<i32>} : memref<80x128xf32, #tpu.memory_space<vmem>>, vector<1x16xf32>,
      %swap3A_283 = vector.shape_cast %swap3A_282 : vector<1x16xf32> to vector<16xf32>
      %swap3A_284 = vector.shape_cast %mul3A_277 : vector<16xf32> to vector<1x16xf32>
      tpu.vector_store %arg12[%swap3A_280, %swap3A_281], %swap3A_284 {strides = array<i32>} : memref<80x128xf32, #tpu.memory_space<vmem>>, vector<1x16xf32>,
      %add3A_285 = arith.constant 1 : i32
      %add3A_286 = arith.addi %mul3A_86, %add3A_285 : i32
      %get3A_287 = arith.index_cast %add3A_286 : i32 to index
      %get3A_288 = arith.constant 32 : index
      %get3A_289 = tpu.vector_load %arg12[%get3A_287, %get3A_288] {strides = array<i32>} : memref<80x128xf32, #tpu.memory_space<vmem>>, vector<1x16xf32>,
      %get3A_290 = vector.shape_cast %get3A_289 : vector<1x16xf32> to vector<16xf32>
      %add3A_291 = arith.constant 1 : i32
      %add3A_292 = arith.addi %mul3A_86, %add3A_291 : i32
      %get3A_293 = arith.index_cast %add3A_292 : i32 to index
      %get3A_294 = arith.constant 32 : index
      %get3A_295 = tpu.vector_load %arg13[%get3A_293, %get3A_294] {strides = array<i32>} : memref<80x128xf32, #tpu.memory_space<vmem>>, vector<1x16xf32>,
      %get3A_296 = vector.shape_cast %get3A_295 : vector<1x16xf32> to vector<16xf32>
      %mul3A_297 = arith.mulf %get3A_290, %get3A_296 : vector<16xf32>
      %add3A_298 = arith.constant 1 : i32
      %add3A_299 = arith.addi %mul3A_86, %add3A_298 : i32
      %swap3A_300 = arith.index_cast %add3A_299 : i32 to index
      %swap3A_301 = arith.constant 32 : index
      %swap3A_302 = tpu.vector_load %arg12[%swap3A_300, %swap3A_301] {strides = array<i32>} : memref<80x128xf32, #tpu.memory_space<vmem>>, vector<1x16xf32>,
      %swap3A_303 = vector.shape_cast %swap3A_302 : vector<1x16xf32> to vector<16xf32>
      %swap3A_304 = vector.shape_cast %mul3A_297 : vector<16xf32> to vector<1x16xf32>
      tpu.vector_store %arg12[%swap3A_300, %swap3A_301], %swap3A_304 {strides = array<i32>} : memref<80x128xf32, #tpu.memory_space<vmem>>, vector<1x16xf32>,
      %add3A_305 = arith.constant 1 : i32
      %add3A_306 = arith.addi %mul3A_86, %add3A_305 : i32
      %get3A_307 = arith.index_cast %add3A_306 : i32 to index
      %get3A_308 = arith.constant 48 : index
      %get3A_309 = tpu.vector_load %arg12[%get3A_307, %get3A_308] {strides = array<i32>} : memref<80x128xf32, #tpu.memory_space<vmem>>, vector<1x16xf32>,
      %get3A_310 = vector.shape_cast %get3A_309 : vector<1x16xf32> to vector<16xf32>
      %add3A_311 = arith.constant 1 : i32
      %add3A_312 = arith.addi %mul3A_86, %add3A_311 : i32
      %get3A_313 = arith.index_cast %add3A_312 : i32 to index
      %get3A_314 = arith.constant 48 : index
      %get3A_315 = tpu.vector_load %arg13[%get3A_313, %get3A_314] {strides = array<i32>} : memref<80x128xf32, #tpu.memory_space<vmem>>, vector<1x16xf32>,
      %get3A_316 = vector.shape_cast %get3A_315 : vector<1x16xf32> to vector<16xf32>
      %mul3A_317 = arith.mulf %get3A_310, %get3A_316 : vector<16xf32>
      %add3A_318 = arith.constant 1 : i32
      %add3A_319 = arith.addi %mul3A_86, %add3A_318 : i32
      %swap3A_320 = arith.index_cast %add3A_319 : i32 to index
      %swap3A_321 = arith.constant 48 : index
      %swap3A_322 = tpu.vector_load %arg12[%swap3A_320, %swap3A_321] {strides = array<i32>} : memref<80x128xf32, #tpu.memory_space<vmem>>, vector<1x16xf32>,
      %swap3A_323 = vector.shape_cast %swap3A_322 : vector<1x16xf32> to vector<16xf32>
      %swap3A_324 = vector.shape_cast %mul3A_317 : vector<16xf32> to vector<1x16xf32>
      tpu.vector_store %arg12[%swap3A_320, %swap3A_321], %swap3A_324 {strides = array<i32>} : memref<80x128xf32, #tpu.memory_space<vmem>>, vector<1x16xf32>,
      %add3A_325 = arith.constant 1 : i32
      %add3A_326 = arith.addi %mul3A_86, %add3A_325 : i32
      %get3A_327 = arith.index_cast %add3A_326 : i32 to index
      %get3A_328 = arith.constant 64 : index
      %get3A_329 = tpu.vector_load %arg12[%get3A_327, %get3A_328] {strides = array<i32>} : memref<80x128xf32, #tpu.memory_space<vmem>>, vector<1x16xf32>,
      %get3A_330 = vector.shape_cast %get3A_329 : vector<1x16xf32> to vector<16xf32>
      %add3A_331 = arith.constant 1 : i32
      %add3A_332 = arith.addi %mul3A_86, %add3A_331 : i32
      %get3A_333 = arith.index_cast %add3A_332 : i32 to index
      %get3A_334 = arith.constant 64 : index
      %get3A_335 = tpu.vector_load %arg13[%get3A_333, %get3A_334] {strides = array<i32>} : memref<80x128xf32, #tpu.memory_space<vmem>>, vector<1x16xf32>,
      %get3A_336 = vector.shape_cast %get3A_335 : vector<1x16xf32> to vector<16xf32>
      %mul3A_337 = arith.mulf %get3A_330, %get3A_336 : vector<16xf32>
      %add3A_338 = arith.constant 1 : i32
      %add3A_339 = arith.addi %mul3A_86, %add3A_338 : i32
      %swap3A_340 = arith.index_cast %add3A_339 : i32 to index
      %swap3A_341 = arith.constant 64 : index
      %swap3A_342 = tpu.vector_load %arg12[%swap3A_340, %swap3A_341] {strides = array<i32>} : memref<80x128xf32, #tpu.memory_space<vmem>>, vector<1x16xf32>,
      %swap3A_343 = vector.shape_cast %swap3A_342 : vector<1x16xf32> to vector<16xf32>
      %swap3A_344 = vector.shape_cast %mul3A_337 : vector<16xf32> to vector<1x16xf32>
      tpu.vector_store %arg12[%swap3A_340, %swap3A_341], %swap3A_344 {strides = array<i32>} : memref<80x128xf32, #tpu.memory_space<vmem>>, vector<1x16xf32>,
      %add3A_345 = arith.constant 1 : i32
      %add3A_346 = arith.addi %mul3A_86, %add3A_345 : i32
      %get3A_347 = arith.index_cast %add3A_346 : i32 to index
      %get3A_348 = arith.constant 80 : index
      %get3A_349 = tpu.vector_load %arg12[%get3A_347, %get3A_348] {strides = array<i32>} : memref<80x128xf32, #tpu.memory_space<vmem>>, vector<1x16xf32>,
      %get3A_350 = vector.shape_cast %get3A_349 : vector<1x16xf32> to vector<16xf32>
      %add3A_351 = arith.constant 1 : i32
      %add3A_352 = arith.addi %mul3A_86, %add3A_351 : i32
      %get3A_353 = arith.index_cast %add3A_352 : i32 to index
      %get3A_354 = arith.constant 80 : index
      %get3A_355 = tpu.vector_load %arg13[%get3A_353, %get3A_354] {strides = array<i32>} : memref<80x128xf32, #tpu.memory_space<vmem>>, vector<1x16xf32>,
      %get3A_356 = vector.shape_cast %get3A_355 : vector<1x16xf32> to vector<16xf32>
      %mul3A_357 = arith.mulf %get3A_350, %get3A_356 : vector<16xf32>
      %add3A_358 = arith.constant 1 : i32
      %add3A_359 = arith.addi %mul3A_86, %add3A_358 : i32
      %swap3A_360 = arith.index_cast %add3A_359 : i32 to index
      %swap3A_361 = arith.constant 80 : index
      %swap3A_362 = tpu.vector_load %arg12[%swap3A_360, %swap3A_361] {strides = array<i32>} : memref<80x128xf32, #tpu.memory_space<vmem>>, vector<1x16xf32>,
      %swap3A_363 = vector.shape_cast %swap3A_362 : vector<1x16xf32> to vector<16xf32>
      %swap3A_364 = vector.shape_cast %mul3A_357 : vector<16xf32> to vector<1x16xf32>
      tpu.vector_store %arg12[%swap3A_360, %swap3A_361], %swap3A_364 {strides = array<i32>} : memref<80x128xf32, #tpu.memory_space<vmem>>, vector<1x16xf32>,
      %add3A_365 = arith.constant 1 : i32
      %add3A_366 = arith.addi %mul3A_86, %add3A_365 : i32
      %get3A_367 = arith.index_cast %add3A_366 : i32 to index
      %get3A_368 = arith.constant 96 : index
      %get3A_369 = tpu.vector_load %arg12[%get3A_367, %get3A_368] {strides = array<i32>} : memref<80x128xf32, #tpu.memory_space<vmem>>, vector<1x16xf32>,
      %get3A_370 = vector.shape_cast %get3A_369 : vector<1x16xf32> to vector<16xf32>
      %add3A_371 = arith.constant 1 : i32
      %add3A_372 = arith.addi %mul3A_86, %add3A_371 : i32
      %get3A_373 = arith.index_cast %add3A_372 : i32 to index
      %get3A_374 = arith.constant 96 : index
      %get3A_375 = tpu.vector_load %arg13[%get3A_373, %get3A_374] {strides = array<i32>} : memref<80x128xf32, #tpu.memory_space<vmem>>, vector<1x16xf32>,
      %get3A_376 = vector.shape_cast %get3A_375 : vector<1x16xf32> to vector<16xf32>
      %mul3A_377 = arith.mulf %get3A_370, %get3A_376 : vector<16xf32>
      %add3A_378 = arith.constant 1 : i32
      %add3A_379 = arith.addi %mul3A_86, %add3A_378 : i32
      %swap3A_380 = arith.index_cast %add3A_379 : i32 to index
      %swap3A_381 = arith.constant 96 : index
      %swap3A_382 = tpu.vector_load %arg12[%swap3A_380, %swap3A_381] {strides = array<i32>} : memref<80x128xf32, #tpu.memory_space<vmem>>, vector<1x16xf32>,
      %swap3A_383 = vector.shape_cast %swap3A_382 : vector<1x16xf32> to vector<16xf32>
      %swap3A_384 = vector.shape_cast %mul3A_377 : vector<16xf32> to vector<1x16xf32>
      tpu.vector_store %arg12[%swap3A_380, %swap3A_381], %swap3A_384 {strides = array<i32>} : memref<80x128xf32, #tpu.memory_space<vmem>>, vector<1x16xf32>,
      %add3A_385 = arith.constant 1 : i32
      %add3A_386 = arith.addi %mul3A_86, %add3A_385 : i32
      %get3A_387 = arith.index_cast %add3A_386 : i32 to index
      %get3A_388 = arith.constant 112 : index
      %get3A_389 = tpu.vector_load %arg12[%get3A_387, %get3A_388] {strides = array<i32>} : memref<80x128xf32, #tpu.memory_space<vmem>>, vector<1x16xf32>,
      %get3A_390 = vector.shape_cast %get3A_389 : vector<1x16xf32> to vector<16xf32>
      %add3A_391 = arith.constant 1 : i32
      %add3A_392 = arith.addi %mul3A_86, %add3A_391 : i32
      %get3A_393 = arith.index_cast %add3A_392 : i32 to index
      %get3A_394 = arith.constant 112 : index
      %get3A_395 = tpu.vector_load %arg13[%get3A_393, %get3A_394] {strides = array<i32>} : memref<80x128xf32, #tpu.memory_space<vmem>>, vector<1x16xf32>,
      %get3A_396 = vector.shape_cast %get3A_395 : vector<1x16xf32> to vector<16xf32>
      %mul3A_397 = arith.mulf %get3A_390, %get3A_396 : vector<16xf32>
      %add3A_398 = arith.constant 1 : i32
      %add3A_399 = arith.addi %mul3A_86, %add3A_398 : i32
      %swap3A_400 = arith.index_cast %add3A_399 : i32 to index
      %swap3A_401 = arith.constant 112 : index
      %swap3A_402 = tpu.vector_load %arg12[%swap3A_400, %swap3A_401] {strides = array<i32>} : memref<80x128xf32, #tpu.memory_space<vmem>>, vector<1x16xf32>,
      %swap3A_403 = vector.shape_cast %swap3A_402 : vector<1x16xf32> to vector<16xf32>
      %swap3A_404 = vector.shape_cast %mul3A_397 : vector<16xf32> to vector<1x16xf32>
      tpu.vector_store %arg12[%swap3A_400, %swap3A_401], %swap3A_404 {strides = array<i32>} : memref<80x128xf32, #tpu.memory_space<vmem>>, vector<1x16xf32>,
      %add3A_405 = arith.constant 2 : i32
      %add3A_406 = arith.addi %mul3A_86, %add3A_405 : i32
      %get3A_407 = arith.index_cast %add3A_406 : i32 to index
      %get3A_408 = arith.constant 0 : index
      %get3A_409 = tpu.vector_load %arg12[%get3A_407, %get3A_408] {strides = array<i32>} : memref<80x128xf32, #tpu.memory_space<vmem>>, vector<1x16xf32>,
      %get3A_410 = vector.shape_cast %get3A_409 : vector<1x16xf32> to vector<16xf32>
      %add3A_411 = arith.constant 2 : i32
      %add3A_412 = arith.addi %mul3A_86, %add3A_411 : i32
      %get3A_413 = arith.index_cast %add3A_412 : i32 to index
      %get3A_414 = arith.constant 0 : index
      %get3A_415 = tpu.vector_load %arg13[%get3A_413, %get3A_414] {strides = array<i32>} : memref<80x128xf32, #tpu.memory_space<vmem>>, vector<1x16xf32>,
      %get3A_416 = vector.shape_cast %get3A_415 : vector<1x16xf32> to vector<16xf32>
      %mul3A_417 = arith.mulf %get3A_410, %get3A_416 : vector<16xf32>
      %add3A_418 = arith.constant 2 : i32
      %add3A_419 = arith.addi %mul3A_86, %add3A_418 : i32
      %swap3A_420 = arith.index_cast %add3A_419 : i32 to index
      %swap3A_421 = arith.constant 0 : index
      %swap3A_422 = tpu.vector_load %arg12[%swap3A_420, %swap3A_421] {strides = array<i32>} : memref<80x128xf32, #tpu.memory_space<vmem>>, vector<1x16xf32>,
      %swap3A_423 = vector.shape_cast %swap3A_422 : vector<1x16xf32> to vector<16xf32>
      %swap3A_424 = vector.shape_cast %mul3A_417 : vector<16xf32> to vector<1x16xf32>
      tpu.vector_store %arg12[%swap3A_420, %swap3A_421], %swap3A_424 {strides = array<i32>} : memref<80x128xf32, #tpu.memory_space<vmem>>, vector<1x16xf32>,
      %add3A_425 = arith.constant 2 : i32
      %add3A_426 = arith.addi %mul3A_86, %add3A_425 : i32
      %get3A_427 = arith.index_cast %add3A_426 : i32 to index
      %get3A_428 = arith.constant 16 : index
      %get3A_429 = tpu.vector_load %arg12[%get3A_427, %get3A_428] {strides = array<i32>} : memref<80x128xf32, #tpu.memory_space<vmem>>, vector<1x16xf32>,
      %get3A_430 = vector.shape_cast %get3A_429 : vector<1x16xf32> to vector<16xf32>
      %add3A_431 = arith.constant 2 : i32
      %add3A_432 = arith.addi %mul3A_86, %add3A_431 : i32
      %get3A_433 = arith.index_cast %add3A_432 : i32 to index
      %get3A_434 = arith.constant 16 : index
      %get3A_435 = tpu.vector_load %arg13[%get3A_433, %get3A_434] {strides = array<i32>} : memref<80x128xf32, #tpu.memory_space<vmem>>, vector<1x16xf32>,
      %get3A_436 = vector.shape_cast %get3A_435 : vector<1x16xf32> to vector<16xf32>
      %mul3A_437 = arith.mulf %get3A_430, %get3A_436 : vector<16xf32>
      %add3A_438 = arith.constant 2 : i32
      %add3A_439 = arith.addi %mul3A_86, %add3A_438 : i32
      %swap3A_440 = arith.index_cast %add3A_439 : i32 to index
      %swap3A_441 = arith.constant 16 : index
      %swap3A_442 = tpu.vector_load %arg12[%swap3A_440, %swap3A_441] {strides = array<i32>} : memref<80x128xf32, #tpu.memory_space<vmem>>, vector<1x16xf32>,
      %swap3A_443 = vector.shape_cast %swap3A_442 : vector<1x16xf32> to vector<16xf32>
      %swap3A_444 = vector.shape_cast %mul3A_437 : vector<16xf32> to vector<1x16xf32>
      tpu.vector_store %arg12[%swap3A_440, %swap3A_441], %swap3A_444 {strides = array<i32>} : memref<80x128xf32, #tpu.memory_space<vmem>>, vector<1x16xf32>,
      %add3A_445 = arith.constant 2 : i32
      %add3A_446 = arith.addi %mul3A_86, %add3A_445 : i32
      %get3A_447 = arith.index_cast %add3A_446 : i32 to index
      %get3A_448 = arith.constant 32 : index
      %get3A_449 = tpu.vector_load %arg12[%get3A_447, %get3A_448] {strides = array<i32>} : memref<80x128xf32, #tpu.memory_space<vmem>>, vector<1x16xf32>,
      %get3A_450 = vector.shape_cast %get3A_449 : vector<1x16xf32> to vector<16xf32>
      %add3A_451 = arith.constant 2 : i32
      %add3A_452 = arith.addi %mul3A_86, %add3A_451 : i32
      %get3A_453 = arith.index_cast %add3A_452 : i32 to index
      %get3A_454 = arith.constant 32 : index
      %get3A_455 = tpu.vector_load %arg13[%get3A_453, %get3A_454] {strides = array<i32>} : memref<80x128xf32, #tpu.memory_space<vmem>>, vector<1x16xf32>,
      %get3A_456 = vector.shape_cast %get3A_455 : vector<1x16xf32> to vector<16xf32>
      %mul3A_457 = arith.mulf %get3A_450, %get3A_456 : vector<16xf32>
      %add3A_458 = arith.constant 2 : i32
      %add3A_459 = arith.addi %mul3A_86, %add3A_458 : i32
      %swap3A_460 = arith.index_cast %add3A_459 : i32 to index
      %swap3A_461 = arith.constant 32 : index
      %swap3A_462 = tpu.vector_load %arg12[%swap3A_460, %swap3A_461] {strides = array<i32>} : memref<80x128xf32, #tpu.memory_space<vmem>>, vector<1x16xf32>,
      %swap3A_463 = vector.shape_cast %swap3A_462 : vector<1x16xf32> to vector<16xf32>
      %swap3A_464 = vector.shape_cast %mul3A_457 : vector<16xf32> to vector<1x16xf32>
      tpu.vector_store %arg12[%swap3A_460, %swap3A_461], %swap3A_464 {strides = array<i32>} : memref<80x128xf32, #tpu.memory_space<vmem>>, vector<1x16xf32>,
      %add3A_465 = arith.constant 2 : i32
      %add3A_466 = arith.addi %mul3A_86, %add3A_465 : i32
      %get3A_467 = arith.index_cast %add3A_466 : i32 to index
      %get3A_468 = arith.constant 48 : index
      %get3A_469 = tpu.vector_load %arg12[%get3A_467, %get3A_468] {strides = array<i32>} : memref<80x128xf32, #tpu.memory_space<vmem>>, vector<1x16xf32>,
      %get3A_470 = vector.shape_cast %get3A_469 : vector<1x16xf32> to vector<16xf32>
      %add3A_471 = arith.constant 2 : i32
      %add3A_472 = arith.addi %mul3A_86, %add3A_471 : i32
      %get3A_473 = arith.index_cast %add3A_472 : i32 to index
      %get3A_474 = arith.constant 48 : index
      %get3A_475 = tpu.vector_load %arg13[%get3A_473, %get3A_474] {strides = array<i32>} : memref<80x128xf32, #tpu.memory_space<vmem>>, vector<1x16xf32>,
      %get3A_476 = vector.shape_cast %get3A_475 : vector<1x16xf32> to vector<16xf32>
      %mul3A_477 = arith.mulf %get3A_470, %get3A_476 : vector<16xf32>
      %add3A_478 = arith.constant 2 : i32
      %add3A_479 = arith.addi %mul3A_86, %add3A_478 : i32
      %swap3A_480 = arith.index_cast %add3A_479 : i32 to index
      %swap3A_481 = arith.constant 48 : index
      %swap3A_482 = tpu.vector_load %arg12[%swap3A_480, %swap3A_481] {strides = array<i32>} : memref<80x128xf32, #tpu.memory_space<vmem>>, vector<1x16xf32>,
      %swap3A_483 = vector.shape_cast %swap3A_482 : vector<1x16xf32> to vector<16xf32>
      %swap3A_484 = vector.shape_cast %mul3A_477 : vector<16xf32> to vector<1x16xf32>
      tpu.vector_store %arg12[%swap3A_480, %swap3A_481], %swap3A_484 {strides = array<i32>} : memref<80x128xf32, #tpu.memory_space<vmem>>, vector<1x16xf32>,
      %add3A_485 = arith.constant 2 : i32
      %add3A_486 = arith.addi %mul3A_86, %add3A_485 : i32
      %get3A_487 = arith.index_cast %add3A_486 : i32 to index
      %get3A_488 = arith.constant 64 : index
      %get3A_489 = tpu.vector_load %arg12[%get3A_487, %get3A_488] {strides = array<i32>} : memref<80x128xf32, #tpu.memory_space<vmem>>, vector<1x16xf32>,
      %get3A_490 = vector.shape_cast %get3A_489 : vector<1x16xf32> to vector<16xf32>
      %add3A_491 = arith.constant 2 : i32
      %add3A_492 = arith.addi %mul3A_86, %add3A_491 : i32
      %get3A_493 = arith.index_cast %add3A_492 : i32 to index
      %get3A_494 = arith.constant 64 : index
      %get3A_495 = tpu.vector_load %arg13[%get3A_493, %get3A_494] {strides = array<i32>} : memref<80x128xf32, #tpu.memory_space<vmem>>, vector<1x16xf32>,
      %get3A_496 = vector.shape_cast %get3A_495 : vector<1x16xf32> to vector<16xf32>
      %mul3A_497 = arith.mulf %get3A_490, %get3A_496 : vector<16xf32>
      %add3A_498 = arith.constant 2 : i32
      %add3A_499 = arith.addi %mul3A_86, %add3A_498 : i32
      %swap3A_500 = arith.index_cast %add3A_499 : i32 to index
      %swap3A_501 = arith.constant 64 : index
      %swap3A_502 = tpu.vector_load %arg12[%swap3A_500, %swap3A_501] {strides = array<i32>} : memref<80x128xf32, #tpu.memory_space<vmem>>, vector<1x16xf32>,
      %swap3A_503 = vector.shape_cast %swap3A_502 : vector<1x16xf32> to vector<16xf32>
      %swap3A_504 = vector.shape_cast %mul3A_497 : vector<16xf32> to vector<1x16xf32>
      tpu.vector_store %arg12[%swap3A_500, %swap3A_501], %swap3A_504 {strides = array<i32>} : memref<80x128xf32, #tpu.memory_space<vmem>>, vector<1x16xf32>,
      %add3A_505 = arith.constant 2 : i32
      %add3A_506 = arith.addi %mul3A_86, %add3A_505 : i32
      %get3A_507 = arith.index_cast %add3A_506 : i32 to index
      %get3A_508 = arith.constant 80 : index
      %get3A_509 = tpu.vector_load %arg12[%get3A_507, %get3A_508] {strides = array<i32>} : memref<80x128xf32, #tpu.memory_space<vmem>>, vector<1x16xf32>,
      %get3A_510 = vector.shape_cast %get3A_509 : vector<1x16xf32> to vector<16xf32>
      %add3A_511 = arith.constant 2 : i32
      %add3A_512 = arith.addi %mul3A_86, %add3A_511 : i32
      %get3A_513 = arith.index_cast %add3A_512 : i32 to index
      %get3A_514 = arith.constant 80 : index
      %get3A_515 = tpu.vector_load %arg13[%get3A_513, %get3A_514] {strides = array<i32>} : memref<80x128xf32, #tpu.memory_space<vmem>>, vector<1x16xf32>,
      %get3A_516 = vector.shape_cast %get3A_515 : vector<1x16xf32> to vector<16xf32>
      %mul3A_517 = arith.mulf %get3A_510, %get3A_516 : vector<16xf32>
      %add3A_518 = arith.constant 2 : i32
      %add3A_519 = arith.addi %mul3A_86, %add3A_518 : i32
      %swap3A_520 = arith.index_cast %add3A_519 : i32 to index
      %swap3A_521 = arith.constant 80 : index
      %swap3A_522 = tpu.vector_load %arg12[%swap3A_520, %swap3A_521] {strides = array<i32>} : memref<80x128xf32, #tpu.memory_space<vmem>>, vector<1x16xf32>,
      %swap3A_523 = vector.shape_cast %swap3A_522 : vector<1x16xf32> to vector<16xf32>
      %swap3A_524 = vector.shape_cast %mul3A_517 : vector<16xf32> to vector<1x16xf32>
      tpu.vector_store %arg12[%swap3A_520, %swap3A_521], %swap3A_524 {strides = array<i32>} : memref<80x128xf32, #tpu.memory_space<vmem>>, vector<1x16xf32>,
      %add3A_525 = arith.constant 2 : i32
      %add3A_526 = arith.addi %mul3A_86, %add3A_525 : i32
      %get3A_527 = arith.index_cast %add3A_526 : i32 to index
      %get3A_528 = arith.constant 96 : index
      %get3A_529 = tpu.vector_load %arg12[%get3A_527, %get3A_528] {strides = array<i32>} : memref<80x128xf32, #tpu.memory_space<vmem>>, vector<1x16xf32>,
      %get3A_530 = vector.shape_cast %get3A_529 : vector<1x16xf32> to vector<16xf32>
      %add3A_531 = arith.constant 2 : i32
      %add3A_532 = arith.addi %mul3A_86, %add3A_531 : i32
      %get3A_533 = arith.index_cast %add3A_532 : i32 to index
      %get3A_534 = arith.constant 96 : index
      %get3A_535 = tpu.vector_load %arg13[%get3A_533, %get3A_534] {strides = array<i32>} : memref<80x128xf32, #tpu.memory_space<vmem>>, vector<1x16xf32>,
      %get3A_536 = vector.shape_cast %get3A_535 : vector<1x16xf32> to vector<16xf32>
      %mul3A_537 = arith.mulf %get3A_530, %get3A_536 : vector<16xf32>
      %add3A_538 = arith.constant 2 : i32
      %add3A_539 = arith.addi %mul3A_86, %add3A_538 : i32
      %swap3A_540 = arith.index_cast %add3A_539 : i32 to index
      %swap3A_541 = arith.constant 96 : index
      %swap3A_542 = tpu.vector_load %arg12[%swap3A_540, %swap3A_541] {strides = array<i32>} : memref<80x128xf32, #tpu.memory_space<vmem>>, vector<1x16xf32>,
      %swap3A_543 = vector.shape_cast %swap3A_542 : vector<1x16xf32> to vector<16xf32>
      %swap3A_544 = vector.shape_cast %mul3A_537 : vector<16xf32> to vector<1x16xf32>
      tpu.vector_store %arg12[%swap3A_540, %swap3A_541], %swap3A_544 {strides = array<i32>} : memref<80x128xf32, #tpu.memory_space<vmem>>, vector<1x16xf32>,
      %add3A_545 = arith.constant 2 : i32
      %add3A_546 = arith.addi %mul3A_86, %add3A_545 : i32
      %get3A_547 = arith.index_cast %add3A_546 : i32 to index
      %get3A_548 = arith.constant 112 : index
      %get3A_549 = tpu.vector_load %arg12[%get3A_547, %get3A_548] {strides = array<i32>} : memref<80x128xf32, #tpu.memory_space<vmem>>, vector<1x16xf32>,
      %get3A_550 = vector.shape_cast %get3A_549 : vector<1x16xf32> to vector<16xf32>
      %add3A_551 = arith.constant 2 : i32
      %add3A_552 = arith.addi %mul3A_86, %add3A_551 : i32
      %get3A_553 = arith.index_cast %add3A_552 : i32 to index
      %get3A_554 = arith.constant 112 : index
      %get3A_555 = tpu.vector_load %arg13[%get3A_553, %get3A_554] {strides = array<i32>} : memref<80x128xf32, #tpu.memory_space<vmem>>, vector<1x16xf32>,
      %get3A_556 = vector.shape_cast %get3A_555 : vector<1x16xf32> to vector<16xf32>
      %mul3A_557 = arith.mulf %get3A_550, %get3A_556 : vector<16xf32>
      %add3A_558 = arith.constant 2 : i32
      %add3A_559 = arith.addi %mul3A_86, %add3A_558 : i32
      %swap3A_560 = arith.index_cast %add3A_559 : i32 to index
      %swap3A_561 = arith.constant 112 : index
      %swap3A_562 = tpu.vector_load %arg12[%swap3A_560, %swap3A_561] {strides = array<i32>} : memref<80x128xf32, #tpu.memory_space<vmem>>, vector<1x16xf32>,
      %swap3A_563 = vector.shape_cast %swap3A_562 : vector<1x16xf32> to vector<16xf32>
      %swap3A_564 = vector.shape_cast %mul3A_557 : vector<16xf32> to vector<1x16xf32>
      tpu.vector_store %arg12[%swap3A_560, %swap3A_561], %swap3A_564 {strides = array<i32>} : memref<80x128xf32, #tpu.memory_space<vmem>>, vector<1x16xf32>,
      %add3A_565 = arith.constant 3 : i32
      %add3A_566 = arith.addi %mul3A_86, %add3A_565 : i32
      %get3A_567 = arith.index_cast %add3A_566 : i32 to index
      %get3A_568 = arith.constant 0 : index
      %get3A_569 = tpu.vector_load %arg12[%get3A_567, %get3A_568] {strides = array<i32>} : memref<80x128xf32, #tpu.memory_space<vmem>>, vector<1x16xf32>,
      %get3A_570 = vector.shape_cast %get3A_569 : vector<1x16xf32> to vector<16xf32>
      %add3A_571 = arith.constant 3 : i32
      %add3A_572 = arith.addi %mul3A_86, %add3A_571 : i32
      %get3A_573 = arith.index_cast %add3A_572 : i32 to index
      %get3A_574 = arith.constant 0 : index
      %get3A_575 = tpu.vector_load %arg13[%get3A_573, %get3A_574] {strides = array<i32>} : memref<80x128xf32, #tpu.memory_space<vmem>>, vector<1x16xf32>,
      %get3A_576 = vector.shape_cast %get3A_575 : vector<1x16xf32> to vector<16xf32>
      %mul3A_577 = arith.mulf %get3A_570, %get3A_576 : vector<16xf32>
      %add3A_578 = arith.constant 3 : i32
      %add3A_579 = arith.addi %mul3A_86, %add3A_578 : i32
      %swap3A_580 = arith.index_cast %add3A_579 : i32 to index
      %swap3A_581 = arith.constant 0 : index
      %swap3A_582 = tpu.vector_load %arg12[%swap3A_580, %swap3A_581] {strides = array<i32>} : memref<80x128xf32, #tpu.memory_space<vmem>>, vector<1x16xf32>,
      %swap3A_583 = vector.shape_cast %swap3A_582 : vector<1x16xf32> to vector<16xf32>
      %swap3A_584 = vector.shape_cast %mul3A_577 : vector<16xf32> to vector<1x16xf32>
      tpu.vector_store %arg12[%swap3A_580, %swap3A_581], %swap3A_584 {strides = array<i32>} : memref<80x128xf32, #tpu.memory_space<vmem>>, vector<1x16xf32>,
      %add3A_585 = arith.constant 3 : i32
      %add3A_586 = arith.addi %mul3A_86, %add3A_585 : i32
      %get3A_587 = arith.index_cast %add3A_586 : i32 to index
      %get3A_588 = arith.constant 16 : index
      %get3A_589 = tpu.vector_load %arg12[%get3A_587, %get3A_588] {strides = array<i32>} : memref<80x128xf32, #tpu.memory_space<vmem>>, vector<1x16xf32>,
      %get3A_590 = vector.shape_cast %get3A_589 : vector<1x16xf32> to vector<16xf32>
      %add3A_591 = arith.constant 3 : i32
      %add3A_592 = arith.addi %mul3A_86, %add3A_591 : i32
      %get3A_593 = arith.index_cast %add3A_592 : i32 to index
      %get3A_594 = arith.constant 16 : index
      %get3A_595 = tpu.vector_load %arg13[%get3A_593, %get3A_594] {strides = array<i32>} : memref<80x128xf32, #tpu.memory_space<vmem>>, vector<1x16xf32>,
      %get3A_596 = vector.shape_cast %get3A_595 : vector<1x16xf32> to vector<16xf32>
      %mul3A_597 = arith.mulf %get3A_590, %get3A_596 : vector<16xf32>
      %add3A_598 = arith.constant 3 : i32
      %add3A_599 = arith.addi %mul3A_86, %add3A_598 : i32
      %swap3A_600 = arith.index_cast %add3A_599 : i32 to index
      %swap3A_601 = arith.constant 16 : index
      %swap3A_602 = tpu.vector_load %arg12[%swap3A_600, %swap3A_601] {strides = array<i32>} : memref<80x128xf32, #tpu.memory_space<vmem>>, vector<1x16xf32>,
      %swap3A_603 = vector.shape_cast %swap3A_602 : vector<1x16xf32> to vector<16xf32>
      %swap3A_604 = vector.shape_cast %mul3A_597 : vector<16xf32> to vector<1x16xf32>
      tpu.vector_store %arg12[%swap3A_600, %swap3A_601], %swap3A_604 {strides = array<i32>} : memref<80x128xf32, #tpu.memory_space<vmem>>, vector<1x16xf32>,
      %add3A_605 = arith.constant 3 : i32
      %add3A_606 = arith.addi %mul3A_86, %add3A_605 : i32
      %get3A_607 = arith.index_cast %add3A_606 : i32 to index
      %get3A_608 = arith.constant 32 : index
      %get3A_609 = tpu.vector_load %arg12[%get3A_607, %get3A_608] {strides = array<i32>} : memref<80x128xf32, #tpu.memory_space<vmem>>, vector<1x16xf32>,
      %get3A_610 = vector.shape_cast %get3A_609 : vector<1x16xf32> to vector<16xf32>
      %add3A_611 = arith.constant 3 : i32
      %add3A_612 = arith.addi %mul3A_86, %add3A_611 : i32
      %get3A_613 = arith.index_cast %add3A_612 : i32 to index
      %get3A_614 = arith.constant 32 : index
      %get3A_615 = tpu.vector_load %arg13[%get3A_613, %get3A_614] {strides = array<i32>} : memref<80x128xf32, #tpu.memory_space<vmem>>, vector<1x16xf32>,
      %get3A_616 = vector.shape_cast %get3A_615 : vector<1x16xf32> to vector<16xf32>
      %mul3A_617 = arith.mulf %get3A_610, %get3A_616 : vector<16xf32>
      %add3A_618 = arith.constant 3 : i32
      %add3A_619 = arith.addi %mul3A_86, %add3A_618 : i32
      %swap3A_620 = arith.index_cast %add3A_619 : i32 to index
      %swap3A_621 = arith.constant 32 : index
      %swap3A_622 = tpu.vector_load %arg12[%swap3A_620, %swap3A_621] {strides = array<i32>} : memref<80x128xf32, #tpu.memory_space<vmem>>, vector<1x16xf32>,
      %swap3A_623 = vector.shape_cast %swap3A_622 : vector<1x16xf32> to vector<16xf32>
      %swap3A_624 = vector.shape_cast %mul3A_617 : vector<16xf32> to vector<1x16xf32>
      tpu.vector_store %arg12[%swap3A_620, %swap3A_621], %swap3A_624 {strides = array<i32>} : memref<80x128xf32, #tpu.memory_space<vmem>>, vector<1x16xf32>,
      %add3A_625 = arith.constant 3 : i32
      %add3A_626 = arith.addi %mul3A_86, %add3A_625 : i32
      %get3A_627 = arith.index_cast %add3A_626 : i32 to index
      %get3A_628 = arith.constant 48 : index
      %get3A_629 = tpu.vector_load %arg12[%get3A_627, %get3A_628] {strides = array<i32>} : memref<80x128xf32, #tpu.memory_space<vmem>>, vector<1x16xf32>,
      %get3A_630 = vector.shape_cast %get3A_629 : vector<1x16xf32> to vector<16xf32>
      %add3A_631 = arith.constant 3 : i32
      %add3A_632 = arith.addi %mul3A_86, %add3A_631 : i32
      %get3A_633 = arith.index_cast %add3A_632 : i32 to index
      %get3A_634 = arith.constant 48 : index
      %get3A_635 = tpu.vector_load %arg13[%get3A_633, %get3A_634] {strides = array<i32>} : memref<80x128xf32, #tpu.memory_space<vmem>>, vector<1x16xf32>,
      %get3A_636 = vector.shape_cast %get3A_635 : vector<1x16xf32> to vector<16xf32>
      %mul3A_637 = arith.mulf %get3A_630, %get3A_636 : vector<16xf32>
      %add3A_638 = arith.constant 3 : i32
      %add3A_639 = arith.addi %mul3A_86, %add3A_638 : i32
      %swap3A_640 = arith.index_cast %add3A_639 : i32 to index
      %swap3A_641 = arith.constant 48 : index
      %swap3A_642 = tpu.vector_load %arg12[%swap3A_640, %swap3A_641] {strides = array<i32>} : memref<80x128xf32, #tpu.memory_space<vmem>>, vector<1x16xf32>,
      %swap3A_643 = vector.shape_cast %swap3A_642 : vector<1x16xf32> to vector<16xf32>
      %swap3A_644 = vector.shape_cast %mul3A_637 : vector<16xf32> to vector<1x16xf32>
      tpu.vector_store %arg12[%swap3A_640, %swap3A_641], %swap3A_644 {strides = array<i32>} : memref<80x128xf32, #tpu.memory_space<vmem>>, vector<1x16xf32>,
      %add3A_645 = arith.constant 3 : i32
      %add3A_646 = arith.addi %mul3A_86, %add3A_645 : i32
      %get3A_647 = arith.index_cast %add3A_646 : i32 to index
      %get3A_648 = arith.constant 64 : index
      %get3A_649 = tpu.vector_load %arg12[%get3A_647, %get3A_648] {strides = array<i32>} : memref<80x128xf32, #tpu.memory_space<vmem>>, vector<1x16xf32>,
      %get3A_650 = vector.shape_cast %get3A_649 : vector<1x16xf32> to vector<16xf32>
      %add3A_651 = arith.constant 3 : i32
      %add3A_652 = arith.addi %mul3A_86, %add3A_651 : i32
      %get3A_653 = arith.index_cast %add3A_652 : i32 to index
      %get3A_654 = arith.constant 64 : index
      %get3A_655 = tpu.vector_load %arg13[%get3A_653, %get3A_654] {strides = array<i32>} : memref<80x128xf32, #tpu.memory_space<vmem>>, vector<1x16xf32>,
      %get3A_656 = vector.shape_cast %get3A_655 : vector<1x16xf32> to vector<16xf32>
      %mul3A_657 = arith.mulf %get3A_650, %get3A_656 : vector<16xf32>
      %add3A_658 = arith.constant 3 : i32
      %add3A_659 = arith.addi %mul3A_86, %add3A_658 : i32
      %swap3A_660 = arith.index_cast %add3A_659 : i32 to index
      %swap3A_661 = arith.constant 64 : index
      %swap3A_662 = tpu.vector_load %arg12[%swap3A_660, %swap3A_661] {strides = array<i32>} : memref<80x128xf32, #tpu.memory_space<vmem>>, vector<1x16xf32>,
      %swap3A_663 = vector.shape_cast %swap3A_662 : vector<1x16xf32> to vector<16xf32>
      %swap3A_664 = vector.shape_cast %mul3A_657 : vector<16xf32> to vector<1x16xf32>
      tpu.vector_store %arg12[%swap3A_660, %swap3A_661], %swap3A_664 {strides = array<i32>} : memref<80x128xf32, #tpu.memory_space<vmem>>, vector<1x16xf32>,
      %add3A_665 = arith.constant 3 : i32
      %add3A_666 = arith.addi %mul3A_86, %add3A_665 : i32
      %get3A_667 = arith.index_cast %add3A_666 : i32 to index
      %get3A_668 = arith.constant 80 : index
      %get3A_669 = tpu.vector_load %arg12[%get3A_667, %get3A_668] {strides = array<i32>} : memref<80x128xf32, #tpu.memory_space<vmem>>, vector<1x16xf32>,
      %get3A_670 = vector.shape_cast %get3A_669 : vector<1x16xf32> to vector<16xf32>
      %add3A_671 = arith.constant 3 : i32
      %add3A_672 = arith.addi %mul3A_86, %add3A_671 : i32
      %get3A_673 = arith.index_cast %add3A_672 : i32 to index
      %get3A_674 = arith.constant 80 : index
      %get3A_675 = tpu.vector_load %arg13[%get3A_673, %get3A_674] {strides = array<i32>} : memref<80x128xf32, #tpu.memory_space<vmem>>, vector<1x16xf32>,
      %get3A_676 = vector.shape_cast %get3A_675 : vector<1x16xf32> to vector<16xf32>
      %mul3A_677 = arith.mulf %get3A_670, %get3A_676 : vector<16xf32>
      %add3A_678 = arith.constant 3 : i32
      %add3A_679 = arith.addi %mul3A_86, %add3A_678 : i32
      %swap3A_680 = arith.index_cast %add3A_679 : i32 to index
      %swap3A_681 = arith.constant 80 : index
      %swap3A_682 = tpu.vector_load %arg12[%swap3A_680, %swap3A_681] {strides = array<i32>} : memref<80x128xf32, #tpu.memory_space<vmem>>, vector<1x16xf32>,
      %swap3A_683 = vector.shape_cast %swap3A_682 : vector<1x16xf32> to vector<16xf32>
      %swap3A_684 = vector.shape_cast %mul3A_677 : vector<16xf32> to vector<1x16xf32>
      tpu.vector_store %arg12[%swap3A_680, %swap3A_681], %swap3A_684 {strides = array<i32>} : memref<80x128xf32, #tpu.memory_space<vmem>>, vector<1x16xf32>,
      %add3A_685 = arith.constant 3 : i32
      %add3A_686 = arith.addi %mul3A_86, %add3A_685 : i32
      %get3A_687 = arith.index_cast %add3A_686 : i32 to index
      %get3A_688 = arith.constant 96 : index
      %get3A_689 = tpu.vector_load %arg12[%get3A_687, %get3A_688] {strides = array<i32>} : memref<80x128xf32, #tpu.memory_space<vmem>>, vector<1x16xf32>,
      %get3A_690 = vector.shape_cast %get3A_689 : vector<1x16xf32> to vector<16xf32>
      %add3A_691 = arith.constant 3 : i32
      %add3A_692 = arith.addi %mul3A_86, %add3A_691 : i32
      %get3A_693 = arith.index_cast %add3A_692 : i32 to index
      %get3A_694 = arith.constant 96 : index
      %get3A_695 = tpu.vector_load %arg13[%get3A_693, %get3A_694] {strides = array<i32>} : memref<80x128xf32, #tpu.memory_space<vmem>>, vector<1x16xf32>,
      %get3A_696 = vector.shape_cast %get3A_695 : vector<1x16xf32> to vector<16xf32>
      %mul3A_697 = arith.mulf %get3A_690, %get3A_696 : vector<16xf32>
      %add3A_698 = arith.constant 3 : i32
      %add3A_699 = arith.addi %mul3A_86, %add3A_698 : i32
      %swap3A_700 = arith.index_cast %add3A_699 : i32 to index
      %swap3A_701 = arith.constant 96 : index
      %swap3A_702 = tpu.vector_load %arg12[%swap3A_700, %swap3A_701] {strides = array<i32>} : memref<80x128xf32, #tpu.memory_space<vmem>>, vector<1x16xf32>,
      %swap3A_703 = vector.shape_cast %swap3A_702 : vector<1x16xf32> to vector<16xf32>
      %swap3A_704 = vector.shape_cast %mul3A_697 : vector<16xf32> to vector<1x16xf32>
      tpu.vector_store %arg12[%swap3A_700, %swap3A_701], %swap3A_704 {strides = array<i32>} : memref<80x128xf32, #tpu.memory_space<vmem>>, vector<1x16xf32>,
      %add3A_705 = arith.constant 3 : i32
      %add3A_706 = arith.addi %mul3A_86, %add3A_705 : i32
      %get3A_707 = arith.index_cast %add3A_706 : i32 to index
      %get3A_708 = arith.constant 112 : index
      %get3A_709 = tpu.vector_load %arg12[%get3A_707, %get3A_708] {strides = array<i32>} : memref<80x128xf32, #tpu.memory_space<vmem>>, vector<1x16xf32>,
      %get3A_710 = vector.shape_cast %get3A_709 : vector<1x16xf32> to vector<16xf32>
      %add3A_711 = arith.constant 3 : i32
      %add3A_712 = arith.addi %mul3A_86, %add3A_711 : i32
      %get3A_713 = arith.index_cast %add3A_712 : i32 to index
      %get3A_714 = arith.constant 112 : index
      %get3A_715 = tpu.vector_load %arg13[%get3A_713, %get3A_714] {strides = array<i32>} : memref<80x128xf32, #tpu.memory_space<vmem>>, vector<1x16xf32>,
      %get3A_716 = vector.shape_cast %get3A_715 : vector<1x16xf32> to vector<16xf32>
      %mul3A_717 = arith.mulf %get3A_710, %get3A_716 : vector<16xf32>
      %add3A_718 = arith.constant 3 : i32
      %add3A_719 = arith.addi %mul3A_86, %add3A_718 : i32
      %swap3A_720 = arith.index_cast %add3A_719 : i32 to index
      %swap3A_721 = arith.constant 112 : index
      %swap3A_722 = tpu.vector_load %arg12[%swap3A_720, %swap3A_721] {strides = array<i32>} : memref<80x128xf32, #tpu.memory_space<vmem>>, vector<1x16xf32>,
      %swap3A_723 = vector.shape_cast %swap3A_722 : vector<1x16xf32> to vector<16xf32>
      %swap3A_724 = vector.shape_cast %mul3A_717 : vector<16xf32> to vector<1x16xf32>
      tpu.vector_store %arg12[%swap3A_720, %swap3A_721], %swap3A_724 {strides = array<i32>} : memref<80x128xf32, #tpu.memory_space<vmem>>, vector<1x16xf32>,
      %scan3A_725 = arith.constant 0 : i32
      scf.yield %scan3A_725 : i32
    }
    %scan3A_69 = arith.constant 20 : i32
    %dma_start3A_70 = arith.constant 0 : i32
    %dma_start3A_71 = arith.constant 0 : i32
    %dma_start3A_72 = tpu.memref_slice %arg7[%dma_start3A_70, %dma_start3A_71] : memref<10240x128xf32, #tpu.memory_space<vmem_shared>> -> memref<10240x128xf32, #tpu.memory_space<vmem_shared>>
    tpu.enqueue_indirect_dma source(%arg12 : memref<80x128xf32, #tpu.memory_space<vmem>>) target(%dma_start3A_72 : memref<10240x128xf32, #tpu.memory_space<vmem_shared>>) offsets(%arg9 : memref<80xi32, #tpu.memory_space<vmem>>) semaphore(%arg21 : memref<!tpu.dma_semaphore, #tpu.memory_space<semaphore_mem>>) {add = true}
    %dma_wait3A_73 = arith.constant 0 : i32
    %dma_wait3A_74 = arith.constant 0 : i32
    %dma_wait3A_75 = tpu.memref_slice %arg7[%dma_wait3A_73, %dma_wait3A_74] : memref<10240x128xf32, #tpu.memory_space<vmem_shared>> -> memref<10240x128xf32, #tpu.memory_space<vmem_shared>>
    tpu.wait_indirect_dma semaphore(%arg21 : memref<!tpu.dma_semaphore, #tpu.memory_space<semaphore_mem>>) src(%arg12 : memref<80x128xf32, #tpu.memory_space<vmem>>) dst(%dma_wait3A_75 : memref<10240x128xf32, #tpu.memory_space<vmem_shared>>)
    %dma_wait3A_76 = arith.constant 0 : i32
    %dma_wait3A_77 = arith.constant 0 : i32
    %dma_wait3A_78 = tpu.memref_slice %arg4[%dma_wait3A_76, %dma_wait3A_77] : memref<10000x128xf32, #tpu.memory_space<hbm>> -> memref<10000x128xf32, #tpu.memory_space<hbm>>
    tpu.wait_indirect_dma semaphore(%arg22 : memref<!tpu.dma_semaphore, #tpu.memory_space<semaphore_mem>>) src(%dma_wait3A_78 : memref<10000x128xf32, #tpu.memory_space<hbm>>) dst(%arg17 : memref<80x128xf32, #tpu.memory_space<vmem>>)
    %dma_wait3A_79 = arith.constant 0 : i32
    %dma_wait3A_80 = arith.constant 0 : i32
    %dma_wait3A_81 = tpu.memref_slice %arg8[%dma_wait3A_79, %dma_wait3A_80] : memref<256x128xf32, #tpu.memory_space<vmem_shared>> -> memref<256x128xf32, #tpu.memory_space<vmem_shared>>
    tpu.wait_indirect_dma semaphore(%arg23 : memref<!tpu.dma_semaphore, #tpu.memory_space<semaphore_mem>>) src(%dma_wait3A_81 : memref<256x128xf32, #tpu.memory_space<vmem_shared>>) dst(%arg18 : memref<80x128xf32, #tpu.memory_space<vmem>>)
    %barrier3A_82 = arith.constant 0 : index
    tpu.barrier barrier_id(%barrier3A_82)
    "tpu.region"() ({
      %run_scoped3A = tpu.sem_alloc : memref<!tpu.dma_semaphore, #tpu.memory_space<semaphore_mem>>
      %dma_start3A_83 = arith.constant 0 : i32
      %dma_start3A_84 = tpu.memref_slice %arg6[%arg0, %mul3A_11, %dma_start3A_83] : memref<2x10240x128xf32, #tpu.memory_space<hbm>> -> memref<1x640x128xf32, #tpu.memory_space<hbm>>
      %dma_start3A_85 = tpu.memref_squeeze %dma_start3A_84 : memref<1x640x128xf32, #tpu.memory_space<hbm>> -> memref<640x128xf32, #tpu.memory_space<hbm>>
      %dma_start3A_86 = arith.constant 0 : i32
      %dma_start3A_87 = tpu.memref_slice %arg7[%mul3A_11, %dma_start3A_86] : memref<10240x128xf32, #tpu.memory_space<vmem_shared>> -> memref<640x128xf32, #tpu.memory_space<vmem_shared>>
      tpu.enqueue_dma source(%dma_start3A_87 : memref<640x128xf32, #tpu.memory_space<vmem_shared>>) target(%dma_start3A_85 : memref<640x128xf32, #tpu.memory_space<hbm>>) target_semaphore(%run_scoped3A : memref<!tpu.dma_semaphore, #tpu.memory_space<semaphore_mem>>)
      %dma_wait3A_88 = arith.constant 0 : i32
      %dma_wait3A_89 = tpu.memref_slice %arg6[%arg0, %mul3A_11, %dma_wait3A_88] : memref<2x10240x128xf32, #tpu.memory_space<hbm>> -> memref<1x640x128xf32, #tpu.memory_space<hbm>>
      %dma_wait3A_90 = tpu.memref_squeeze %dma_wait3A_89 : memref<1x640x128xf32, #tpu.memory_space<hbm>> -> memref<640x128xf32, #tpu.memory_space<hbm>>
      %dma_wait3A_91 = arith.constant 0 : i32
      %dma_wait3A_92 = tpu.memref_slice %arg7[%mul3A_11, %dma_wait3A_91] : memref<10240x128xf32, #tpu.memory_space<vmem_shared>> -> memref<640x128xf32, #tpu.memory_space<vmem_shared>>
      tpu.wait_dma2 semaphore(%run_scoped3A : memref<!tpu.dma_semaphore, #tpu.memory_space<semaphore_mem>>) src(%dma_wait3A_92 : memref<640x128xf32, #tpu.memory_space<vmem_shared>>) dst(%dma_wait3A_90 : memref<640x128xf32, #tpu.memory_space<hbm>>)
      tpu.yield
    }) : () -> ()
    return
  }
}

module attributes {stable_mosaic.version = 14 : i64} {
  func.func @_tc_rel(%arg0: memref<200x128xf32, #tpu.memory_space<vmem>>, %arg1: memref<128x128xf32, #tpu.memory_space<vmem>>, %arg2: memref<200x128xf32, #tpu.memory_space<vmem>>) attributes {dimension_semantics = [], scalar_prefetch = 0 : i64, scratch_operands = 0 : i64, tpu.core_type = #tpu.core_type<tc>} {
    %get3A = arith.constant 0 : index
    %get3A_0 = arith.constant 0 : index
    %get3A_1 = vector.load %arg0[%get3A, %get3A_0] : memref<200x128xf32, #tpu.memory_space<vmem>>, vector<200x128xf32>
    %get3A_2 = arith.constant 0 : index
    %get3A_3 = arith.constant 0 : index
    %get3A_4 = vector.load %arg1[%get3A_2, %get3A_3] : memref<128x128xf32, #tpu.memory_space<vmem>>, vector<128x128xf32>
    %dot_general3A = arith.constant dense<0.000000e+00> : vector<200x128xf32>
    %dot_general3A_5 = tpu.matmul %get3A_1, %get3A_4, %dot_general3A {dimension_numbers = #tpu.dot_dimension_numbers<[1], [0], [0], [1], [0, 0, 1, 1], [], []>, precision = #tpu.contract_precision<fp32>, transpose_lhs_hint = false} : vector<200x128xf32>, vector<128x128xf32>, vector<200x128xf32> -> vector<200x128xf32>
    %swap3A = arith.constant 0 : index
    %swap3A_6 = arith.constant 0 : index
    %swap3A_7 = vector.load %arg2[%swap3A, %swap3A_6] : memref<200x128xf32, #tpu.memory_space<vmem>>, vector<200x128xf32>
    tpu.vector_store %arg2[%swap3A, %swap3A_6], %dot_general3A_5 {strides = array<i32>} : memref<200x128xf32, #tpu.memory_space<vmem>>, vector<200x128xf32>,
    return
  }
}

module attributes {stable_mosaic.version = 14 : i64} {
  func.func @_tc_mm(%arg0: i32, %arg1: memref<2x2000x128xf32, #tpu.memory_space<vmem>>, %arg2: memref<2000x128xf32, #tpu.memory_space<vmem>>, %arg3: memref<1x128xf32, #tpu.memory_space<vmem>>, %arg4: memref<128x128xf32, #tpu.memory_space<vmem>>, %arg5: memref<128x128xf32, #tpu.memory_space<vmem>>, %arg6: memref<128x128xf32, #tpu.memory_space<vmem>>, %arg7: memref<3x2000x128xf32, #tpu.memory_space<vmem>>) attributes {dimension_semantics = [#tpu.dimension_semantics<arbitrary>], iteration_bounds = array<i64: 5>, scalar_prefetch = 0 : i64, scratch_operands = 0 : i64, tpu.core_type = #tpu.core_type<tc>, window_params = [{transform_indices = @transform_0, window_bounds = array<i64: 2, 2000, 128>}, {transform_indices = @transform_1, window_bounds = array<i64: 2000, 128>}, {pipeline_mode = #tpu.pipeline_mode<synchronous>, transform_indices = @transform_2, window_bounds = array<i64: 1, 128>}, {pipeline_mode = #tpu.pipeline_mode<synchronous>, transform_indices = @transform_3, window_bounds = array<i64: 128, 128>}, {pipeline_mode = #tpu.pipeline_mode<synchronous>, transform_indices = @transform_4, window_bounds = array<i64: 128, 128>}, {pipeline_mode = #tpu.pipeline_mode<synchronous>, transform_indices = @transform_5, window_bounds = array<i64: 128, 128>}, {transform_indices = @transform_6, window_bounds = array<i64: 3, 2000, 128>}]} {
    %get3A = arith.constant 0 : index
    %get3A_0 = arith.constant 0 : index
    %get3A_1 = arith.constant 0 : index
    %get3A_2 = vector.load %arg1[%get3A, %get3A_0, %get3A_1] : memref<2x2000x128xf32, #tpu.memory_space<vmem>>, vector<1x2000x128xf32>
    %get3A_3 = vector.shape_cast %get3A_2 : vector<1x2000x128xf32> to vector<2000x128xf32>
    %get3A_4 = arith.constant 0 : index
    %get3A_5 = arith.constant 0 : index
    %get3A_6 = vector.load %arg4[%get3A_4, %get3A_5] : memref<128x128xf32, #tpu.memory_space<vmem>>, vector<128x128xf32>
    %dot_general3A = arith.constant dense<0.000000e+00> : vector<2000x128xf32>
    %dot_general3A_7 = tpu.matmul %get3A_3, %get3A_6, %dot_general3A {dimension_numbers = #tpu.dot_dimension_numbers<[1], [0], [0], [1], [0, 0, 1, 1], [], []>, precision = #tpu.contract_precision<fp32>, transpose_lhs_hint = false} : vector<2000x128xf32>, vector<128x128xf32>, vector<2000x128xf32> -> vector<2000x128xf32>
    %swap3A = arith.constant 0 : index
    %swap3A_8 = arith.constant 0 : index
    %swap3A_9 = arith.constant 0 : index
    %swap3A_10 = vector.load %arg7[%swap3A, %swap3A_8, %swap3A_9] : memref<3x2000x128xf32, #tpu.memory_space<vmem>>, vector<1x2000x128xf32>
    %swap3A_11 = vector.shape_cast %swap3A_10 : vector<1x2000x128xf32> to vector<2000x128xf32>
    %swap3A_12 = vector.shape_cast %dot_general3A_7 : vector<2000x128xf32> to vector<1x2000x128xf32>
    tpu.vector_store %arg7[%swap3A, %swap3A_8, %swap3A_9], %swap3A_12 {strides = array<i32>} : memref<3x2000x128xf32, #tpu.memory_space<vmem>>, vector<1x2000x128xf32>,
    %get3A_13 = arith.constant 1 : index
    %get3A_14 = arith.constant 0 : index
    %get3A_15 = arith.constant 0 : index
    %get3A_16 = vector.load %arg1[%get3A_13, %get3A_14, %get3A_15] : memref<2x2000x128xf32, #tpu.memory_space<vmem>>, vector<1x2000x128xf32>
    %get3A_17 = vector.shape_cast %get3A_16 : vector<1x2000x128xf32> to vector<2000x128xf32>
    %get3A_18 = arith.constant 0 : index
    %get3A_19 = arith.constant 0 : index
    %get3A_20 = vector.load %arg5[%get3A_18, %get3A_19] : memref<128x128xf32, #tpu.memory_space<vmem>>, vector<128x128xf32>
    %dot_general3A_21 = arith.constant dense<0.000000e+00> : vector<2000x128xf32>
    %dot_general3A_22 = tpu.matmul %get3A_17, %get3A_20, %dot_general3A_21 {dimension_numbers = #tpu.dot_dimension_numbers<[1], [0], [0], [1], [0, 0, 1, 1], [], []>, precision = #tpu.contract_precision<fp32>, transpose_lhs_hint = false} : vector<2000x128xf32>, vector<128x128xf32>, vector<2000x128xf32> -> vector<2000x128xf32>
    %swap3A_23 = arith.constant 1 : index
    %swap3A_24 = arith.constant 0 : index
    %swap3A_25 = arith.constant 0 : index
    %swap3A_26 = vector.load %arg7[%swap3A_23, %swap3A_24, %swap3A_25] : memref<3x2000x128xf32, #tpu.memory_space<vmem>>, vector<1x2000x128xf32>
    %swap3A_27 = vector.shape_cast %swap3A_26 : vector<1x2000x128xf32> to vector<2000x128xf32>
    %swap3A_28 = vector.shape_cast %dot_general3A_22 : vector<2000x128xf32> to vector<1x2000x128xf32>
    tpu.vector_store %arg7[%swap3A_23, %swap3A_24, %swap3A_25], %swap3A_28 {strides = array<i32>} : memref<3x2000x128xf32, #tpu.memory_space<vmem>>, vector<1x2000x128xf32>,
    %get3A_29 = arith.constant 0 : index
    %get3A_30 = arith.constant 0 : index
    %get3A_31 = vector.load %arg2[%get3A_29, %get3A_30] : memref<2000x128xf32, #tpu.memory_space<vmem>>, vector<2000x128xf32>
    %get3A_32 = arith.constant 0 : index
    %get3A_33 = arith.constant 0 : index
    %get3A_34 = vector.load %arg3[%get3A_32, %get3A_33] : memref<1x128xf32, #tpu.memory_space<vmem>>, vector<1x128xf32>
    %mul3A = vector.broadcast %get3A_34 : vector<1x128xf32> to vector<2000x128xf32>
    %mul3A_35 = arith.mulf %get3A_31, %mul3A : vector<2000x128xf32>
    %get3A_36 = arith.constant 0 : index
    %get3A_37 = arith.constant 0 : index
    %get3A_38 = vector.load %arg6[%get3A_36, %get3A_37] : memref<128x128xf32, #tpu.memory_space<vmem>>, vector<128x128xf32>
    %dot_general3A_39 = arith.constant dense<0.000000e+00> : vector<2000x128xf32>
    %dot_general3A_40 = tpu.matmul %mul3A_35, %get3A_38, %dot_general3A_39 {dimension_numbers = #tpu.dot_dimension_numbers<[1], [0], [0], [1], [0, 0, 1, 1], [], []>, precision = #tpu.contract_precision<fp32>, transpose_lhs_hint = false} : vector<2000x128xf32>, vector<128x128xf32>, vector<2000x128xf32> -> vector<2000x128xf32>
    %swap3A_41 = arith.constant 2 : index
    %swap3A_42 = arith.constant 0 : index
    %swap3A_43 = arith.constant 0 : index
    %swap3A_44 = vector.load %arg7[%swap3A_41, %swap3A_42, %swap3A_43] : memref<3x2000x128xf32, #tpu.memory_space<vmem>>, vector<1x2000x128xf32>
    %swap3A_45 = vector.shape_cast %swap3A_44 : vector<1x2000x128xf32> to vector<2000x128xf32>
    %swap3A_46 = vector.shape_cast %dot_general3A_40 : vector<2000x128xf32> to vector<1x2000x128xf32>
    tpu.vector_store %arg7[%swap3A_41, %swap3A_42, %swap3A_43], %swap3A_46 {strides = array<i32>} : memref<3x2000x128xf32, #tpu.memory_space<vmem>>, vector<1x2000x128xf32>,
    return
  }
  func.func @transform_0(%arg0: i32) -> (i32, i32, i32) {
    %c0_i32 = arith.constant 0 : i32
    %c0_i32_0 = arith.constant 0 : i32
    %c0_i32_1 = arith.constant 0 : i32
    return %c0_i32, %arg0, %c0_i32_0 : i32, i32, i32
  }
  func.func @transform_1(%arg0: i32) -> (i32, i32) {
    %c0_i32 = arith.constant 0 : i32
    %c0_i32_0 = arith.constant 0 : i32
    return %arg0, %c0_i32 : i32, i32
  }
  func.func @transform_2(%arg0: i32) -> (i32, i32) {
    %c0_i32 = arith.constant 0 : i32
    %c0_i32_0 = arith.constant 0 : i32
    %c0_i32_1 = arith.constant 0 : i32
    return %c0_i32, %c0_i32_0 : i32, i32
  }
  func.func @transform_3(%arg0: i32) -> (i32, i32) {
    %c0_i32 = arith.constant 0 : i32
    %c0_i32_0 = arith.constant 0 : i32
    %c0_i32_1 = arith.constant 0 : i32
    return %c0_i32, %c0_i32_0 : i32, i32
  }
  func.func @transform_4(%arg0: i32) -> (i32, i32) {
    %c0_i32 = arith.constant 0 : i32
    %c0_i32_0 = arith.constant 0 : i32
    %c0_i32_1 = arith.constant 0 : i32
    return %c0_i32, %c0_i32_0 : i32, i32
  }
  func.func @transform_5(%arg0: i32) -> (i32, i32) {
    %c0_i32 = arith.constant 0 : i32
    %c0_i32_0 = arith.constant 0 : i32
    %c0_i32_1 = arith.constant 0 : i32
    return %c0_i32, %c0_i32_0 : i32, i32
  }
  func.func @transform_6(%arg0: i32) -> (i32, i32, i32) {
    %c0_i32 = arith.constant 0 : i32
    %c0_i32_0 = arith.constant 0 : i32
    %c0_i32_1 = arith.constant 0 : i32
    return %c0_i32, %arg0, %c0_i32_0 : i32, i32, i32
  }
}

module attributes {stable_mosaic.version = 14 : i64} {
  func.func @_tc_norm(%arg0: i32, %arg1: memref<3x2000x128xf32, #tpu.memory_space<vmem>>, %arg2: memref<2x2000x128xf32, #tpu.memory_space<vmem>>, %arg3: memref<128xf32, #tpu.memory_space<vmem>>, %arg4: memref<2000x128xf32, #tpu.memory_space<vmem>>, %arg5: memref<8x128xf32, #tpu.memory_space<vmem>>) attributes {dimension_semantics = [#tpu.dimension_semantics<arbitrary>], iteration_bounds = array<i64: 5>, scalar_prefetch = 0 : i64, scratch_operands = 0 : i64, tpu.core_type = #tpu.core_type<tc>, window_params = [{transform_indices = @transform_0, window_bounds = array<i64: 3, 2000, 128>}, {transform_indices = @transform_1, window_bounds = array<i64: 2, 2000, 128>}, {pipeline_mode = #tpu.pipeline_mode<synchronous>, transform_indices = @transform_2, window_bounds = array<i64: 128>}, {transform_indices = @transform_3, window_bounds = array<i64: 2000, 128>}, {pipeline_mode = #tpu.pipeline_mode<synchronous>, transform_indices = @transform_4, window_bounds = array<i64: 8, 128>}]} {
    %get3A = arith.constant 0 : index
    %get3A_0 = arith.constant 0 : index
    %get3A_1 = arith.constant 0 : index
    %get3A_2 = vector.load %arg2[%get3A, %get3A_0, %get3A_1] : memref<2x2000x128xf32, #tpu.memory_space<vmem>>, vector<1x2000x1xf32>
    %get3A_3 = vector.shape_cast %get3A_2 : vector<1x2000x1xf32> to vector<2000x1xf32>
    %max3A = arith.constant 1.000000e+00 : f32
    %max3A_4 = vector.broadcast %max3A : f32 to vector<2000x1xf32>
    %max3A_5 = arith.maximumf %get3A_3, %max3A_4 : vector<2000x1xf32>
    %div3A = arith.constant 1.000000e+00 : f32
    %div3A_6 = vector.broadcast %div3A : f32 to vector<2000x1xf32>
    %div3A_7 = arith.divf %div3A_6, %max3A_5 : vector<2000x1xf32>
    %get3A_8 = arith.constant 1 : index
    %get3A_9 = arith.constant 0 : index
    %get3A_10 = arith.constant 0 : index
    %get3A_11 = vector.load %arg2[%get3A_8, %get3A_9, %get3A_10] : memref<2x2000x128xf32, #tpu.memory_space<vmem>>, vector<1x2000x1xf32>
    %get3A_12 = vector.shape_cast %get3A_11 : vector<1x2000x1xf32> to vector<2000x1xf32>
    %max3A_13 = arith.constant 1.000000e+00 : f32
    %max3A_14 = vector.broadcast %max3A_13 : f32 to vector<2000x1xf32>
    %max3A_15 = arith.maximumf %get3A_12, %max3A_14 : vector<2000x1xf32>
    %div3A_16 = arith.constant 1.000000e+00 : f32
    %div3A_17 = vector.broadcast %div3A_16 : f32 to vector<2000x1xf32>
    %div3A_18 = arith.divf %div3A_17, %max3A_15 : vector<2000x1xf32>
    %get3A_19 = arith.constant 0 : index
    %get3A_20 = arith.constant 0 : index
    %get3A_21 = arith.constant 0 : index
    %get3A_22 = vector.load %arg1[%get3A_19, %get3A_20, %get3A_21] : memref<3x2000x128xf32, #tpu.memory_space<vmem>>, vector<1x2000x128xf32>
    %get3A_23 = vector.shape_cast %get3A_22 : vector<1x2000x128xf32> to vector<2000x128xf32>
    %mul3A = vector.broadcast %div3A_7 : vector<2000x1xf32> to vector<2000x128xf32>
    %mul3A_24 = arith.mulf %get3A_23, %mul3A : vector<2000x128xf32>
    %get3A_25 = arith.constant 1 : index
    %get3A_26 = arith.constant 0 : index
    %get3A_27 = arith.constant 0 : index
    %get3A_28 = vector.load %arg1[%get3A_25, %get3A_26, %get3A_27] : memref<3x2000x128xf32, #tpu.memory_space<vmem>>, vector<1x2000x128xf32>
    %get3A_29 = vector.shape_cast %get3A_28 : vector<1x2000x128xf32> to vector<2000x128xf32>
    %mul3A_30 = vector.broadcast %div3A_18 : vector<2000x1xf32> to vector<2000x128xf32>
    %mul3A_31 = arith.mulf %get3A_29, %mul3A_30 : vector<2000x128xf32>
    %add3A = arith.addf %mul3A_24, %mul3A_31 : vector<2000x128xf32>
    %get3A_32 = arith.constant 2 : index
    %get3A_33 = arith.constant 0 : index
    %get3A_34 = arith.constant 0 : index
    %get3A_35 = vector.load %arg1[%get3A_32, %get3A_33, %get3A_34] : memref<3x2000x128xf32, #tpu.memory_space<vmem>>, vector<1x2000x128xf32>
    %get3A_36 = vector.shape_cast %get3A_35 : vector<1x2000x128xf32> to vector<2000x128xf32>
    %add3A_37 = arith.addf %add3A, %get3A_36 : vector<2000x128xf32>
    %mul3A_38 = arith.constant 0.333333343 : f32
    %mul3A_39 = vector.broadcast %mul3A_38 : f32 to vector<2000x128xf32>
    %mul3A_40 = arith.mulf %add3A_37, %mul3A_39 : vector<2000x128xf32>
    %get3A_41 = arith.constant 0 : index
    %get3A_42 = vector.load %arg3[%get3A_41] : memref<128xf32, #tpu.memory_space<vmem>>, vector<128xf32>
    %broadcast_in_dim3A = vector.shape_cast %get3A_42 : vector<128xf32> to vector<1x128xf32>
    %add3A_43 = vector.broadcast %broadcast_in_dim3A : vector<1x128xf32> to vector<2000x128xf32>
    %add3A_44 = arith.addf %mul3A_40, %add3A_43 : vector<2000x128xf32>
    %swap3A = arith.constant 0 : index
    %swap3A_45 = arith.constant 0 : index
    %swap3A_46 = vector.load %arg4[%swap3A, %swap3A_45] : memref<2000x128xf32, #tpu.memory_space<vmem>>, vector<2000x128xf32>
    tpu.vector_store %arg4[%swap3A, %swap3A_45], %add3A_44 {strides = array<i32>} : memref<2000x128xf32, #tpu.memory_space<vmem>>, vector<2000x128xf32>,
    %reduce_sum3A = arith.constant dense<0.000000e+00> : vector<128xf32>
    %reduce_sum3A_47 = vector.multi_reduction <add>, %add3A_44, %reduce_sum3A [0] : vector<2000x128xf32> to vector<128xf32>
    %broadcast_in_dim3A_48 = vector.shape_cast %reduce_sum3A_47 : vector<128xf32> to vector<1x128xf32>
    %mul3A_49 = arith.mulf %add3A_44, %add3A_44 : vector<2000x128xf32>
    %reduce_sum3A_50 = arith.constant dense<0.000000e+00> : vector<128xf32>
    %reduce_sum3A_51 = vector.multi_reduction <add>, %mul3A_49, %reduce_sum3A_50 [0] : vector<2000x128xf32> to vector<128xf32>
    %broadcast_in_dim3A_52 = vector.shape_cast %reduce_sum3A_51 : vector<128xf32> to vector<1x128xf32>
    %broadcast_in_dim3A_53 = arith.constant 0.000000e+00 : f32
    %broadcast_in_dim3A_54 = vector.broadcast %broadcast_in_dim3A_53 : f32 to vector<6x128xf32>
    %concatenate3A = tpu.concatenate %broadcast_in_dim3A_48, %broadcast_in_dim3A_52, %broadcast_in_dim3A_54 in 0 : vector<1x128xf32>, vector<1x128xf32>, vector<6x128xf32> -> vector<8x128xf32>
    %eq3A = arith.constant 0 : i32
    %eq3A_55 = arith.cmpi eq, %arg0, %eq3A : i32
    %convert_element_type3A = arith.extui %eq3A_55 : i1 to i32
    %cond3A = arith.constant 0 : i32
    %cond3A_56 = arith.cmpi ne, %convert_element_type3A, %cond3A : i32
    scf.if %cond3A_56 {
      %swap3A_61 = arith.constant 0 : index
      %swap3A_62 = arith.constant 0 : index
      %swap3A_63 = vector.load %arg5[%swap3A_61, %swap3A_62] : memref<8x128xf32, #tpu.memory_space<vmem>>, vector<8x128xf32>
      tpu.vector_store %arg5[%swap3A_61, %swap3A_62], %concatenate3A {strides = array<i32>} : memref<8x128xf32, #tpu.memory_space<vmem>>, vector<8x128xf32>,
    } else {
    }
    %gt3A = arith.constant 0 : i32
    %gt3A_57 = arith.cmpi sgt, %arg0, %gt3A : i32
    %convert_element_type3A_58 = arith.extui %gt3A_57 : i1 to i32
    %cond3A_59 = arith.constant 0 : i32
    %cond3A_60 = arith.cmpi ne, %convert_element_type3A_58, %cond3A_59 : i32
    scf.if %cond3A_60 {
      %get3A_61 = arith.constant 0 : index
      %get3A_62 = arith.constant 0 : index
      %get3A_63 = vector.load %arg5[%get3A_61, %get3A_62] : memref<8x128xf32, #tpu.memory_space<vmem>>, vector<8x128xf32>
      %add3A_64 = arith.addf %get3A_63, %concatenate3A : vector<8x128xf32>
      %swap3A_65 = arith.constant 0 : index
      %swap3A_66 = arith.constant 0 : index
      %swap3A_67 = vector.load %arg5[%swap3A_65, %swap3A_66] : memref<8x128xf32, #tpu.memory_space<vmem>>, vector<8x128xf32>
      tpu.vector_store %arg5[%swap3A_65, %swap3A_66], %add3A_64 {strides = array<i32>} : memref<8x128xf32, #tpu.memory_space<vmem>>, vector<8x128xf32>,
    } else {
    }
    return
  }
  func.func @transform_0(%arg0: i32) -> (i32, i32, i32) {
    %c0_i32 = arith.constant 0 : i32
    %c0_i32_0 = arith.constant 0 : i32
    %c0_i32_1 = arith.constant 0 : i32
    return %c0_i32, %arg0, %c0_i32_0 : i32, i32, i32
  }
  func.func @transform_1(%arg0: i32) -> (i32, i32, i32) {
    %c0_i32 = arith.constant 0 : i32
    %c0_i32_0 = arith.constant 0 : i32
    %c0_i32_1 = arith.constant 0 : i32
    return %c0_i32, %arg0, %c0_i32_0 : i32, i32, i32
  }
  func.func @transform_2(%arg0: i32) -> i32 {
    %c0_i32 = arith.constant 0 : i32
    %c0_i32_0 = arith.constant 0 : i32
    return %c0_i32 : i32
  }
  func.func @transform_3(%arg0: i32) -> (i32, i32) {
    %c0_i32 = arith.constant 0 : i32
    %c0_i32_0 = arith.constant 0 : i32
    return %arg0, %c0_i32 : i32, i32
  }
  func.func @transform_4(%arg0: i32) -> (i32, i32) {
    %c0_i32 = arith.constant 0 : i32
    %c0_i32_0 = arith.constant 0 : i32
    %c0_i32_1 = arith.constant 0 : i32
    return %c0_i32, %c0_i32_0 : i32, i32
  }
}

module attributes {stable_mosaic.version = 14 : i64} {
  func.func @_tc_bn(%arg0: i32, %arg1: memref<2000x128xf32, #tpu.memory_space<vmem>>, %arg2: memref<8x128xf32, #tpu.memory_space<vmem>>, %arg3: memref<128xf32, #tpu.memory_space<vmem>>, %arg4: memref<128xf32, #tpu.memory_space<vmem>>, %arg5: memref<2000x128xf32, #tpu.memory_space<vmem>>) attributes {dimension_semantics = [#tpu.dimension_semantics<arbitrary>], iteration_bounds = array<i64: 5>, scalar_prefetch = 0 : i64, scratch_operands = 0 : i64, tpu.core_type = #tpu.core_type<tc>, window_params = [{transform_indices = @transform_0, window_bounds = array<i64: 2000, 128>}, {pipeline_mode = #tpu.pipeline_mode<synchronous>, transform_indices = @transform_1, window_bounds = array<i64: 8, 128>}, {pipeline_mode = #tpu.pipeline_mode<synchronous>, transform_indices = @transform_2, window_bounds = array<i64: 128>}, {pipeline_mode = #tpu.pipeline_mode<synchronous>, transform_indices = @transform_3, window_bounds = array<i64: 128>}, {transform_indices = @transform_4, window_bounds = array<i64: 2000, 128>}]} {
    %get3A = arith.constant 0 : index
    %get3A_0 = arith.constant 0 : index
    %get3A_1 = vector.load %arg2[%get3A, %get3A_0] : memref<8x128xf32, #tpu.memory_space<vmem>>, vector<1x128xf32>
    %mul3A = arith.constant 9.99999974E-5 : f32
    %mul3A_2 = vector.broadcast %mul3A : f32 to vector<1x128xf32>
    %mul3A_3 = arith.mulf %get3A_1, %mul3A_2 : vector<1x128xf32>
    %get3A_4 = arith.constant 1 : index
    %get3A_5 = arith.constant 0 : index
    %get3A_6 = vector.load %arg2[%get3A_4, %get3A_5] : memref<8x128xf32, #tpu.memory_space<vmem>>, vector<1x128xf32>
    %mul3A_7 = arith.constant 9.99999974E-5 : f32
    %mul3A_8 = vector.broadcast %mul3A_7 : f32 to vector<1x128xf32>
    %mul3A_9 = arith.mulf %get3A_6, %mul3A_8 : vector<1x128xf32>
    %mul3A_10 = arith.mulf %mul3A_3, %mul3A_3 : vector<1x128xf32>
    %sub3A = arith.subf %mul3A_9, %mul3A_10 : vector<1x128xf32>
    %get3A_11 = arith.constant 0 : index
    %get3A_12 = vector.load %arg3[%get3A_11] : memref<128xf32, #tpu.memory_space<vmem>>, vector<128xf32>
    %broadcast_in_dim3A = vector.shape_cast %get3A_12 : vector<128xf32> to vector<1x128xf32>
    %add3A = arith.constant 9.99999974E-6 : f32
    %add3A_13 = vector.broadcast %add3A : f32 to vector<1x128xf32>
    %add3A_14 = arith.addf %sub3A, %add3A_13 : vector<1x128xf32>
    %rsqrt3A = math.rsqrt %add3A_14 : vector<1x128xf32>
    %mul3A_15 = arith.mulf %broadcast_in_dim3A, %rsqrt3A : vector<1x128xf32>
    %get3A_16 = arith.constant 0 : index
    %get3A_17 = arith.constant 0 : index
    %get3A_18 = vector.load %arg1[%get3A_16, %get3A_17] : memref<2000x128xf32, #tpu.memory_space<vmem>>, vector<2000x128xf32>
    %sub3A_19 = vector.broadcast %mul3A_3 : vector<1x128xf32> to vector<2000x128xf32>
    %sub3A_20 = arith.subf %get3A_18, %sub3A_19 : vector<2000x128xf32>
    %mul3A_21 = vector.broadcast %mul3A_15 : vector<1x128xf32> to vector<2000x128xf32>
    %mul3A_22 = arith.mulf %sub3A_20, %mul3A_21 : vector<2000x128xf32>
    %get3A_23 = arith.constant 0 : index
    %get3A_24 = vector.load %arg4[%get3A_23] : memref<128xf32, #tpu.memory_space<vmem>>, vector<128xf32>
    %broadcast_in_dim3A_25 = vector.shape_cast %get3A_24 : vector<128xf32> to vector<1x128xf32>
    %add3A_26 = vector.broadcast %broadcast_in_dim3A_25 : vector<1x128xf32> to vector<2000x128xf32>
    %add3A_27 = arith.addf %mul3A_22, %add3A_26 : vector<2000x128xf32>
    %swap3A = arith.constant 0 : index
    %swap3A_28 = arith.constant 0 : index
    %swap3A_29 = vector.load %arg5[%swap3A, %swap3A_28] : memref<2000x128xf32, #tpu.memory_space<vmem>>, vector<2000x128xf32>
    tpu.vector_store %arg5[%swap3A, %swap3A_28], %add3A_27 {strides = array<i32>} : memref<2000x128xf32, #tpu.memory_space<vmem>>, vector<2000x128xf32>,
    return
  }
  func.func @transform_0(%arg0: i32) -> (i32, i32) {
    %c0_i32 = arith.constant 0 : i32
    %c0_i32_0 = arith.constant 0 : i32
    return %arg0, %c0_i32 : i32, i32
  }
  func.func @transform_1(%arg0: i32) -> (i32, i32) {
    %c0_i32 = arith.constant 0 : i32
    %c0_i32_0 = arith.constant 0 : i32
    %c0_i32_1 = arith.constant 0 : i32
    return %c0_i32, %c0_i32_0 : i32, i32
  }
  func.func @transform_2(%arg0: i32) -> i32 {
    %c0_i32 = arith.constant 0 : i32
    %c0_i32_0 = arith.constant 0 : i32
    return %c0_i32 : i32
  }
  func.func @transform_3(%arg0: i32) -> i32 {
    %c0_i32 = arith.constant 0 : i32
    %c0_i32_0 = arith.constant 0 : i32
    return %c0_i32 : i32
  }
  func.func @transform_4(%arg0: i32) -> (i32, i32) {
    %c0_i32 = arith.constant 0 : i32
    %c0_i32_0 = arith.constant 0 : i32
    return %arg0, %c0_i32 : i32, i32
  }
}

</mosaic_0001>

<sc_bundles>
// kernel: kernel.11.cloned.1.call-start
scs
__scs_entry_jumppad:
0x0: {  	(pc) =	sbr.rel $0x88, $3  }
0x1: {  	(tag) =	ssettag $0x0;
	lr =	simm.s32 $0x1  }
0x2: {  	[smem:$0x3F95] =	sst lr;
	_ =	strace $0xD0000000  }
0x3: {  	_ = 	snop  }
0x4: {  	_ = 	snop  }
0x5: {  	_ = 	snop  }
0x6: {  	_ = 	snop  }
0x7: {  	_ = 	snop  }
__scs_overlays_trampoline_lowered:
0x8: {  	[smem:$0x3FA4] =	sst s0  }
0x9: {  	[smem:$0x3FA5] =	sst s1  }
0xa: {  	[smem:$0x3FA6] =	sst s2  }
0xb: {  	[smem:$0x3FA7] =	sst s3  }
0xc: {  	[smem:$0x3FA8] =	sst s4  }
0xd: {  	[smem:$0x3FA9] =	sst s5  }
0xe: {  	[smem:$0x3FAA] =	sst s6  }
0xf: {  	[smem:$0x3FAB] =	sst s7  }
0x10: {  	[smem:$0x3FAC] =	sst s8  }
0x11: {  	[smem:$0x3FAD] =	sst s9;
	s0 =	simm.s32 @!p0 $0x0  }
0x12: {  	s1 =	sld [smem:$0x3F93];
	s0 =	simm.s32 @p0 $0x1  }
0x13: {  	[smem:$0x3FAE] =	sst s0;
	s0 =	simm.s32 @!p1 $0x0  }
0x14: {  	s2 =	sld [smem:$0x3F92];
	s0 =	simm.s32 @p1 $0x1  }
0x15: {  	[smem:$0x3FAF] =	sst s0;
	s0 =	simm.s32 @!p2 $0x0  }
0x16: {  	s3 =	sld [smem:$0x3FDB];
	s0 =	simm.s32 @p2 $0x1  }
0x17: {  	s4 =	simm.s32 $0x1BF5;
	[smem:$0x3FB1] =	sst s0  }
0x18: {  	s0 =	sld [smem:$0x3F94];
	_ =	swait.ge [sflag:s4], $0x0  }
0x19: {  	s7 =	sld [smem:$0x3F95]  }
0x1a: {  	s8 =	sadd.s32 $0xFFFFE003, lr  }
0x1b: {  	s9 =	sadd.s32 $0xFFFFFEF7, lr;
	s5 =	simm.s32 $0xFFFFFFFF;
	p2 =	slt.u32 s8, $0xFFFFF086  }
0x1c: {  	p1 =	slt.u32 s9, $0xF7A;
	s5 =	simm.s32 @!p2 $0x0  }
0x1d: {  	s5 =	simm.s32 @p1 $0x1;
	p0 =	seq.s32 s7, s2  }
0x1e: {  	s7 =	smul.u32 @!p0 $0xF7A, s2;
	p2 =	seq.s32 @!p0 s5, $0x0  }
0x1f: {  	s9 =	smul.u32 $0xF7A, s1;
	s8 =	simm.s32 @!p0 $0x1BF5;
	p2 =	por !p2, p0  }
0x20: {  	[sflag:s8] =	ssyncset.s32 @!p0 $0xFFFFF086;
	s6 =	sadd.s32 @!p0 s3, s7;
	s7 =	simm.s32 @!p0 $0x108  }
0x21: {  	s3 =	sadd.s32 s3, s9;
	s6 =	sadd.s32 @!p0 $0x88, s6;
	s7 =	simm.s32 @p2 $0x1082  }
0x22: {  	[simem:s7], [sflag:s8] =	dma.local @!p0 [hbm:s6], $0xF7A  }
0x23: {  	s9 =	sor.u32 $0xD0000000, s2;
	s6 =	simm.s32 $0x108;
	_ =	swait.ge @!p0 [sflag:s8], $0x0  }
0x24: {  	s3 =	sadd.s32 $0x88, s3;
	s6 =	simm.s32 @!p1 $0x1082;
	[sflag:s4] =	ssyncset.s32 $0xFFFFF086  }
0x25: {  	[simem:s6], [sflag:s4] =	dma.local [hbm:s3], $0xF7A  }
0x26: {  	[smem:$0x3F95] =	sst s1;
	(tag) =	ssettag s2;
	_ =	strace s9  }
0x27: {  	s1 =	sld [smem:$0x3FA5]  }
0x28: {  	s2 =	sld [smem:$0x3FA6]  }
0x29: {  	s4 =	sld [smem:$0x3FA8]  }
0x2a: {  	p0 =	seq.s32 s5, $0x0;
	s5 =	sld [smem:$0x3FA9]  }
0x2b: {  	s6 =	sld [smem:$0x3FAA]  }
0x2c: {  	s7 =	sld [smem:$0x3FAB]  }
0x2d: {  	s3 =	simm.s32 $0x108;
	s8 =	sld [smem:$0x3FAC]  }
0x2e: {  	s3 =	simm.s32 @!p0 $0x1082;
	s9 =	sld [smem:$0x3FAD]  }
0x2f: {  	lr =	sadd.s32 s0, s3;
	s0 =	sld [smem:$0x3FA4]  }
0x30: {  	s3 =	sld [smem:$0x3FA7]  }
0x31: {  	[smem:$0x3FB0] =	sst s10  }
0x32: {  	s10 =	sld [smem:$0x3FAE];
	_ =	sdelay $0x3  }
0x33: {  	p0 =	seq.s32 s10, $0x1;
	s10 =	sld [smem:$0x3FB0];
	_ =	sdelay $0x3  }
0x34: {  	[smem:$0x3FB0] =	sst s10  }
0x35: {  	s10 =	sld [smem:$0x3FAF];
	_ =	sdelay $0x3  }
0x36: {  	p1 =	seq.s32 s10, $0x1;
	s10 =	sld [smem:$0x3FB0];
	_ =	sdelay $0x3  }
0x37: {  	[smem:$0x3FB0] =	sst s10  }
0x38: {  	s10 =	sld [smem:$0x3FB1]  }
0x39: {  	_ = 	snop;
	(pc) =	sbr.ind lr, $3  }
0x3a: {  	_ = 	snop  }
0x3b: {  	_ = 	snop  }
0x3c: {  	p2 =	seq.s32 s10, $0x1;
	s10 =	sld [smem:$0x3FB0]  }
0x3d: {  	_ =	shalt  }
0x3e: {  	_ =	shalt  }
0x3f: {  	_ =	shalt  }
0x40: {  	_ =	shalt  }
0x41: {  	_ =	shalt  }
0x42: {  	_ =	shalt  }
0x43: {  	_ =	shalt  }
0x44: {  	_ =	shalt  }
0x45: {  	_ =	shalt  }
0x46: {  	_ =	shalt  }
0x47: {  	_ =	shalt  }
0x48: {  	_ =	shalt  }
0x49: {  	_ =	shalt  }
0x4a: {  	_ =	shalt  }
0x4b: {  	_ =	shalt  }
0x4c: {  	_ =	shalt  }
0x4d: {  	_ =	shalt  }
0x4e: {  	_ =	shalt  }
0x4f: {  	_ =	shalt  }
0x50: {  	_ =	shalt  }
0x51: {  	_ =	shalt  }
0x52: {  	_ =	shalt  }
0x53: {  	_ =	shalt  }
0x54: {  	_ =	shalt  }
0x55: {  	_ =	shalt  }
0x56: {  	_ =	shalt  }
0x57: {  	_ =	shalt  }
0x58: {  	_ =	shalt  }
0x59: {  	_ =	shalt  }
0x5a: {  	_ =	shalt  }
0x5b: {  	_ =	shalt  }
0x5c: {  	_ =	shalt  }
0x5d: {  	_ =	shalt  }
0x5e: {  	_ =	shalt  }
0x5f: {  	_ =	shalt  }
0x60: {  	_ =	shalt  }
0x61: {  	_ =	shalt  }
0x62: {  	_ =	shalt  }
0x63: {  	_ =	shalt  }
0x64: {  	_ =	shalt  }
0x65: {  	_ =	shalt  }
0x66: {  	_ =	shalt  }
0x67: {  	_ =	shalt  }
0x68: {  	_ =	shalt  }
0x69: {  	_ =	shalt  }
0x6a: {  	_ =	shalt  }
0x6b: {  	_ =	shalt  }
0x6c: {  	_ =	shalt  }
0x6d: {  	_ =	shalt  }
0x6e: {  	_ =	shalt  }
0x6f: {  	_ =	shalt  }
0x70: {  	_ =	shalt  }
0x71: {  	_ =	shalt  }
0x72: {  	_ =	shalt  }
0x73: {  	_ =	shalt  }
0x74: {  	_ =	shalt  }
0x75: {  	_ =	shalt  }
0x76: {  	_ =	shalt  }
0x77: {  	_ =	shalt  }
0x78: {  	_ =	shalt  }
0x79: {  	_ =	shalt  }
0x7a: {  	_ =	shalt  }
0x7b: {  	_ =	shalt  }
0x7c: {  	_ =	shalt  }
0x7d: {  	_ =	shalt  }
0x7e: {  	_ =	shalt  }
0x7f: {  	_ =	shalt  }
0x80: {  	_ =	shalt  }
0x81: {  	_ =	shalt  }
0x82: {  	_ =	shalt  }
0x83: {  	_ =	shalt  }
0x84: {  	_ =	shalt  }
0x85: {  	_ =	shalt  }
0x86: {  	_ =	shalt  }
0x87: {  	_ =	shalt  }
.Lfunc_end0:
.L_simem_size_0:
called_computation.1_lowered:
.L_overlay_start_0:
0x88: {  	s2 =	sld [smem:$0x3FD9]  }
0x89: {  	s3 =	sld [smem:$0x3FFE];
	_ =	sdelay $0x1  }
0x8a: {  	s1 =	srdreg.scid  }
0x8b: {  	s0 =	sand.u32 $0x1, s1  }
0x8c: {  	s17 =	sshll.u32 s0, $0xA;
	s2 =	sadd.s32 s3, s2  }
0x8d: {  	s2 =	sadd.s32 s2, s17  }
0x8e: {  	[smem:$0x3FBC] =	sst s2  }
0x8f: {  	_ = 	snop  }
0x90: {  	(tm) =	ssettm $0x1  }
0x91: {  	s18 =	sld [smem:$0x3FFB];
	_ =	sdelay $0x3  }
0x92: {  	_ =	strace s18  }
0x93: {  	s2 =	sld [smem:$0x3FFC];
	_ =	sdelay $0x3  }
0x94: {  	_ =	strace s2  }
0x95: {  	s2 =	sld [smem:$0x3FFD];
	_ =	sdelay $0x3  }
0x96: {  	_ =	strace s2  }
0x97: {  	_ =	strace $0x8FFFFFFF  }
0x98: {  	s19 =	sld [smem:$0x3FDB];
	_ =	sdelay $0x1  }
0x99: {  	s20 =	simm.s32 $_scs_section_size  }
0x9a: {  	s4 =	simm.s32 $_size__tile_overlayer_lowered;
	s5 =	simm.s32 $_tile_overlayer_lowered  }
0x9b: {  	s6 =	simm.s32 $0x1BFF;
	s21 =	sshll.u32 s5, $0x1;
	s3 =	sadd.s32 s20, s19  }
0x9c: {  	s22 =	simm.s32 $0x0;
	s4 =	sshll.u32 s4, $0x1;
	s5 =	sadd.s32 s21, s3  }
0x9d: {  	[timem:s22], [sflag:s6] =	dma.local [hbm:s5], s4  }
0x9e: {  	_ =	swait.ge [sflag:s6], s4  }
0x9f: {  	s4 =	ssub.s32 $0x0, s4;
	[sflag:s6] =	ssyncset.done $0x0  }
0xa0: {  	[sflag:s6] =	ssyncadd.s32 s4;
	_ =	sdelay $0x1  }
0xa1: {  	s23 =	simm.s32 $0x1B8B  }
0xa2: {  	_ =	swait.ge [sflag:s23], $0x1  }
0xa3: {  	[sflag:s23] =	ssyncset.done $0x0  }
0xa4: {  	[sflag:s23] =	ssyncadd.s32 $0xFFFFFFFF  }
0xa5: {  	s4 =	sld [smem:$0x0]  }
0xa6: {  	s5 =	sand.u32 $0xFFFFFFFE, s1  }
0xa7: {  	p0 =	sne.s32 s1, s5  }
0xa8: {  	s5 =	sshll.u32 @p0 s5, $0xE  }
0xa9: {  	s5 =	sadd.s32 @p0 $0x11B8D, s5;
	s6 =	sshll.u32 @p0 s4, $0x11  }
0xaa: {  	s5 =	sor.u32 @p0 s6, s5  }
0xab: {  	[sflag:s5] =	ssyncadd.remote.s32 @p0 $0x1;
	_ =	sdelay $0x1  }
0xac: {  	s5 =	simm.s32 @p0 $0x1B8D  }
0xad: {  	_ =	swait.eq @p0 [sflag:s5], $0x1  }
0xae: {  	[sflag:s5] =	ssyncadd.s32 @p0 $0xFFFFFFFF  }
0xaf: {  	s6 =	sshll.u32 @!p0 s1, $0xE  }
0xb0: {  	s6 =	sor.u32 @!p0 $0x4000, s6;
	s5 =	simm.s32 @!p0 $0x1B8D  }
0xb1: {  	s4 =	sshll.u32 @!p0 s4, $0x11;
	s6 =	sadd.s32 @!p0 $0x11B8D, s6;
	_ =	swait.eq @!p0 [sflag:s5], $0x1  }
0xb2: {  	s4 =	sor.u32 @!p0 s4, s6;
	[sflag:s5] =	ssyncadd.s32 @!p0 $0xFFFFFFFF  }
0xb3: {  	s25 =	simm.s32 $0x1B8E;
	s24 =	sld [smem:$0x3FFE];
	[sflag:s4] =	ssyncadd.remote.s32 @!p0 $0x1  }
0xb4: {  	s26 =	simm.s32 $execute0_lowered;
	[smem:$0x3FD2] =	sst s25  }
0xb5: {  	s5 =	sshll.u32 s26, $0x1;
	_ =	strace $0x80000049;
	[dreg:$0x1] =	wrdreg $0xFFFFFFFF  }
0xb6: {  	s28 =	simm.s32 $_size_execute0_lowered;
	s3 =	sadd.s32 s3, s5;
	[dreg:$0x0] =	wrdreg $0x0  }
0xb7: {  	s5 =	sshll.u32 s28, $0x1;
	[dreg:$0x2] =	wrdreg s3  }
0xb8: {  	[dreg:$0x3] =	wrdreg s5  }
0xb9: {  	[dreg:$0x4] =	wrdreg $0xC0  }
0xba: {  	_ =	task [dreg:s22], $0x5FFFF  }
0xbb: {  	[dreg:$0x1] =	wrdreg $0xFFFFFFFF  }
0xbc: {  	[dreg:$0x0] =	wrdreg $0x60  }
0xbd: {  	[dreg:$0x2] =	wrdreg s24  }
0xbe: {  	[dreg:$0x3] =	wrdreg $0x0  }
0xbf: {  	[dreg:$0x4] =	wrdreg $0xA  }
0xc0: {  	_ =	task.clear_ibuf [dreg:s22], $0x5FFFF;
	_ =	strace $0x90000049  }
0xc1: {  	s29 =	simm.s32 $0xA;
	_ =	strace $0x8000004B  }
0xc2: {  	_ =	swait.ge [sflag:s29], $0x1  }
0xc3: {  	[sflag:s29] =	ssyncadd.s32 $0xFFFFFFFF  }
0xc4: {  	_ =	strace $0x9000004B  }
0xc5: {  	_ =	sfence  }
0xc6: {  	s30 =	sld [smem:$0x0];
	_ =	sdelay $0x2  }
0xc7: {  	s31 =	sshll.u32 s1, $0xD;
	s1 =	sshrl.u32 s1, $0x2  }
0xc8: {  	s4 =	sand.u32 $0x4000, s31;
	s1 =	sadd.s32 s1, s30  }
0xc9: {  	s0 =	sor.u32 s4, s0;
	s1 =	sshll.u32 s1, $0x11  }
0xca: {  	s0 =	sor.u32 s1, s0  }
0xcb: {  	s0 =	sadd.s32 $0x8F2B, s0  }
0xcc: {  	[sflag:s0] =	ssyncadd.remote.s32 $0x1  }
0xcd: {  	_ =	sfence.sel $0xFFFF  }
0xce: {  	[dreg:$0x0] =	wrdreg $0xFFFFFFFF;
	(pc) =	sbr.abs _section_cstart, $3  }
0xcf: {  	[dreg:$0x1] =	wrdreg $0xFFFFFFFF  }
0xd0: {  	_ =	task.clear_ibuf [dreg:s22], $0x2FFFF;
	_ =	strace $0x9FFFFFFF  }
0xd1: {  	(tm) =	ssettm $0x7FFFFFFF  }
tec
execute0_lowered:
.L_overlay_start_1:
0x0: {  	(tag) =	ssettag $0x1  }
0x1: {  	s6 =	rddreg [dreg:$0x0]  }
0x2: {  	s0 =	srdreg.scid;
	s2 =	rddreg [dreg:$0x1]  }
0x3: {  	s3 =	simm.s32 $0x0;
	s20 =	simm.s32 $0x14100;
	s5 =	sand.u32 $0x1, s0  }
0x4: {  	s21 =	simm.s32 $0x3;
	s0 =	stileid.u32;
	s4 =	smul.u32 $0x140000, s5  }
0x5: {  	s22 =	simm.s32 $0x14000;
	s23 =	simm.s32 $0x14080;
	s7 =	smul.u32 $0x14000, s0  }
0x6: {  	s24 =	simm.s32 $0x50;
	s25 =	simm.s32 $0x1;
	s8 =	smul.u32 $0x50000, s0  }
0x7: {  	s26 =	simm.s32 $0x2;
	s28 =	simm.s32 $0x0;
	s10 =	smul.u32 $0x27100, s5  }
0x8: {  	[smem:$0x7FF] =	sst s3;
	s29 =	ssub.s32 $0x2, s5;
	s11 =	smul.u32 $0x2710, s0  }
0x9: {  	_ =	strace $0x8000004A;
	s31 =	sshrl.u32 s29, $0x1;
	s4 =	sadd.s32 s7, s4  }
0xa: {  	s30 =	sshrl.u32 s8, $0x2;
	s16 =	ssub.s32 s29, s31;
	s19 =	sadd.s32 s11, s10  }
0xb: {  	s7 =	sshrl.u32 s4, $0x3;
	s4 =	sadd.s32 $0x53600, s6;
	s5 =	sadd.s32 s30, s2  }
0xc: {  	s13 =	sshrl.u32 s19, $0x3;
	s17 =	sadd.s32 $0xF0, s19;
	s16 =	smax.u32 s16, $0x1  }
0xd: {  	s19 =	sadd.s32 $0xA0, s19;
	s15 =	sadd.s32 s7, s6;
	s6 =	sadd.s32 $0x2800, s5  }
0xe: {  	s7 =	sadd.s32 $0x5000, s5;
	s8 =	sadd.s32 $0x7800, s5;
	s9 =	sadd.s32 $0xA000, s5  }
0xf: {  	s10 =	sadd.s32 $0xC800, s5;
	s11 =	sadd.s32 $0xF000, s5;
	s13 =	sadd.s32 s4, s13  }
0x10: {  	s12 =	sadd.s32 $0x11800, s5;
	s18 =	sshrl.u32 s17, $0x3;
	s14 =	sadd.s32 $0xA, s13  }
0x11: {  	v0 =	vimm.f32 $0.0e+00;
	v1 =	vimm.f32 $1.000000000e+00;
	s15 =	sadd.s32 $0x5D400, s15;
	s17 =	sadd.s32 $0x4D8, s13;
	s18 =	sadd.s32 s18, s4  }
.LBB2_1:
0x12: {  	s29 =	sand.u32 $0xFE00, s3  }
0x13: {  	s30 =	sand.u32 $0x70, s3;
	s31 =	sshrl.u32 s29, $0x2  }
0x14: {  	s29 =	simm.s32 $0x40;
	s31 =	sor.u32 s30, s31;
	s30 =	simm.s32 $0x0  }
.LBB2_2:
0x15: {  	p0 =	sne.s32 s29, $0x9FC0  }
0x16: {  	[tilespmem:s31+$0x14100] =	vst v0;
	s30 =	sadd.s32 $0x10, s30;
	s31 =	smov.u32 s29;
	s29 =	sadd.s32 $0x40, s29  }
.Ltmp0:
0x17: {  	(pc) =	sbr.rel @p0 .LBB2_2-.Ltmp0, $4  }
0x18: {  	_ = 	snop  }
0x19: {  	s31 =	sand.u32 $0xFE00, s31  }
0x1a: {  	s1 =	sand.u32 $0x70, s30;
	s31 =	sshrl.u32 s31, $0x2  }
0x1b: {  	s31 =	sor.u32 s1, s31  }
0x1c: {  	[tilespmem:s31+$0x14100] =	vst v0  }
0x1d: {  	[spmem:s5] =	stream.linear.scatter [tilespmem:s20], [sflag:$0x3], $0x2800, $0x38;
	[tilespmem:$0x16900] =	vst v63  }
0x1e: {  	_ =	swait.ge [sflag:s21], $0x2800  }
0x1f: {  	[sflag:s21] =	ssyncset.done $0x0  }
0x20: {  	[sflag:s21] =	ssyncadd.s32 $0xFFFFD800  }
0x21: {  	[spmem:s6] =	stream.linear.scatter [tilespmem:s20], [sflag:$0x3], $0x2800, $0x38;
	[tilespmem:$0x16900] =	vst v63  }
0x22: {  	_ =	swait.ge [sflag:s21], $0x2800  }
0x23: {  	[sflag:s21] =	ssyncset.done $0x0  }
0x24: {  	[sflag:s21] =	ssyncadd.s32 $0xFFFFD800  }
0x25: {  	[spmem:s7] =	stream.linear.scatter [tilespmem:s20], [sflag:$0x3], $0x2800, $0x38;
	[tilespmem:$0x16900] =	vst v63  }
0x26: {  	_ =	swait.ge [sflag:s21], $0x2800  }
0x27: {  	[sflag:s21] =	ssyncset.done $0x0  }
0x28: {  	[sflag:s21] =	ssyncadd.s32 $0xFFFFD800  }
0x29: {  	[spmem:s8] =	stream.linear.scatter [tilespmem:s20], [sflag:$0x3], $0x2800, $0x38;
	[tilespmem:$0x16900] =	vst v63  }
0x2a: {  	_ =	swait.ge [sflag:s21], $0x2800  }
0x2b: {  	[sflag:s21] =	ssyncset.done $0x0  }
0x2c: {  	[sflag:s21] =	ssyncadd.s32 $0xFFFFD800  }
0x2d: {  	[spmem:s9] =	stream.linear.scatter [tilespmem:s20], [sflag:$0x3], $0x2800, $0x38;
	[tilespmem:$0x16900] =	vst v63  }
0x2e: {  	_ =	swait.ge [sflag:s21], $0x2800  }
0x2f: {  	[sflag:s21] =	ssyncset.done $0x0  }
0x30: {  	[sflag:s21] =	ssyncadd.s32 $0xFFFFD800  }
0x31: {  	[spmem:s10] =	stream.linear.scatter [tilespmem:s20], [sflag:$0x3], $0x2800, $0x38;
	[tilespmem:$0x16900] =	vst v63  }
0x32: {  	_ =	swait.ge [sflag:s21], $0x2800  }
0x33: {  	[sflag:s21] =	ssyncset.done $0x0  }
0x34: {  	[sflag:s21] =	ssyncadd.s32 $0xFFFFD800  }
0x35: {  	[spmem:s11] =	stream.linear.scatter [tilespmem:s20], [sflag:$0x3], $0x2800, $0x38;
	[tilespmem:$0x16900] =	vst v63  }
0x36: {  	_ =	swait.ge [sflag:s21], $0x2800  }
0x37: {  	[sflag:s21] =	ssyncset.done $0x0  }
0x38: {  	s29 =	simm.s32 $0x0;
	[sflag:s21] =	ssyncadd.s32 $0xFFFFD800  }
0x39: {  	[spmem:s12] =	stream.linear.scatter [tilespmem:s20], [sflag:$0x3], $0x2800, $0x38;
	[tilespmem:$0x16900] =	vst v63  }
0x3a: {  	s1 =	sand.u32 $0xFE00, s29;
	_ =	swait.ge [sflag:s21], $0x2800  }
0x3b: {  	s31 =	sand.u32 $0x70, s29;
	s1 =	sshrl.u32 s1, $0x2;
	[sflag:s21] =	ssyncset.done $0x0  }
0x3c: {  	s30 =	simm.s32 $0x40;
	s31 =	sor.u32 s31, s1;
	[sflag:s21] =	ssyncadd.s32 $0xFFFFD800  }
.LBB2_4:
0x3d: {  	p0 =	sne.s32 s30, $0x9FC0  }
0x3e: {  	[tilespmem:s31+$0x14100] =	vst v1;
	s29 =	sadd.s32 $0x10, s29;
	s1 =	smov.u32 s30;
	s30 =	sadd.s32 $0x40, s30  }
.Ltmp1:
0x3f: {  	(pc) =	sbr.rel @p0 .LBB2_4-.Ltmp1, $4  }
0x40: {  	_ = 	snop  }
0x41: {  	s1 =	sand.u32 $0xFE00, s1  }
0x42: {  	s31 =	sand.u32 $0x70, s29;
	s1 =	sshrl.u32 s1, $0x2  }
0x43: {  	s31 =	sor.u32 s31, s1  }
0x44: {  	[tilespmem:s31+$0x14100] =	vst v1  }
0x45: {  	s1 =	simm.s32 $0x0;
	[bflag:$0x0] =	sbarrier.arrive $0xFFFF  }
0x46: {  	[tilespmem:s22], [sflag:$0x3] =	stream.linear.gather [hbm4b:s13+s1], $0x50, $0x38;
	[tilespmem:$0x16900] =	vst v63  }
0x47: {  	_ =	swait.ge [sflag:s21], $0x50  }
0x48: {  	[sflag:s21] =	ssyncset.done $0x0  }
0x49: {  	[sflag:s21] =	ssyncadd.s32 $0xFFFFFFB0  }
0x4a: {  	[tilespmem:s23], [sflag:$0x3] =	stream.linear.gather [hbm4b:s14+s1], $0x50, $0x38;
	[tilespmem:$0x16900] =	vst v63  }
0x4b: {  	_ =	swait.ge [sflag:s21], $0x50  }
0x4c: {  	[sflag:s21] =	ssyncset.done $0x0  }
0x4d: {  	[sflag:s21] =	ssyncadd.s32 $0xFFFFFFB0  }
0x4e: {  	[spmem:s2] =	stream.indirect.scatter.add.f32 [tilespmem:s20], [sflag:$0x1], $0x80, s22, s24, $0xb8;
	[tilespmem:$0x16900] =	vst v63  }
0x4f: {  	_ = 	snop  }
0x50: {  	[spmem:s2] =	stream.indirect.scatter.add.f32 [tilespmem:s20], [sflag:$0x2], $0x80, s23, s24, $0xb8;
	[tilespmem:$0x16900] =	vst v63  }
0x51: {  	_ =	swait.ge [sflag:s25], $0x2800  }
0x52: {  	s31 =	sshrl.u32 s19, $0x3;
	[sflag:s25] =	ssyncset.done $0x0  }
0x53: {  	s1 =	sadd.s32 s4, s31;
	[sflag:s25] =	ssyncadd.s32 $0xFFFFD800  }
0x54: {  	[tilespmem:s22], [sflag:$0x3] =	stream.linear.gather [hbm4b:s1+s3], $0x50, $0x38;
	[tilespmem:$0x16900] =	vst v63  }
0x55: {  	_ =	swait.ge [sflag:s21], $0x50  }
0x56: {  	[sflag:s21] =	ssyncset.done $0x0  }
0x57: {  	[sflag:s21] =	ssyncadd.s32 $0xFFFFFFB0  }
0x58: {  	_ =	swait.ge [sflag:s26], $0x2800  }
0x59: {  	[sflag:s26] =	ssyncset.done $0x0  }
0x5a: {  	s31 =	sadd.s32 $0x0, s18;
	[sflag:s26] =	ssyncadd.s32 $0xFFFFD800  }
0x5b: {  	[tilespmem:s23], [sflag:$0x3] =	stream.linear.gather [hbm4b:s31+s3], $0x50, $0x38;
	[tilespmem:$0x16900] =	vst v63  }
0x5c: {  	_ =	swait.ge [sflag:s21], $0x50  }
0x5d: {  	s29 =	simm.s32 $0x14;
	s30 =	smov.u32 s19;
	[sflag:s21] =	ssyncset.done $0x0  }
.LBB2_6:
0x5e: {  	p0 =	sne.s32 s29, $0x4B0;
	[sflag:s21] =	ssyncadd.s32 $0xFFFFFFB0;
	s30 =	sadd.s32 $0xA0, s30  }
0x5f: {  	[spmem:s2] =	stream.indirect.scatter.add.f32 [tilespmem:s20], [sflag:$0x1], $0x80, s22, s24, $0xb8;
	[tilespmem:$0x16900] =	vst v63  }
0x60: {  	s1 =	smov.u32 s29;
	s29 =	sadd.s32 $0x14, s29  }
0x61: {  	[spmem:s2] =	stream.indirect.scatter.add.f32 [tilespmem:s20], [sflag:$0x2], $0x80, s23, s24, $0xb8;
	[tilespmem:$0x16900] =	vst v63  }
0x62: {  	_ =	swait.ge [sflag:s25], $0x2800  }
0x63: {  	s31 =	sshrl.u32 s30, $0x3;
	[sflag:s25] =	ssyncset.done $0x0  }
0x64: {  	s31 =	sadd.s32 s4, s31;
	[sflag:s25] =	ssyncadd.s32 $0xFFFFD800  }
0x65: {  	[tilespmem:s22], [sflag:$0x3] =	stream.linear.gather [hbm4b:s31+s3], $0x50, $0x38;
	[tilespmem:$0x16900] =	vst v63  }
0x66: {  	_ =	swait.ge [sflag:s21], $0x50  }
0x67: {  	[sflag:s21] =	ssyncset.done $0x0  }
0x68: {  	[sflag:s21] =	ssyncadd.s32 $0xFFFFFFB0  }
0x69: {  	_ =	swait.ge [sflag:s26], $0x2800  }
.Ltmp2:
0x6a: {  	[sflag:s26] =	ssyncset.done $0x0;
	(pc) =	sbr.rel @p0 .LBB2_6-.Ltmp2, $4  }
0x6b: {  	s1 =	sadd.s32 s1, s18;
	[sflag:s26] =	ssyncadd.s32 $0xFFFFD800  }
0x6c: {  	[tilespmem:s23], [sflag:$0x3] =	stream.linear.gather [hbm4b:s1+s3], $0x50, $0x38;
	[tilespmem:$0x16900] =	vst v63  }
0x6d: {  	_ =	swait.ge [sflag:s21], $0x50  }
0x6e: {  	[sflag:s21] =	ssyncset.done $0x0  }
0x6f: {  	[sflag:s21] =	ssyncadd.s32 $0xFFFFFFB0  }
0x70: {  	[spmem:s2] =	stream.indirect.scatter.add.f32 [tilespmem:s20], [sflag:$0x1], $0x80, s22, s24, $0xb8;
	[tilespmem:$0x16900] =	vst v63  }
0x71: {  	_ = 	snop  }
0x72: {  	[spmem:s2] =	stream.indirect.scatter.add.f32 [tilespmem:s20], [sflag:$0x2], $0x80, s23, s24, $0xb8;
	[tilespmem:$0x16900] =	vst v63  }
0x73: {  	_ =	swait.ge [sflag:s25], $0x2800  }
0x74: {  	[sflag:s25] =	ssyncset.done $0x0  }
0x75: {  	[sflag:s25] =	ssyncadd.s32 $0xFFFFD800  }
0x76: {  	[tilespmem:s22], [sflag:$0x3] =	stream.linear.gather [hbm4b:s17+s3], $0x50, $0x38;
	[tilespmem:$0x16900] =	vst v63  }
0x77: {  	_ =	swait.ge [sflag:s21], $0x50  }
0x78: {  	[sflag:s21] =	ssyncset.done $0x0  }
0x79: {  	[sflag:s21] =	ssyncadd.s32 $0xFFFFFFB0  }
0x7a: {  	_ =	swait.ge [sflag:s26], $0x2800  }
0x7b: {  	[sflag:s26] =	ssyncset.done $0x0  }
0x7c: {  	[sflag:s26] =	ssyncadd.s32 $0xFFFFD800  }
0x7d: {  	[tilespmem:s23], [sflag:$0x3] =	stream.linear.gather [hbm4b:s17+s3], $0x50, $0x38;
	[tilespmem:$0x16900] =	vst v63  }
0x7e: {  	_ =	swait.ge [sflag:s21], $0x50  }
0x7f: {  	[sflag:s21] =	ssyncset.done $0x0  }
0x80: {  	[sflag:s21] =	ssyncadd.s32 $0xFFFFFFB0  }
0x81: {  	[spmem:s2] =	stream.indirect.scatter.add.f32 [tilespmem:s20], [sflag:$0x1], $0x80, s22, s24, $0xb8;
	[tilespmem:$0x16900] =	vst v63  }
0x82: {  	_ =	swait.ge [sflag:s25], $0x2800  }
0x83: {  	s1 =	sshll.u32 s0, $0x6;
	s28 =	sadd.s32 $0x1, s28;
	[sflag:s25] =	ssyncset.done $0x0  }
0x84: {  	s29 =	sshrl.u32 s5, $0x3;
	p0 =	sne.s32 s28, s16;
	[sflag:s25] =	ssyncadd.s32 $0xFFFFD800  }
.Ltmp3:
0x85: {  	s1 =	sor.u32 $0x1C03, s1;
	[bflag:$0x0] =	sbarrier.arrive $0xFFFF;
	(pc) =	sbr.rel @p0 .LBB2_1-.Ltmp3, $4  }
0x86: {  	[hbm:s15], [sflag:s1] =	dma.local [spmem:s29], $0x2800  }
0x87: {  	_ =	swait.ge [sflag:s21], $0x2800  }
0x88: {  	[sflag:s21] =	ssyncset.done $0x0  }
0x89: {  	[sflag:s21] =	ssyncadd.s32 $0xFFFFD800  }
0x8a: {  	_ =	sfence.sel $0x180000  }
0x8b: {  	[bflag:$0x0] =	sbarrier.arrive $0xFFFF  }
0x8c: {  	_ =	strace $0x9000004A  }
0x8d: {  	[bflag:$0x2] =	sbarrier.arrive $0xFFFF  }
0x8e: {  	p0 =	sne.s32 s0, $0x0;
	s0 =	rddreg [dreg:$0x2]  }
0x8f: {  	s0 =	sadd.s32 @!p0 $0x100000, s0  }
0x90: {  	[sflag:s0] =	ssyncadd.tile.s32 @!p0 $0x1;
	_ =	shalt  }
.Lfunc_end2:
_tile_overlayer_lowered:
.L_overlay_start_2:
0x91: {  	(tag) =	ssettag $0x2  }
0x92: {  	s0 =	rddreg [dreg:$0x0];
	s2 =	stileid.u32  }
0x93: {  	s1 =	rddreg [dreg:$0x1];
	p0 =	sne.s32 s2, $0x0  }
0x94: {  	s3 =	rddreg [dreg:$0x2];
	[bflag:$0x3] =	sbarrier.arrive $0xFFFF;
	s2 =	simm.s32 @!p0 $0x1C03  }
0x95: {  	[timem:s3], [sflag:s2] =	dma.local @!p0 [hbm:s0], s1  }
0x96: {  	s0 =	simm.s32 @!p0 $0x3  }
0x97: {  	_ =	swait.ge @!p0 [sflag:s0], s1  }
0x98: {  	s1 =	ssub.s32 @!p0 $0x0, s1;
	[sflag:s0] =	ssyncset.done @!p0 $0x0  }
0x99: {  	[sflag:s0] =	ssyncadd.s32 @!p0 s1  }
0x9a: {  	[bflag:$0x3] =	sbarrier.arrive $0xFFFF  }
0x9b: {  	_ =	shalt  }

// kernel: kernel.8.cloned.1.call-start
scs
__scs_entry_jumppad:
0x0: {  	(pc) =	sbr.rel $0x88, $3  }
0x1: {  	(tag) =	ssettag $0x0;
	lr =	simm.s32 $0x1  }
0x2: {  	[smem:$0x3F95] =	sst lr;
	_ =	strace $0xD0000000  }
0x3: {  	_ = 	snop  }
0x4: {  	_ = 	snop  }
0x5: {  	_ = 	snop  }
0x6: {  	_ = 	snop  }
0x7: {  	_ = 	snop  }
__scs_overlays_trampoline_lowered:
0x8: {  	[smem:$0x3FA4] =	sst s0  }
0x9: {  	[smem:$0x3FA5] =	sst s1  }
0xa: {  	[smem:$0x3FA6] =	sst s2  }
0xb: {  	[smem:$0x3FA7] =	sst s3  }
0xc: {  	[smem:$0x3FA8] =	sst s4  }
0xd: {  	[smem:$0x3FA9] =	sst s5  }
0xe: {  	[smem:$0x3FAA] =	sst s6  }
0xf: {  	[smem:$0x3FAB] =	sst s7  }
0x10: {  	[smem:$0x3FAC] =	sst s8  }
0x11: {  	[smem:$0x3FAD] =	sst s9;
	s0 =	simm.s32 @!p0 $0x0  }
0x12: {  	s1 =	sld [smem:$0x3F93];
	s0 =	simm.s32 @p0 $0x1  }
0x13: {  	[smem:$0x3FAE] =	sst s0;
	s0 =	simm.s32 @!p1 $0x0  }
0x14: {  	s2 =	sld [smem:$0x3F92];
	s0 =	simm.s32 @p1 $0x1  }
0x15: {  	[smem:$0x3FAF] =	sst s0;
	s0 =	simm.s32 @!p2 $0x0  }
0x16: {  	s3 =	sld [smem:$0x3FDB];
	s0 =	simm.s32 @p2 $0x1  }
0x17: {  	s4 =	simm.s32 $0x1BF5;
	[smem:$0x3FB1] =	sst s0  }
0x18: {  	s0 =	sld [smem:$0x3F94];
	_ =	swait.ge [sflag:s4], $0x0  }
0x19: {  	s7 =	sld [smem:$0x3F95]  }
0x1a: {  	s8 =	sadd.s32 $0xFFFFE003, lr  }
0x1b: {  	s9 =	sadd.s32 $0xFFFFFEF7, lr;
	s5 =	simm.s32 $0xFFFFFFFF;
	p2 =	slt.u32 s8, $0xFFFFF086  }
0x1c: {  	p1 =	slt.u32 s9, $0xF7A;
	s5 =	simm.s32 @!p2 $0x0  }
0x1d: {  	s5 =	simm.s32 @p1 $0x1;
	p0 =	seq.s32 s7, s2  }
0x1e: {  	s7 =	smul.u32 @!p0 $0xF7A, s2;
	p2 =	seq.s32 @!p0 s5, $0x0  }
0x1f: {  	s9 =	smul.u32 $0xF7A, s1;
	s8 =	simm.s32 @!p0 $0x1BF5;
	p2 =	por !p2, p0  }
0x20: {  	[sflag:s8] =	ssyncset.s32 @!p0 $0xFFFFF086;
	s6 =	sadd.s32 @!p0 s3, s7;
	s7 =	simm.s32 @!p0 $0x108  }
0x21: {  	s3 =	sadd.s32 s3, s9;
	s6 =	sadd.s32 @!p0 $0x88, s6;
	s7 =	simm.s32 @p2 $0x1082  }
0x22: {  	[simem:s7], [sflag:s8] =	dma.local @!p0 [hbm:s6], $0xF7A  }
0x23: {  	s9 =	sor.u32 $0xD0000000, s2;
	s6 =	simm.s32 $0x108;
	_ =	swait.ge @!p0 [sflag:s8], $0x0  }
0x24: {  	s3 =	sadd.s32 $0x88, s3;
	s6 =	simm.s32 @!p1 $0x1082;
	[sflag:s4] =	ssyncset.s32 $0xFFFFF086  }
0x25: {  	[simem:s6], [sflag:s4] =	dma.local [hbm:s3], $0xF7A  }
0x26: {  	[smem:$0x3F95] =	sst s1;
	(tag) =	ssettag s2;
	_ =	strace s9  }
0x27: {  	s1 =	sld [smem:$0x3FA5]  }
0x28: {  	s2 =	sld [smem:$0x3FA6]  }
0x29: {  	s4 =	sld [smem:$0x3FA8]  }
0x2a: {  	p0 =	seq.s32 s5, $0x0;
	s5 =	sld [smem:$0x3FA9]  }
0x2b: {  	s6 =	sld [smem:$0x3FAA]  }
0x2c: {  	s7 =	sld [smem:$0x3FAB]  }
0x2d: {  	s3 =	simm.s32 $0x108;
	s8 =	sld [smem:$0x3FAC]  }
0x2e: {  	s3 =	simm.s32 @!p0 $0x1082;
	s9 =	sld [smem:$0x3FAD]  }
0x2f: {  	lr =	sadd.s32 s0, s3;
	s0 =	sld [smem:$0x3FA4]  }
0x30: {  	s3 =	sld [smem:$0x3FA7]  }
0x31: {  	[smem:$0x3FB0] =	sst s10  }
0x32: {  	s10 =	sld [smem:$0x3FAE];
	_ =	sdelay $0x3  }
0x33: {  	p0 =	seq.s32 s10, $0x1;
	s10 =	sld [smem:$0x3FB0];
	_ =	sdelay $0x3  }
0x34: {  	[smem:$0x3FB0] =	sst s10  }
0x35: {  	s10 =	sld [smem:$0x3FAF];
	_ =	sdelay $0x3  }
0x36: {  	p1 =	seq.s32 s10, $0x1;
	s10 =	sld [smem:$0x3FB0];
	_ =	sdelay $0x3  }
0x37: {  	[smem:$0x3FB0] =	sst s10  }
0x38: {  	s10 =	sld [smem:$0x3FB1]  }
0x39: {  	_ = 	snop;
	(pc) =	sbr.ind lr, $3  }
0x3a: {  	_ = 	snop  }
0x3b: {  	_ = 	snop  }
0x3c: {  	p2 =	seq.s32 s10, $0x1;
	s10 =	sld [smem:$0x3FB0]  }
0x3d: {  	_ =	shalt  }
0x3e: {  	_ =	shalt  }
0x3f: {  	_ =	shalt  }
0x40: {  	_ =	shalt  }
0x41: {  	_ =	shalt  }
0x42: {  	_ =	shalt  }
0x43: {  	_ =	shalt  }
0x44: {  	_ =	shalt  }
0x45: {  	_ =	shalt  }
0x46: {  	_ =	shalt  }
0x47: {  	_ =	shalt  }
0x48: {  	_ =	shalt  }
0x49: {  	_ =	shalt  }
0x4a: {  	_ =	shalt  }
0x4b: {  	_ =	shalt  }
0x4c: {  	_ =	shalt  }
0x4d: {  	_ =	shalt  }
0x4e: {  	_ =	shalt  }
0x4f: {  	_ =	shalt  }
0x50: {  	_ =	shalt  }
0x51: {  	_ =	shalt  }
0x52: {  	_ =	shalt  }
0x53: {  	_ =	shalt  }
0x54: {  	_ =	shalt  }
0x55: {  	_ =	shalt  }
0x56: {  	_ =	shalt  }
0x57: {  	_ =	shalt  }
0x58: {  	_ =	shalt  }
0x59: {  	_ =	shalt  }
0x5a: {  	_ =	shalt  }
0x5b: {  	_ =	shalt  }
0x5c: {  	_ =	shalt  }
0x5d: {  	_ =	shalt  }
0x5e: {  	_ =	shalt  }
0x5f: {  	_ =	shalt  }
0x60: {  	_ =	shalt  }
0x61: {  	_ =	shalt  }
0x62: {  	_ =	shalt  }
0x63: {  	_ =	shalt  }
0x64: {  	_ =	shalt  }
0x65: {  	_ =	shalt  }
0x66: {  	_ =	shalt  }
0x67: {  	_ =	shalt  }
0x68: {  	_ =	shalt  }
0x69: {  	_ =	shalt  }
0x6a: {  	_ =	shalt  }
0x6b: {  	_ =	shalt  }
0x6c: {  	_ =	shalt  }
0x6d: {  	_ =	shalt  }
0x6e: {  	_ =	shalt  }
0x6f: {  	_ =	shalt  }
0x70: {  	_ =	shalt  }
0x71: {  	_ =	shalt  }
0x72: {  	_ =	shalt  }
0x73: {  	_ =	shalt  }
0x74: {  	_ =	shalt  }
0x75: {  	_ =	shalt  }
0x76: {  	_ =	shalt  }
0x77: {  	_ =	shalt  }
0x78: {  	_ =	shalt  }
0x79: {  	_ =	shalt  }
0x7a: {  	_ =	shalt  }
0x7b: {  	_ =	shalt  }
0x7c: {  	_ =	shalt  }
0x7d: {  	_ =	shalt  }
0x7e: {  	_ =	shalt  }
0x7f: {  	_ =	shalt  }
0x80: {  	_ =	shalt  }
0x81: {  	_ =	shalt  }
0x82: {  	_ =	shalt  }
0x83: {  	_ =	shalt  }
0x84: {  	_ =	shalt  }
0x85: {  	_ =	shalt  }
0x86: {  	_ =	shalt  }
0x87: {  	_ =	shalt  }
.Lfunc_end0:
.L_simem_size_0:
called_computation_lowered:
.L_overlay_start_0:
0x88: {  	s2 =	sld [smem:$0x3FD9]  }
0x89: {  	s3 =	sld [smem:$0x3FFE];
	_ =	sdelay $0x1  }
0x8a: {  	s1 =	srdreg.scid  }
0x8b: {  	s0 =	sand.u32 $0x1, s1  }
0x8c: {  	s14 =	sshll.u32 s0, $0xA;
	s2 =	sadd.s32 s3, s2  }
0x8d: {  	s2 =	sadd.s32 s2, s14  }
0x8e: {  	[smem:$0x3FBC] =	sst s2  }
0x8f: {  	_ = 	snop  }
0x90: {  	s2 =	sld [smem:$0x3FD0];
	_ =	sdelay $0x1  }
0x91: {  	s15 =	sld [smem:$0x3FC9]  }
0x92: {  	s5 =	simm.s32 $0xB;
	s6 =	simm.s32 $0x10;
	s4 =	sld [smem:$0x3FC6]  }
0x93: {  	[smem:s6], [sflag:s5] =	dma.local [hbm:s2], $0x1  }
0x94: {  	_ =	swait.eq [sflag:s5], $0x1  }
0x95: {  	[sflag:s5] =	ssyncset.done $0x0  }
0x96: {  	[sflag:s5] =	ssyncadd.s32 $0xFFFFFFFF  }
0x97: {  	s16 =	sld [smem:$0x10];
	(tm) =	ssettm $0x1  }
0x98: {  	s17 =	sld [smem:$0x3FFB];
	_ =	sdelay $0x3  }
0x99: {  	_ =	strace s17  }
0x9a: {  	s5 =	sld [smem:$0x3FFC];
	_ =	sdelay $0x3  }
0x9b: {  	_ =	strace s5  }
0x9c: {  	s5 =	sld [smem:$0x3FFD];
	_ =	sdelay $0x3  }
0x9d: {  	_ =	strace s5  }
0x9e: {  	_ =	strace $0x8FFFFFFF  }
0x9f: {  	s18 =	sld [smem:$0x3FDB];
	_ =	sdelay $0x1  }
0xa0: {  	s19 =	simm.s32 $_scs_section_size  }
0xa1: {  	s7 =	simm.s32 $_size__tile_overlayer_lowered;
	s8 =	simm.s32 $_tile_overlayer_lowered  }
0xa2: {  	s22 =	simm.s32 $0x1BFF;
	s21 =	sshll.u32 s8, $0x1;
	s5 =	sadd.s32 s19, s18  }
0xa3: {  	s9 =	simm.s32 $0x0;
	s20 =	sshll.u32 s7, $0x1;
	s7 =	sadd.s32 s21, s5  }
0xa4: {  	[timem:s9], [sflag:s22] =	dma.local [hbm:s7], s20  }
0xa5: {  	_ =	swait.ge [sflag:s22], s20  }
0xa6: {  	s6 =	ssub.s32 $0x0, s20;
	[sflag:s22] =	ssyncset.done $0x0  }
0xa7: {  	[sflag:s22] =	ssyncadd.s32 s6;
	_ =	sdelay $0x1  }
0xa8: {  	s23 =	simm.s32 $0x1B8B  }
0xa9: {  	_ =	swait.ge [sflag:s23], $0x1  }
0xaa: {  	[sflag:s23] =	ssyncset.done $0x0  }
0xab: {  	s25 =	simm.s32 $0x1B8E;
	s24 =	sld [smem:$0x3FFE];
	[sflag:s23] =	ssyncadd.s32 $0xFFFFFFFF  }
0xac: {  	s26 =	simm.s32 $execute0_lowered;
	[smem:$0x3FD2] =	sst s25  }
0xad: {  	s7 =	sshll.u32 s26, $0x1;
	_ =	strace $0x80000046;
	[dreg:$0x1] =	wrdreg $0xFFFFFFFF  }
0xae: {  	s28 =	simm.s32 $_size_execute0_lowered;
	s5 =	sadd.s32 s5, s7;
	[dreg:$0x0] =	wrdreg $0x0  }
0xaf: {  	s7 =	sshll.u32 s28, $0x1;
	[dreg:$0x2] =	wrdreg s5  }
0xb0: {  	[dreg:$0x3] =	wrdreg s7  }
0xb1: {  	[dreg:$0x4] =	wrdreg $0xC0  }
0xb2: {  	_ =	task [dreg:s9], $0x5FFFF  }
0xb3: {  	[dreg:$0x1] =	wrdreg $0xFFFFFFFF  }
0xb4: {  	[dreg:$0x0] =	wrdreg $0x60  }
0xb5: {  	[dreg:$0x2] =	wrdreg s16  }
0xb6: {  	[dreg:$0x3] =	wrdreg s4  }
0xb7: {  	[dreg:$0x4] =	wrdreg s15  }
0xb8: {  	[dreg:$0x5] =	wrdreg s24  }
0xb9: {  	[dreg:$0x6] =	wrdreg $0x0  }
0xba: {  	[dreg:$0x7] =	wrdreg $0x140000  }
0xbb: {  	[dreg:$0x8] =	wrdreg $0x9  }
0xbc: {  	_ =	task.clear_ibuf [dreg:s9], $0x9FFFF;
	_ =	strace $0x90000046  }
0xbd: {  	s29 =	simm.s32 $0x9;
	_ =	strace $0x80000048  }
0xbe: {  	_ =	swait.ge [sflag:s29], $0x1  }
0xbf: {  	[sflag:s29] =	ssyncadd.s32 $0xFFFFFFFF  }
0xc0: {  	_ =	strace $0x90000048  }
0xc1: {  	_ =	sfence  }
0xc2: {  	s30 =	sld [smem:$0x0];
	_ =	sdelay $0x2  }
0xc3: {  	s31 =	sshll.u32 s1, $0xD;
	s1 =	sshrl.u32 s1, $0x2  }
0xc4: {  	s3 =	sand.u32 $0x4000, s31;
	s1 =	sadd.s32 s1, s30  }
0xc5: {  	s0 =	sor.u32 s3, s0;
	s1 =	sshll.u32 s1, $0x11  }
0xc6: {  	s0 =	sor.u32 s1, s0  }
0xc7: {  	s0 =	sadd.s32 $0x8F2B, s0  }
0xc8: {  	[sflag:s0] =	ssyncadd.remote.s32 $0x1  }
0xc9: {  	_ =	sfence.sel $0xFFFF  }
0xca: {  	[dreg:$0x0] =	wrdreg $0xFFFFFFFF;
	(pc) =	sbr.abs _section_cstart, $3  }
0xcb: {  	[dreg:$0x1] =	wrdreg $0xFFFFFFFF  }
0xcc: {  	_ =	task.clear_ibuf [dreg:s9], $0x2FFFF;
	_ =	strace $0x9FFFFFFF  }
0xcd: {  	(tm) =	ssettm $0x7FFFFFFF  }
tec
execute0_lowered:
.L_overlay_start_1:
0x0: {  	(tag) =	ssettag $0x1  }
0x1: {  	s0 =	rddreg [dreg:$0x0]  }
0x2: {  	s2 =	rddreg [dreg:$0x1]  }
0x3: {  	s3 =	rddreg [dreg:$0x2]  }
0x4: {  	s1 =	rddreg [dreg:$0x3]  }
0x5: {  	s4 =	rddreg [dreg:$0x4]  }
0x6: {  	s5 =	rddreg [dreg:$0x5]  }
0x7: {  	s6 =	srdreg.scid;
	s13 =	stileid.u32  }
0x8: {  	s7 =	simm.s32 $0x0;
	s6 =	sand.u32 $0x1, s6;
	s9 =	smul.u32 $0x14000, s13  }
0x9: {  	[smem:$0x7FF] =	sst s7;
	s10 =	sshll.u32 s13, $0x8;
	s12 =	smul.u32 $0x50000, s13  }
0xa: {  	s23 =	sshll.u32 s13, $0xB;
	s25 =	sshll.u32 s13, $0x6;
	s13 =	smul.u32 $0x2710, s13  }
0xb: {  	s8 =	smul.u32 $0x140000, s6;
	_ =	strace $0x80000047;
	s10 =	sadd.s32 s10, s1  }
0xc: {  	s22 =	ssub.s32 $0x2, s6;
	s6 =	smul.u32 $0x27100, s6;
	s17 =	sor.u32 $0x1C07, s25  }
0xd: {  	s11 =	sshrl.u32 s22, $0x1;
	s24 =	sshrl.u32 s12, $0x2;
	s10 =	sadd.s32 $0x2600, s10  }
0xe: {  	[dreg:$0x9] =	wrdreg s17;
	s8 =	sadd.s32 s9, s8;
	s9 =	ssub.s32 s22, s11  }
0xf: {  	s11 =	sadd.s32 s23, s5;
	[dreg:$0x8] =	wrdreg s10;
	s6 =	sadd.s32 s13, s6  }
0x10: {  	s8 =	sshrl.u32 s8, $0x3;
	s16 =	sshrl.u32 s6, $0x3;
	s23 =	smax.u32 s9, $0x1  }
0x11: {  	s1 =	sadd.s32 s8, s1;
	s10 =	sadd.s32 s2, s16;
	[dreg:$0x15] =	wrdreg s23  }
0x12: {  	s8 =	sadd.s32 s24, s4;
	s24 =	sshrl.u32 s11, $0x3;
	[dreg:$0x11] =	wrdreg s10  }
0x13: {  	s30 =	simm.s32 $0x7;
	[dreg:$0x16] =	wrdreg s24  }
0x14: {  	s31 =	simm.s32 $0x14980;
	s19 =	sadd.s32 s0, s16;
	[dreg:$0x7] =	wrdreg s8  }
0x15: {  	s28 =	simm.s32 $0x0;
	s26 =	sadd.s32 $0x2800, s8;
	[dreg:$0x10] =	wrdreg s19  }
0x16: {  	s13 =	simm.s32 $0x19980;
	s29 =	sadd.s32 $0x5000, s8;
	[dreg:$0xa] =	wrdreg s26  }
0x17: {  	s9 =	simm.s32 $0x14900;
	s12 =	sadd.s32 $0x7800, s8;
	[dreg:$0xb] =	wrdreg s29  }
0x18: {  	s20 =	sadd.s32 $0xA, s16;
	s14 =	sadd.s32 $0xA000, s8;
	[dreg:$0xc] =	wrdreg s12  }
0x19: {  	s11 =	simm.s32 $0x50;
	s15 =	sadd.s32 $0xC800, s8;
	[dreg:$0xd] =	wrdreg s14  }
0x1a: {  	s16 =	simm.s32 $0x19B00;
	s18 =	sadd.s32 $0xF000, s8;
	[dreg:$0xe] =	wrdreg s15  }
0x1b: {  	s23 =	simm.s32 $0x4;
	s21 =	sadd.s32 s0, s20;
	[dreg:$0xf] =	wrdreg s18  }
0x1c: {  	s22 =	sadd.s32 s2, s20;
	s1 =	sadd.s32 $0x3600, s1;
	[dreg:$0x12] =	wrdreg s21  }
0x1d: {  	s25 =	sadd.s32 $0x11800, s8;
	s20 =	simm.s32 $0x2;
	[dreg:$0x13] =	wrdreg s22  }
0x1e: {  	s24 =	simm.s32 $0x5;
	s21 =	sadd.s32 $0xA0, s6;
	[dreg:$0x14] =	wrdreg s1  }
0x1f: {  	s22 =	sadd.s32 $0xF0, s6;
	[dreg:$0x17] =	wrdreg s25;
	s26 =	sadd.s32 $0x9C40, s19  }
0x20: {  	s29 =	sadd.s32 $0x9C4A, s19;
	s1 =	simm.s32 $0x14800;
	s6 =	simm.s32 $0x14880  }
0x21: {  	s12 =	simm.s32 $0x17180;
	s14 =	simm.s32 $0x19A00;
	s15 =	simm.s32 $0x19A80  }
0x22: {  	s18 =	simm.s32 $0x1C300;
	s19 =	simm.s32 $0x1;
	[dreg:$0x18] =	wrdreg s26  }
0x23: {  	v0 =	vimm.f32 $0.0e+00;
	s25 =	simm.s32 $0x3;
	[dreg:$0x19] =	wrdreg s29;
	s26 =	simm.s32 $0x6  }
.LBB2_1:
0x24: {  	s8 =	rddreg [dreg:$0x8]  }
0x25: {  	s10 =	rddreg [dreg:$0x16]  }
0x26: {  	[spmem:s10], [sflag:s17] =	dma.local [hbm:s8], $0x100  }
0x27: {  	s17 =	sand.u32 $0xFE00, s7;
	s8 =	sand.u32 $0x70, s7;
	_ =	swait.ge [sflag:s30], $0x100  }
0x28: {  	s10 =	simm.s32 $0x40;
	s29 =	sshrl.u32 s17, $0x2;
	[sflag:s30] =	ssyncset.done $0x0  }
0x29: {  	s17 =	simm.s32 $0x0;
	s29 =	sor.u32 s8, s29;
	[sflag:s30] =	ssyncadd.s32 $0xFFFFFF00  }
.LBB2_2:
0x2a: {  	p0 =	sne.s32 s10, $0x9FC0  }
0x2b: {  	[tilespmem:s29+$0x14980] =	vst v0;
	s17 =	sadd.s32 $0x10, s17;
	s29 =	smov.u32 s10;
	s10 =	sadd.s32 $0x40, s10  }
.Ltmp0:
0x2c: {  	(pc) =	sbr.rel @p0 .LBB2_2-.Ltmp0, $4  }
0x2d: {  	_ = 	snop  }
0x2e: {  	s29 =	sand.u32 $0xFE00, s29  }
0x2f: {  	s8 =	sand.u32 $0x70, s17;
	s29 =	sshrl.u32 s29, $0x2  }
0x30: {  	s29 =	sor.u32 s8, s29  }
0x31: {  	[tilespmem:s29+$0x14980] =	vst v0;
	s8 =	rddreg [dreg:$0x7]  }
0x32: {  	[spmem:s8] =	stream.linear.scatter [tilespmem:s31], [sflag:$0x7], $0x2800, $0x38;
	[tilespmem:$0x1EB00] =	vst v63  }
0x33: {  	_ =	swait.ge [sflag:s30], $0x2800  }
0x34: {  	[sflag:s30] =	ssyncset.done $0x0  }
0x35: {  	s17 =	rddreg [dreg:$0xa];
	[sflag:s30] =	ssyncadd.s32 $0xFFFFD800  }
0x36: {  	[spmem:s17] =	stream.linear.scatter [tilespmem:s31], [sflag:$0x7], $0x2800, $0x38;
	[tilespmem:$0x1EB00] =	vst v63  }
0x37: {  	_ =	swait.ge [sflag:s30], $0x2800  }
0x38: {  	[sflag:s30] =	ssyncset.done $0x0  }
0x39: {  	s10 =	rddreg [dreg:$0xb];
	[sflag:s30] =	ssyncadd.s32 $0xFFFFD800  }
0x3a: {  	[spmem:s10] =	stream.linear.scatter [tilespmem:s31], [sflag:$0x7], $0x2800, $0x38;
	[tilespmem:$0x1EB00] =	vst v63  }
0x3b: {  	_ =	swait.ge [sflag:s30], $0x2800  }
0x3c: {  	[sflag:s30] =	ssyncset.done $0x0  }
0x3d: {  	s17 =	rddreg [dreg:$0xc];
	[sflag:s30] =	ssyncadd.s32 $0xFFFFD800  }
0x3e: {  	[spmem:s17] =	stream.linear.scatter [tilespmem:s31], [sflag:$0x7], $0x2800, $0x38;
	[tilespmem:$0x1EB00] =	vst v63  }
0x3f: {  	_ =	swait.ge [sflag:s30], $0x2800  }
0x40: {  	[sflag:s30] =	ssyncset.done $0x0  }
0x41: {  	s10 =	rddreg [dreg:$0xd];
	[sflag:s30] =	ssyncadd.s32 $0xFFFFD800  }
0x42: {  	[spmem:s10] =	stream.linear.scatter [tilespmem:s31], [sflag:$0x7], $0x2800, $0x38;
	[tilespmem:$0x1EB00] =	vst v63  }
0x43: {  	_ =	swait.ge [sflag:s30], $0x2800  }
0x44: {  	[sflag:s30] =	ssyncset.done $0x0  }
0x45: {  	s17 =	rddreg [dreg:$0xe];
	[sflag:s30] =	ssyncadd.s32 $0xFFFFD800  }
0x46: {  	[spmem:s17] =	stream.linear.scatter [tilespmem:s31], [sflag:$0x7], $0x2800, $0x38;
	[tilespmem:$0x1EB00] =	vst v63  }
0x47: {  	_ =	swait.ge [sflag:s30], $0x2800  }
0x48: {  	[sflag:s30] =	ssyncset.done $0x0  }
0x49: {  	s10 =	rddreg [dreg:$0xf];
	[sflag:s30] =	ssyncadd.s32 $0xFFFFD800  }
0x4a: {  	[spmem:s10] =	stream.linear.scatter [tilespmem:s31], [sflag:$0x7], $0x2800, $0x38;
	[tilespmem:$0x1EB00] =	vst v63  }
0x4b: {  	_ =	swait.ge [sflag:s30], $0x2800  }
0x4c: {  	[sflag:s30] =	ssyncset.done $0x0  }
0x4d: {  	s17 =	rddreg [dreg:$0x17];
	[sflag:s30] =	ssyncadd.s32 $0xFFFFD800  }
0x4e: {  	[spmem:s17] =	stream.linear.scatter [tilespmem:s31], [sflag:$0x7], $0x2800, $0x38;
	[tilespmem:$0x1EB00] =	vst v63  }
0x4f: {  	_ =	swait.ge [sflag:s30], $0x2800  }
0x50: {  	[sflag:s30] =	ssyncset.done $0x0  }
0x51: {  	[sflag:s30] =	ssyncadd.s32 $0xFFFFD800  }
0x52: {  	[bflag:$0x0] =	sbarrier.arrive $0xFFFF  }
0x53: {  	s29 =	simm.s32 $0x0;
	s10 =	rddreg [dreg:$0x10]  }
0x54: {  	[tilespmem:s1], [sflag:$0x7] =	stream.linear.gather [hbm4b:s10+s29], $0x50, $0x38;
	[tilespmem:$0x1EB00] =	vst v63  }
0x55: {  	_ =	swait.ge [sflag:s30], $0x50  }
0x56: {  	[sflag:s30] =	ssyncset.done $0x0  }
0x57: {  	s17 =	rddreg [dreg:$0x18];
	[sflag:s30] =	ssyncadd.s32 $0xFFFFFFB0  }
0x58: {  	[tilespmem:s6], [sflag:$0x7] =	stream.linear.gather [hbm4b:s17+s29], $0x50, $0x38;
	[tilespmem:$0x1EB00] =	vst v63  }
0x59: {  	_ =	swait.ge [sflag:s30], $0x50  }
0x5a: {  	[sflag:s30] =	ssyncset.done $0x0  }
0x5b: {  	s10 =	rddreg [dreg:$0x11];
	[sflag:s30] =	ssyncadd.s32 $0xFFFFFFB0  }
0x5c: {  	[tilespmem:s9], [sflag:$0x7] =	stream.linear.gather [hbm4b:s10+s29], $0x50, $0x38;
	[tilespmem:$0x1EB00] =	vst v63  }
0x5d: {  	_ =	swait.ge [sflag:s30], $0x50  }
0x5e: {  	[sflag:s30] =	ssyncset.done $0x0  }
0x5f: {  	[sflag:s30] =	ssyncadd.s32 $0xFFFFFFB0  }
0x60: {  	[tilespmem:s31], [sflag:$0x1] =	stream.indirect.gather [hbm4b:s3+s11], $0x80, s6, s11, $0xb8;
	[tilespmem:$0x1EB00] =	vst v63  }
0x61: {  	_ = 	snop  }
0x62: {  	[tilespmem:s12], [sflag:$0x2] =	stream.indirect.gather [spmem:s5], $0x80, s9, s11, $0xb8;
	[tilespmem:$0x1EB00] =	vst v63  }
0x63: {  	s17 =	rddreg [dreg:$0x12]  }
0x64: {  	[tilespmem:s13], [sflag:$0x7] =	stream.linear.gather [hbm4b:s17+s29], $0x50, $0x38;
	[tilespmem:$0x1EB00] =	vst v63  }
0x65: {  	_ =	swait.ge [sflag:s30], $0x50  }
0x66: {  	[sflag:s30] =	ssyncset.done $0x0  }
0x67: {  	s10 =	rddreg [dreg:$0x19];
	[sflag:s30] =	ssyncadd.s32 $0xFFFFFFB0  }
0x68: {  	[tilespmem:s14], [sflag:$0x7] =	stream.linear.gather [hbm4b:s10+s29], $0x50, $0x38;
	[tilespmem:$0x1EB00] =	vst v63  }
0x69: {  	_ =	swait.ge [sflag:s30], $0x50  }
0x6a: {  	[sflag:s30] =	ssyncset.done $0x0  }
0x6b: {  	s17 =	rddreg [dreg:$0x13];
	[sflag:s30] =	ssyncadd.s32 $0xFFFFFFB0  }
0x6c: {  	[tilespmem:s15], [sflag:$0x7] =	stream.linear.gather [hbm4b:s17+s29], $0x50, $0x38;
	[tilespmem:$0x1EB00] =	vst v63  }
0x6d: {  	_ =	swait.ge [sflag:s30], $0x50  }
0x6e: {  	[sflag:s30] =	ssyncset.done $0x0  }
0x6f: {  	[sflag:s30] =	ssyncadd.s32 $0xFFFFFFB0  }
0x70: {  	[tilespmem:s16], [sflag:$0x4] =	stream.indirect.gather [hbm4b:s3+s11], $0x80, s14, s11, $0xb8;
	[tilespmem:$0x1EB00] =	vst v63  }
0x71: {  	_ = 	snop  }
0x72: {  	[tilespmem:s18], [sflag:$0x5] =	stream.indirect.gather [spmem:s5], $0x80, s15, s11, $0xb8;
	[tilespmem:$0x1EB00] =	vst v63  }
.LBB2_4:
0x73: {  	_ =	swait.ge [sflag:s19], $0x2800  }
0x74: {  	[sflag:s19] =	ssyncset.done $0x0  }
0x75: {  	[sflag:s19] =	ssyncadd.s32 $0xFFFFD800  }
0x76: {  	_ =	swait.ge [sflag:s20], $0x2800  }
0x77: {  	[sflag:s20] =	ssyncset.done $0x0  }
0x78: {  	s17 =	simm.s32 $0x0;
	[sflag:s20] =	ssyncadd.s32 $0xFFFFD800  }
0x79: {  	v7 =	vld [tilespmem:s17+$0x17180]  }
0x7a: {  	v8 =	vld [tilespmem:s17+$0x17190]  }
0x7b: {  	v9 =	vld [tilespmem:s17+$0x171A0]  }
0x7c: {  	v10 =	vld [tilespmem:s17+$0x171B0]  }
0x7d: {  	v11 =	vld [tilespmem:s17+$0x171C0]  }
0x7e: {  	v12 =	vld [tilespmem:s17+$0x171D0]  }
0x7f: {  	v13 =	vld [tilespmem:s17+$0x171E0]  }
0x80: {  	v14 =	vld [tilespmem:s17+$0x171F0]  }
0x81: {  	v15 =	vld [tilespmem:s17+$0x17200]  }
0x82: {  	v16 =	vld [tilespmem:s17+$0x17210]  }
0x83: {  	v17 =	vld [tilespmem:s17+$0x17220]  }
0x84: {  	v18 =	vld [tilespmem:s17+$0x17230]  }
0x85: {  	v19 =	vld [tilespmem:s17+$0x17240]  }
0x86: {  	v20 =	vld [tilespmem:s17+$0x17250]  }
0x87: {  	v21 =	vld [tilespmem:s17+$0x17260]  }
0x88: {  	v22 =	vld [tilespmem:s17+$0x17270]  }
0x89: {  	v23 =	vld [tilespmem:s17+$0x17280]  }
0x8a: {  	v24 =	vld [tilespmem:s17+$0x17290]  }
0x8b: {  	v25 =	vld [tilespmem:s17+$0x172A0]  }
0x8c: {  	v26 =	vld [tilespmem:s17+$0x172B0]  }
0x8d: {  	v27 =	vld [tilespmem:s17+$0x172C0]  }
0x8e: {  	v28 =	vld [tilespmem:s17+$0x172D0]  }
0x8f: {  	v29 =	vld [tilespmem:s17+$0x172E0]  }
0x90: {  	v30 =	vld [tilespmem:s17+$0x172F0]  }
0x91: {  	v31 =	vld [tilespmem:s17+$0x17300]  }
0x92: {  	v32 =	vld [tilespmem:s17+$0x17310]  }
0x93: {  	v6 =	vld [tilespmem:s17+$0x17320]  }
0x94: {  	v5 =	vld [tilespmem:s17+$0x17330]  }
0x95: {  	v4 =	vld [tilespmem:s17+$0x17340]  }
0x96: {  	v3 =	vld [tilespmem:s17+$0x17350]  }
0x97: {  	v2 =	vld [tilespmem:s17+$0x17360]  }
0x98: {  	v33 =	vld [tilespmem:s17+$0x14980]  }
0x99: {  	v34 =	vld [tilespmem:s17+$0x14990]  }
0x9a: {  	v35 =	vld [tilespmem:s17+$0x149A0]  }
0x9b: {  	v36 =	vld [tilespmem:s17+$0x149B0]  }
0x9c: {  	v37 =	vld [tilespmem:s17+$0x149C0]  }
0x9d: {  	v63 =	vld [tilespmem:s17+$0x149D0];
	v7 =	vmul.f32 v7, v33  }
0x9e: {  	v38 =	vld [tilespmem:s17+$0x149E0];
	v8 =	vmul.f32 v8, v34  }
0x9f: {  	v9 =	vmul.f32 v9, v35;
	[tilespmem:s17+$0x14980] =	vst v7;
	v7 =	vld [tilespmem:s17+$0x149F0]  }
0xa0: {  	v10 =	vmul.f32 v10, v36;
	[tilespmem:s17+$0x14990] =	vst v8;
	v8 =	vld [tilespmem:s17+$0x14A00]  }
0xa1: {  	v11 =	vmul.f32 v11, v37;
	[tilespmem:s17+$0x149A0] =	vst v9;
	v9 =	vld [tilespmem:s17+$0x14A10]  }
0xa2: {  	v12 =	vmul.f32 v12, v63;
	[tilespmem:s17+$0x149B0] =	vst v10;
	v10 =	vld [tilespmem:s17+$0x14A20]  }
0xa3: {  	v13 =	vmul.f32 v13, v38;
	[tilespmem:s17+$0x149C0] =	vst v11;
	v11 =	vld [tilespmem:s17+$0x14A30]  }
0xa4: {  	[tilespmem:s17+$0x149D0] =	vst v12;
	v12 =	vld [tilespmem:s17+$0x14A40];
	v7 =	vmul.f32 v14, v7  }
0xa5: {  	[tilespmem:s17+$0x149E0] =	vst v13;
	v13 =	vld [tilespmem:s17+$0x14A50];
	v8 =	vmul.f32 v15, v8  }
0xa6: {  	v9 =	vmul.f32 v16, v9;
	[tilespmem:s17+$0x149F0] =	vst v7;
	v7 =	vld [tilespmem:s17+$0x14A60]  }
0xa7: {  	v10 =	vmul.f32 v17, v10;
	[tilespmem:s17+$0x14A00] =	vst v8;
	v8 =	vld [tilespmem:s17+$0x14A70]  }
0xa8: {  	v11 =	vmul.f32 v18, v11;
	[tilespmem:s17+$0x14A10] =	vst v9;
	v9 =	vld [tilespmem:s17+$0x14A80]  }
0xa9: {  	v12 =	vmul.f32 v19, v12;
	[tilespmem:s17+$0x14A20] =	vst v10;
	v10 =	vld [tilespmem:s17+$0x14A90]  }
0xaa: {  	v13 =	vmul.f32 v20, v13;
	[tilespmem:s17+$0x14A30] =	vst v11;
	v11 =	vld [tilespmem:s17+$0x14AA0]  }
0xab: {  	[tilespmem:s17+$0x14A40] =	vst v12;
	v12 =	vld [tilespmem:s17+$0x14AB0];
	v7 =	vmul.f32 v21, v7  }
0xac: {  	[tilespmem:s17+$0x14A50] =	vst v13;
	v13 =	vld [tilespmem:s17+$0x14AC0]  }
0xad: {  	v8 =	vmul.f32 v22, v8;
	[tilespmem:s17+$0x14A60] =	vst v7;
	v7 =	vld [tilespmem:s17+$0x14AD0]  }
0xae: {  	v1 =	vld [tilespmem:s17+$0x17370];
	v9 =	vmul.f32 v23, v9  }
0xaf: {  	[tilespmem:s17+$0x14A70] =	vst v8;
	v8 =	vmul.f32 v24, v10;
	v10 =	vld [tilespmem:s17+$0x14AF0]  }
0xb0: {  	v14 =	vld [tilespmem:s17+$0x14AE0];
	[tilespmem:s17+$0x14A80] =	vst v9;
	v9 =	vmul.f32 v25, v11  }
0xb1: {  	v11 =	vld [tilespmem:s17+$0x14B00];
	[tilespmem:s17+$0x14A90] =	vst v8;
	v8 =	vmul.f32 v26, v12  }
0xb2: {  	[tilespmem:s17+$0x14AA0] =	vst v9;
	v12 =	vld [tilespmem:s17+$0x14B10];
	v9 =	vmul.f32 v27, v13;
	v13 =	vmul.f32 v28, v7  }
0xb3: {  	[tilespmem:s17+$0x14AB0] =	vst v8;
	v8 =	vld [tilespmem:s17+$0x14B20]  }
0xb4: {  	v7 =	vld [tilespmem:s17+$0x14B30];
	[tilespmem:s17+$0x14AD0] =	vst v13;
	v13 =	vmul.f32 v30, v10  }
0xb5: {  	v14 =	vmul.f32 v29, v14;
	[tilespmem:s17+$0x14AC0] =	vst v9;
	v9 =	vld [tilespmem:s17+$0x14B40]  }
0xb6: {  	v10 =	vld [tilespmem:s17+$0x14B50];
	[tilespmem:s17+$0x14AF0] =	vst v13;
	v13 =	vmul.f32 v31, v11  }
0xb7: {  	s10 =	simm.s32 $0x800;
	[tilespmem:s17+$0x14AE0] =	vst v14;
	v12 =	vmul.f32 v32, v12;
	v11 =	vld [tilespmem:s17+$0x14B60]  }
.LBB2_5:
0xb8: {  	s8 =	sshra.s32 s10, $0x2;
	p0 =	sne.s32 s10, $0x9800;
	[tilespmem:s17+$0x14B00] =	vst v13;
	v6 =	vmul.f32 v6, v8;
	v8 =	vld [tilespmem:s17+$0x14B70]  }
0xb9: {  	v13 =	vld [tilespmem:s8+$0x17180];
	[tilespmem:s17+$0x14B10] =	vst v12;
	v5 =	vmul.f32 v5, v7  }
0xba: {  	v7 =	vld [tilespmem:s8+$0x17190];
	[tilespmem:s17+$0x14B20] =	vst v6;
	v4 =	vmul.f32 v4, v9  }
0xbb: {  	v9 =	vld [tilespmem:s8+$0x171A0];
	[tilespmem:s17+$0x14B30] =	vst v5;
	v3 =	vmul.f32 v3, v10  }
0xbc: {  	v10 =	vld [tilespmem:s8+$0x171B0];
	[tilespmem:s17+$0x14B40] =	vst v4;
	v2 =	vmul.f32 v2, v11  }
0xbd: {  	v11 =	vld [tilespmem:s8+$0x171C0];
	[tilespmem:s17+$0x14B50] =	vst v3;
	v1 =	vmul.f32 v1, v8  }
0xbe: {  	v8 =	vld [tilespmem:s8+$0x171D0];
	[tilespmem:s17+$0x14B60] =	vst v2  }
0xbf: {  	v12 =	vld [tilespmem:s8+$0x171E0];
	[tilespmem:s17+$0x14B70] =	vst v1;
	s17 =	smov.u32 s8  }
0xc0: {  	v14 =	vld [tilespmem:s17+$0x171F0]  }
0xc1: {  	v15 =	vld [tilespmem:s17+$0x17200]  }
0xc2: {  	v16 =	vld [tilespmem:s17+$0x17210]  }
0xc3: {  	v17 =	vld [tilespmem:s17+$0x17220]  }
0xc4: {  	v18 =	vld [tilespmem:s17+$0x17230]  }
0xc5: {  	v19 =	vld [tilespmem:s17+$0x17240]  }
0xc6: {  	v20 =	vld [tilespmem:s17+$0x17250]  }
0xc7: {  	v21 =	vld [tilespmem:s17+$0x17260]  }
0xc8: {  	v22 =	vld [tilespmem:s17+$0x17270]  }
0xc9: {  	v23 =	vld [tilespmem:s17+$0x17280]  }
0xca: {  	v24 =	vld [tilespmem:s17+$0x17290]  }
0xcb: {  	v25 =	vld [tilespmem:s17+$0x172A0]  }
0xcc: {  	v26 =	vld [tilespmem:s17+$0x172B0]  }
0xcd: {  	v27 =	vld [tilespmem:s17+$0x172C0]  }
0xce: {  	v28 =	vld [tilespmem:s17+$0x172D0]  }
0xcf: {  	v29 =	vld [tilespmem:s17+$0x172E0]  }
0xd0: {  	v30 =	vld [tilespmem:s17+$0x172F0]  }
0xd1: {  	v31 =	vld [tilespmem:s17+$0x17300]  }
0xd2: {  	v32 =	vld [tilespmem:s17+$0x17310]  }
0xd3: {  	v6 =	vld [tilespmem:s17+$0x17320]  }
0xd4: {  	v5 =	vld [tilespmem:s17+$0x17330]  }
0xd5: {  	v4 =	vld [tilespmem:s17+$0x17340]  }
0xd6: {  	v3 =	vld [tilespmem:s17+$0x17350]  }
0xd7: {  	v2 =	vld [tilespmem:s17+$0x17360]  }
0xd8: {  	v1 =	vld [tilespmem:s17+$0x17370]  }
0xd9: {  	v33 =	vld [tilespmem:s17+$0x14980]  }
0xda: {  	v34 =	vld [tilespmem:s17+$0x14990]  }
0xdb: {  	v35 =	vld [tilespmem:s17+$0x149A0]  }
0xdc: {  	v36 =	vld [tilespmem:s17+$0x149B0]  }
0xdd: {  	v37 =	vld [tilespmem:s17+$0x149C0]  }
0xde: {  	v13 =	vmul.f32 v13, v33;
	v33 =	vld [tilespmem:s17+$0x149D0]  }
0xdf: {  	v7 =	vmul.f32 v7, v34;
	v34 =	vld [tilespmem:s17+$0x149E0]  }
0xe0: {  	[tilespmem:s17+$0x14980] =	vst v13;
	v9 =	vmul.f32 v9, v35;
	v13 =	vld [tilespmem:s17+$0x149F0]  }
0xe1: {  	[tilespmem:s17+$0x14990] =	vst v7;
	v7 =	vmul.f32 v10, v36;
	v10 =	vld [tilespmem:s17+$0x14A00]  }
0xe2: {  	[tilespmem:s17+$0x149A0] =	vst v9;
	v9 =	vmul.f32 v11, v37;
	v11 =	vld [tilespmem:s17+$0x14A10]  }
0xe3: {  	[tilespmem:s17+$0x149B0] =	vst v7;
	v7 =	vmul.f32 v8, v33;
	v8 =	vld [tilespmem:s17+$0x14A20]  }
0xe4: {  	[tilespmem:s17+$0x149C0] =	vst v9;
	v9 =	vmul.f32 v12, v34;
	v12 =	vld [tilespmem:s17+$0x14A30]  }
0xe5: {  	[tilespmem:s17+$0x149D0] =	vst v7;
	v7 =	vmul.f32 v14, v13;
	v13 =	vld [tilespmem:s17+$0x14A40]  }
0xe6: {  	[tilespmem:s17+$0x149E0] =	vst v9;
	v9 =	vmul.f32 v15, v10;
	v10 =	vld [tilespmem:s17+$0x14A50]  }
0xe7: {  	[tilespmem:s17+$0x149F0] =	vst v7;
	v7 =	vmul.f32 v16, v11;
	v11 =	vld [tilespmem:s17+$0x14A60]  }
0xe8: {  	[tilespmem:s17+$0x14A00] =	vst v9;
	v8 =	vmul.f32 v17, v8;
	v9 =	vld [tilespmem:s17+$0x14A70]  }
0xe9: {  	[tilespmem:s17+$0x14A10] =	vst v7;
	v7 =	vmul.f32 v18, v12;
	v12 =	vld [tilespmem:s17+$0x14A80]  }
0xea: {  	[tilespmem:s17+$0x14A20] =	vst v8;
	v8 =	vmul.f32 v19, v13;
	v13 =	vld [tilespmem:s17+$0x14A90]  }
0xeb: {  	[tilespmem:s17+$0x14A30] =	vst v7;
	v7 =	vmul.f32 v20, v10;
	v10 =	vld [tilespmem:s17+$0x14AA0]  }
0xec: {  	[tilespmem:s17+$0x14A40] =	vst v8;
	v8 =	vmul.f32 v21, v11;
	v11 =	vld [tilespmem:s17+$0x14AB0]  }
0xed: {  	[tilespmem:s17+$0x14A50] =	vst v7;
	v7 =	vmul.f32 v22, v9;
	v9 =	vld [tilespmem:s17+$0x14AC0]  }
0xee: {  	[tilespmem:s17+$0x14A60] =	vst v8;
	v8 =	vmul.f32 v23, v12;
	v12 =	vld [tilespmem:s17+$0x14AD0]  }
0xef: {  	[tilespmem:s17+$0x14A70] =	vst v7;
	v7 =	vmul.f32 v24, v13;
	v13 =	vld [tilespmem:s17+$0x14AE0]  }
0xf0: {  	[tilespmem:s17+$0x14A80] =	vst v8;
	v8 =	vmul.f32 v25, v10;
	v10 =	vld [tilespmem:s17+$0x14AF0]  }
0xf1: {  	[tilespmem:s17+$0x14A90] =	vst v7;
	v7 =	vmul.f32 v26, v11;
	v11 =	vld [tilespmem:s17+$0x14B00]  }
0xf2: {  	[tilespmem:s17+$0x14AA0] =	vst v8;
	v9 =	vmul.f32 v27, v9;
	v14 =	vld [tilespmem:s17+$0x14B10]  }
.Ltmp1:
0xf3: {  	[tilespmem:s17+$0x14AB0] =	vst v7;
	v12 =	vmul.f32 v28, v12;
	v8 =	vld [tilespmem:s17+$0x14B20];
	(pc) =	sbr.rel @p0 .LBB2_5-.Ltmp1, $4  }
0xf4: {  	[tilespmem:s17+$0x14AC0] =	vst v9;
	v13 =	vmul.f32 v29, v13;
	v7 =	vld [tilespmem:s17+$0x14B30]  }
0xf5: {  	[tilespmem:s17+$0x14AD0] =	vst v12;
	v12 =	vmul.f32 v30, v10;
	v9 =	vld [tilespmem:s17+$0x14B40]  }
0xf6: {  	[tilespmem:s17+$0x14AE0] =	vst v13;
	v13 =	vmul.f32 v31, v11;
	v10 =	vld [tilespmem:s17+$0x14B50]  }
0xf7: {  	s10 =	sadd.s32 $0x800, s10;
	[tilespmem:s17+$0x14AF0] =	vst v12;
	v12 =	vmul.f32 v32, v14;
	v11 =	vld [tilespmem:s17+$0x14B60]  }
0xf8: {  	[tilespmem:s17+$0x14B00] =	vst v13;
	v6 =	vmul.f32 v6, v8;
	v8 =	vld [tilespmem:s17+$0x14B70]  }
0xf9: {  	[tilespmem:s17+$0x14B10] =	vst v12;
	v5 =	vmul.f32 v5, v7  }
0xfa: {  	[tilespmem:s17+$0x14B20] =	vst v6;
	v4 =	vmul.f32 v4, v9  }
0xfb: {  	[tilespmem:s17+$0x14B30] =	vst v5;
	v3 =	vmul.f32 v3, v10  }
0xfc: {  	[tilespmem:s17+$0x14B40] =	vst v4;
	v2 =	vmul.f32 v2, v11  }
0xfd: {  	[tilespmem:s17+$0x14B50] =	vst v3;
	v1 =	vmul.f32 v1, v8  }
0xfe: {  	[tilespmem:s17+$0x14B60] =	vst v2  }
0xff: {  	[tilespmem:s17+$0x14B70] =	vst v1  }
0x100: {  	[spmem:s4] =	stream.indirect.scatter.add.f32 [tilespmem:s31], [sflag:$0x3], $0x80, s1, s11, $0xb8;
	[tilespmem:$0x1EB00] =	vst v63  }
0x101: {  	_ =	swait.ge [sflag:s23], $0x2800  }
0x102: {  	[sflag:s23] =	ssyncset.done $0x0  }
0x103: {  	[sflag:s23] =	ssyncadd.s32 $0xFFFFD800  }
0x104: {  	_ =	swait.ge [sflag:s24], $0x2800  }
0x105: {  	[sflag:s24] =	ssyncset.done $0x0  }
0x106: {  	s17 =	simm.s32 $0x0;
	[sflag:s24] =	ssyncadd.s32 $0xFFFFD800  }
0x107: {  	v7 =	vld [tilespmem:s17+$0x1C300]  }
0x108: {  	v8 =	vld [tilespmem:s17+$0x1C310]  }
0x109: {  	v9 =	vld [tilespmem:s17+$0x1C320]  }
0x10a: {  	v10 =	vld [tilespmem:s17+$0x1C330]  }
0x10b: {  	v11 =	vld [tilespmem:s17+$0x1C340]  }
0x10c: {  	v12 =	vld [tilespmem:s17+$0x1C350]  }
0x10d: {  	v13 =	vld [tilespmem:s17+$0x1C360]  }
0x10e: {  	v14 =	vld [tilespmem:s17+$0x1C370]  }
0x10f: {  	v15 =	vld [tilespmem:s17+$0x1C380]  }
0x110: {  	v16 =	vld [tilespmem:s17+$0x1C390]  }
0x111: {  	v17 =	vld [tilespmem:s17+$0x1C3A0]  }
0x112: {  	v18 =	vld [tilespmem:s17+$0x1C3B0]  }
0x113: {  	v19 =	vld [tilespmem:s17+$0x1C3C0]  }
0x114: {  	v20 =	vld [tilespmem:s17+$0x1C3D0]  }
0x115: {  	v21 =	vld [tilespmem:s17+$0x1C3E0]  }
0x116: {  	v22 =	vld [tilespmem:s17+$0x1C3F0]  }
0x117: {  	v23 =	vld [tilespmem:s17+$0x1C400]  }
0x118: {  	v24 =	vld [tilespmem:s17+$0x1C410]  }
0x119: {  	v25 =	vld [tilespmem:s17+$0x1C420]  }
0x11a: {  	v26 =	vld [tilespmem:s17+$0x1C430]  }
0x11b: {  	v27 =	vld [tilespmem:s17+$0x1C440]  }
0x11c: {  	v28 =	vld [tilespmem:s17+$0x1C450]  }
0x11d: {  	v29 =	vld [tilespmem:s17+$0x1C460]  }
0x11e: {  	v30 =	vld [tilespmem:s17+$0x1C470]  }
0x11f: {  	v31 =	vld [tilespmem:s17+$0x1C480]  }
0x120: {  	v32 =	vld [tilespmem:s17+$0x1C490]  }
0x121: {  	v6 =	vld [tilespmem:s17+$0x1C4A0]  }
0x122: {  	v5 =	vld [tilespmem:s17+$0x1C4B0]  }
0x123: {  	v4 =	vld [tilespmem:s17+$0x1C4C0]  }
0x124: {  	v3 =	vld [tilespmem:s17+$0x1C4D0]  }
0x125: {  	v2 =	vld [tilespmem:s17+$0x1C4E0]  }
0x126: {  	v33 =	vld [tilespmem:s17+$0x19B00]  }
0x127: {  	v34 =	vld [tilespmem:s17+$0x19B10]  }
0x128: {  	v35 =	vld [tilespmem:s17+$0x19B20]  }
0x129: {  	v36 =	vld [tilespmem:s17+$0x19B30]  }
0x12a: {  	v37 =	vld [tilespmem:s17+$0x19B40]  }
0x12b: {  	v63 =	vld [tilespmem:s17+$0x19B50];
	v7 =	vmul.f32 v7, v33  }
0x12c: {  	v38 =	vld [tilespmem:s17+$0x19B60];
	v8 =	vmul.f32 v8, v34  }
0x12d: {  	v9 =	vmul.f32 v9, v35;
	[tilespmem:s17+$0x19B00] =	vst v7;
	v7 =	vld [tilespmem:s17+$0x19B70]  }
0x12e: {  	v10 =	vmul.f32 v10, v36;
	[tilespmem:s17+$0x19B10] =	vst v8;
	v8 =	vld [tilespmem:s17+$0x19B80]  }
0x12f: {  	v11 =	vmul.f32 v11, v37;
	[tilespmem:s17+$0x19B20] =	vst v9;
	v9 =	vld [tilespmem:s17+$0x19B90]  }
0x130: {  	v12 =	vmul.f32 v12, v63;
	[tilespmem:s17+$0x19B30] =	vst v10;
	v10 =	vld [tilespmem:s17+$0x19BA0]  }
0x131: {  	v13 =	vmul.f32 v13, v38;
	[tilespmem:s17+$0x19B40] =	vst v11;
	v11 =	vld [tilespmem:s17+$0x19BB0]  }
0x132: {  	[tilespmem:s17+$0x19B50] =	vst v12;
	v12 =	vld [tilespmem:s17+$0x19BC0];
	v7 =	vmul.f32 v14, v7  }
0x133: {  	[tilespmem:s17+$0x19B60] =	vst v13;
	v13 =	vld [tilespmem:s17+$0x19BD0];
	v8 =	vmul.f32 v15, v8  }
0x134: {  	v9 =	vmul.f32 v16, v9;
	[tilespmem:s17+$0x19B70] =	vst v7;
	v7 =	vld [tilespmem:s17+$0x19BE0]  }
0x135: {  	v10 =	vmul.f32 v17, v10;
	[tilespmem:s17+$0x19B80] =	vst v8;
	v8 =	vld [tilespmem:s17+$0x19BF0]  }
0x136: {  	v11 =	vmul.f32 v18, v11;
	[tilespmem:s17+$0x19B90] =	vst v9;
	v9 =	vld [tilespmem:s17+$0x19C00]  }
0x137: {  	v12 =	vmul.f32 v19, v12;
	[tilespmem:s17+$0x19BA0] =	vst v10;
	v10 =	vld [tilespmem:s17+$0x19C10]  }
0x138: {  	v13 =	vmul.f32 v20, v13;
	[tilespmem:s17+$0x19BB0] =	vst v11;
	v11 =	vld [tilespmem:s17+$0x19C20]  }
0x139: {  	[tilespmem:s17+$0x19BC0] =	vst v12;
	v12 =	vld [tilespmem:s17+$0x19C30];
	v7 =	vmul.f32 v21, v7  }
0x13a: {  	[tilespmem:s17+$0x19BD0] =	vst v13;
	v13 =	vld [tilespmem:s17+$0x19C40]  }
0x13b: {  	v8 =	vmul.f32 v22, v8;
	[tilespmem:s17+$0x19BE0] =	vst v7;
	v7 =	vld [tilespmem:s17+$0x19C50]  }
0x13c: {  	v1 =	vld [tilespmem:s17+$0x1C4F0];
	v9 =	vmul.f32 v23, v9  }
0x13d: {  	[tilespmem:s17+$0x19BF0] =	vst v8;
	v8 =	vmul.f32 v24, v10;
	v10 =	vld [tilespmem:s17+$0x19C70]  }
0x13e: {  	v14 =	vld [tilespmem:s17+$0x19C60];
	[tilespmem:s17+$0x19C00] =	vst v9;
	v9 =	vmul.f32 v25, v11  }
0x13f: {  	v11 =	vld [tilespmem:s17+$0x19C80];
	[tilespmem:s17+$0x19C10] =	vst v8;
	v8 =	vmul.f32 v26, v12  }
0x140: {  	[tilespmem:s17+$0x19C20] =	vst v9;
	v12 =	vld [tilespmem:s17+$0x19C90];
	v9 =	vmul.f32 v27, v13;
	v13 =	vmul.f32 v28, v7  }
0x141: {  	[tilespmem:s17+$0x19C30] =	vst v8;
	v8 =	vld [tilespmem:s17+$0x19CA0]  }
0x142: {  	v7 =	vld [tilespmem:s17+$0x19CB0];
	[tilespmem:s17+$0x19C50] =	vst v13;
	v13 =	vmul.f32 v30, v10  }
0x143: {  	v14 =	vmul.f32 v29, v14;
	[tilespmem:s17+$0x19C40] =	vst v9;
	v9 =	vld [tilespmem:s17+$0x19CC0]  }
0x144: {  	v10 =	vld [tilespmem:s17+$0x19CD0];
	[tilespmem:s17+$0x19C70] =	vst v13;
	v13 =	vmul.f32 v31, v11  }
0x145: {  	s10 =	simm.s32 $0x800;
	[tilespmem:s17+$0x19C60] =	vst v14;
	v12 =	vmul.f32 v32, v12;
	v11 =	vld [tilespmem:s17+$0x19CE0]  }
.LBB2_7:
0x146: {  	s8 =	sshra.s32 s10, $0x2;
	p0 =	sne.s32 s10, $0x9800;
	[tilespmem:s17+$0x19C80] =	vst v13;
	v6 =	vmul.f32 v6, v8;
	v8 =	vld [tilespmem:s17+$0x19CF0]  }
0x147: {  	v13 =	vld [tilespmem:s8+$0x1C300];
	[tilespmem:s17+$0x19C90] =	vst v12;
	v5 =	vmul.f32 v5, v7  }
0x148: {  	v7 =	vld [tilespmem:s8+$0x1C310];
	[tilespmem:s17+$0x19CA0] =	vst v6;
	v4 =	vmul.f32 v4, v9  }
0x149: {  	v9 =	vld [tilespmem:s8+$0x1C320];
	[tilespmem:s17+$0x19CB0] =	vst v5;
	v3 =	vmul.f32 v3, v10  }
0x14a: {  	v10 =	vld [tilespmem:s8+$0x1C330];
	[tilespmem:s17+$0x19CC0] =	vst v4;
	v2 =	vmul.f32 v2, v11  }
0x14b: {  	v11 =	vld [tilespmem:s8+$0x1C340];
	[tilespmem:s17+$0x19CD0] =	vst v3;
	v1 =	vmul.f32 v1, v8  }
0x14c: {  	v8 =	vld [tilespmem:s8+$0x1C350];
	[tilespmem:s17+$0x19CE0] =	vst v2  }
0x14d: {  	v12 =	vld [tilespmem:s8+$0x1C360];
	[tilespmem:s17+$0x19CF0] =	vst v1;
	s17 =	smov.u32 s8  }
0x14e: {  	v14 =	vld [tilespmem:s17+$0x1C370]  }
0x14f: {  	v15 =	vld [tilespmem:s17+$0x1C380]  }
0x150: {  	v16 =	vld [tilespmem:s17+$0x1C390]  }
0x151: {  	v17 =	vld [tilespmem:s17+$0x1C3A0]  }
0x152: {  	v18 =	vld [tilespmem:s17+$0x1C3B0]  }
0x153: {  	v19 =	vld [tilespmem:s17+$0x1C3C0]  }
0x154: {  	v20 =	vld [tilespmem:s17+$0x1C3D0]  }
0x155: {  	v21 =	vld [tilespmem:s17+$0x1C3E0]  }
0x156: {  	v22 =	vld [tilespmem:s17+$0x1C3F0]  }
0x157: {  	v23 =	vld [tilespmem:s17+$0x1C400]  }
0x158: {  	v24 =	vld [tilespmem:s17+$0x1C410]  }
0x159: {  	v25 =	vld [tilespmem:s17+$0x1C420]  }
0x15a: {  	v26 =	vld [tilespmem:s17+$0x1C430]  }
0x15b: {  	v27 =	vld [tilespmem:s17+$0x1C440]  }
0x15c: {  	v28 =	vld [tilespmem:s17+$0x1C450]  }
0x15d: {  	v29 =	vld [tilespmem:s17+$0x1C460]  }
0x15e: {  	v30 =	vld [tilespmem:s17+$0x1C470]  }
0x15f: {  	v31 =	vld [tilespmem:s17+$0x1C480]  }
0x160: {  	v32 =	vld [tilespmem:s17+$0x1C490]  }
0x161: {  	v6 =	vld [tilespmem:s17+$0x1C4A0]  }
0x162: {  	v5 =	vld [tilespmem:s17+$0x1C4B0]  }
0x163: {  	v4 =	vld [tilespmem:s17+$0x1C4C0]  }
0x164: {  	v3 =	vld [tilespmem:s17+$0x1C4D0]  }
0x165: {  	v2 =	vld [tilespmem:s17+$0x1C4E0]  }
0x166: {  	v1 =	vld [tilespmem:s17+$0x1C4F0]  }
0x167: {  	v33 =	vld [tilespmem:s17+$0x19B00]  }
0x168: {  	v34 =	vld [tilespmem:s17+$0x19B10]  }
0x169: {  	v35 =	vld [tilespmem:s17+$0x19B20]  }
0x16a: {  	v36 =	vld [tilespmem:s17+$0x19B30]  }
0x16b: {  	v37 =	vld [tilespmem:s17+$0x19B40]  }
0x16c: {  	v13 =	vmul.f32 v13, v33;
	v33 =	vld [tilespmem:s17+$0x19B50]  }
0x16d: {  	v7 =	vmul.f32 v7, v34;
	v34 =	vld [tilespmem:s17+$0x19B60]  }
0x16e: {  	[tilespmem:s17+$0x19B00] =	vst v13;
	v9 =	vmul.f32 v9, v35;
	v13 =	vld [tilespmem:s17+$0x19B70]  }
0x16f: {  	[tilespmem:s17+$0x19B10] =	vst v7;
	v7 =	vmul.f32 v10, v36;
	v10 =	vld [tilespmem:s17+$0x19B80]  }
0x170: {  	[tilespmem:s17+$0x19B20] =	vst v9;
	v9 =	vmul.f32 v11, v37;
	v11 =	vld [tilespmem:s17+$0x19B90]  }
0x171: {  	[tilespmem:s17+$0x19B30] =	vst v7;
	v7 =	vmul.f32 v8, v33;
	v8 =	vld [tilespmem:s17+$0x19BA0]  }
0x172: {  	[tilespmem:s17+$0x19B40] =	vst v9;
	v9 =	vmul.f32 v12, v34;
	v12 =	vld [tilespmem:s17+$0x19BB0]  }
0x173: {  	[tilespmem:s17+$0x19B50] =	vst v7;
	v7 =	vmul.f32 v14, v13;
	v13 =	vld [tilespmem:s17+$0x19BC0]  }
0x174: {  	[tilespmem:s17+$0x19B60] =	vst v9;
	v9 =	vmul.f32 v15, v10;
	v10 =	vld [tilespmem:s17+$0x19BD0]  }
0x175: {  	[tilespmem:s17+$0x19B70] =	vst v7;
	v7 =	vmul.f32 v16, v11;
	v11 =	vld [tilespmem:s17+$0x19BE0]  }
0x176: {  	[tilespmem:s17+$0x19B80] =	vst v9;
	v8 =	vmul.f32 v17, v8;
	v9 =	vld [tilespmem:s17+$0x19BF0]  }
0x177: {  	[tilespmem:s17+$0x19B90] =	vst v7;
	v7 =	vmul.f32 v18, v12;
	v12 =	vld [tilespmem:s17+$0x19C00]  }
0x178: {  	[tilespmem:s17+$0x19BA0] =	vst v8;
	v8 =	vmul.f32 v19, v13;
	v13 =	vld [tilespmem:s17+$0x19C10]  }
0x179: {  	[tilespmem:s17+$0x19BB0] =	vst v7;
	v7 =	vmul.f32 v20, v10;
	v10 =	vld [tilespmem:s17+$0x19C20]  }
0x17a: {  	[tilespmem:s17+$0x19BC0] =	vst v8;
	v8 =	vmul.f32 v21, v11;
	v11 =	vld [tilespmem:s17+$0x19C30]  }
0x17b: {  	[tilespmem:s17+$0x19BD0] =	vst v7;
	v7 =	vmul.f32 v22, v9;
	v9 =	vld [tilespmem:s17+$0x19C40]  }
0x17c: {  	[tilespmem:s17+$0x19BE0] =	vst v8;
	v8 =	vmul.f32 v23, v12;
	v12 =	vld [tilespmem:s17+$0x19C50]  }
0x17d: {  	[tilespmem:s17+$0x19BF0] =	vst v7;
	v7 =	vmul.f32 v24, v13;
	v13 =	vld [tilespmem:s17+$0x19C60]  }
0x17e: {  	[tilespmem:s17+$0x19C00] =	vst v8;
	v8 =	vmul.f32 v25, v10;
	v10 =	vld [tilespmem:s17+$0x19C70]  }
0x17f: {  	[tilespmem:s17+$0x19C10] =	vst v7;
	v7 =	vmul.f32 v26, v11;
	v11 =	vld [tilespmem:s17+$0x19C80]  }
0x180: {  	[tilespmem:s17+$0x19C20] =	vst v8;
	v9 =	vmul.f32 v27, v9;
	v14 =	vld [tilespmem:s17+$0x19C90]  }
.Ltmp2:
0x181: {  	[tilespmem:s17+$0x19C30] =	vst v7;
	v12 =	vmul.f32 v28, v12;
	v8 =	vld [tilespmem:s17+$0x19CA0];
	(pc) =	sbr.rel @p0 .LBB2_7-.Ltmp2, $4  }
0x182: {  	[tilespmem:s17+$0x19C40] =	vst v9;
	v13 =	vmul.f32 v29, v13;
	v7 =	vld [tilespmem:s17+$0x19CB0]  }
0x183: {  	[tilespmem:s17+$0x19C50] =	vst v12;
	v12 =	vmul.f32 v30, v10;
	v9 =	vld [tilespmem:s17+$0x19CC0]  }
0x184: {  	[tilespmem:s17+$0x19C60] =	vst v13;
	v13 =	vmul.f32 v31, v11;
	v10 =	vld [tilespmem:s17+$0x19CD0]  }
0x185: {  	s10 =	sadd.s32 $0x800, s10;
	[tilespmem:s17+$0x19C70] =	vst v12;
	v12 =	vmul.f32 v32, v14;
	v11 =	vld [tilespmem:s17+$0x19CE0]  }
0x186: {  	[tilespmem:s17+$0x19C80] =	vst v13;
	v6 =	vmul.f32 v6, v8;
	v63 =	vld [tilespmem:s17+$0x19CF0]  }
0x187: {  	[tilespmem:s17+$0x19C90] =	vst v12;
	v5 =	vmul.f32 v5, v7  }
0x188: {  	[tilespmem:s17+$0x19CA0] =	vst v6;
	v4 =	vmul.f32 v4, v9  }
0x189: {  	[tilespmem:s17+$0x19CB0] =	vst v5;
	v3 =	vmul.f32 v3, v10  }
0x18a: {  	[tilespmem:s17+$0x19CC0] =	vst v4;
	v2 =	vmul.f32 v2, v11  }
0x18b: {  	[tilespmem:s17+$0x19CD0] =	vst v3;
	v1 =	vmul.f32 v1, v63  }
0x18c: {  	[tilespmem:s17+$0x19CE0] =	vst v2  }
0x18d: {  	s8 =	smul.u32 $0xA0, s29;
	[tilespmem:s17+$0x19CF0] =	vst v1  }
0x18e: {  	[spmem:s4] =	stream.indirect.scatter.add.f32 [tilespmem:s16], [sflag:$0x6], $0x80, s13, s11, $0xb8;
	[tilespmem:$0x1EB00] =	vst v63  }
0x18f: {  	s8 =	sadd.s32 s8, s21;
	_ =	swait.ge [sflag:s25], $0x2800  }
0x190: {  	s8 =	sshrl.u32 s8, $0x3;
	[sflag:s25] =	ssyncset.done $0x0  }
0x191: {  	s10 =	sadd.s32 s0, s8;
	[sflag:s25] =	ssyncadd.s32 $0xFFFFD800  }
0x192: {  	[tilespmem:s1], [sflag:$0x7] =	stream.linear.gather [hbm4b:s10+s7], $0x50, $0x38;
	[tilespmem:$0x1EB00] =	vst v63  }
0x193: {  	_ =	swait.ge [sflag:s30], $0x50  }
0x194: {  	[sflag:s30] =	ssyncset.done $0x0  }
0x195: {  	s10 =	sadd.s32 $0x9C40, s10;
	[sflag:s30] =	ssyncadd.s32 $0xFFFFFFB0  }
0x196: {  	[tilespmem:s6], [sflag:$0x7] =	stream.linear.gather [hbm4b:s10+s7], $0x50, $0x38;
	[tilespmem:$0x1EB00] =	vst v63  }
0x197: {  	_ =	swait.ge [sflag:s30], $0x50  }
0x198: {  	[sflag:s30] =	ssyncset.done $0x0  }
0x199: {  	s8 =	sadd.s32 s2, s8;
	[sflag:s30] =	ssyncadd.s32 $0xFFFFFFB0  }
0x19a: {  	[tilespmem:s9], [sflag:$0x7] =	stream.linear.gather [hbm4b:s8+s7], $0x50, $0x38;
	[tilespmem:$0x1EB00] =	vst v63  }
0x19b: {  	_ =	swait.ge [sflag:s30], $0x50  }
0x19c: {  	s10 =	sshll.u32 s29, $0x1;
	[sflag:s30] =	ssyncset.done $0x0  }
0x19d: {  	s8 =	smin.u32 s10, $0x79;
	[sflag:s30] =	ssyncadd.s32 $0xFFFFFFB0  }
0x19e: {  	[tilespmem:s31], [sflag:$0x1] =	stream.indirect.gather [hbm4b:s3+s11], $0x80, s6, s11, $0xb8;
	[tilespmem:$0x1EB00] =	vst v63  }
0x19f: {  	s8 =	smul.u32 $0x50, s8  }
0x1a0: {  	[tilespmem:s12], [sflag:$0x2] =	stream.indirect.gather [spmem:s5], $0x80, s9, s11, $0xb8;
	[tilespmem:$0x1EB00] =	vst v63  }
0x1a1: {  	s8 =	sadd.s32 s8, s22;
	_ =	swait.ge [sflag:s26], $0x2800  }
0x1a2: {  	s8 =	sshrl.u32 s8, $0x3;
	[sflag:s26] =	ssyncset.done $0x0  }
0x1a3: {  	s17 =	sadd.s32 s0, s8;
	[sflag:s26] =	ssyncadd.s32 $0xFFFFD800  }
0x1a4: {  	[tilespmem:s13], [sflag:$0x7] =	stream.linear.gather [hbm4b:s17+s7], $0x50, $0x38;
	[tilespmem:$0x1EB00] =	vst v63  }
0x1a5: {  	_ =	swait.ge [sflag:s30], $0x50  }
0x1a6: {  	[sflag:s30] =	ssyncset.done $0x0  }
0x1a7: {  	s10 =	sadd.s32 $0x9C40, s17;
	[sflag:s30] =	ssyncadd.s32 $0xFFFFFFB0  }
0x1a8: {  	[tilespmem:s14], [sflag:$0x7] =	stream.linear.gather [hbm4b:s10+s7], $0x50, $0x38;
	[tilespmem:$0x1EB00] =	vst v63  }
0x1a9: {  	_ =	swait.ge [sflag:s30], $0x50  }
0x1aa: {  	[sflag:s30] =	ssyncset.done $0x0  }
0x1ab: {  	s29 =	sadd.s32 $0x1, s29;
	s8 =	sadd.s32 s2, s8;
	[sflag:s30] =	ssyncadd.s32 $0xFFFFFFB0  }
0x1ac: {  	[tilespmem:s15], [sflag:$0x7] =	stream.linear.gather [hbm4b:s8+s7], $0x50, $0x38;
	[tilespmem:$0x1EB00] =	vst v63  }
0x1ad: {  	p0 =	sne.s32 s29, $0x3E;
	_ =	swait.ge [sflag:s30], $0x50  }
.Ltmp3:
0x1ae: {  	[sflag:s30] =	ssyncset.done $0x0;
	(pc) =	sbr.rel @p0 .LBB2_4-.Ltmp3, $4  }
0x1af: {  	[sflag:s30] =	ssyncadd.s32 $0xFFFFFFB0  }
0x1b0: {  	[tilespmem:s16], [sflag:$0x4] =	stream.indirect.gather [hbm4b:s3+s11], $0x80, s14, s11, $0xb8;
	[tilespmem:$0x1EB00] =	vst v63  }
0x1b1: {  	_ = 	snop  }
0x1b2: {  	[tilespmem:s18], [sflag:$0x5] =	stream.indirect.gather [spmem:s5], $0x80, s15, s11, $0xb8;
	[tilespmem:$0x1EB00] =	vst v63  }
0x1b3: {  	_ =	swait.ge [sflag:s19], $0x2800  }
0x1b4: {  	[sflag:s19] =	ssyncset.done $0x0  }
0x1b5: {  	[sflag:s19] =	ssyncadd.s32 $0xFFFFD800  }
0x1b6: {  	_ =	swait.ge [sflag:s20], $0x2800  }
0x1b7: {  	[sflag:s20] =	ssyncset.done $0x0  }
0x1b8: {  	s17 =	simm.s32 $0x0;
	[sflag:s20] =	ssyncadd.s32 $0xFFFFD800  }
0x1b9: {  	v7 =	vld [tilespmem:s17+$0x17180]  }
0x1ba: {  	v8 =	vld [tilespmem:s17+$0x17190]  }
0x1bb: {  	v9 =	vld [tilespmem:s17+$0x171A0]  }
0x1bc: {  	v10 =	vld [tilespmem:s17+$0x171B0]  }
0x1bd: {  	v11 =	vld [tilespmem:s17+$0x171C0]  }
0x1be: {  	v12 =	vld [tilespmem:s17+$0x171D0]  }
0x1bf: {  	v13 =	vld [tilespmem:s17+$0x171E0]  }
0x1c0: {  	v14 =	vld [tilespmem:s17+$0x171F0]  }
0x1c1: {  	v15 =	vld [tilespmem:s17+$0x17200]  }
0x1c2: {  	v16 =	vld [tilespmem:s17+$0x17210]  }
0x1c3: {  	v17 =	vld [tilespmem:s17+$0x17220]  }
0x1c4: {  	v18 =	vld [tilespmem:s17+$0x17230]  }
0x1c5: {  	v19 =	vld [tilespmem:s17+$0x17240]  }
0x1c6: {  	v20 =	vld [tilespmem:s17+$0x17250]  }
0x1c7: {  	v21 =	vld [tilespmem:s17+$0x17260]  }
0x1c8: {  	v22 =	vld [tilespmem:s17+$0x17270]  }
0x1c9: {  	v23 =	vld [tilespmem:s17+$0x17280]  }
0x1ca: {  	v24 =	vld [tilespmem:s17+$0x17290]  }
0x1cb: {  	v25 =	vld [tilespmem:s17+$0x172A0]  }
0x1cc: {  	v26 =	vld [tilespmem:s17+$0x172B0]  }
0x1cd: {  	v27 =	vld [tilespmem:s17+$0x172C0]  }
0x1ce: {  	v28 =	vld [tilespmem:s17+$0x172D0]  }
0x1cf: {  	v29 =	vld [tilespmem:s17+$0x172E0]  }
0x1d0: {  	v30 =	vld [tilespmem:s17+$0x172F0]  }
0x1d1: {  	v31 =	vld [tilespmem:s17+$0x17300]  }
0x1d2: {  	v32 =	vld [tilespmem:s17+$0x17310]  }
0x1d3: {  	v6 =	vld [tilespmem:s17+$0x17320]  }
0x1d4: {  	v5 =	vld [tilespmem:s17+$0x17330]  }
0x1d5: {  	v4 =	vld [tilespmem:s17+$0x17340]  }
0x1d6: {  	v3 =	vld [tilespmem:s17+$0x17350]  }
0x1d7: {  	v2 =	vld [tilespmem:s17+$0x17360]  }
0x1d8: {  	v33 =	vld [tilespmem:s17+$0x14980]  }
0x1d9: {  	v34 =	vld [tilespmem:s17+$0x14990]  }
0x1da: {  	v35 =	vld [tilespmem:s17+$0x149A0]  }
0x1db: {  	v36 =	vld [tilespmem:s17+$0x149B0]  }
0x1dc: {  	v37 =	vld [tilespmem:s17+$0x149C0]  }
0x1dd: {  	v63 =	vld [tilespmem:s17+$0x149D0];
	v7 =	vmul.f32 v7, v33  }
0x1de: {  	v38 =	vld [tilespmem:s17+$0x149E0];
	v8 =	vmul.f32 v8, v34  }
0x1df: {  	v9 =	vmul.f32 v9, v35;
	[tilespmem:s17+$0x14980] =	vst v7;
	v7 =	vld [tilespmem:s17+$0x149F0]  }
0x1e0: {  	v10 =	vmul.f32 v10, v36;
	[tilespmem:s17+$0x14990] =	vst v8;
	v8 =	vld [tilespmem:s17+$0x14A00]  }
0x1e1: {  	v11 =	vmul.f32 v11, v37;
	[tilespmem:s17+$0x149A0] =	vst v9;
	v9 =	vld [tilespmem:s17+$0x14A10]  }
0x1e2: {  	v12 =	vmul.f32 v12, v63;
	[tilespmem:s17+$0x149B0] =	vst v10;
	v10 =	vld [tilespmem:s17+$0x14A20]  }
0x1e3: {  	v13 =	vmul.f32 v13, v38;
	[tilespmem:s17+$0x149C0] =	vst v11;
	v11 =	vld [tilespmem:s17+$0x14A30]  }
0x1e4: {  	[tilespmem:s17+$0x149D0] =	vst v12;
	v12 =	vld [tilespmem:s17+$0x14A40];
	v7 =	vmul.f32 v14, v7  }
0x1e5: {  	[tilespmem:s17+$0x149E0] =	vst v13;
	v13 =	vld [tilespmem:s17+$0x14A50];
	v8 =	vmul.f32 v15, v8  }
0x1e6: {  	v9 =	vmul.f32 v16, v9;
	[tilespmem:s17+$0x149F0] =	vst v7;
	v7 =	vld [tilespmem:s17+$0x14A60]  }
0x1e7: {  	v10 =	vmul.f32 v17, v10;
	[tilespmem:s17+$0x14A00] =	vst v8;
	v8 =	vld [tilespmem:s17+$0x14A70]  }
0x1e8: {  	v11 =	vmul.f32 v18, v11;
	[tilespmem:s17+$0x14A10] =	vst v9;
	v9 =	vld [tilespmem:s17+$0x14A80]  }
0x1e9: {  	v12 =	vmul.f32 v19, v12;
	[tilespmem:s17+$0x14A20] =	vst v10;
	v10 =	vld [tilespmem:s17+$0x14A90]  }
0x1ea: {  	v13 =	vmul.f32 v20, v13;
	[tilespmem:s17+$0x14A30] =	vst v11;
	v11 =	vld [tilespmem:s17+$0x14AA0]  }
0x1eb: {  	[tilespmem:s17+$0x14A40] =	vst v12;
	v12 =	vld [tilespmem:s17+$0x14AB0];
	v7 =	vmul.f32 v21, v7  }
0x1ec: {  	[tilespmem:s17+$0x14A50] =	vst v13;
	v13 =	vld [tilespmem:s17+$0x14AC0]  }
0x1ed: {  	v8 =	vmul.f32 v22, v8;
	[tilespmem:s17+$0x14A60] =	vst v7;
	v7 =	vld [tilespmem:s17+$0x14AD0]  }
0x1ee: {  	v1 =	vld [tilespmem:s17+$0x17370];
	v9 =	vmul.f32 v23, v9  }
0x1ef: {  	[tilespmem:s17+$0x14A70] =	vst v8;
	v8 =	vmul.f32 v24, v10;
	v10 =	vld [tilespmem:s17+$0x14AF0]  }
0x1f0: {  	v14 =	vld [tilespmem:s17+$0x14AE0];
	[tilespmem:s17+$0x14A80] =	vst v9;
	v9 =	vmul.f32 v25, v11  }
0x1f1: {  	v11 =	vld [tilespmem:s17+$0x14B00];
	[tilespmem:s17+$0x14A90] =	vst v8;
	v8 =	vmul.f32 v26, v12  }
0x1f2: {  	[tilespmem:s17+$0x14AA0] =	vst v9;
	v12 =	vld [tilespmem:s17+$0x14B10];
	v9 =	vmul.f32 v27, v13;
	v13 =	vmul.f32 v28, v7  }
0x1f3: {  	[tilespmem:s17+$0x14AB0] =	vst v8;
	v8 =	vld [tilespmem:s17+$0x14B20]  }
0x1f4: {  	v7 =	vld [tilespmem:s17+$0x14B30];
	[tilespmem:s17+$0x14AD0] =	vst v13;
	v13 =	vmul.f32 v30, v10  }
0x1f5: {  	v14 =	vmul.f32 v29, v14;
	[tilespmem:s17+$0x14AC0] =	vst v9;
	v9 =	vld [tilespmem:s17+$0x14B40]  }
0x1f6: {  	v10 =	vld [tilespmem:s17+$0x14B50];
	[tilespmem:s17+$0x14AF0] =	vst v13;
	v13 =	vmul.f32 v31, v11  }
0x1f7: {  	s10 =	simm.s32 $0x800;
	[tilespmem:s17+$0x14AE0] =	vst v14;
	v12 =	vmul.f32 v32, v12;
	v11 =	vld [tilespmem:s17+$0x14B60]  }
.LBB2_10:
0x1f8: {  	s8 =	sshra.s32 s10, $0x2;
	p0 =	sne.s32 s10, $0x9800;
	[tilespmem:s17+$0x14B00] =	vst v13;
	v6 =	vmul.f32 v6, v8;
	v8 =	vld [tilespmem:s17+$0x14B70]  }
0x1f9: {  	v13 =	vld [tilespmem:s8+$0x17180];
	[tilespmem:s17+$0x14B10] =	vst v12;
	v5 =	vmul.f32 v5, v7  }
0x1fa: {  	v7 =	vld [tilespmem:s8+$0x17190];
	[tilespmem:s17+$0x14B20] =	vst v6;
	v4 =	vmul.f32 v4, v9  }
0x1fb: {  	v9 =	vld [tilespmem:s8+$0x171A0];
	[tilespmem:s17+$0x14B30] =	vst v5;
	v3 =	vmul.f32 v3, v10  }
0x1fc: {  	v10 =	vld [tilespmem:s8+$0x171B0];
	[tilespmem:s17+$0x14B40] =	vst v4;
	v2 =	vmul.f32 v2, v11  }
0x1fd: {  	v11 =	vld [tilespmem:s8+$0x171C0];
	[tilespmem:s17+$0x14B50] =	vst v3;
	v1 =	vmul.f32 v1, v8  }
0x1fe: {  	v8 =	vld [tilespmem:s8+$0x171D0];
	[tilespmem:s17+$0x14B60] =	vst v2  }
0x1ff: {  	v12 =	vld [tilespmem:s8+$0x171E0];
	[tilespmem:s17+$0x14B70] =	vst v1;
	s17 =	smov.u32 s8  }
0x200: {  	v14 =	vld [tilespmem:s17+$0x171F0]  }
0x201: {  	v15 =	vld [tilespmem:s17+$0x17200]  }
0x202: {  	v16 =	vld [tilespmem:s17+$0x17210]  }
0x203: {  	v17 =	vld [tilespmem:s17+$0x17220]  }
0x204: {  	v18 =	vld [tilespmem:s17+$0x17230]  }
0x205: {  	v19 =	vld [tilespmem:s17+$0x17240]  }
0x206: {  	v20 =	vld [tilespmem:s17+$0x17250]  }
0x207: {  	v21 =	vld [tilespmem:s17+$0x17260]  }
0x208: {  	v22 =	vld [tilespmem:s17+$0x17270]  }
0x209: {  	v23 =	vld [tilespmem:s17+$0x17280]  }
0x20a: {  	v24 =	vld [tilespmem:s17+$0x17290]  }
0x20b: {  	v25 =	vld [tilespmem:s17+$0x172A0]  }
0x20c: {  	v26 =	vld [tilespmem:s17+$0x172B0]  }
0x20d: {  	v27 =	vld [tilespmem:s17+$0x172C0]  }
0x20e: {  	v28 =	vld [tilespmem:s17+$0x172D0]  }
0x20f: {  	v29 =	vld [tilespmem:s17+$0x172E0]  }
0x210: {  	v30 =	vld [tilespmem:s17+$0x172F0]  }
0x211: {  	v31 =	vld [tilespmem:s17+$0x17300]  }
0x212: {  	v32 =	vld [tilespmem:s17+$0x17310]  }
0x213: {  	v6 =	vld [tilespmem:s17+$0x17320]  }
0x214: {  	v5 =	vld [tilespmem:s17+$0x17330]  }
0x215: {  	v4 =	vld [tilespmem:s17+$0x17340]  }
0x216: {  	v3 =	vld [tilespmem:s17+$0x17350]  }
0x217: {  	v2 =	vld [tilespmem:s17+$0x17360]  }
0x218: {  	v1 =	vld [tilespmem:s17+$0x17370]  }
0x219: {  	v33 =	vld [tilespmem:s17+$0x14980]  }
0x21a: {  	v34 =	vld [tilespmem:s17+$0x14990]  }
0x21b: {  	v35 =	vld [tilespmem:s17+$0x149A0]  }
0x21c: {  	v36 =	vld [tilespmem:s17+$0x149B0]  }
0x21d: {  	v37 =	vld [tilespmem:s17+$0x149C0]  }
0x21e: {  	v13 =	vmul.f32 v13, v33;
	v33 =	vld [tilespmem:s17+$0x149D0]  }
0x21f: {  	v7 =	vmul.f32 v7, v34;
	v34 =	vld [tilespmem:s17+$0x149E0]  }
0x220: {  	[tilespmem:s17+$0x14980] =	vst v13;
	v9 =	vmul.f32 v9, v35;
	v13 =	vld [tilespmem:s17+$0x149F0]  }
0x221: {  	[tilespmem:s17+$0x14990] =	vst v7;
	v7 =	vmul.f32 v10, v36;
	v10 =	vld [tilespmem:s17+$0x14A00]  }
0x222: {  	[tilespmem:s17+$0x149A0] =	vst v9;
	v9 =	vmul.f32 v11, v37;
	v11 =	vld [tilespmem:s17+$0x14A10]  }
0x223: {  	[tilespmem:s17+$0x149B0] =	vst v7;
	v7 =	vmul.f32 v8, v33;
	v8 =	vld [tilespmem:s17+$0x14A20]  }
0x224: {  	[tilespmem:s17+$0x149C0] =	vst v9;
	v9 =	vmul.f32 v12, v34;
	v12 =	vld [tilespmem:s17+$0x14A30]  }
0x225: {  	[tilespmem:s17+$0x149D0] =	vst v7;
	v7 =	vmul.f32 v14, v13;
	v13 =	vld [tilespmem:s17+$0x14A40]  }
0x226: {  	[tilespmem:s17+$0x149E0] =	vst v9;
	v9 =	vmul.f32 v15, v10;
	v10 =	vld [tilespmem:s17+$0x14A50]  }
0x227: {  	[tilespmem:s17+$0x149F0] =	vst v7;
	v7 =	vmul.f32 v16, v11;
	v11 =	vld [tilespmem:s17+$0x14A60]  }
0x228: {  	[tilespmem:s17+$0x14A00] =	vst v9;
	v8 =	vmul.f32 v17, v8;
	v9 =	vld [tilespmem:s17+$0x14A70]  }
0x229: {  	[tilespmem:s17+$0x14A10] =	vst v7;
	v7 =	vmul.f32 v18, v12;
	v12 =	vld [tilespmem:s17+$0x14A80]  }
0x22a: {  	[tilespmem:s17+$0x14A20] =	vst v8;
	v8 =	vmul.f32 v19, v13;
	v13 =	vld [tilespmem:s17+$0x14A90]  }
0x22b: {  	[tilespmem:s17+$0x14A30] =	vst v7;
	v7 =	vmul.f32 v20, v10;
	v10 =	vld [tilespmem:s17+$0x14AA0]  }
0x22c: {  	[tilespmem:s17+$0x14A40] =	vst v8;
	v8 =	vmul.f32 v21, v11;
	v11 =	vld [tilespmem:s17+$0x14AB0]  }
0x22d: {  	[tilespmem:s17+$0x14A50] =	vst v7;
	v7 =	vmul.f32 v22, v9;
	v9 =	vld [tilespmem:s17+$0x14AC0]  }
0x22e: {  	[tilespmem:s17+$0x14A60] =	vst v8;
	v8 =	vmul.f32 v23, v12;
	v12 =	vld [tilespmem:s17+$0x14AD0]  }
0x22f: {  	[tilespmem:s17+$0x14A70] =	vst v7;
	v7 =	vmul.f32 v24, v13;
	v13 =	vld [tilespmem:s17+$0x14AE0]  }
0x230: {  	[tilespmem:s17+$0x14A80] =	vst v8;
	v8 =	vmul.f32 v25, v10;
	v10 =	vld [tilespmem:s17+$0x14AF0]  }
0x231: {  	[tilespmem:s17+$0x14A90] =	vst v7;
	v7 =	vmul.f32 v26, v11;
	v11 =	vld [tilespmem:s17+$0x14B00]  }
0x232: {  	[tilespmem:s17+$0x14AA0] =	vst v8;
	v9 =	vmul.f32 v27, v9;
	v14 =	vld [tilespmem:s17+$0x14B10]  }
.Ltmp4:
0x233: {  	[tilespmem:s17+$0x14AB0] =	vst v7;
	v12 =	vmul.f32 v28, v12;
	v8 =	vld [tilespmem:s17+$0x14B20];
	(pc) =	sbr.rel @p0 .LBB2_10-.Ltmp4, $4  }
0x234: {  	[tilespmem:s17+$0x14AC0] =	vst v9;
	v13 =	vmul.f32 v29, v13;
	v7 =	vld [tilespmem:s17+$0x14B30]  }
0x235: {  	[tilespmem:s17+$0x14AD0] =	vst v12;
	v12 =	vmul.f32 v30, v10;
	v9 =	vld [tilespmem:s17+$0x14B40]  }
0x236: {  	[tilespmem:s17+$0x14AE0] =	vst v13;
	v13 =	vmul.f32 v31, v11;
	v10 =	vld [tilespmem:s17+$0x14B50]  }
0x237: {  	s10 =	sadd.s32 $0x800, s10;
	[tilespmem:s17+$0x14AF0] =	vst v12;
	v12 =	vmul.f32 v32, v14;
	v11 =	vld [tilespmem:s17+$0x14B60]  }
0x238: {  	[tilespmem:s17+$0x14B00] =	vst v13;
	v6 =	vmul.f32 v6, v8;
	v63 =	vld [tilespmem:s17+$0x14B70]  }
0x239: {  	[tilespmem:s17+$0x14B10] =	vst v12;
	v5 =	vmul.f32 v5, v7  }
0x23a: {  	[tilespmem:s17+$0x14B20] =	vst v6;
	v4 =	vmul.f32 v4, v9  }
0x23b: {  	[tilespmem:s17+$0x14B30] =	vst v5;
	v3 =	vmul.f32 v3, v10  }
0x23c: {  	[tilespmem:s17+$0x14B40] =	vst v4;
	v2 =	vmul.f32 v2, v11  }
0x23d: {  	[tilespmem:s17+$0x14B50] =	vst v3;
	v1 =	vmul.f32 v1, v63  }
0x23e: {  	[tilespmem:s17+$0x14B60] =	vst v2  }
0x23f: {  	[tilespmem:s17+$0x14B70] =	vst v1  }
0x240: {  	[spmem:s4] =	stream.indirect.scatter.add.f32 [tilespmem:s31], [sflag:$0x3], $0x80, s1, s11, $0xb8;
	[tilespmem:$0x1EB00] =	vst v63  }
0x241: {  	_ =	swait.ge [sflag:s25], $0x2800  }
0x242: {  	[sflag:s25] =	ssyncset.done $0x0  }
0x243: {  	[sflag:s25] =	ssyncadd.s32 $0xFFFFD800  }
0x244: {  	_ =	swait.ge [sflag:s23], $0x2800  }
0x245: {  	[sflag:s23] =	ssyncset.done $0x0  }
0x246: {  	[sflag:s23] =	ssyncadd.s32 $0xFFFFD800  }
0x247: {  	_ =	swait.ge [sflag:s24], $0x2800  }
0x248: {  	[sflag:s24] =	ssyncset.done $0x0  }
0x249: {  	[sflag:s24] =	ssyncadd.s32 $0xFFFFD800  }
0x24a: {  	[bflag:$0x0] =	sbarrier.arrive $0xFFFF  }
0x24b: {  	s8 =	rddreg [dreg:$0x7]  }
0x24c: {  	s17 =	rddreg [dreg:$0x9]  }
0x24d: {  	s10 =	rddreg [dreg:$0x14];
	s8 =	sshrl.u32 s8, $0x3  }
0x24e: {  	[hbm:s10], [sflag:s17] =	dma.local [spmem:s8], $0x2800  }
0x24f: {  	_ =	swait.ge [sflag:s30], $0x2800  }
0x250: {  	s28 =	sadd.s32 $0x1, s28;
	s29 =	rddreg [dreg:$0x15]  }
0x251: {  	p0 =	sne.s32 s28, s29  }
.Ltmp5:
0x252: {  	_ = 	snop;
	(pc) =	sbr.rel @p0 .LBB2_1-.Ltmp5, $3  }
0x253: {  	_ =	sdelay $0x1  }
0x254: {  	[sflag:s30] =	ssyncset.done $0x0  }
0x255: {  	[sflag:s30] =	ssyncadd.s32 $0xFFFFD800  }
0x256: {  	_ =	sfence.sel $0x180000  }
0x257: {  	[bflag:$0x0] =	sbarrier.arrive $0xFFFF  }
0x258: {  	_ =	strace $0x90000047  }
0x259: {  	s0 =	stileid.u32;
	[bflag:$0x2] =	sbarrier.arrive $0xFFFF  }
0x25a: {  	p0 =	sne.s32 s0, $0x0;
	s0 =	rddreg [dreg:$0x6]  }
0x25b: {  	s0 =	sadd.s32 @!p0 $0x100000, s0  }
0x25c: {  	[sflag:s0] =	ssyncadd.tile.s32 @!p0 $0x1;
	_ =	shalt  }
.Lfunc_end2:
_tile_overlayer_lowered:
.L_overlay_start_2:
0x25d: {  	(tag) =	ssettag $0x2  }
0x25e: {  	s0 =	rddreg [dreg:$0x0];
	s2 =	stileid.u32  }
0x25f: {  	s1 =	rddreg [dreg:$0x1];
	p0 =	sne.s32 s2, $0x0  }
0x260: {  	s3 =	rddreg [dreg:$0x2];
	[bflag:$0x3] =	sbarrier.arrive $0xFFFF;
	s2 =	simm.s32 @!p0 $0x1C07  }
0x261: {  	[timem:s3], [sflag:s2] =	dma.local @!p0 [hbm:s0], s1  }
0x262: {  	s0 =	simm.s32 @!p0 $0x7  }
0x263: {  	_ =	swait.ge @!p0 [sflag:s0], s1  }
0x264: {  	s1 =	ssub.s32 @!p0 $0x0, s1;
	[sflag:s0] =	ssyncset.done @!p0 $0x0  }
0x265: {  	[sflag:s0] =	ssyncadd.s32 @!p0 s1  }
0x266: {  	[bflag:$0x3] =	sbarrier.arrive $0xFFFF  }
0x267: {  	_ =	shalt  }

</sc_bundles>
